<compile_context>
chip_gen: v7x
topology: tpu7x:2x2x1
jax: 0.10.2.dev20260603
libtpu: 0.0.44.dev20260713+nightly
codegen_flags: <defaults>
</compile_context>

<pallas_src>
import jax
import jax.numpy as jnp
from jax import lax
from jax.experimental import pallas as pl
from jax.experimental.pallas import tpu as pltpu
from jax.experimental.pallas import tpu_sc as plsc

N_NODES = 10000
N_EDGES = 320000
D_FEAT = 128

NC = 2
NS = 16
E_PER_T = N_EDGES // NS
B = 80
NCH = E_PER_T // B
G = 25
NGRP = NCH // G
NBUF = 5
GI = G // NBUF
HALF = 5120
N_ACC = HALF + NS * 8


def _sc_body(nf_hbm, src_hbm, dst_hbm, out_hbm, gsrc, gdst, zero_v, rows_v, acc_sh, sems, ssems, gsems):
    cid = lax.axis_index("c")
    sid = lax.axis_index("s")
    base = cid * HALF
    size = HALF - cid * (2 * HALF - N_NODES)
    garbage = HALF + sid * 8

    zero16 = jnp.zeros((16,), jnp.float32)

    def _zrow(r, carry):
        for k in range(D_FEAT // 16):
            zero_v[r, pl.ds(k * 16, 16)] = zero16
        return carry

    lax.fori_loop(0, 16, _zrow, 0, unroll=4)

    @pl.when(cid == 0)
    def _():
        for t in range(320 // 16):
            pltpu.sync_copy(zero_v, acc_sh.at[pl.ds(sid * 320 + t * 16, 16)])

    @pl.when((cid == 1) & (sid < 15))
    def _():
        for t in range(304 // 16):
            pltpu.sync_copy(zero_v, acc_sh.at[pl.ds(sid * 304 + t * 16, 16)])

    @pl.when((cid == 1) & (sid == 15))
    def _():
        for t in range(320 // 16):
            pltpu.sync_copy(zero_v, acc_sh.at[pl.ds(4560 + t * 16, 16)])

    pltpu.sync_copy(zero_v.at[pl.ds(0, 8)], acc_sh.at[pl.ds(garbage, 8)])

    plsc.subcore_barrier()

    pltpu.sync_copy(src_hbm.at[sid * NGRP], gsrc.at[0])
    pltpu.sync_copy(dst_hbm.at[sid * NGRP], gdst.at[0])

    def _scat_wait(gb, b):
        pltpu.make_async_copy(
            rows_v.at[b], acc_sh.at[gdst.at[gb, 0]], ssems.at[b]
        ).wait()

    def _chunk(gb, jl, b, refill):
        pltpu.make_async_copy(
            nf_hbm.at[gsrc.at[gb, jl]], rows_v.at[b], sems.at[b]
        ).wait()
        for k in range(B // 16):
            d = gdst[gb, jl, pl.ds(k * 16, 16)] - base
            ok = (d >= 0) & (d < size)
            gdst[gb, jl, pl.ds(k * 16, 16)] = jnp.where(ok, d, garbage)
        pltpu.async_copy(
            rows_v.at[b], acc_sh.at[gdst.at[gb, jl]], ssems.at[b], add=True
        )
        if refill is not None:
            br = (b - 1) % NBUF

            @pl.when(refill)
            def _():
                _scat_wait(gb, br)
                pltpu.async_copy(
                    nf_hbm.at[gsrc.at[gb, jl - 1 + NBUF]],
                    rows_v.at[br],
                    sems.at[br],
                )

    def _group(g, carry):
        gb = g % 2

        @pl.when(g > 0)
        def _():
            pltpu.make_async_copy(
                src_hbm.at[sid * NGRP + g], gsrc.at[gb], gsems.at[gb]
            ).wait()
            pltpu.make_async_copy(
                dst_hbm.at[sid * NGRP + g], gdst.at[gb], gsems.at[gb]
            ).wait()

        for b in range(NBUF):
            @pl.when(g > 0)
            def _():
                _scat_wait(gb, b)
            pltpu.async_copy(nf_hbm.at[gsrc.at[gb, b]], rows_v.at[b], sems.at[b])

        for b in range(NBUF):
            _chunk(gb, b, b, True if b >= 1 else None)

        @pl.when(g + 1 < NGRP)
        def _():
            nb = (g + 1) % 2
            pltpu.async_copy(
                src_hbm.at[sid * NGRP + g + 1], gsrc.at[nb], gsems.at[nb]
            )
            pltpu.async_copy(
                dst_hbm.at[sid * NGRP + g + 1], gdst.at[nb], gsems.at[nb]
            )

        def _round(i, c):
            for b in range(NBUF):
                jl = i * NBUF + b
                _chunk(gb, jl, b, jl <= G - NBUF)
            return c

        lax.fori_loop(1, GI, _round, 0)
        return carry

    lax.fori_loop(0, NGRP, _group, 0)

    for b in range(NBUF):
        _scat_wait((NGRP - 1) % 2, b)

    plsc.subcore_barrier()

    @pl.when(cid == 0)
    def _():
        pltpu.sync_copy(
            acc_sh.at[pl.ds(sid * 320, 320)],
            out_hbm.at[pl.ds(sid * 320, 320)],
        )

    @pl.when((cid == 1) & (sid < 15))
    def _():
        pltpu.sync_copy(
            acc_sh.at[pl.ds(sid * 304, 304)],
            out_hbm.at[pl.ds(HALF + sid * 304, 304)],
        )

    @pl.when((cid == 1) & (sid == 15))
    def _():
        pltpu.sync_copy(
            acc_sh.at[pl.ds(4560, 320)],
            out_hbm.at[pl.ds(HALF + 4560, 320)],
        )


def _mp_sc(node_features, src3, dst3):
    mesh = plsc.VectorSubcoreMesh(core_axis_name="c", subcore_axis_name="s")
    return pl.kernel(
        _sc_body,
        out_type=jax.ShapeDtypeStruct((N_NODES, D_FEAT), jnp.float32),
        mesh=mesh,
        scratch_types=[
            pltpu.VMEM((2, G, B), jnp.int32),
            pltpu.VMEM((2, G, B), jnp.int32),
            pltpu.VMEM((16, D_FEAT), jnp.float32),
            pltpu.VMEM((NBUF, B, D_FEAT), jnp.float32),
            pltpu.VMEM_SHARED((N_ACC, D_FEAT), jnp.float32),
            pltpu.SemaphoreType.DMA((NBUF,)),
            pltpu.SemaphoreType.DMA((NBUF,)),
            pltpu.SemaphoreType.DMA((2,)),
        ],
    )(node_features, src3, dst3)


def kernel(node_features, edge_index):
    src3 = edge_index[0].reshape(NS * NGRP, G, B)
    dst3 = edge_index[1].reshape(NS * NGRP, G, B)
    return _mp_sc(node_features, src3, dst3)

# --- scband reference (transcript-rebuilt; emitter-appended) ---
"""Pipeline reference for scband-tensor-message-passing-layer-8400956030998 (READ-ONLY COPY).

The authoritative reference and input builder live on the scoring server;
editing this copy changes nothing except your own understanding.
"""

import jax, jax.numpy as jnp
import numpy as np

N_NODES = 10000
N_EDGES = 320000
D_FEAT = 128


def setup_inputs(seed: int = 0) -> dict:
    key = jax.random.key(seed)
    k1, k2 = jax.random.split(key)
    node_features = jax.random.normal(k1, (N_NODES, D_FEAT), dtype=jnp.float32)
    edge_index = jax.random.randint(k2, (2, N_EDGES), 0, N_NODES, dtype=jnp.int32)
    return {"node_features": node_features, "edge_index": edge_index}


def reference(node_features, edge_index):
    # TensorMessagePassingLayer.forward with a minimal concrete message():
    #   message(src, dest, edge_attr) = src  (copy/gather message)
    # aggr='sum', no batchnorm, no dropout, no residual -> update() is identity.
    src_idx = edge_index[0]
    dest_idx = edge_index[1]
    src_features = jnp.take(node_features, src_idx, axis=0)  # gather [E, d]
    messages = src_features
    num_nodes = node_features.shape[0]
    aggregated = jnp.zeros((num_nodes,) + messages.shape[1:], dtype=messages.dtype)
    aggregated = aggregated.at[dest_idx].add(messages)  # scatter-add (index_add)
    # update(): out = aggregated (no bn/dropout/residual)
    return aggregated

if __name__ == "__main__":
    import jax
    _d = setup_inputs()
    print(jax.jit(kernel)(*tuple(_d.values())))

</pallas_src>

<mosaic_0001>
#map = affine_map<(d0, d1) -> (0, 0)>
#map1 = affine_map<(d0, d1) -> (0, 0, 0)>
module attributes {stable_mosaic.version = 14 : i64} {
  func.func @_sc_body(%arg0: i32, %arg1: i32, %arg2: memref<10000x128xf32, #tpu.memory_space<hbm>>, %arg3: memref<160x25x80xi32, #tpu.memory_space<hbm>>, %arg4: memref<160x25x80xi32, #tpu.memory_space<hbm>>, %arg5: memref<10000x128xf32, #tpu.memory_space<hbm>>, %arg6: memref<2x25x80xi32, #tpu.memory_space<vmem>>, %arg7: memref<2x25x80xi32, #tpu.memory_space<vmem>>, %arg8: memref<16x128xf32, #tpu.memory_space<vmem>>, %arg9: memref<5x80x128xf32, #tpu.memory_space<vmem>>, %arg10: memref<5248x128xf32, #tpu.memory_space<vmem_shared>>, %arg11: memref<5x!tpu.dma_semaphore, #tpu.memory_space<semaphore_mem>>, %arg12: memref<5x!tpu.dma_semaphore, #tpu.memory_space<semaphore_mem>>, %arg13: memref<2x!tpu.dma_semaphore, #tpu.memory_space<semaphore_mem>>) attributes {dimension_semantics = [#tpu.dimension_semantics<core_parallel>, #tpu.dimension_semantics<subcore_parallel>], iteration_bounds = array<i64: 2, 16>, scalar_prefetch = 0 : i64, scratch_operands = 8 : i64, tpu.core_type = #tpu.core_type<sc_vector_subcore>, window_params = [{transform_indices = #map}, {transform_indices = #map1}, {transform_indices = #map1}, {transform_indices = #map}]} {
    %mul3A = arith.constant 5120 : i32
    %mul3A_0 = arith.muli %arg0, %mul3A : i32
    %mul3A_1 = arith.constant 240 : i32
    %mul3A_2 = arith.muli %arg0, %mul3A_1 : i32
    %sub3A = arith.constant 5120 : i32
    %sub3A_3 = arith.subi %sub3A, %mul3A_2 : i32
    %mul3A_4 = arith.constant 8 : i32
    %mul3A_5 = arith.muli %arg1, %mul3A_4 : i32
    %add3A = arith.constant 5120 : i32
    %add3A_6 = arith.addi %add3A, %mul3A_5 : i32
    %broadcast_in_dim3A = arith.constant 0.000000e+00 : f32
    %broadcast_in_dim3A_7 = vector.broadcast %broadcast_in_dim3A : f32 to vector<16xf32>
    %scan3A = arith.constant 0 : i32
    %scan3A_8 = arith.constant 0 : i32
    %scan3A_9 = arith.constant 16 : i32
    %scan3A_10 = arith.addi %scan3A_8, %scan3A_9 : i32
    %scan3A_11 = arith.constant 4 : i32
    scf.for %scan3A_141 = %scan3A_8 to %scan3A_10 step %scan3A_11  : i32 {
      %swap3A = arith.index_cast %scan3A_141 : i32 to index
      %swap3A_142 = arith.constant 0 : index
      %swap3A_143 = tpu.vector_load %arg8[%swap3A, %swap3A_142] {strides = array<i32>} : memref<16x128xf32, #tpu.memory_space<vmem>>, vector<1x16xf32>,
      %swap3A_144 = vector.shape_cast %swap3A_143 : vector<1x16xf32> to vector<16xf32>
      %swap3A_145 = vector.shape_cast %broadcast_in_dim3A_7 : vector<16xf32> to vector<1x16xf32>
      tpu.vector_store %arg8[%swap3A, %swap3A_142], %swap3A_145 {strides = array<i32>} : memref<16x128xf32, #tpu.memory_space<vmem>>, vector<1x16xf32>,
      %swap3A_146 = arith.index_cast %scan3A_141 : i32 to index
      %swap3A_147 = arith.constant 16 : index
      %swap3A_148 = tpu.vector_load %arg8[%swap3A_146, %swap3A_147] {strides = array<i32>} : memref<16x128xf32, #tpu.memory_space<vmem>>, vector<1x16xf32>,
      %swap3A_149 = vector.shape_cast %swap3A_148 : vector<1x16xf32> to vector<16xf32>
      %swap3A_150 = vector.shape_cast %broadcast_in_dim3A_7 : vector<16xf32> to vector<1x16xf32>
      tpu.vector_store %arg8[%swap3A_146, %swap3A_147], %swap3A_150 {strides = array<i32>} : memref<16x128xf32, #tpu.memory_space<vmem>>, vector<1x16xf32>,
      %swap3A_151 = arith.index_cast %scan3A_141 : i32 to index
      %swap3A_152 = arith.constant 32 : index
      %swap3A_153 = tpu.vector_load %arg8[%swap3A_151, %swap3A_152] {strides = array<i32>} : memref<16x128xf32, #tpu.memory_space<vmem>>, vector<1x16xf32>,
      %swap3A_154 = vector.shape_cast %swap3A_153 : vector<1x16xf32> to vector<16xf32>
      %swap3A_155 = vector.shape_cast %broadcast_in_dim3A_7 : vector<16xf32> to vector<1x16xf32>
      tpu.vector_store %arg8[%swap3A_151, %swap3A_152], %swap3A_155 {strides = array<i32>} : memref<16x128xf32, #tpu.memory_space<vmem>>, vector<1x16xf32>,
      %swap3A_156 = arith.index_cast %scan3A_141 : i32 to index
      %swap3A_157 = arith.constant 48 : index
      %swap3A_158 = tpu.vector_load %arg8[%swap3A_156, %swap3A_157] {strides = array<i32>} : memref<16x128xf32, #tpu.memory_space<vmem>>, vector<1x16xf32>,
      %swap3A_159 = vector.shape_cast %swap3A_158 : vector<1x16xf32> to vector<16xf32>
      %swap3A_160 = vector.shape_cast %broadcast_in_dim3A_7 : vector<16xf32> to vector<1x16xf32>
      tpu.vector_store %arg8[%swap3A_156, %swap3A_157], %swap3A_160 {strides = array<i32>} : memref<16x128xf32, #tpu.memory_space<vmem>>, vector<1x16xf32>,
      %swap3A_161 = arith.index_cast %scan3A_141 : i32 to index
      %swap3A_162 = arith.constant 64 : index
      %swap3A_163 = tpu.vector_load %arg8[%swap3A_161, %swap3A_162] {strides = array<i32>} : memref<16x128xf32, #tpu.memory_space<vmem>>, vector<1x16xf32>,
      %swap3A_164 = vector.shape_cast %swap3A_163 : vector<1x16xf32> to vector<16xf32>
      %swap3A_165 = vector.shape_cast %broadcast_in_dim3A_7 : vector<16xf32> to vector<1x16xf32>
      tpu.vector_store %arg8[%swap3A_161, %swap3A_162], %swap3A_165 {strides = array<i32>} : memref<16x128xf32, #tpu.memory_space<vmem>>, vector<1x16xf32>,
      %swap3A_166 = arith.index_cast %scan3A_141 : i32 to index
      %swap3A_167 = arith.constant 80 : index
      %swap3A_168 = tpu.vector_load %arg8[%swap3A_166, %swap3A_167] {strides = array<i32>} : memref<16x128xf32, #tpu.memory_space<vmem>>, vector<1x16xf32>,
      %swap3A_169 = vector.shape_cast %swap3A_168 : vector<1x16xf32> to vector<16xf32>
      %swap3A_170 = vector.shape_cast %broadcast_in_dim3A_7 : vector<16xf32> to vector<1x16xf32>
      tpu.vector_store %arg8[%swap3A_166, %swap3A_167], %swap3A_170 {strides = array<i32>} : memref<16x128xf32, #tpu.memory_space<vmem>>, vector<1x16xf32>,
      %swap3A_171 = arith.index_cast %scan3A_141 : i32 to index
      %swap3A_172 = arith.constant 96 : index
      %swap3A_173 = tpu.vector_load %arg8[%swap3A_171, %swap3A_172] {strides = array<i32>} : memref<16x128xf32, #tpu.memory_space<vmem>>, vector<1x16xf32>,
      %swap3A_174 = vector.shape_cast %swap3A_173 : vector<1x16xf32> to vector<16xf32>
      %swap3A_175 = vector.shape_cast %broadcast_in_dim3A_7 : vector<16xf32> to vector<1x16xf32>
      tpu.vector_store %arg8[%swap3A_171, %swap3A_172], %swap3A_175 {strides = array<i32>} : memref<16x128xf32, #tpu.memory_space<vmem>>, vector<1x16xf32>,
      %swap3A_176 = arith.index_cast %scan3A_141 : i32 to index
      %swap3A_177 = arith.constant 112 : index
      %swap3A_178 = tpu.vector_load %arg8[%swap3A_176, %swap3A_177] {strides = array<i32>} : memref<16x128xf32, #tpu.memory_space<vmem>>, vector<1x16xf32>,
      %swap3A_179 = vector.shape_cast %swap3A_178 : vector<1x16xf32> to vector<16xf32>
      %swap3A_180 = vector.shape_cast %broadcast_in_dim3A_7 : vector<16xf32> to vector<1x16xf32>
      tpu.vector_store %arg8[%swap3A_176, %swap3A_177], %swap3A_180 {strides = array<i32>} : memref<16x128xf32, #tpu.memory_space<vmem>>, vector<1x16xf32>,
      %scan3A_181 = arith.constant 1 : i32
      %scan3A_182 = arith.addi %scan3A_141, %scan3A_181 : i32
      %swap3A_183 = arith.index_cast %scan3A_182 : i32 to index
      %swap3A_184 = arith.constant 0 : index
      %swap3A_185 = tpu.vector_load %arg8[%swap3A_183, %swap3A_184] {strides = array<i32>} : memref<16x128xf32, #tpu.memory_space<vmem>>, vector<1x16xf32>,
      %swap3A_186 = vector.shape_cast %swap3A_185 : vector<1x16xf32> to vector<16xf32>
      %swap3A_187 = vector.shape_cast %broadcast_in_dim3A_7 : vector<16xf32> to vector<1x16xf32>
      tpu.vector_store %arg8[%swap3A_183, %swap3A_184], %swap3A_187 {strides = array<i32>} : memref<16x128xf32, #tpu.memory_space<vmem>>, vector<1x16xf32>,
      %swap3A_188 = arith.index_cast %scan3A_182 : i32 to index
      %swap3A_189 = arith.constant 16 : index
      %swap3A_190 = tpu.vector_load %arg8[%swap3A_188, %swap3A_189] {strides = array<i32>} : memref<16x128xf32, #tpu.memory_space<vmem>>, vector<1x16xf32>,
      %swap3A_191 = vector.shape_cast %swap3A_190 : vector<1x16xf32> to vector<16xf32>
      %swap3A_192 = vector.shape_cast %broadcast_in_dim3A_7 : vector<16xf32> to vector<1x16xf32>
      tpu.vector_store %arg8[%swap3A_188, %swap3A_189], %swap3A_192 {strides = array<i32>} : memref<16x128xf32, #tpu.memory_space<vmem>>, vector<1x16xf32>,
      %swap3A_193 = arith.index_cast %scan3A_182 : i32 to index
      %swap3A_194 = arith.constant 32 : index
      %swap3A_195 = tpu.vector_load %arg8[%swap3A_193, %swap3A_194] {strides = array<i32>} : memref<16x128xf32, #tpu.memory_space<vmem>>, vector<1x16xf32>,
      %swap3A_196 = vector.shape_cast %swap3A_195 : vector<1x16xf32> to vector<16xf32>
      %swap3A_197 = vector.shape_cast %broadcast_in_dim3A_7 : vector<16xf32> to vector<1x16xf32>
      tpu.vector_store %arg8[%swap3A_193, %swap3A_194], %swap3A_197 {strides = array<i32>} : memref<16x128xf32, #tpu.memory_space<vmem>>, vector<1x16xf32>,
      %swap3A_198 = arith.index_cast %scan3A_182 : i32 to index
      %swap3A_199 = arith.constant 48 : index
      %swap3A_200 = tpu.vector_load %arg8[%swap3A_198, %swap3A_199] {strides = array<i32>} : memref<16x128xf32, #tpu.memory_space<vmem>>, vector<1x16xf32>,
      %swap3A_201 = vector.shape_cast %swap3A_200 : vector<1x16xf32> to vector<16xf32>
      %swap3A_202 = vector.shape_cast %broadcast_in_dim3A_7 : vector<16xf32> to vector<1x16xf32>
      tpu.vector_store %arg8[%swap3A_198, %swap3A_199], %swap3A_202 {strides = array<i32>} : memref<16x128xf32, #tpu.memory_space<vmem>>, vector<1x16xf32>,
      %swap3A_203 = arith.index_cast %scan3A_182 : i32 to index
      %swap3A_204 = arith.constant 64 : index
      %swap3A_205 = tpu.vector_load %arg8[%swap3A_203, %swap3A_204] {strides = array<i32>} : memref<16x128xf32, #tpu.memory_space<vmem>>, vector<1x16xf32>,
      %swap3A_206 = vector.shape_cast %swap3A_205 : vector<1x16xf32> to vector<16xf32>
      %swap3A_207 = vector.shape_cast %broadcast_in_dim3A_7 : vector<16xf32> to vector<1x16xf32>
      tpu.vector_store %arg8[%swap3A_203, %swap3A_204], %swap3A_207 {strides = array<i32>} : memref<16x128xf32, #tpu.memory_space<vmem>>, vector<1x16xf32>,
      %swap3A_208 = arith.index_cast %scan3A_182 : i32 to index
      %swap3A_209 = arith.constant 80 : index
      %swap3A_210 = tpu.vector_load %arg8[%swap3A_208, %swap3A_209] {strides = array<i32>} : memref<16x128xf32, #tpu.memory_space<vmem>>, vector<1x16xf32>,
      %swap3A_211 = vector.shape_cast %swap3A_210 : vector<1x16xf32> to vector<16xf32>
      %swap3A_212 = vector.shape_cast %broadcast_in_dim3A_7 : vector<16xf32> to vector<1x16xf32>
      tpu.vector_store %arg8[%swap3A_208, %swap3A_209], %swap3A_212 {strides = array<i32>} : memref<16x128xf32, #tpu.memory_space<vmem>>, vector<1x16xf32>,
      %swap3A_213 = arith.index_cast %scan3A_182 : i32 to index
      %swap3A_214 = arith.constant 96 : index
      %swap3A_215 = tpu.vector_load %arg8[%swap3A_213, %swap3A_214] {strides = array<i32>} : memref<16x128xf32, #tpu.memory_space<vmem>>, vector<1x16xf32>,
      %swap3A_216 = vector.shape_cast %swap3A_215 : vector<1x16xf32> to vector<16xf32>
      %swap3A_217 = vector.shape_cast %broadcast_in_dim3A_7 : vector<16xf32> to vector<1x16xf32>
      tpu.vector_store %arg8[%swap3A_213, %swap3A_214], %swap3A_217 {strides = array<i32>} : memref<16x128xf32, #tpu.memory_space<vmem>>, vector<1x16xf32>,
      %swap3A_218 = arith.index_cast %scan3A_182 : i32 to index
      %swap3A_219 = arith.constant 112 : index
      %swap3A_220 = tpu.vector_load %arg8[%swap3A_218, %swap3A_219] {strides = array<i32>} : memref<16x128xf32, #tpu.memory_space<vmem>>, vector<1x16xf32>,
      %swap3A_221 = vector.shape_cast %swap3A_220 : vector<1x16xf32> to vector<16xf32>
      %swap3A_222 = vector.shape_cast %broadcast_in_dim3A_7 : vector<16xf32> to vector<1x16xf32>
      tpu.vector_store %arg8[%swap3A_218, %swap3A_219], %swap3A_222 {strides = array<i32>} : memref<16x128xf32, #tpu.memory_space<vmem>>, vector<1x16xf32>,
      %scan3A_223 = arith.constant 2 : i32
      %scan3A_224 = arith.addi %scan3A_141, %scan3A_223 : i32
      %swap3A_225 = arith.index_cast %scan3A_224 : i32 to index
      %swap3A_226 = arith.constant 0 : index
      %swap3A_227 = tpu.vector_load %arg8[%swap3A_225, %swap3A_226] {strides = array<i32>} : memref<16x128xf32, #tpu.memory_space<vmem>>, vector<1x16xf32>,
      %swap3A_228 = vector.shape_cast %swap3A_227 : vector<1x16xf32> to vector<16xf32>
      %swap3A_229 = vector.shape_cast %broadcast_in_dim3A_7 : vector<16xf32> to vector<1x16xf32>
      tpu.vector_store %arg8[%swap3A_225, %swap3A_226], %swap3A_229 {strides = array<i32>} : memref<16x128xf32, #tpu.memory_space<vmem>>, vector<1x16xf32>,
      %swap3A_230 = arith.index_cast %scan3A_224 : i32 to index
      %swap3A_231 = arith.constant 16 : index
      %swap3A_232 = tpu.vector_load %arg8[%swap3A_230, %swap3A_231] {strides = array<i32>} : memref<16x128xf32, #tpu.memory_space<vmem>>, vector<1x16xf32>,
      %swap3A_233 = vector.shape_cast %swap3A_232 : vector<1x16xf32> to vector<16xf32>
      %swap3A_234 = vector.shape_cast %broadcast_in_dim3A_7 : vector<16xf32> to vector<1x16xf32>
      tpu.vector_store %arg8[%swap3A_230, %swap3A_231], %swap3A_234 {strides = array<i32>} : memref<16x128xf32, #tpu.memory_space<vmem>>, vector<1x16xf32>,
      %swap3A_235 = arith.index_cast %scan3A_224 : i32 to index
      %swap3A_236 = arith.constant 32 : index
      %swap3A_237 = tpu.vector_load %arg8[%swap3A_235, %swap3A_236] {strides = array<i32>} : memref<16x128xf32, #tpu.memory_space<vmem>>, vector<1x16xf32>,
      %swap3A_238 = vector.shape_cast %swap3A_237 : vector<1x16xf32> to vector<16xf32>
      %swap3A_239 = vector.shape_cast %broadcast_in_dim3A_7 : vector<16xf32> to vector<1x16xf32>
      tpu.vector_store %arg8[%swap3A_235, %swap3A_236], %swap3A_239 {strides = array<i32>} : memref<16x128xf32, #tpu.memory_space<vmem>>, vector<1x16xf32>,
      %swap3A_240 = arith.index_cast %scan3A_224 : i32 to index
      %swap3A_241 = arith.constant 48 : index
      %swap3A_242 = tpu.vector_load %arg8[%swap3A_240, %swap3A_241] {strides = array<i32>} : memref<16x128xf32, #tpu.memory_space<vmem>>, vector<1x16xf32>,
      %swap3A_243 = vector.shape_cast %swap3A_242 : vector<1x16xf32> to vector<16xf32>
      %swap3A_244 = vector.shape_cast %broadcast_in_dim3A_7 : vector<16xf32> to vector<1x16xf32>
      tpu.vector_store %arg8[%swap3A_240, %swap3A_241], %swap3A_244 {strides = array<i32>} : memref<16x128xf32, #tpu.memory_space<vmem>>, vector<1x16xf32>,
      %swap3A_245 = arith.index_cast %scan3A_224 : i32 to index
      %swap3A_246 = arith.constant 64 : index
      %swap3A_247 = tpu.vector_load %arg8[%swap3A_245, %swap3A_246] {strides = array<i32>} : memref<16x128xf32, #tpu.memory_space<vmem>>, vector<1x16xf32>,
      %swap3A_248 = vector.shape_cast %swap3A_247 : vector<1x16xf32> to vector<16xf32>
      %swap3A_249 = vector.shape_cast %broadcast_in_dim3A_7 : vector<16xf32> to vector<1x16xf32>
      tpu.vector_store %arg8[%swap3A_245, %swap3A_246], %swap3A_249 {strides = array<i32>} : memref<16x128xf32, #tpu.memory_space<vmem>>, vector<1x16xf32>,
      %swap3A_250 = arith.index_cast %scan3A_224 : i32 to index
      %swap3A_251 = arith.constant 80 : index
      %swap3A_252 = tpu.vector_load %arg8[%swap3A_250, %swap3A_251] {strides = array<i32>} : memref<16x128xf32, #tpu.memory_space<vmem>>, vector<1x16xf32>,
      %swap3A_253 = vector.shape_cast %swap3A_252 : vector<1x16xf32> to vector<16xf32>
      %swap3A_254 = vector.shape_cast %broadcast_in_dim3A_7 : vector<16xf32> to vector<1x16xf32>
      tpu.vector_store %arg8[%swap3A_250, %swap3A_251], %swap3A_254 {strides = array<i32>} : memref<16x128xf32, #tpu.memory_space<vmem>>, vector<1x16xf32>,
      %swap3A_255 = arith.index_cast %scan3A_224 : i32 to index
      %swap3A_256 = arith.constant 96 : index
      %swap3A_257 = tpu.vector_load %arg8[%swap3A_255, %swap3A_256] {strides = array<i32>} : memref<16x128xf32, #tpu.memory_space<vmem>>, vector<1x16xf32>,
      %swap3A_258 = vector.shape_cast %swap3A_257 : vector<1x16xf32> to vector<16xf32>
      %swap3A_259 = vector.shape_cast %broadcast_in_dim3A_7 : vector<16xf32> to vector<1x16xf32>
      tpu.vector_store %arg8[%swap3A_255, %swap3A_256], %swap3A_259 {strides = array<i32>} : memref<16x128xf32, #tpu.memory_space<vmem>>, vector<1x16xf32>,
      %swap3A_260 = arith.index_cast %scan3A_224 : i32 to index
      %swap3A_261 = arith.constant 112 : index
      %swap3A_262 = tpu.vector_load %arg8[%swap3A_260, %swap3A_261] {strides = array<i32>} : memref<16x128xf32, #tpu.memory_space<vmem>>, vector<1x16xf32>,
      %swap3A_263 = vector.shape_cast %swap3A_262 : vector<1x16xf32> to vector<16xf32>
      %swap3A_264 = vector.shape_cast %broadcast_in_dim3A_7 : vector<16xf32> to vector<1x16xf32>
      tpu.vector_store %arg8[%swap3A_260, %swap3A_261], %swap3A_264 {strides = array<i32>} : memref<16x128xf32, #tpu.memory_space<vmem>>, vector<1x16xf32>,
      %scan3A_265 = arith.constant 3 : i32
      %scan3A_266 = arith.addi %scan3A_141, %scan3A_265 : i32
      %swap3A_267 = arith.index_cast %scan3A_266 : i32 to index
      %swap3A_268 = arith.constant 0 : index
      %swap3A_269 = tpu.vector_load %arg8[%swap3A_267, %swap3A_268] {strides = array<i32>} : memref<16x128xf32, #tpu.memory_space<vmem>>, vector<1x16xf32>,
      %swap3A_270 = vector.shape_cast %swap3A_269 : vector<1x16xf32> to vector<16xf32>
      %swap3A_271 = vector.shape_cast %broadcast_in_dim3A_7 : vector<16xf32> to vector<1x16xf32>
      tpu.vector_store %arg8[%swap3A_267, %swap3A_268], %swap3A_271 {strides = array<i32>} : memref<16x128xf32, #tpu.memory_space<vmem>>, vector<1x16xf32>,
      %swap3A_272 = arith.index_cast %scan3A_266 : i32 to index
      %swap3A_273 = arith.constant 16 : index
      %swap3A_274 = tpu.vector_load %arg8[%swap3A_272, %swap3A_273] {strides = array<i32>} : memref<16x128xf32, #tpu.memory_space<vmem>>, vector<1x16xf32>,
      %swap3A_275 = vector.shape_cast %swap3A_274 : vector<1x16xf32> to vector<16xf32>
      %swap3A_276 = vector.shape_cast %broadcast_in_dim3A_7 : vector<16xf32> to vector<1x16xf32>
      tpu.vector_store %arg8[%swap3A_272, %swap3A_273], %swap3A_276 {strides = array<i32>} : memref<16x128xf32, #tpu.memory_space<vmem>>, vector<1x16xf32>,
      %swap3A_277 = arith.index_cast %scan3A_266 : i32 to index
      %swap3A_278 = arith.constant 32 : index
      %swap3A_279 = tpu.vector_load %arg8[%swap3A_277, %swap3A_278] {strides = array<i32>} : memref<16x128xf32, #tpu.memory_space<vmem>>, vector<1x16xf32>,
      %swap3A_280 = vector.shape_cast %swap3A_279 : vector<1x16xf32> to vector<16xf32>
      %swap3A_281 = vector.shape_cast %broadcast_in_dim3A_7 : vector<16xf32> to vector<1x16xf32>
      tpu.vector_store %arg8[%swap3A_277, %swap3A_278], %swap3A_281 {strides = array<i32>} : memref<16x128xf32, #tpu.memory_space<vmem>>, vector<1x16xf32>,
      %swap3A_282 = arith.index_cast %scan3A_266 : i32 to index
      %swap3A_283 = arith.constant 48 : index
      %swap3A_284 = tpu.vector_load %arg8[%swap3A_282, %swap3A_283] {strides = array<i32>} : memref<16x128xf32, #tpu.memory_space<vmem>>, vector<1x16xf32>,
      %swap3A_285 = vector.shape_cast %swap3A_284 : vector<1x16xf32> to vector<16xf32>
      %swap3A_286 = vector.shape_cast %broadcast_in_dim3A_7 : vector<16xf32> to vector<1x16xf32>
      tpu.vector_store %arg8[%swap3A_282, %swap3A_283], %swap3A_286 {strides = array<i32>} : memref<16x128xf32, #tpu.memory_space<vmem>>, vector<1x16xf32>,
      %swap3A_287 = arith.index_cast %scan3A_266 : i32 to index
      %swap3A_288 = arith.constant 64 : index
      %swap3A_289 = tpu.vector_load %arg8[%swap3A_287, %swap3A_288] {strides = array<i32>} : memref<16x128xf32, #tpu.memory_space<vmem>>, vector<1x16xf32>,
      %swap3A_290 = vector.shape_cast %swap3A_289 : vector<1x16xf32> to vector<16xf32>
      %swap3A_291 = vector.shape_cast %broadcast_in_dim3A_7 : vector<16xf32> to vector<1x16xf32>
      tpu.vector_store %arg8[%swap3A_287, %swap3A_288], %swap3A_291 {strides = array<i32>} : memref<16x128xf32, #tpu.memory_space<vmem>>, vector<1x16xf32>,
      %swap3A_292 = arith.index_cast %scan3A_266 : i32 to index
      %swap3A_293 = arith.constant 80 : index
      %swap3A_294 = tpu.vector_load %arg8[%swap3A_292, %swap3A_293] {strides = array<i32>} : memref<16x128xf32, #tpu.memory_space<vmem>>, vector<1x16xf32>,
      %swap3A_295 = vector.shape_cast %swap3A_294 : vector<1x16xf32> to vector<16xf32>
      %swap3A_296 = vector.shape_cast %broadcast_in_dim3A_7 : vector<16xf32> to vector<1x16xf32>
      tpu.vector_store %arg8[%swap3A_292, %swap3A_293], %swap3A_296 {strides = array<i32>} : memref<16x128xf32, #tpu.memory_space<vmem>>, vector<1x16xf32>,
      %swap3A_297 = arith.index_cast %scan3A_266 : i32 to index
      %swap3A_298 = arith.constant 96 : index
      %swap3A_299 = tpu.vector_load %arg8[%swap3A_297, %swap3A_298] {strides = array<i32>} : memref<16x128xf32, #tpu.memory_space<vmem>>, vector<1x16xf32>,
      %swap3A_300 = vector.shape_cast %swap3A_299 : vector<1x16xf32> to vector<16xf32>
      %swap3A_301 = vector.shape_cast %broadcast_in_dim3A_7 : vector<16xf32> to vector<1x16xf32>
      tpu.vector_store %arg8[%swap3A_297, %swap3A_298], %swap3A_301 {strides = array<i32>} : memref<16x128xf32, #tpu.memory_space<vmem>>, vector<1x16xf32>,
      %swap3A_302 = arith.index_cast %scan3A_266 : i32 to index
      %swap3A_303 = arith.constant 112 : index
      %swap3A_304 = tpu.vector_load %arg8[%swap3A_302, %swap3A_303] {strides = array<i32>} : memref<16x128xf32, #tpu.memory_space<vmem>>, vector<1x16xf32>,
      %swap3A_305 = vector.shape_cast %swap3A_304 : vector<1x16xf32> to vector<16xf32>
      %swap3A_306 = vector.shape_cast %broadcast_in_dim3A_7 : vector<16xf32> to vector<1x16xf32>
      tpu.vector_store %arg8[%swap3A_302, %swap3A_303], %swap3A_306 {strides = array<i32>} : memref<16x128xf32, #tpu.memory_space<vmem>>, vector<1x16xf32>,
    }
    %scan3A_12 = arith.constant 16 : i32
    %eq3A = arith.constant 0 : i32
    %eq3A_13 = arith.cmpi eq, %arg0, %eq3A : i32
    %convert_element_type3A = arith.extui %eq3A_13 : i1 to i32
    %cond3A = arith.constant 0 : i32
    %cond3A_14 = arith.cmpi ne, %convert_element_type3A, %cond3A : i32
    scf.if %cond3A_14 {
      %mul3A_141 = arith.constant 320 : i32
      %mul3A_142 = arith.muli %arg1, %mul3A_141 : i32
      %add3A_143 = arith.constant 0 : i32
      %add3A_144 = arith.addi %mul3A_142, %add3A_143 : i32
      "tpu.region"() ({
        %run_scoped3A_221 = tpu.sem_alloc : memref<!tpu.dma_semaphore, #tpu.memory_space<semaphore_mem>>
        %dma_start3A = arith.constant 0 : i32
        %dma_start3A_222 = tpu.memref_slice %arg10[%add3A_144, %dma_start3A] : memref<5248x128xf32, #tpu.memory_space<vmem_shared>> -> memref<16x128xf32, #tpu.memory_space<vmem_shared>>
        %dma_start3A_223 = arith.constant 0 : i32
        %dma_start3A_224 = tpu.memref_slice %arg10[%add3A_144, %dma_start3A_223] : memref<5248x128xf32, #tpu.memory_space<vmem_shared>> -> memref<16x128xf32, #tpu.memory_space<vmem_shared>>
        tpu.enqueue_dma source(%arg8 : memref<16x128xf32, #tpu.memory_space<vmem>>) target(%dma_start3A_224 : memref<16x128xf32, #tpu.memory_space<vmem_shared>>) target_semaphore(%run_scoped3A_221 : memref<!tpu.dma_semaphore, #tpu.memory_space<semaphore_mem>>)
        %dma_wait3A_225 = arith.constant 0 : i32
        %dma_wait3A_226 = tpu.memref_slice %arg10[%add3A_144, %dma_wait3A_225] : memref<5248x128xf32, #tpu.memory_space<vmem_shared>> -> memref<16x128xf32, #tpu.memory_space<vmem_shared>>
        %dma_wait3A_227 = arith.constant 0 : i32
        %dma_wait3A_228 = tpu.memref_slice %arg10[%add3A_144, %dma_wait3A_227] : memref<5248x128xf32, #tpu.memory_space<vmem_shared>> -> memref<16x128xf32, #tpu.memory_space<vmem_shared>>
        tpu.wait_dma2 semaphore(%run_scoped3A_221 : memref<!tpu.dma_semaphore, #tpu.memory_space<semaphore_mem>>) src(%arg8 : memref<16x128xf32, #tpu.memory_space<vmem>>) dst(%dma_wait3A_228 : memref<16x128xf32, #tpu.memory_space<vmem_shared>>)
        tpu.yield
      }) : () -> ()
      %mul3A_145 = arith.constant 320 : i32
      %mul3A_146 = arith.muli %arg1, %mul3A_145 : i32
      %add3A_147 = arith.constant 16 : i32
      %add3A_148 = arith.addi %mul3A_146, %add3A_147 : i32
      "tpu.region"() ({
        %run_scoped3A_221 = tpu.sem_alloc : memref<!tpu.dma_semaphore, #tpu.memory_space<semaphore_mem>>
        %dma_start3A = arith.constant 0 : i32
        %dma_start3A_222 = tpu.memref_slice %arg10[%add3A_148, %dma_start3A] : memref<5248x128xf32, #tpu.memory_space<vmem_shared>> -> memref<16x128xf32, #tpu.memory_space<vmem_shared>>
        %dma_start3A_223 = arith.constant 0 : i32
        %dma_start3A_224 = tpu.memref_slice %arg10[%add3A_148, %dma_start3A_223] : memref<5248x128xf32, #tpu.memory_space<vmem_shared>> -> memref<16x128xf32, #tpu.memory_space<vmem_shared>>
        tpu.enqueue_dma source(%arg8 : memref<16x128xf32, #tpu.memory_space<vmem>>) target(%dma_start3A_224 : memref<16x128xf32, #tpu.memory_space<vmem_shared>>) target_semaphore(%run_scoped3A_221 : memref<!tpu.dma_semaphore, #tpu.memory_space<semaphore_mem>>)
        %dma_wait3A_225 = arith.constant 0 : i32
        %dma_wait3A_226 = tpu.memref_slice %arg10[%add3A_148, %dma_wait3A_225] : memref<5248x128xf32, #tpu.memory_space<vmem_shared>> -> memref<16x128xf32, #tpu.memory_space<vmem_shared>>
        %dma_wait3A_227 = arith.constant 0 : i32
        %dma_wait3A_228 = tpu.memref_slice %arg10[%add3A_148, %dma_wait3A_227] : memref<5248x128xf32, #tpu.memory_space<vmem_shared>> -> memref<16x128xf32, #tpu.memory_space<vmem_shared>>
        tpu.wait_dma2 semaphore(%run_scoped3A_221 : memref<!tpu.dma_semaphore, #tpu.memory_space<semaphore_mem>>) src(%arg8 : memref<16x128xf32, #tpu.memory_space<vmem>>) dst(%dma_wait3A_228 : memref<16x128xf32, #tpu.memory_space<vmem_shared>>)
        tpu.yield
      }) : () -> ()
      %mul3A_149 = arith.constant 320 : i32
      %mul3A_150 = arith.muli %arg1, %mul3A_149 : i32
      %add3A_151 = arith.constant 32 : i32
      %add3A_152 = arith.addi %mul3A_150, %add3A_151 : i32
      "tpu.region"() ({
        %run_scoped3A_221 = tpu.sem_alloc : memref<!tpu.dma_semaphore, #tpu.memory_space<semaphore_mem>>
        %dma_start3A = arith.constant 0 : i32
        %dma_start3A_222 = tpu.memref_slice %arg10[%add3A_152, %dma_start3A] : memref<5248x128xf32, #tpu.memory_space<vmem_shared>> -> memref<16x128xf32, #tpu.memory_space<vmem_shared>>
        %dma_start3A_223 = arith.constant 0 : i32
        %dma_start3A_224 = tpu.memref_slice %arg10[%add3A_152, %dma_start3A_223] : memref<5248x128xf32, #tpu.memory_space<vmem_shared>> -> memref<16x128xf32, #tpu.memory_space<vmem_shared>>
        tpu.enqueue_dma source(%arg8 : memref<16x128xf32, #tpu.memory_space<vmem>>) target(%dma_start3A_224 : memref<16x128xf32, #tpu.memory_space<vmem_shared>>) target_semaphore(%run_scoped3A_221 : memref<!tpu.dma_semaphore, #tpu.memory_space<semaphore_mem>>)
        %dma_wait3A_225 = arith.constant 0 : i32
        %dma_wait3A_226 = tpu.memref_slice %arg10[%add3A_152, %dma_wait3A_225] : memref<5248x128xf32, #tpu.memory_space<vmem_shared>> -> memref<16x128xf32, #tpu.memory_space<vmem_shared>>
        %dma_wait3A_227 = arith.constant 0 : i32
        %dma_wait3A_228 = tpu.memref_slice %arg10[%add3A_152, %dma_wait3A_227] : memref<5248x128xf32, #tpu.memory_space<vmem_shared>> -> memref<16x128xf32, #tpu.memory_space<vmem_shared>>
        tpu.wait_dma2 semaphore(%run_scoped3A_221 : memref<!tpu.dma_semaphore, #tpu.memory_space<semaphore_mem>>) src(%arg8 : memref<16x128xf32, #tpu.memory_space<vmem>>) dst(%dma_wait3A_228 : memref<16x128xf32, #tpu.memory_space<vmem_shared>>)
        tpu.yield
      }) : () -> ()
      %mul3A_153 = arith.constant 320 : i32
      %mul3A_154 = arith.muli %arg1, %mul3A_153 : i32
      %add3A_155 = arith.constant 48 : i32
      %add3A_156 = arith.addi %mul3A_154, %add3A_155 : i32
      "tpu.region"() ({
        %run_scoped3A_221 = tpu.sem_alloc : memref<!tpu.dma_semaphore, #tpu.memory_space<semaphore_mem>>
        %dma_start3A = arith.constant 0 : i32
        %dma_start3A_222 = tpu.memref_slice %arg10[%add3A_156, %dma_start3A] : memref<5248x128xf32, #tpu.memory_space<vmem_shared>> -> memref<16x128xf32, #tpu.memory_space<vmem_shared>>
        %dma_start3A_223 = arith.constant 0 : i32
        %dma_start3A_224 = tpu.memref_slice %arg10[%add3A_156, %dma_start3A_223] : memref<5248x128xf32, #tpu.memory_space<vmem_shared>> -> memref<16x128xf32, #tpu.memory_space<vmem_shared>>
        tpu.enqueue_dma source(%arg8 : memref<16x128xf32, #tpu.memory_space<vmem>>) target(%dma_start3A_224 : memref<16x128xf32, #tpu.memory_space<vmem_shared>>) target_semaphore(%run_scoped3A_221 : memref<!tpu.dma_semaphore, #tpu.memory_space<semaphore_mem>>)
        %dma_wait3A_225 = arith.constant 0 : i32
        %dma_wait3A_226 = tpu.memref_slice %arg10[%add3A_156, %dma_wait3A_225] : memref<5248x128xf32, #tpu.memory_space<vmem_shared>> -> memref<16x128xf32, #tpu.memory_space<vmem_shared>>
        %dma_wait3A_227 = arith.constant 0 : i32
        %dma_wait3A_228 = tpu.memref_slice %arg10[%add3A_156, %dma_wait3A_227] : memref<5248x128xf32, #tpu.memory_space<vmem_shared>> -> memref<16x128xf32, #tpu.memory_space<vmem_shared>>
        tpu.wait_dma2 semaphore(%run_scoped3A_221 : memref<!tpu.dma_semaphore, #tpu.memory_space<semaphore_mem>>) src(%arg8 : memref<16x128xf32, #tpu.memory_space<vmem>>) dst(%dma_wait3A_228 : memref<16x128xf32, #tpu.memory_space<vmem_shared>>)
        tpu.yield
      }) : () -> ()
      %mul3A_157 = arith.constant 320 : i32
      %mul3A_158 = arith.muli %arg1, %mul3A_157 : i32
      %add3A_159 = arith.constant 64 : i32
      %add3A_160 = arith.addi %mul3A_158, %add3A_159 : i32
      "tpu.region"() ({
        %run_scoped3A_221 = tpu.sem_alloc : memref<!tpu.dma_semaphore, #tpu.memory_space<semaphore_mem>>
        %dma_start3A = arith.constant 0 : i32
        %dma_start3A_222 = tpu.memref_slice %arg10[%add3A_160, %dma_start3A] : memref<5248x128xf32, #tpu.memory_space<vmem_shared>> -> memref<16x128xf32, #tpu.memory_space<vmem_shared>>
        %dma_start3A_223 = arith.constant 0 : i32
        %dma_start3A_224 = tpu.memref_slice %arg10[%add3A_160, %dma_start3A_223] : memref<5248x128xf32, #tpu.memory_space<vmem_shared>> -> memref<16x128xf32, #tpu.memory_space<vmem_shared>>
        tpu.enqueue_dma source(%arg8 : memref<16x128xf32, #tpu.memory_space<vmem>>) target(%dma_start3A_224 : memref<16x128xf32, #tpu.memory_space<vmem_shared>>) target_semaphore(%run_scoped3A_221 : memref<!tpu.dma_semaphore, #tpu.memory_space<semaphore_mem>>)
        %dma_wait3A_225 = arith.constant 0 : i32
        %dma_wait3A_226 = tpu.memref_slice %arg10[%add3A_160, %dma_wait3A_225] : memref<5248x128xf32, #tpu.memory_space<vmem_shared>> -> memref<16x128xf32, #tpu.memory_space<vmem_shared>>
        %dma_wait3A_227 = arith.constant 0 : i32
        %dma_wait3A_228 = tpu.memref_slice %arg10[%add3A_160, %dma_wait3A_227] : memref<5248x128xf32, #tpu.memory_space<vmem_shared>> -> memref<16x128xf32, #tpu.memory_space<vmem_shared>>
        tpu.wait_dma2 semaphore(%run_scoped3A_221 : memref<!tpu.dma_semaphore, #tpu.memory_space<semaphore_mem>>) src(%arg8 : memref<16x128xf32, #tpu.memory_space<vmem>>) dst(%dma_wait3A_228 : memref<16x128xf32, #tpu.memory_space<vmem_shared>>)
        tpu.yield
      }) : () -> ()
      %mul3A_161 = arith.constant 320 : i32
      %mul3A_162 = arith.muli %arg1, %mul3A_161 : i32
      %add3A_163 = arith.constant 80 : i32
      %add3A_164 = arith.addi %mul3A_162, %add3A_163 : i32
      "tpu.region"() ({
        %run_scoped3A_221 = tpu.sem_alloc : memref<!tpu.dma_semaphore, #tpu.memory_space<semaphore_mem>>
        %dma_start3A = arith.constant 0 : i32
        %dma_start3A_222 = tpu.memref_slice %arg10[%add3A_164, %dma_start3A] : memref<5248x128xf32, #tpu.memory_space<vmem_shared>> -> memref<16x128xf32, #tpu.memory_space<vmem_shared>>
        %dma_start3A_223 = arith.constant 0 : i32
        %dma_start3A_224 = tpu.memref_slice %arg10[%add3A_164, %dma_start3A_223] : memref<5248x128xf32, #tpu.memory_space<vmem_shared>> -> memref<16x128xf32, #tpu.memory_space<vmem_shared>>
        tpu.enqueue_dma source(%arg8 : memref<16x128xf32, #tpu.memory_space<vmem>>) target(%dma_start3A_224 : memref<16x128xf32, #tpu.memory_space<vmem_shared>>) target_semaphore(%run_scoped3A_221 : memref<!tpu.dma_semaphore, #tpu.memory_space<semaphore_mem>>)
        %dma_wait3A_225 = arith.constant 0 : i32
        %dma_wait3A_226 = tpu.memref_slice %arg10[%add3A_164, %dma_wait3A_225] : memref<5248x128xf32, #tpu.memory_space<vmem_shared>> -> memref<16x128xf32, #tpu.memory_space<vmem_shared>>
        %dma_wait3A_227 = arith.constant 0 : i32
        %dma_wait3A_228 = tpu.memref_slice %arg10[%add3A_164, %dma_wait3A_227] : memref<5248x128xf32, #tpu.memory_space<vmem_shared>> -> memref<16x128xf32, #tpu.memory_space<vmem_shared>>
        tpu.wait_dma2 semaphore(%run_scoped3A_221 : memref<!tpu.dma_semaphore, #tpu.memory_space<semaphore_mem>>) src(%arg8 : memref<16x128xf32, #tpu.memory_space<vmem>>) dst(%dma_wait3A_228 : memref<16x128xf32, #tpu.memory_space<vmem_shared>>)
        tpu.yield
      }) : () -> ()
      %mul3A_165 = arith.constant 320 : i32
      %mul3A_166 = arith.muli %arg1, %mul3A_165 : i32
      %add3A_167 = arith.constant 96 : i32
      %add3A_168 = arith.addi %mul3A_166, %add3A_167 : i32
      "tpu.region"() ({
        %run_scoped3A_221 = tpu.sem_alloc : memref<!tpu.dma_semaphore, #tpu.memory_space<semaphore_mem>>
        %dma_start3A = arith.constant 0 : i32
        %dma_start3A_222 = tpu.memref_slice %arg10[%add3A_168, %dma_start3A] : memref<5248x128xf32, #tpu.memory_space<vmem_shared>> -> memref<16x128xf32, #tpu.memory_space<vmem_shared>>
        %dma_start3A_223 = arith.constant 0 : i32
        %dma_start3A_224 = tpu.memref_slice %arg10[%add3A_168, %dma_start3A_223] : memref<5248x128xf32, #tpu.memory_space<vmem_shared>> -> memref<16x128xf32, #tpu.memory_space<vmem_shared>>
        tpu.enqueue_dma source(%arg8 : memref<16x128xf32, #tpu.memory_space<vmem>>) target(%dma_start3A_224 : memref<16x128xf32, #tpu.memory_space<vmem_shared>>) target_semaphore(%run_scoped3A_221 : memref<!tpu.dma_semaphore, #tpu.memory_space<semaphore_mem>>)
        %dma_wait3A_225 = arith.constant 0 : i32
        %dma_wait3A_226 = tpu.memref_slice %arg10[%add3A_168, %dma_wait3A_225] : memref<5248x128xf32, #tpu.memory_space<vmem_shared>> -> memref<16x128xf32, #tpu.memory_space<vmem_shared>>
        %dma_wait3A_227 = arith.constant 0 : i32
        %dma_wait3A_228 = tpu.memref_slice %arg10[%add3A_168, %dma_wait3A_227] : memref<5248x128xf32, #tpu.memory_space<vmem_shared>> -> memref<16x128xf32, #tpu.memory_space<vmem_shared>>
        tpu.wait_dma2 semaphore(%run_scoped3A_221 : memref<!tpu.dma_semaphore, #tpu.memory_space<semaphore_mem>>) src(%arg8 : memref<16x128xf32, #tpu.memory_space<vmem>>) dst(%dma_wait3A_228 : memref<16x128xf32, #tpu.memory_space<vmem_shared>>)
        tpu.yield
      }) : () -> ()
      %mul3A_169 = arith.constant 320 : i32
      %mul3A_170 = arith.muli %arg1, %mul3A_169 : i32
      %add3A_171 = arith.constant 112 : i32
      %add3A_172 = arith.addi %mul3A_170, %add3A_171 : i32
      "tpu.region"() ({
        %run_scoped3A_221 = tpu.sem_alloc : memref<!tpu.dma_semaphore, #tpu.memory_space<semaphore_mem>>
        %dma_start3A = arith.constant 0 : i32
        %dma_start3A_222 = tpu.memref_slice %arg10[%add3A_172, %dma_start3A] : memref<5248x128xf32, #tpu.memory_space<vmem_shared>> -> memref<16x128xf32, #tpu.memory_space<vmem_shared>>
        %dma_start3A_223 = arith.constant 0 : i32
        %dma_start3A_224 = tpu.memref_slice %arg10[%add3A_172, %dma_start3A_223] : memref<5248x128xf32, #tpu.memory_space<vmem_shared>> -> memref<16x128xf32, #tpu.memory_space<vmem_shared>>
        tpu.enqueue_dma source(%arg8 : memref<16x128xf32, #tpu.memory_space<vmem>>) target(%dma_start3A_224 : memref<16x128xf32, #tpu.memory_space<vmem_shared>>) target_semaphore(%run_scoped3A_221 : memref<!tpu.dma_semaphore, #tpu.memory_space<semaphore_mem>>)
        %dma_wait3A_225 = arith.constant 0 : i32
        %dma_wait3A_226 = tpu.memref_slice %arg10[%add3A_172, %dma_wait3A_225] : memref<5248x128xf32, #tpu.memory_space<vmem_shared>> -> memref<16x128xf32, #tpu.memory_space<vmem_shared>>
        %dma_wait3A_227 = arith.constant 0 : i32
        %dma_wait3A_228 = tpu.memref_slice %arg10[%add3A_172, %dma_wait3A_227] : memref<5248x128xf32, #tpu.memory_space<vmem_shared>> -> memref<16x128xf32, #tpu.memory_space<vmem_shared>>
        tpu.wait_dma2 semaphore(%run_scoped3A_221 : memref<!tpu.dma_semaphore, #tpu.memory_space<semaphore_mem>>) src(%arg8 : memref<16x128xf32, #tpu.memory_space<vmem>>) dst(%dma_wait3A_228 : memref<16x128xf32, #tpu.memory_space<vmem_shared>>)
        tpu.yield
      }) : () -> ()
      %mul3A_173 = arith.constant 320 : i32
      %mul3A_174 = arith.muli %arg1, %mul3A_173 : i32
      %add3A_175 = arith.constant 128 : i32
      %add3A_176 = arith.addi %mul3A_174, %add3A_175 : i32
      "tpu.region"() ({
        %run_scoped3A_221 = tpu.sem_alloc : memref<!tpu.dma_semaphore, #tpu.memory_space<semaphore_mem>>
        %dma_start3A = arith.constant 0 : i32
        %dma_start3A_222 = tpu.memref_slice %arg10[%add3A_176, %dma_start3A] : memref<5248x128xf32, #tpu.memory_space<vmem_shared>> -> memref<16x128xf32, #tpu.memory_space<vmem_shared>>
        %dma_start3A_223 = arith.constant 0 : i32
        %dma_start3A_224 = tpu.memref_slice %arg10[%add3A_176, %dma_start3A_223] : memref<5248x128xf32, #tpu.memory_space<vmem_shared>> -> memref<16x128xf32, #tpu.memory_space<vmem_shared>>
        tpu.enqueue_dma source(%arg8 : memref<16x128xf32, #tpu.memory_space<vmem>>) target(%dma_start3A_224 : memref<16x128xf32, #tpu.memory_space<vmem_shared>>) target_semaphore(%run_scoped3A_221 : memref<!tpu.dma_semaphore, #tpu.memory_space<semaphore_mem>>)
        %dma_wait3A_225 = arith.constant 0 : i32
        %dma_wait3A_226 = tpu.memref_slice %arg10[%add3A_176, %dma_wait3A_225] : memref<5248x128xf32, #tpu.memory_space<vmem_shared>> -> memref<16x128xf32, #tpu.memory_space<vmem_shared>>
        %dma_wait3A_227 = arith.constant 0 : i32
        %dma_wait3A_228 = tpu.memref_slice %arg10[%add3A_176, %dma_wait3A_227] : memref<5248x128xf32, #tpu.memory_space<vmem_shared>> -> memref<16x128xf32, #tpu.memory_space<vmem_shared>>
        tpu.wait_dma2 semaphore(%run_scoped3A_221 : memref<!tpu.dma_semaphore, #tpu.memory_space<semaphore_mem>>) src(%arg8 : memref<16x128xf32, #tpu.memory_space<vmem>>) dst(%dma_wait3A_228 : memref<16x128xf32, #tpu.memory_space<vmem_shared>>)
        tpu.yield
      }) : () -> ()
      %mul3A_177 = arith.constant 320 : i32
      %mul3A_178 = arith.muli %arg1, %mul3A_177 : i32
      %add3A_179 = arith.constant 144 : i32
      %add3A_180 = arith.addi %mul3A_178, %add3A_179 : i32
      "tpu.region"() ({
        %run_scoped3A_221 = tpu.sem_alloc : memref<!tpu.dma_semaphore, #tpu.memory_space<semaphore_mem>>
        %dma_start3A = arith.constant 0 : i32
        %dma_start3A_222 = tpu.memref_slice %arg10[%add3A_180, %dma_start3A] : memref<5248x128xf32, #tpu.memory_space<vmem_shared>> -> memref<16x128xf32, #tpu.memory_space<vmem_shared>>
        %dma_start3A_223 = arith.constant 0 : i32
        %dma_start3A_224 = tpu.memref_slice %arg10[%add3A_180, %dma_start3A_223] : memref<5248x128xf32, #tpu.memory_space<vmem_shared>> -> memref<16x128xf32, #tpu.memory_space<vmem_shared>>
        tpu.enqueue_dma source(%arg8 : memref<16x128xf32, #tpu.memory_space<vmem>>) target(%dma_start3A_224 : memref<16x128xf32, #tpu.memory_space<vmem_shared>>) target_semaphore(%run_scoped3A_221 : memref<!tpu.dma_semaphore, #tpu.memory_space<semaphore_mem>>)
        %dma_wait3A_225 = arith.constant 0 : i32
        %dma_wait3A_226 = tpu.memref_slice %arg10[%add3A_180, %dma_wait3A_225] : memref<5248x128xf32, #tpu.memory_space<vmem_shared>> -> memref<16x128xf32, #tpu.memory_space<vmem_shared>>
        %dma_wait3A_227 = arith.constant 0 : i32
        %dma_wait3A_228 = tpu.memref_slice %arg10[%add3A_180, %dma_wait3A_227] : memref<5248x128xf32, #tpu.memory_space<vmem_shared>> -> memref<16x128xf32, #tpu.memory_space<vmem_shared>>
        tpu.wait_dma2 semaphore(%run_scoped3A_221 : memref<!tpu.dma_semaphore, #tpu.memory_space<semaphore_mem>>) src(%arg8 : memref<16x128xf32, #tpu.memory_space<vmem>>) dst(%dma_wait3A_228 : memref<16x128xf32, #tpu.memory_space<vmem_shared>>)
        tpu.yield
      }) : () -> ()
      %mul3A_181 = arith.constant 320 : i32
      %mul3A_182 = arith.muli %arg1, %mul3A_181 : i32
      %add3A_183 = arith.constant 160 : i32
      %add3A_184 = arith.addi %mul3A_182, %add3A_183 : i32
      "tpu.region"() ({
        %run_scoped3A_221 = tpu.sem_alloc : memref<!tpu.dma_semaphore, #tpu.memory_space<semaphore_mem>>
        %dma_start3A = arith.constant 0 : i32
        %dma_start3A_222 = tpu.memref_slice %arg10[%add3A_184, %dma_start3A] : memref<5248x128xf32, #tpu.memory_space<vmem_shared>> -> memref<16x128xf32, #tpu.memory_space<vmem_shared>>
        %dma_start3A_223 = arith.constant 0 : i32
        %dma_start3A_224 = tpu.memref_slice %arg10[%add3A_184, %dma_start3A_223] : memref<5248x128xf32, #tpu.memory_space<vmem_shared>> -> memref<16x128xf32, #tpu.memory_space<vmem_shared>>
        tpu.enqueue_dma source(%arg8 : memref<16x128xf32, #tpu.memory_space<vmem>>) target(%dma_start3A_224 : memref<16x128xf32, #tpu.memory_space<vmem_shared>>) target_semaphore(%run_scoped3A_221 : memref<!tpu.dma_semaphore, #tpu.memory_space<semaphore_mem>>)
        %dma_wait3A_225 = arith.constant 0 : i32
        %dma_wait3A_226 = tpu.memref_slice %arg10[%add3A_184, %dma_wait3A_225] : memref<5248x128xf32, #tpu.memory_space<vmem_shared>> -> memref<16x128xf32, #tpu.memory_space<vmem_shared>>
        %dma_wait3A_227 = arith.constant 0 : i32
        %dma_wait3A_228 = tpu.memref_slice %arg10[%add3A_184, %dma_wait3A_227] : memref<5248x128xf32, #tpu.memory_space<vmem_shared>> -> memref<16x128xf32, #tpu.memory_space<vmem_shared>>
        tpu.wait_dma2 semaphore(%run_scoped3A_221 : memref<!tpu.dma_semaphore, #tpu.memory_space<semaphore_mem>>) src(%arg8 : memref<16x128xf32, #tpu.memory_space<vmem>>) dst(%dma_wait3A_228 : memref<16x128xf32, #tpu.memory_space<vmem_shared>>)
        tpu.yield
      }) : () -> ()
      %mul3A_185 = arith.constant 320 : i32
      %mul3A_186 = arith.muli %arg1, %mul3A_185 : i32
      %add3A_187 = arith.constant 176 : i32
      %add3A_188 = arith.addi %mul3A_186, %add3A_187 : i32
      "tpu.region"() ({
        %run_scoped3A_221 = tpu.sem_alloc : memref<!tpu.dma_semaphore, #tpu.memory_space<semaphore_mem>>
        %dma_start3A = arith.constant 0 : i32
        %dma_start3A_222 = tpu.memref_slice %arg10[%add3A_188, %dma_start3A] : memref<5248x128xf32, #tpu.memory_space<vmem_shared>> -> memref<16x128xf32, #tpu.memory_space<vmem_shared>>
        %dma_start3A_223 = arith.constant 0 : i32
        %dma_start3A_224 = tpu.memref_slice %arg10[%add3A_188, %dma_start3A_223] : memref<5248x128xf32, #tpu.memory_space<vmem_shared>> -> memref<16x128xf32, #tpu.memory_space<vmem_shared>>
        tpu.enqueue_dma source(%arg8 : memref<16x128xf32, #tpu.memory_space<vmem>>) target(%dma_start3A_224 : memref<16x128xf32, #tpu.memory_space<vmem_shared>>) target_semaphore(%run_scoped3A_221 : memref<!tpu.dma_semaphore, #tpu.memory_space<semaphore_mem>>)
        %dma_wait3A_225 = arith.constant 0 : i32
        %dma_wait3A_226 = tpu.memref_slice %arg10[%add3A_188, %dma_wait3A_225] : memref<5248x128xf32, #tpu.memory_space<vmem_shared>> -> memref<16x128xf32, #tpu.memory_space<vmem_shared>>
        %dma_wait3A_227 = arith.constant 0 : i32
        %dma_wait3A_228 = tpu.memref_slice %arg10[%add3A_188, %dma_wait3A_227] : memref<5248x128xf32, #tpu.memory_space<vmem_shared>> -> memref<16x128xf32, #tpu.memory_space<vmem_shared>>
        tpu.wait_dma2 semaphore(%run_scoped3A_221 : memref<!tpu.dma_semaphore, #tpu.memory_space<semaphore_mem>>) src(%arg8 : memref<16x128xf32, #tpu.memory_space<vmem>>) dst(%dma_wait3A_228 : memref<16x128xf32, #tpu.memory_space<vmem_shared>>)
        tpu.yield
      }) : () -> ()
      %mul3A_189 = arith.constant 320 : i32
      %mul3A_190 = arith.muli %arg1, %mul3A_189 : i32
      %add3A_191 = arith.constant 192 : i32
      %add3A_192 = arith.addi %mul3A_190, %add3A_191 : i32
      "tpu.region"() ({
        %run_scoped3A_221 = tpu.sem_alloc : memref<!tpu.dma_semaphore, #tpu.memory_space<semaphore_mem>>
        %dma_start3A = arith.constant 0 : i32
        %dma_start3A_222 = tpu.memref_slice %arg10[%add3A_192, %dma_start3A] : memref<5248x128xf32, #tpu.memory_space<vmem_shared>> -> memref<16x128xf32, #tpu.memory_space<vmem_shared>>
        %dma_start3A_223 = arith.constant 0 : i32
        %dma_start3A_224 = tpu.memref_slice %arg10[%add3A_192, %dma_start3A_223] : memref<5248x128xf32, #tpu.memory_space<vmem_shared>> -> memref<16x128xf32, #tpu.memory_space<vmem_shared>>
        tpu.enqueue_dma source(%arg8 : memref<16x128xf32, #tpu.memory_space<vmem>>) target(%dma_start3A_224 : memref<16x128xf32, #tpu.memory_space<vmem_shared>>) target_semaphore(%run_scoped3A_221 : memref<!tpu.dma_semaphore, #tpu.memory_space<semaphore_mem>>)
        %dma_wait3A_225 = arith.constant 0 : i32
        %dma_wait3A_226 = tpu.memref_slice %arg10[%add3A_192, %dma_wait3A_225] : memref<5248x128xf32, #tpu.memory_space<vmem_shared>> -> memref<16x128xf32, #tpu.memory_space<vmem_shared>>
        %dma_wait3A_227 = arith.constant 0 : i32
        %dma_wait3A_228 = tpu.memref_slice %arg10[%add3A_192, %dma_wait3A_227] : memref<5248x128xf32, #tpu.memory_space<vmem_shared>> -> memref<16x128xf32, #tpu.memory_space<vmem_shared>>
        tpu.wait_dma2 semaphore(%run_scoped3A_221 : memref<!tpu.dma_semaphore, #tpu.memory_space<semaphore_mem>>) src(%arg8 : memref<16x128xf32, #tpu.memory_space<vmem>>) dst(%dma_wait3A_228 : memref<16x128xf32, #tpu.memory_space<vmem_shared>>)
        tpu.yield
      }) : () -> ()
      %mul3A_193 = arith.constant 320 : i32
      %mul3A_194 = arith.muli %arg1, %mul3A_193 : i32
      %add3A_195 = arith.constant 208 : i32
      %add3A_196 = arith.addi %mul3A_194, %add3A_195 : i32
      "tpu.region"() ({
        %run_scoped3A_221 = tpu.sem_alloc : memref<!tpu.dma_semaphore, #tpu.memory_space<semaphore_mem>>
        %dma_start3A = arith.constant 0 : i32
        %dma_start3A_222 = tpu.memref_slice %arg10[%add3A_196, %dma_start3A] : memref<5248x128xf32, #tpu.memory_space<vmem_shared>> -> memref<16x128xf32, #tpu.memory_space<vmem_shared>>
        %dma_start3A_223 = arith.constant 0 : i32
        %dma_start3A_224 = tpu.memref_slice %arg10[%add3A_196, %dma_start3A_223] : memref<5248x128xf32, #tpu.memory_space<vmem_shared>> -> memref<16x128xf32, #tpu.memory_space<vmem_shared>>
        tpu.enqueue_dma source(%arg8 : memref<16x128xf32, #tpu.memory_space<vmem>>) target(%dma_start3A_224 : memref<16x128xf32, #tpu.memory_space<vmem_shared>>) target_semaphore(%run_scoped3A_221 : memref<!tpu.dma_semaphore, #tpu.memory_space<semaphore_mem>>)
        %dma_wait3A_225 = arith.constant 0 : i32
        %dma_wait3A_226 = tpu.memref_slice %arg10[%add3A_196, %dma_wait3A_225] : memref<5248x128xf32, #tpu.memory_space<vmem_shared>> -> memref<16x128xf32, #tpu.memory_space<vmem_shared>>
        %dma_wait3A_227 = arith.constant 0 : i32
        %dma_wait3A_228 = tpu.memref_slice %arg10[%add3A_196, %dma_wait3A_227] : memref<5248x128xf32, #tpu.memory_space<vmem_shared>> -> memref<16x128xf32, #tpu.memory_space<vmem_shared>>
        tpu.wait_dma2 semaphore(%run_scoped3A_221 : memref<!tpu.dma_semaphore, #tpu.memory_space<semaphore_mem>>) src(%arg8 : memref<16x128xf32, #tpu.memory_space<vmem>>) dst(%dma_wait3A_228 : memref<16x128xf32, #tpu.memory_space<vmem_shared>>)
        tpu.yield
      }) : () -> ()
      %mul3A_197 = arith.constant 320 : i32
      %mul3A_198 = arith.muli %arg1, %mul3A_197 : i32
      %add3A_199 = arith.constant 224 : i32
      %add3A_200 = arith.addi %mul3A_198, %add3A_199 : i32
      "tpu.region"() ({
        %run_scoped3A_221 = tpu.sem_alloc : memref<!tpu.dma_semaphore, #tpu.memory_space<semaphore_mem>>
        %dma_start3A = arith.constant 0 : i32
        %dma_start3A_222 = tpu.memref_slice %arg10[%add3A_200, %dma_start3A] : memref<5248x128xf32, #tpu.memory_space<vmem_shared>> -> memref<16x128xf32, #tpu.memory_space<vmem_shared>>
        %dma_start3A_223 = arith.constant 0 : i32
        %dma_start3A_224 = tpu.memref_slice %arg10[%add3A_200, %dma_start3A_223] : memref<5248x128xf32, #tpu.memory_space<vmem_shared>> -> memref<16x128xf32, #tpu.memory_space<vmem_shared>>
        tpu.enqueue_dma source(%arg8 : memref<16x128xf32, #tpu.memory_space<vmem>>) target(%dma_start3A_224 : memref<16x128xf32, #tpu.memory_space<vmem_shared>>) target_semaphore(%run_scoped3A_221 : memref<!tpu.dma_semaphore, #tpu.memory_space<semaphore_mem>>)
        %dma_wait3A_225 = arith.constant 0 : i32
        %dma_wait3A_226 = tpu.memref_slice %arg10[%add3A_200, %dma_wait3A_225] : memref<5248x128xf32, #tpu.memory_space<vmem_shared>> -> memref<16x128xf32, #tpu.memory_space<vmem_shared>>
        %dma_wait3A_227 = arith.constant 0 : i32
        %dma_wait3A_228 = tpu.memref_slice %arg10[%add3A_200, %dma_wait3A_227] : memref<5248x128xf32, #tpu.memory_space<vmem_shared>> -> memref<16x128xf32, #tpu.memory_space<vmem_shared>>
        tpu.wait_dma2 semaphore(%run_scoped3A_221 : memref<!tpu.dma_semaphore, #tpu.memory_space<semaphore_mem>>) src(%arg8 : memref<16x128xf32, #tpu.memory_space<vmem>>) dst(%dma_wait3A_228 : memref<16x128xf32, #tpu.memory_space<vmem_shared>>)
        tpu.yield
      }) : () -> ()
      %mul3A_201 = arith.constant 320 : i32
      %mul3A_202 = arith.muli %arg1, %mul3A_201 : i32
      %add3A_203 = arith.constant 240 : i32
      %add3A_204 = arith.addi %mul3A_202, %add3A_203 : i32
      "tpu.region"() ({
        %run_scoped3A_221 = tpu.sem_alloc : memref<!tpu.dma_semaphore, #tpu.memory_space<semaphore_mem>>
        %dma_start3A = arith.constant 0 : i32
        %dma_start3A_222 = tpu.memref_slice %arg10[%add3A_204, %dma_start3A] : memref<5248x128xf32, #tpu.memory_space<vmem_shared>> -> memref<16x128xf32, #tpu.memory_space<vmem_shared>>
        %dma_start3A_223 = arith.constant 0 : i32
        %dma_start3A_224 = tpu.memref_slice %arg10[%add3A_204, %dma_start3A_223] : memref<5248x128xf32, #tpu.memory_space<vmem_shared>> -> memref<16x128xf32, #tpu.memory_space<vmem_shared>>
        tpu.enqueue_dma source(%arg8 : memref<16x128xf32, #tpu.memory_space<vmem>>) target(%dma_start3A_224 : memref<16x128xf32, #tpu.memory_space<vmem_shared>>) target_semaphore(%run_scoped3A_221 : memref<!tpu.dma_semaphore, #tpu.memory_space<semaphore_mem>>)
        %dma_wait3A_225 = arith.constant 0 : i32
        %dma_wait3A_226 = tpu.memref_slice %arg10[%add3A_204, %dma_wait3A_225] : memref<5248x128xf32, #tpu.memory_space<vmem_shared>> -> memref<16x128xf32, #tpu.memory_space<vmem_shared>>
        %dma_wait3A_227 = arith.constant 0 : i32
        %dma_wait3A_228 = tpu.memref_slice %arg10[%add3A_204, %dma_wait3A_227] : memref<5248x128xf32, #tpu.memory_space<vmem_shared>> -> memref<16x128xf32, #tpu.memory_space<vmem_shared>>
        tpu.wait_dma2 semaphore(%run_scoped3A_221 : memref<!tpu.dma_semaphore, #tpu.memory_space<semaphore_mem>>) src(%arg8 : memref<16x128xf32, #tpu.memory_space<vmem>>) dst(%dma_wait3A_228 : memref<16x128xf32, #tpu.memory_space<vmem_shared>>)
        tpu.yield
      }) : () -> ()
      %mul3A_205 = arith.constant 320 : i32
      %mul3A_206 = arith.muli %arg1, %mul3A_205 : i32
      %add3A_207 = arith.constant 256 : i32
      %add3A_208 = arith.addi %mul3A_206, %add3A_207 : i32
      "tpu.region"() ({
        %run_scoped3A_221 = tpu.sem_alloc : memref<!tpu.dma_semaphore, #tpu.memory_space<semaphore_mem>>
        %dma_start3A = arith.constant 0 : i32
        %dma_start3A_222 = tpu.memref_slice %arg10[%add3A_208, %dma_start3A] : memref<5248x128xf32, #tpu.memory_space<vmem_shared>> -> memref<16x128xf32, #tpu.memory_space<vmem_shared>>
        %dma_start3A_223 = arith.constant 0 : i32
        %dma_start3A_224 = tpu.memref_slice %arg10[%add3A_208, %dma_start3A_223] : memref<5248x128xf32, #tpu.memory_space<vmem_shared>> -> memref<16x128xf32, #tpu.memory_space<vmem_shared>>
        tpu.enqueue_dma source(%arg8 : memref<16x128xf32, #tpu.memory_space<vmem>>) target(%dma_start3A_224 : memref<16x128xf32, #tpu.memory_space<vmem_shared>>) target_semaphore(%run_scoped3A_221 : memref<!tpu.dma_semaphore, #tpu.memory_space<semaphore_mem>>)
        %dma_wait3A_225 = arith.constant 0 : i32
        %dma_wait3A_226 = tpu.memref_slice %arg10[%add3A_208, %dma_wait3A_225] : memref<5248x128xf32, #tpu.memory_space<vmem_shared>> -> memref<16x128xf32, #tpu.memory_space<vmem_shared>>
        %dma_wait3A_227 = arith.constant 0 : i32
        %dma_wait3A_228 = tpu.memref_slice %arg10[%add3A_208, %dma_wait3A_227] : memref<5248x128xf32, #tpu.memory_space<vmem_shared>> -> memref<16x128xf32, #tpu.memory_space<vmem_shared>>
        tpu.wait_dma2 semaphore(%run_scoped3A_221 : memref<!tpu.dma_semaphore, #tpu.memory_space<semaphore_mem>>) src(%arg8 : memref<16x128xf32, #tpu.memory_space<vmem>>) dst(%dma_wait3A_228 : memref<16x128xf32, #tpu.memory_space<vmem_shared>>)
        tpu.yield
      }) : () -> ()
      %mul3A_209 = arith.constant 320 : i32
      %mul3A_210 = arith.muli %arg1, %mul3A_209 : i32
      %add3A_211 = arith.constant 272 : i32
      %add3A_212 = arith.addi %mul3A_210, %add3A_211 : i32
      "tpu.region"() ({
        %run_scoped3A_221 = tpu.sem_alloc : memref<!tpu.dma_semaphore, #tpu.memory_space<semaphore_mem>>
        %dma_start3A = arith.constant 0 : i32
        %dma_start3A_222 = tpu.memref_slice %arg10[%add3A_212, %dma_start3A] : memref<5248x128xf32, #tpu.memory_space<vmem_shared>> -> memref<16x128xf32, #tpu.memory_space<vmem_shared>>
        %dma_start3A_223 = arith.constant 0 : i32
        %dma_start3A_224 = tpu.memref_slice %arg10[%add3A_212, %dma_start3A_223] : memref<5248x128xf32, #tpu.memory_space<vmem_shared>> -> memref<16x128xf32, #tpu.memory_space<vmem_shared>>
        tpu.enqueue_dma source(%arg8 : memref<16x128xf32, #tpu.memory_space<vmem>>) target(%dma_start3A_224 : memref<16x128xf32, #tpu.memory_space<vmem_shared>>) target_semaphore(%run_scoped3A_221 : memref<!tpu.dma_semaphore, #tpu.memory_space<semaphore_mem>>)
        %dma_wait3A_225 = arith.constant 0 : i32
        %dma_wait3A_226 = tpu.memref_slice %arg10[%add3A_212, %dma_wait3A_225] : memref<5248x128xf32, #tpu.memory_space<vmem_shared>> -> memref<16x128xf32, #tpu.memory_space<vmem_shared>>
        %dma_wait3A_227 = arith.constant 0 : i32
        %dma_wait3A_228 = tpu.memref_slice %arg10[%add3A_212, %dma_wait3A_227] : memref<5248x128xf32, #tpu.memory_space<vmem_shared>> -> memref<16x128xf32, #tpu.memory_space<vmem_shared>>
        tpu.wait_dma2 semaphore(%run_scoped3A_221 : memref<!tpu.dma_semaphore, #tpu.memory_space<semaphore_mem>>) src(%arg8 : memref<16x128xf32, #tpu.memory_space<vmem>>) dst(%dma_wait3A_228 : memref<16x128xf32, #tpu.memory_space<vmem_shared>>)
        tpu.yield
      }) : () -> ()
      %mul3A_213 = arith.constant 320 : i32
      %mul3A_214 = arith.muli %arg1, %mul3A_213 : i32
      %add3A_215 = arith.constant 288 : i32
      %add3A_216 = arith.addi %mul3A_214, %add3A_215 : i32
      "tpu.region"() ({
        %run_scoped3A_221 = tpu.sem_alloc : memref<!tpu.dma_semaphore, #tpu.memory_space<semaphore_mem>>
        %dma_start3A = arith.constant 0 : i32
        %dma_start3A_222 = tpu.memref_slice %arg10[%add3A_216, %dma_start3A] : memref<5248x128xf32, #tpu.memory_space<vmem_shared>> -> memref<16x128xf32, #tpu.memory_space<vmem_shared>>
        %dma_start3A_223 = arith.constant 0 : i32
        %dma_start3A_224 = tpu.memref_slice %arg10[%add3A_216, %dma_start3A_223] : memref<5248x128xf32, #tpu.memory_space<vmem_shared>> -> memref<16x128xf32, #tpu.memory_space<vmem_shared>>
        tpu.enqueue_dma source(%arg8 : memref<16x128xf32, #tpu.memory_space<vmem>>) target(%dma_start3A_224 : memref<16x128xf32, #tpu.memory_space<vmem_shared>>) target_semaphore(%run_scoped3A_221 : memref<!tpu.dma_semaphore, #tpu.memory_space<semaphore_mem>>)
        %dma_wait3A_225 = arith.constant 0 : i32
        %dma_wait3A_226 = tpu.memref_slice %arg10[%add3A_216, %dma_wait3A_225] : memref<5248x128xf32, #tpu.memory_space<vmem_shared>> -> memref<16x128xf32, #tpu.memory_space<vmem_shared>>
        %dma_wait3A_227 = arith.constant 0 : i32
        %dma_wait3A_228 = tpu.memref_slice %arg10[%add3A_216, %dma_wait3A_227] : memref<5248x128xf32, #tpu.memory_space<vmem_shared>> -> memref<16x128xf32, #tpu.memory_space<vmem_shared>>
        tpu.wait_dma2 semaphore(%run_scoped3A_221 : memref<!tpu.dma_semaphore, #tpu.memory_space<semaphore_mem>>) src(%arg8 : memref<16x128xf32, #tpu.memory_space<vmem>>) dst(%dma_wait3A_228 : memref<16x128xf32, #tpu.memory_space<vmem_shared>>)
        tpu.yield
      }) : () -> ()
      %mul3A_217 = arith.constant 320 : i32
      %mul3A_218 = arith.muli %arg1, %mul3A_217 : i32
      %add3A_219 = arith.constant 304 : i32
      %add3A_220 = arith.addi %mul3A_218, %add3A_219 : i32
      "tpu.region"() ({
        %run_scoped3A_221 = tpu.sem_alloc : memref<!tpu.dma_semaphore, #tpu.memory_space<semaphore_mem>>
        %dma_start3A = arith.constant 0 : i32
        %dma_start3A_222 = tpu.memref_slice %arg10[%add3A_220, %dma_start3A] : memref<5248x128xf32, #tpu.memory_space<vmem_shared>> -> memref<16x128xf32, #tpu.memory_space<vmem_shared>>
        %dma_start3A_223 = arith.constant 0 : i32
        %dma_start3A_224 = tpu.memref_slice %arg10[%add3A_220, %dma_start3A_223] : memref<5248x128xf32, #tpu.memory_space<vmem_shared>> -> memref<16x128xf32, #tpu.memory_space<vmem_shared>>
        tpu.enqueue_dma source(%arg8 : memref<16x128xf32, #tpu.memory_space<vmem>>) target(%dma_start3A_224 : memref<16x128xf32, #tpu.memory_space<vmem_shared>>) target_semaphore(%run_scoped3A_221 : memref<!tpu.dma_semaphore, #tpu.memory_space<semaphore_mem>>)
        %dma_wait3A_225 = arith.constant 0 : i32
        %dma_wait3A_226 = tpu.memref_slice %arg10[%add3A_220, %dma_wait3A_225] : memref<5248x128xf32, #tpu.memory_space<vmem_shared>> -> memref<16x128xf32, #tpu.memory_space<vmem_shared>>
        %dma_wait3A_227 = arith.constant 0 : i32
        %dma_wait3A_228 = tpu.memref_slice %arg10[%add3A_220, %dma_wait3A_227] : memref<5248x128xf32, #tpu.memory_space<vmem_shared>> -> memref<16x128xf32, #tpu.memory_space<vmem_shared>>
        tpu.wait_dma2 semaphore(%run_scoped3A_221 : memref<!tpu.dma_semaphore, #tpu.memory_space<semaphore_mem>>) src(%arg8 : memref<16x128xf32, #tpu.memory_space<vmem>>) dst(%dma_wait3A_228 : memref<16x128xf32, #tpu.memory_space<vmem_shared>>)
        tpu.yield
      }) : () -> ()
    } else {
    }
    %eq3A_15 = arith.constant 1 : i32
    %eq3A_16 = arith.cmpi eq, %arg0, %eq3A_15 : i32
    %lt3A = arith.constant 15 : i32
    %lt3A_17 = arith.cmpi slt, %arg1, %lt3A : i32
    %and3A = arith.andi %eq3A_16, %lt3A_17 : i1
    %convert_element_type3A_18 = arith.extui %and3A : i1 to i32
    %cond3A_19 = arith.constant 0 : i32
    %cond3A_20 = arith.cmpi ne, %convert_element_type3A_18, %cond3A_19 : i32
    scf.if %cond3A_20 {
      %mul3A_141 = arith.constant 304 : i32
      %mul3A_142 = arith.muli %arg1, %mul3A_141 : i32
      %add3A_143 = arith.constant 0 : i32
      %add3A_144 = arith.addi %mul3A_142, %add3A_143 : i32
      "tpu.region"() ({
        %run_scoped3A_217 = tpu.sem_alloc : memref<!tpu.dma_semaphore, #tpu.memory_space<semaphore_mem>>
        %dma_start3A = arith.constant 0 : i32
        %dma_start3A_218 = tpu.memref_slice %arg10[%add3A_144, %dma_start3A] : memref<5248x128xf32, #tpu.memory_space<vmem_shared>> -> memref<16x128xf32, #tpu.memory_space<vmem_shared>>
        %dma_start3A_219 = arith.constant 0 : i32
        %dma_start3A_220 = tpu.memref_slice %arg10[%add3A_144, %dma_start3A_219] : memref<5248x128xf32, #tpu.memory_space<vmem_shared>> -> memref<16x128xf32, #tpu.memory_space<vmem_shared>>
        tpu.enqueue_dma source(%arg8 : memref<16x128xf32, #tpu.memory_space<vmem>>) target(%dma_start3A_220 : memref<16x128xf32, #tpu.memory_space<vmem_shared>>) target_semaphore(%run_scoped3A_217 : memref<!tpu.dma_semaphore, #tpu.memory_space<semaphore_mem>>)
        %dma_wait3A_221 = arith.constant 0 : i32
        %dma_wait3A_222 = tpu.memref_slice %arg10[%add3A_144, %dma_wait3A_221] : memref<5248x128xf32, #tpu.memory_space<vmem_shared>> -> memref<16x128xf32, #tpu.memory_space<vmem_shared>>
        %dma_wait3A_223 = arith.constant 0 : i32
        %dma_wait3A_224 = tpu.memref_slice %arg10[%add3A_144, %dma_wait3A_223] : memref<5248x128xf32, #tpu.memory_space<vmem_shared>> -> memref<16x128xf32, #tpu.memory_space<vmem_shared>>
        tpu.wait_dma2 semaphore(%run_scoped3A_217 : memref<!tpu.dma_semaphore, #tpu.memory_space<semaphore_mem>>) src(%arg8 : memref<16x128xf32, #tpu.memory_space<vmem>>) dst(%dma_wait3A_224 : memref<16x128xf32, #tpu.memory_space<vmem_shared>>)
        tpu.yield
      }) : () -> ()
      %mul3A_145 = arith.constant 304 : i32
      %mul3A_146 = arith.muli %arg1, %mul3A_145 : i32
      %add3A_147 = arith.constant 16 : i32
      %add3A_148 = arith.addi %mul3A_146, %add3A_147 : i32
      "tpu.region"() ({
        %run_scoped3A_217 = tpu.sem_alloc : memref<!tpu.dma_semaphore, #tpu.memory_space<semaphore_mem>>
        %dma_start3A = arith.constant 0 : i32
        %dma_start3A_218 = tpu.memref_slice %arg10[%add3A_148, %dma_start3A] : memref<5248x128xf32, #tpu.memory_space<vmem_shared>> -> memref<16x128xf32, #tpu.memory_space<vmem_shared>>
        %dma_start3A_219 = arith.constant 0 : i32
        %dma_start3A_220 = tpu.memref_slice %arg10[%add3A_148, %dma_start3A_219] : memref<5248x128xf32, #tpu.memory_space<vmem_shared>> -> memref<16x128xf32, #tpu.memory_space<vmem_shared>>
        tpu.enqueue_dma source(%arg8 : memref<16x128xf32, #tpu.memory_space<vmem>>) target(%dma_start3A_220 : memref<16x128xf32, #tpu.memory_space<vmem_shared>>) target_semaphore(%run_scoped3A_217 : memref<!tpu.dma_semaphore, #tpu.memory_space<semaphore_mem>>)
        %dma_wait3A_221 = arith.constant 0 : i32
        %dma_wait3A_222 = tpu.memref_slice %arg10[%add3A_148, %dma_wait3A_221] : memref<5248x128xf32, #tpu.memory_space<vmem_shared>> -> memref<16x128xf32, #tpu.memory_space<vmem_shared>>
        %dma_wait3A_223 = arith.constant 0 : i32
        %dma_wait3A_224 = tpu.memref_slice %arg10[%add3A_148, %dma_wait3A_223] : memref<5248x128xf32, #tpu.memory_space<vmem_shared>> -> memref<16x128xf32, #tpu.memory_space<vmem_shared>>
        tpu.wait_dma2 semaphore(%run_scoped3A_217 : memref<!tpu.dma_semaphore, #tpu.memory_space<semaphore_mem>>) src(%arg8 : memref<16x128xf32, #tpu.memory_space<vmem>>) dst(%dma_wait3A_224 : memref<16x128xf32, #tpu.memory_space<vmem_shared>>)
        tpu.yield
      }) : () -> ()
      %mul3A_149 = arith.constant 304 : i32
      %mul3A_150 = arith.muli %arg1, %mul3A_149 : i32
      %add3A_151 = arith.constant 32 : i32
      %add3A_152 = arith.addi %mul3A_150, %add3A_151 : i32
      "tpu.region"() ({
        %run_scoped3A_217 = tpu.sem_alloc : memref<!tpu.dma_semaphore, #tpu.memory_space<semaphore_mem>>
        %dma_start3A = arith.constant 0 : i32
        %dma_start3A_218 = tpu.memref_slice %arg10[%add3A_152, %dma_start3A] : memref<5248x128xf32, #tpu.memory_space<vmem_shared>> -> memref<16x128xf32, #tpu.memory_space<vmem_shared>>
        %dma_start3A_219 = arith.constant 0 : i32
        %dma_start3A_220 = tpu.memref_slice %arg10[%add3A_152, %dma_start3A_219] : memref<5248x128xf32, #tpu.memory_space<vmem_shared>> -> memref<16x128xf32, #tpu.memory_space<vmem_shared>>
        tpu.enqueue_dma source(%arg8 : memref<16x128xf32, #tpu.memory_space<vmem>>) target(%dma_start3A_220 : memref<16x128xf32, #tpu.memory_space<vmem_shared>>) target_semaphore(%run_scoped3A_217 : memref<!tpu.dma_semaphore, #tpu.memory_space<semaphore_mem>>)
        %dma_wait3A_221 = arith.constant 0 : i32
        %dma_wait3A_222 = tpu.memref_slice %arg10[%add3A_152, %dma_wait3A_221] : memref<5248x128xf32, #tpu.memory_space<vmem_shared>> -> memref<16x128xf32, #tpu.memory_space<vmem_shared>>
        %dma_wait3A_223 = arith.constant 0 : i32
        %dma_wait3A_224 = tpu.memref_slice %arg10[%add3A_152, %dma_wait3A_223] : memref<5248x128xf32, #tpu.memory_space<vmem_shared>> -> memref<16x128xf32, #tpu.memory_space<vmem_shared>>
        tpu.wait_dma2 semaphore(%run_scoped3A_217 : memref<!tpu.dma_semaphore, #tpu.memory_space<semaphore_mem>>) src(%arg8 : memref<16x128xf32, #tpu.memory_space<vmem>>) dst(%dma_wait3A_224 : memref<16x128xf32, #tpu.memory_space<vmem_shared>>)
        tpu.yield
      }) : () -> ()
      %mul3A_153 = arith.constant 304 : i32
      %mul3A_154 = arith.muli %arg1, %mul3A_153 : i32
      %add3A_155 = arith.constant 48 : i32
      %add3A_156 = arith.addi %mul3A_154, %add3A_155 : i32
      "tpu.region"() ({
        %run_scoped3A_217 = tpu.sem_alloc : memref<!tpu.dma_semaphore, #tpu.memory_space<semaphore_mem>>
        %dma_start3A = arith.constant 0 : i32
        %dma_start3A_218 = tpu.memref_slice %arg10[%add3A_156, %dma_start3A] : memref<5248x128xf32, #tpu.memory_space<vmem_shared>> -> memref<16x128xf32, #tpu.memory_space<vmem_shared>>
        %dma_start3A_219 = arith.constant 0 : i32
        %dma_start3A_220 = tpu.memref_slice %arg10[%add3A_156, %dma_start3A_219] : memref<5248x128xf32, #tpu.memory_space<vmem_shared>> -> memref<16x128xf32, #tpu.memory_space<vmem_shared>>
        tpu.enqueue_dma source(%arg8 : memref<16x128xf32, #tpu.memory_space<vmem>>) target(%dma_start3A_220 : memref<16x128xf32, #tpu.memory_space<vmem_shared>>) target_semaphore(%run_scoped3A_217 : memref<!tpu.dma_semaphore, #tpu.memory_space<semaphore_mem>>)
        %dma_wait3A_221 = arith.constant 0 : i32
        %dma_wait3A_222 = tpu.memref_slice %arg10[%add3A_156, %dma_wait3A_221] : memref<5248x128xf32, #tpu.memory_space<vmem_shared>> -> memref<16x128xf32, #tpu.memory_space<vmem_shared>>
        %dma_wait3A_223 = arith.constant 0 : i32
        %dma_wait3A_224 = tpu.memref_slice %arg10[%add3A_156, %dma_wait3A_223] : memref<5248x128xf32, #tpu.memory_space<vmem_shared>> -> memref<16x128xf32, #tpu.memory_space<vmem_shared>>
        tpu.wait_dma2 semaphore(%run_scoped3A_217 : memref<!tpu.dma_semaphore, #tpu.memory_space<semaphore_mem>>) src(%arg8 : memref<16x128xf32, #tpu.memory_space<vmem>>) dst(%dma_wait3A_224 : memref<16x128xf32, #tpu.memory_space<vmem_shared>>)
        tpu.yield
      }) : () -> ()
      %mul3A_157 = arith.constant 304 : i32
      %mul3A_158 = arith.muli %arg1, %mul3A_157 : i32
      %add3A_159 = arith.constant 64 : i32
      %add3A_160 = arith.addi %mul3A_158, %add3A_159 : i32
      "tpu.region"() ({
        %run_scoped3A_217 = tpu.sem_alloc : memref<!tpu.dma_semaphore, #tpu.memory_space<semaphore_mem>>
        %dma_start3A = arith.constant 0 : i32
        %dma_start3A_218 = tpu.memref_slice %arg10[%add3A_160, %dma_start3A] : memref<5248x128xf32, #tpu.memory_space<vmem_shared>> -> memref<16x128xf32, #tpu.memory_space<vmem_shared>>
        %dma_start3A_219 = arith.constant 0 : i32
        %dma_start3A_220 = tpu.memref_slice %arg10[%add3A_160, %dma_start3A_219] : memref<5248x128xf32, #tpu.memory_space<vmem_shared>> -> memref<16x128xf32, #tpu.memory_space<vmem_shared>>
        tpu.enqueue_dma source(%arg8 : memref<16x128xf32, #tpu.memory_space<vmem>>) target(%dma_start3A_220 : memref<16x128xf32, #tpu.memory_space<vmem_shared>>) target_semaphore(%run_scoped3A_217 : memref<!tpu.dma_semaphore, #tpu.memory_space<semaphore_mem>>)
        %dma_wait3A_221 = arith.constant 0 : i32
        %dma_wait3A_222 = tpu.memref_slice %arg10[%add3A_160, %dma_wait3A_221] : memref<5248x128xf32, #tpu.memory_space<vmem_shared>> -> memref<16x128xf32, #tpu.memory_space<vmem_shared>>
        %dma_wait3A_223 = arith.constant 0 : i32
        %dma_wait3A_224 = tpu.memref_slice %arg10[%add3A_160, %dma_wait3A_223] : memref<5248x128xf32, #tpu.memory_space<vmem_shared>> -> memref<16x128xf32, #tpu.memory_space<vmem_shared>>
        tpu.wait_dma2 semaphore(%run_scoped3A_217 : memref<!tpu.dma_semaphore, #tpu.memory_space<semaphore_mem>>) src(%arg8 : memref<16x128xf32, #tpu.memory_space<vmem>>) dst(%dma_wait3A_224 : memref<16x128xf32, #tpu.memory_space<vmem_shared>>)
        tpu.yield
      }) : () -> ()
      %mul3A_161 = arith.constant 304 : i32
      %mul3A_162 = arith.muli %arg1, %mul3A_161 : i32
      %add3A_163 = arith.constant 80 : i32
      %add3A_164 = arith.addi %mul3A_162, %add3A_163 : i32
      "tpu.region"() ({
        %run_scoped3A_217 = tpu.sem_alloc : memref<!tpu.dma_semaphore, #tpu.memory_space<semaphore_mem>>
        %dma_start3A = arith.constant 0 : i32
        %dma_start3A_218 = tpu.memref_slice %arg10[%add3A_164, %dma_start3A] : memref<5248x128xf32, #tpu.memory_space<vmem_shared>> -> memref<16x128xf32, #tpu.memory_space<vmem_shared>>
        %dma_start3A_219 = arith.constant 0 : i32
        %dma_start3A_220 = tpu.memref_slice %arg10[%add3A_164, %dma_start3A_219] : memref<5248x128xf32, #tpu.memory_space<vmem_shared>> -> memref<16x128xf32, #tpu.memory_space<vmem_shared>>
        tpu.enqueue_dma source(%arg8 : memref<16x128xf32, #tpu.memory_space<vmem>>) target(%dma_start3A_220 : memref<16x128xf32, #tpu.memory_space<vmem_shared>>) target_semaphore(%run_scoped3A_217 : memref<!tpu.dma_semaphore, #tpu.memory_space<semaphore_mem>>)
        %dma_wait3A_221 = arith.constant 0 : i32
        %dma_wait3A_222 = tpu.memref_slice %arg10[%add3A_164, %dma_wait3A_221] : memref<5248x128xf32, #tpu.memory_space<vmem_shared>> -> memref<16x128xf32, #tpu.memory_space<vmem_shared>>
        %dma_wait3A_223 = arith.constant 0 : i32
        %dma_wait3A_224 = tpu.memref_slice %arg10[%add3A_164, %dma_wait3A_223] : memref<5248x128xf32, #tpu.memory_space<vmem_shared>> -> memref<16x128xf32, #tpu.memory_space<vmem_shared>>
        tpu.wait_dma2 semaphore(%run_scoped3A_217 : memref<!tpu.dma_semaphore, #tpu.memory_space<semaphore_mem>>) src(%arg8 : memref<16x128xf32, #tpu.memory_space<vmem>>) dst(%dma_wait3A_224 : memref<16x128xf32, #tpu.memory_space<vmem_shared>>)
        tpu.yield
      }) : () -> ()
      %mul3A_165 = arith.constant 304 : i32
      %mul3A_166 = arith.muli %arg1, %mul3A_165 : i32
      %add3A_167 = arith.constant 96 : i32
      %add3A_168 = arith.addi %mul3A_166, %add3A_167 : i32
      "tpu.region"() ({
        %run_scoped3A_217 = tpu.sem_alloc : memref<!tpu.dma_semaphore, #tpu.memory_space<semaphore_mem>>
        %dma_start3A = arith.constant 0 : i32
        %dma_start3A_218 = tpu.memref_slice %arg10[%add3A_168, %dma_start3A] : memref<5248x128xf32, #tpu.memory_space<vmem_shared>> -> memref<16x128xf32, #tpu.memory_space<vmem_shared>>
        %dma_start3A_219 = arith.constant 0 : i32
        %dma_start3A_220 = tpu.memref_slice %arg10[%add3A_168, %dma_start3A_219] : memref<5248x128xf32, #tpu.memory_space<vmem_shared>> -> memref<16x128xf32, #tpu.memory_space<vmem_shared>>
        tpu.enqueue_dma source(%arg8 : memref<16x128xf32, #tpu.memory_space<vmem>>) target(%dma_start3A_220 : memref<16x128xf32, #tpu.memory_space<vmem_shared>>) target_semaphore(%run_scoped3A_217 : memref<!tpu.dma_semaphore, #tpu.memory_space<semaphore_mem>>)
        %dma_wait3A_221 = arith.constant 0 : i32
        %dma_wait3A_222 = tpu.memref_slice %arg10[%add3A_168, %dma_wait3A_221] : memref<5248x128xf32, #tpu.memory_space<vmem_shared>> -> memref<16x128xf32, #tpu.memory_space<vmem_shared>>
        %dma_wait3A_223 = arith.constant 0 : i32
        %dma_wait3A_224 = tpu.memref_slice %arg10[%add3A_168, %dma_wait3A_223] : memref<5248x128xf32, #tpu.memory_space<vmem_shared>> -> memref<16x128xf32, #tpu.memory_space<vmem_shared>>
        tpu.wait_dma2 semaphore(%run_scoped3A_217 : memref<!tpu.dma_semaphore, #tpu.memory_space<semaphore_mem>>) src(%arg8 : memref<16x128xf32, #tpu.memory_space<vmem>>) dst(%dma_wait3A_224 : memref<16x128xf32, #tpu.memory_space<vmem_shared>>)
        tpu.yield
      }) : () -> ()
      %mul3A_169 = arith.constant 304 : i32
      %mul3A_170 = arith.muli %arg1, %mul3A_169 : i32
      %add3A_171 = arith.constant 112 : i32
      %add3A_172 = arith.addi %mul3A_170, %add3A_171 : i32
      "tpu.region"() ({
        %run_scoped3A_217 = tpu.sem_alloc : memref<!tpu.dma_semaphore, #tpu.memory_space<semaphore_mem>>
        %dma_start3A = arith.constant 0 : i32
        %dma_start3A_218 = tpu.memref_slice %arg10[%add3A_172, %dma_start3A] : memref<5248x128xf32, #tpu.memory_space<vmem_shared>> -> memref<16x128xf32, #tpu.memory_space<vmem_shared>>
        %dma_start3A_219 = arith.constant 0 : i32
        %dma_start3A_220 = tpu.memref_slice %arg10[%add3A_172, %dma_start3A_219] : memref<5248x128xf32, #tpu.memory_space<vmem_shared>> -> memref<16x128xf32, #tpu.memory_space<vmem_shared>>
        tpu.enqueue_dma source(%arg8 : memref<16x128xf32, #tpu.memory_space<vmem>>) target(%dma_start3A_220 : memref<16x128xf32, #tpu.memory_space<vmem_shared>>) target_semaphore(%run_scoped3A_217 : memref<!tpu.dma_semaphore, #tpu.memory_space<semaphore_mem>>)
        %dma_wait3A_221 = arith.constant 0 : i32
        %dma_wait3A_222 = tpu.memref_slice %arg10[%add3A_172, %dma_wait3A_221] : memref<5248x128xf32, #tpu.memory_space<vmem_shared>> -> memref<16x128xf32, #tpu.memory_space<vmem_shared>>
        %dma_wait3A_223 = arith.constant 0 : i32
        %dma_wait3A_224 = tpu.memref_slice %arg10[%add3A_172, %dma_wait3A_223] : memref<5248x128xf32, #tpu.memory_space<vmem_shared>> -> memref<16x128xf32, #tpu.memory_space<vmem_shared>>
        tpu.wait_dma2 semaphore(%run_scoped3A_217 : memref<!tpu.dma_semaphore, #tpu.memory_space<semaphore_mem>>) src(%arg8 : memref<16x128xf32, #tpu.memory_space<vmem>>) dst(%dma_wait3A_224 : memref<16x128xf32, #tpu.memory_space<vmem_shared>>)
        tpu.yield
      }) : () -> ()
      %mul3A_173 = arith.constant 304 : i32
      %mul3A_174 = arith.muli %arg1, %mul3A_173 : i32
      %add3A_175 = arith.constant 128 : i32
      %add3A_176 = arith.addi %mul3A_174, %add3A_175 : i32
      "tpu.region"() ({
        %run_scoped3A_217 = tpu.sem_alloc : memref<!tpu.dma_semaphore, #tpu.memory_space<semaphore_mem>>
        %dma_start3A = arith.constant 0 : i32
        %dma_start3A_218 = tpu.memref_slice %arg10[%add3A_176, %dma_start3A] : memref<5248x128xf32, #tpu.memory_space<vmem_shared>> -> memref<16x128xf32, #tpu.memory_space<vmem_shared>>
        %dma_start3A_219 = arith.constant 0 : i32
        %dma_start3A_220 = tpu.memref_slice %arg10[%add3A_176, %dma_start3A_219] : memref<5248x128xf32, #tpu.memory_space<vmem_shared>> -> memref<16x128xf32, #tpu.memory_space<vmem_shared>>
        tpu.enqueue_dma source(%arg8 : memref<16x128xf32, #tpu.memory_space<vmem>>) target(%dma_start3A_220 : memref<16x128xf32, #tpu.memory_space<vmem_shared>>) target_semaphore(%run_scoped3A_217 : memref<!tpu.dma_semaphore, #tpu.memory_space<semaphore_mem>>)
        %dma_wait3A_221 = arith.constant 0 : i32
        %dma_wait3A_222 = tpu.memref_slice %arg10[%add3A_176, %dma_wait3A_221] : memref<5248x128xf32, #tpu.memory_space<vmem_shared>> -> memref<16x128xf32, #tpu.memory_space<vmem_shared>>
        %dma_wait3A_223 = arith.constant 0 : i32
        %dma_wait3A_224 = tpu.memref_slice %arg10[%add3A_176, %dma_wait3A_223] : memref<5248x128xf32, #tpu.memory_space<vmem_shared>> -> memref<16x128xf32, #tpu.memory_space<vmem_shared>>
        tpu.wait_dma2 semaphore(%run_scoped3A_217 : memref<!tpu.dma_semaphore, #tpu.memory_space<semaphore_mem>>) src(%arg8 : memref<16x128xf32, #tpu.memory_space<vmem>>) dst(%dma_wait3A_224 : memref<16x128xf32, #tpu.memory_space<vmem_shared>>)
        tpu.yield
      }) : () -> ()
      %mul3A_177 = arith.constant 304 : i32
      %mul3A_178 = arith.muli %arg1, %mul3A_177 : i32
      %add3A_179 = arith.constant 144 : i32
      %add3A_180 = arith.addi %mul3A_178, %add3A_179 : i32
      "tpu.region"() ({
        %run_scoped3A_217 = tpu.sem_alloc : memref<!tpu.dma_semaphore, #tpu.memory_space<semaphore_mem>>
        %dma_start3A = arith.constant 0 : i32
        %dma_start3A_218 = tpu.memref_slice %arg10[%add3A_180, %dma_start3A] : memref<5248x128xf32, #tpu.memory_space<vmem_shared>> -> memref<16x128xf32, #tpu.memory_space<vmem_shared>>
        %dma_start3A_219 = arith.constant 0 : i32
        %dma_start3A_220 = tpu.memref_slice %arg10[%add3A_180, %dma_start3A_219] : memref<5248x128xf32, #tpu.memory_space<vmem_shared>> -> memref<16x128xf32, #tpu.memory_space<vmem_shared>>
        tpu.enqueue_dma source(%arg8 : memref<16x128xf32, #tpu.memory_space<vmem>>) target(%dma_start3A_220 : memref<16x128xf32, #tpu.memory_space<vmem_shared>>) target_semaphore(%run_scoped3A_217 : memref<!tpu.dma_semaphore, #tpu.memory_space<semaphore_mem>>)
        %dma_wait3A_221 = arith.constant 0 : i32
        %dma_wait3A_222 = tpu.memref_slice %arg10[%add3A_180, %dma_wait3A_221] : memref<5248x128xf32, #tpu.memory_space<vmem_shared>> -> memref<16x128xf32, #tpu.memory_space<vmem_shared>>
        %dma_wait3A_223 = arith.constant 0 : i32
        %dma_wait3A_224 = tpu.memref_slice %arg10[%add3A_180, %dma_wait3A_223] : memref<5248x128xf32, #tpu.memory_space<vmem_shared>> -> memref<16x128xf32, #tpu.memory_space<vmem_shared>>
        tpu.wait_dma2 semaphore(%run_scoped3A_217 : memref<!tpu.dma_semaphore, #tpu.memory_space<semaphore_mem>>) src(%arg8 : memref<16x128xf32, #tpu.memory_space<vmem>>) dst(%dma_wait3A_224 : memref<16x128xf32, #tpu.memory_space<vmem_shared>>)
        tpu.yield
      }) : () -> ()
      %mul3A_181 = arith.constant 304 : i32
      %mul3A_182 = arith.muli %arg1, %mul3A_181 : i32
      %add3A_183 = arith.constant 160 : i32
      %add3A_184 = arith.addi %mul3A_182, %add3A_183 : i32
      "tpu.region"() ({
        %run_scoped3A_217 = tpu.sem_alloc : memref<!tpu.dma_semaphore, #tpu.memory_space<semaphore_mem>>
        %dma_start3A = arith.constant 0 : i32
        %dma_start3A_218 = tpu.memref_slice %arg10[%add3A_184, %dma_start3A] : memref<5248x128xf32, #tpu.memory_space<vmem_shared>> -> memref<16x128xf32, #tpu.memory_space<vmem_shared>>
        %dma_start3A_219 = arith.constant 0 : i32
        %dma_start3A_220 = tpu.memref_slice %arg10[%add3A_184, %dma_start3A_219] : memref<5248x128xf32, #tpu.memory_space<vmem_shared>> -> memref<16x128xf32, #tpu.memory_space<vmem_shared>>
        tpu.enqueue_dma source(%arg8 : memref<16x128xf32, #tpu.memory_space<vmem>>) target(%dma_start3A_220 : memref<16x128xf32, #tpu.memory_space<vmem_shared>>) target_semaphore(%run_scoped3A_217 : memref<!tpu.dma_semaphore, #tpu.memory_space<semaphore_mem>>)
        %dma_wait3A_221 = arith.constant 0 : i32
        %dma_wait3A_222 = tpu.memref_slice %arg10[%add3A_184, %dma_wait3A_221] : memref<5248x128xf32, #tpu.memory_space<vmem_shared>> -> memref<16x128xf32, #tpu.memory_space<vmem_shared>>
        %dma_wait3A_223 = arith.constant 0 : i32
        %dma_wait3A_224 = tpu.memref_slice %arg10[%add3A_184, %dma_wait3A_223] : memref<5248x128xf32, #tpu.memory_space<vmem_shared>> -> memref<16x128xf32, #tpu.memory_space<vmem_shared>>
        tpu.wait_dma2 semaphore(%run_scoped3A_217 : memref<!tpu.dma_semaphore, #tpu.memory_space<semaphore_mem>>) src(%arg8 : memref<16x128xf32, #tpu.memory_space<vmem>>) dst(%dma_wait3A_224 : memref<16x128xf32, #tpu.memory_space<vmem_shared>>)
        tpu.yield
      }) : () -> ()
      %mul3A_185 = arith.constant 304 : i32
      %mul3A_186 = arith.muli %arg1, %mul3A_185 : i32
      %add3A_187 = arith.constant 176 : i32
      %add3A_188 = arith.addi %mul3A_186, %add3A_187 : i32
      "tpu.region"() ({
        %run_scoped3A_217 = tpu.sem_alloc : memref<!tpu.dma_semaphore, #tpu.memory_space<semaphore_mem>>
        %dma_start3A = arith.constant 0 : i32
        %dma_start3A_218 = tpu.memref_slice %arg10[%add3A_188, %dma_start3A] : memref<5248x128xf32, #tpu.memory_space<vmem_shared>> -> memref<16x128xf32, #tpu.memory_space<vmem_shared>>
        %dma_start3A_219 = arith.constant 0 : i32
        %dma_start3A_220 = tpu.memref_slice %arg10[%add3A_188, %dma_start3A_219] : memref<5248x128xf32, #tpu.memory_space<vmem_shared>> -> memref<16x128xf32, #tpu.memory_space<vmem_shared>>
        tpu.enqueue_dma source(%arg8 : memref<16x128xf32, #tpu.memory_space<vmem>>) target(%dma_start3A_220 : memref<16x128xf32, #tpu.memory_space<vmem_shared>>) target_semaphore(%run_scoped3A_217 : memref<!tpu.dma_semaphore, #tpu.memory_space<semaphore_mem>>)
        %dma_wait3A_221 = arith.constant 0 : i32
        %dma_wait3A_222 = tpu.memref_slice %arg10[%add3A_188, %dma_wait3A_221] : memref<5248x128xf32, #tpu.memory_space<vmem_shared>> -> memref<16x128xf32, #tpu.memory_space<vmem_shared>>
        %dma_wait3A_223 = arith.constant 0 : i32
        %dma_wait3A_224 = tpu.memref_slice %arg10[%add3A_188, %dma_wait3A_223] : memref<5248x128xf32, #tpu.memory_space<vmem_shared>> -> memref<16x128xf32, #tpu.memory_space<vmem_shared>>
        tpu.wait_dma2 semaphore(%run_scoped3A_217 : memref<!tpu.dma_semaphore, #tpu.memory_space<semaphore_mem>>) src(%arg8 : memref<16x128xf32, #tpu.memory_space<vmem>>) dst(%dma_wait3A_224 : memref<16x128xf32, #tpu.memory_space<vmem_shared>>)
        tpu.yield
      }) : () -> ()
      %mul3A_189 = arith.constant 304 : i32
      %mul3A_190 = arith.muli %arg1, %mul3A_189 : i32
      %add3A_191 = arith.constant 192 : i32
      %add3A_192 = arith.addi %mul3A_190, %add3A_191 : i32
      "tpu.region"() ({
        %run_scoped3A_217 = tpu.sem_alloc : memref<!tpu.dma_semaphore, #tpu.memory_space<semaphore_mem>>
        %dma_start3A = arith.constant 0 : i32
        %dma_start3A_218 = tpu.memref_slice %arg10[%add3A_192, %dma_start3A] : memref<5248x128xf32, #tpu.memory_space<vmem_shared>> -> memref<16x128xf32, #tpu.memory_space<vmem_shared>>
        %dma_start3A_219 = arith.constant 0 : i32
        %dma_start3A_220 = tpu.memref_slice %arg10[%add3A_192, %dma_start3A_219] : memref<5248x128xf32, #tpu.memory_space<vmem_shared>> -> memref<16x128xf32, #tpu.memory_space<vmem_shared>>
        tpu.enqueue_dma source(%arg8 : memref<16x128xf32, #tpu.memory_space<vmem>>) target(%dma_start3A_220 : memref<16x128xf32, #tpu.memory_space<vmem_shared>>) target_semaphore(%run_scoped3A_217 : memref<!tpu.dma_semaphore, #tpu.memory_space<semaphore_mem>>)
        %dma_wait3A_221 = arith.constant 0 : i32
        %dma_wait3A_222 = tpu.memref_slice %arg10[%add3A_192, %dma_wait3A_221] : memref<5248x128xf32, #tpu.memory_space<vmem_shared>> -> memref<16x128xf32, #tpu.memory_space<vmem_shared>>
        %dma_wait3A_223 = arith.constant 0 : i32
        %dma_wait3A_224 = tpu.memref_slice %arg10[%add3A_192, %dma_wait3A_223] : memref<5248x128xf32, #tpu.memory_space<vmem_shared>> -> memref<16x128xf32, #tpu.memory_space<vmem_shared>>
        tpu.wait_dma2 semaphore(%run_scoped3A_217 : memref<!tpu.dma_semaphore, #tpu.memory_space<semaphore_mem>>) src(%arg8 : memref<16x128xf32, #tpu.memory_space<vmem>>) dst(%dma_wait3A_224 : memref<16x128xf32, #tpu.memory_space<vmem_shared>>)
        tpu.yield
      }) : () -> ()
      %mul3A_193 = arith.constant 304 : i32
      %mul3A_194 = arith.muli %arg1, %mul3A_193 : i32
      %add3A_195 = arith.constant 208 : i32
      %add3A_196 = arith.addi %mul3A_194, %add3A_195 : i32
      "tpu.region"() ({
        %run_scoped3A_217 = tpu.sem_alloc : memref<!tpu.dma_semaphore, #tpu.memory_space<semaphore_mem>>
        %dma_start3A = arith.constant 0 : i32
        %dma_start3A_218 = tpu.memref_slice %arg10[%add3A_196, %dma_start3A] : memref<5248x128xf32, #tpu.memory_space<vmem_shared>> -> memref<16x128xf32, #tpu.memory_space<vmem_shared>>
        %dma_start3A_219 = arith.constant 0 : i32
        %dma_start3A_220 = tpu.memref_slice %arg10[%add3A_196, %dma_start3A_219] : memref<5248x128xf32, #tpu.memory_space<vmem_shared>> -> memref<16x128xf32, #tpu.memory_space<vmem_shared>>
        tpu.enqueue_dma source(%arg8 : memref<16x128xf32, #tpu.memory_space<vmem>>) target(%dma_start3A_220 : memref<16x128xf32, #tpu.memory_space<vmem_shared>>) target_semaphore(%run_scoped3A_217 : memref<!tpu.dma_semaphore, #tpu.memory_space<semaphore_mem>>)
        %dma_wait3A_221 = arith.constant 0 : i32
        %dma_wait3A_222 = tpu.memref_slice %arg10[%add3A_196, %dma_wait3A_221] : memref<5248x128xf32, #tpu.memory_space<vmem_shared>> -> memref<16x128xf32, #tpu.memory_space<vmem_shared>>
        %dma_wait3A_223 = arith.constant 0 : i32
        %dma_wait3A_224 = tpu.memref_slice %arg10[%add3A_196, %dma_wait3A_223] : memref<5248x128xf32, #tpu.memory_space<vmem_shared>> -> memref<16x128xf32, #tpu.memory_space<vmem_shared>>
        tpu.wait_dma2 semaphore(%run_scoped3A_217 : memref<!tpu.dma_semaphore, #tpu.memory_space<semaphore_mem>>) src(%arg8 : memref<16x128xf32, #tpu.memory_space<vmem>>) dst(%dma_wait3A_224 : memref<16x128xf32, #tpu.memory_space<vmem_shared>>)
        tpu.yield
      }) : () -> ()
      %mul3A_197 = arith.constant 304 : i32
      %mul3A_198 = arith.muli %arg1, %mul3A_197 : i32
      %add3A_199 = arith.constant 224 : i32
      %add3A_200 = arith.addi %mul3A_198, %add3A_199 : i32
      "tpu.region"() ({
        %run_scoped3A_217 = tpu.sem_alloc : memref<!tpu.dma_semaphore, #tpu.memory_space<semaphore_mem>>
        %dma_start3A = arith.constant 0 : i32
        %dma_start3A_218 = tpu.memref_slice %arg10[%add3A_200, %dma_start3A] : memref<5248x128xf32, #tpu.memory_space<vmem_shared>> -> memref<16x128xf32, #tpu.memory_space<vmem_shared>>
        %dma_start3A_219 = arith.constant 0 : i32
        %dma_start3A_220 = tpu.memref_slice %arg10[%add3A_200, %dma_start3A_219] : memref<5248x128xf32, #tpu.memory_space<vmem_shared>> -> memref<16x128xf32, #tpu.memory_space<vmem_shared>>
        tpu.enqueue_dma source(%arg8 : memref<16x128xf32, #tpu.memory_space<vmem>>) target(%dma_start3A_220 : memref<16x128xf32, #tpu.memory_space<vmem_shared>>) target_semaphore(%run_scoped3A_217 : memref<!tpu.dma_semaphore, #tpu.memory_space<semaphore_mem>>)
        %dma_wait3A_221 = arith.constant 0 : i32
        %dma_wait3A_222 = tpu.memref_slice %arg10[%add3A_200, %dma_wait3A_221] : memref<5248x128xf32, #tpu.memory_space<vmem_shared>> -> memref<16x128xf32, #tpu.memory_space<vmem_shared>>
        %dma_wait3A_223 = arith.constant 0 : i32
        %dma_wait3A_224 = tpu.memref_slice %arg10[%add3A_200, %dma_wait3A_223] : memref<5248x128xf32, #tpu.memory_space<vmem_shared>> -> memref<16x128xf32, #tpu.memory_space<vmem_shared>>
        tpu.wait_dma2 semaphore(%run_scoped3A_217 : memref<!tpu.dma_semaphore, #tpu.memory_space<semaphore_mem>>) src(%arg8 : memref<16x128xf32, #tpu.memory_space<vmem>>) dst(%dma_wait3A_224 : memref<16x128xf32, #tpu.memory_space<vmem_shared>>)
        tpu.yield
      }) : () -> ()
      %mul3A_201 = arith.constant 304 : i32
      %mul3A_202 = arith.muli %arg1, %mul3A_201 : i32
      %add3A_203 = arith.constant 240 : i32
      %add3A_204 = arith.addi %mul3A_202, %add3A_203 : i32
      "tpu.region"() ({
        %run_scoped3A_217 = tpu.sem_alloc : memref<!tpu.dma_semaphore, #tpu.memory_space<semaphore_mem>>
        %dma_start3A = arith.constant 0 : i32
        %dma_start3A_218 = tpu.memref_slice %arg10[%add3A_204, %dma_start3A] : memref<5248x128xf32, #tpu.memory_space<vmem_shared>> -> memref<16x128xf32, #tpu.memory_space<vmem_shared>>
        %dma_start3A_219 = arith.constant 0 : i32
        %dma_start3A_220 = tpu.memref_slice %arg10[%add3A_204, %dma_start3A_219] : memref<5248x128xf32, #tpu.memory_space<vmem_shared>> -> memref<16x128xf32, #tpu.memory_space<vmem_shared>>
        tpu.enqueue_dma source(%arg8 : memref<16x128xf32, #tpu.memory_space<vmem>>) target(%dma_start3A_220 : memref<16x128xf32, #tpu.memory_space<vmem_shared>>) target_semaphore(%run_scoped3A_217 : memref<!tpu.dma_semaphore, #tpu.memory_space<semaphore_mem>>)
        %dma_wait3A_221 = arith.constant 0 : i32
        %dma_wait3A_222 = tpu.memref_slice %arg10[%add3A_204, %dma_wait3A_221] : memref<5248x128xf32, #tpu.memory_space<vmem_shared>> -> memref<16x128xf32, #tpu.memory_space<vmem_shared>>
        %dma_wait3A_223 = arith.constant 0 : i32
        %dma_wait3A_224 = tpu.memref_slice %arg10[%add3A_204, %dma_wait3A_223] : memref<5248x128xf32, #tpu.memory_space<vmem_shared>> -> memref<16x128xf32, #tpu.memory_space<vmem_shared>>
        tpu.wait_dma2 semaphore(%run_scoped3A_217 : memref<!tpu.dma_semaphore, #tpu.memory_space<semaphore_mem>>) src(%arg8 : memref<16x128xf32, #tpu.memory_space<vmem>>) dst(%dma_wait3A_224 : memref<16x128xf32, #tpu.memory_space<vmem_shared>>)
        tpu.yield
      }) : () -> ()
      %mul3A_205 = arith.constant 304 : i32
      %mul3A_206 = arith.muli %arg1, %mul3A_205 : i32
      %add3A_207 = arith.constant 256 : i32
      %add3A_208 = arith.addi %mul3A_206, %add3A_207 : i32
      "tpu.region"() ({
        %run_scoped3A_217 = tpu.sem_alloc : memref<!tpu.dma_semaphore, #tpu.memory_space<semaphore_mem>>
        %dma_start3A = arith.constant 0 : i32
        %dma_start3A_218 = tpu.memref_slice %arg10[%add3A_208, %dma_start3A] : memref<5248x128xf32, #tpu.memory_space<vmem_shared>> -> memref<16x128xf32, #tpu.memory_space<vmem_shared>>
        %dma_start3A_219 = arith.constant 0 : i32
        %dma_start3A_220 = tpu.memref_slice %arg10[%add3A_208, %dma_start3A_219] : memref<5248x128xf32, #tpu.memory_space<vmem_shared>> -> memref<16x128xf32, #tpu.memory_space<vmem_shared>>
        tpu.enqueue_dma source(%arg8 : memref<16x128xf32, #tpu.memory_space<vmem>>) target(%dma_start3A_220 : memref<16x128xf32, #tpu.memory_space<vmem_shared>>) target_semaphore(%run_scoped3A_217 : memref<!tpu.dma_semaphore, #tpu.memory_space<semaphore_mem>>)
        %dma_wait3A_221 = arith.constant 0 : i32
        %dma_wait3A_222 = tpu.memref_slice %arg10[%add3A_208, %dma_wait3A_221] : memref<5248x128xf32, #tpu.memory_space<vmem_shared>> -> memref<16x128xf32, #tpu.memory_space<vmem_shared>>
        %dma_wait3A_223 = arith.constant 0 : i32
        %dma_wait3A_224 = tpu.memref_slice %arg10[%add3A_208, %dma_wait3A_223] : memref<5248x128xf32, #tpu.memory_space<vmem_shared>> -> memref<16x128xf32, #tpu.memory_space<vmem_shared>>
        tpu.wait_dma2 semaphore(%run_scoped3A_217 : memref<!tpu.dma_semaphore, #tpu.memory_space<semaphore_mem>>) src(%arg8 : memref<16x128xf32, #tpu.memory_space<vmem>>) dst(%dma_wait3A_224 : memref<16x128xf32, #tpu.memory_space<vmem_shared>>)
        tpu.yield
      }) : () -> ()
      %mul3A_209 = arith.constant 304 : i32
      %mul3A_210 = arith.muli %arg1, %mul3A_209 : i32
      %add3A_211 = arith.constant 272 : i32
      %add3A_212 = arith.addi %mul3A_210, %add3A_211 : i32
      "tpu.region"() ({
        %run_scoped3A_217 = tpu.sem_alloc : memref<!tpu.dma_semaphore, #tpu.memory_space<semaphore_mem>>
        %dma_start3A = arith.constant 0 : i32
        %dma_start3A_218 = tpu.memref_slice %arg10[%add3A_212, %dma_start3A] : memref<5248x128xf32, #tpu.memory_space<vmem_shared>> -> memref<16x128xf32, #tpu.memory_space<vmem_shared>>
        %dma_start3A_219 = arith.constant 0 : i32
        %dma_start3A_220 = tpu.memref_slice %arg10[%add3A_212, %dma_start3A_219] : memref<5248x128xf32, #tpu.memory_space<vmem_shared>> -> memref<16x128xf32, #tpu.memory_space<vmem_shared>>
        tpu.enqueue_dma source(%arg8 : memref<16x128xf32, #tpu.memory_space<vmem>>) target(%dma_start3A_220 : memref<16x128xf32, #tpu.memory_space<vmem_shared>>) target_semaphore(%run_scoped3A_217 : memref<!tpu.dma_semaphore, #tpu.memory_space<semaphore_mem>>)
        %dma_wait3A_221 = arith.constant 0 : i32
        %dma_wait3A_222 = tpu.memref_slice %arg10[%add3A_212, %dma_wait3A_221] : memref<5248x128xf32, #tpu.memory_space<vmem_shared>> -> memref<16x128xf32, #tpu.memory_space<vmem_shared>>
        %dma_wait3A_223 = arith.constant 0 : i32
        %dma_wait3A_224 = tpu.memref_slice %arg10[%add3A_212, %dma_wait3A_223] : memref<5248x128xf32, #tpu.memory_space<vmem_shared>> -> memref<16x128xf32, #tpu.memory_space<vmem_shared>>
        tpu.wait_dma2 semaphore(%run_scoped3A_217 : memref<!tpu.dma_semaphore, #tpu.memory_space<semaphore_mem>>) src(%arg8 : memref<16x128xf32, #tpu.memory_space<vmem>>) dst(%dma_wait3A_224 : memref<16x128xf32, #tpu.memory_space<vmem_shared>>)
        tpu.yield
      }) : () -> ()
      %mul3A_213 = arith.constant 304 : i32
      %mul3A_214 = arith.muli %arg1, %mul3A_213 : i32
      %add3A_215 = arith.constant 288 : i32
      %add3A_216 = arith.addi %mul3A_214, %add3A_215 : i32
      "tpu.region"() ({
        %run_scoped3A_217 = tpu.sem_alloc : memref<!tpu.dma_semaphore, #tpu.memory_space<semaphore_mem>>
        %dma_start3A = arith.constant 0 : i32
        %dma_start3A_218 = tpu.memref_slice %arg10[%add3A_216, %dma_start3A] : memref<5248x128xf32, #tpu.memory_space<vmem_shared>> -> memref<16x128xf32, #tpu.memory_space<vmem_shared>>
        %dma_start3A_219 = arith.constant 0 : i32
        %dma_start3A_220 = tpu.memref_slice %arg10[%add3A_216, %dma_start3A_219] : memref<5248x128xf32, #tpu.memory_space<vmem_shared>> -> memref<16x128xf32, #tpu.memory_space<vmem_shared>>
        tpu.enqueue_dma source(%arg8 : memref<16x128xf32, #tpu.memory_space<vmem>>) target(%dma_start3A_220 : memref<16x128xf32, #tpu.memory_space<vmem_shared>>) target_semaphore(%run_scoped3A_217 : memref<!tpu.dma_semaphore, #tpu.memory_space<semaphore_mem>>)
        %dma_wait3A_221 = arith.constant 0 : i32
        %dma_wait3A_222 = tpu.memref_slice %arg10[%add3A_216, %dma_wait3A_221] : memref<5248x128xf32, #tpu.memory_space<vmem_shared>> -> memref<16x128xf32, #tpu.memory_space<vmem_shared>>
        %dma_wait3A_223 = arith.constant 0 : i32
        %dma_wait3A_224 = tpu.memref_slice %arg10[%add3A_216, %dma_wait3A_223] : memref<5248x128xf32, #tpu.memory_space<vmem_shared>> -> memref<16x128xf32, #tpu.memory_space<vmem_shared>>
        tpu.wait_dma2 semaphore(%run_scoped3A_217 : memref<!tpu.dma_semaphore, #tpu.memory_space<semaphore_mem>>) src(%arg8 : memref<16x128xf32, #tpu.memory_space<vmem>>) dst(%dma_wait3A_224 : memref<16x128xf32, #tpu.memory_space<vmem_shared>>)
        tpu.yield
      }) : () -> ()
    } else {
    }
    %eq3A_21 = arith.constant 1 : i32
    %eq3A_22 = arith.cmpi eq, %arg0, %eq3A_21 : i32
    %eq3A_23 = arith.constant 15 : i32
    %eq3A_24 = arith.cmpi eq, %arg1, %eq3A_23 : i32
    %and3A_25 = arith.andi %eq3A_22, %eq3A_24 : i1
    %convert_element_type3A_26 = arith.extui %and3A_25 : i1 to i32
    %cond3A_27 = arith.constant 0 : i32
    %cond3A_28 = arith.cmpi ne, %convert_element_type3A_26, %cond3A_27 : i32
    scf.if %cond3A_28 {
      "tpu.region"() ({
        %run_scoped3A_141 = tpu.sem_alloc : memref<!tpu.dma_semaphore, #tpu.memory_space<semaphore_mem>>
        %dma_start3A = arith.constant 4560 : i32
        %dma_start3A_142 = arith.constant 0 : i32
        %dma_start3A_143 = tpu.memref_slice %arg10[%dma_start3A, %dma_start3A_142] : memref<5248x128xf32, #tpu.memory_space<vmem_shared>> -> memref<16x128xf32, #tpu.memory_space<vmem_shared>>
        %dma_start3A_144 = arith.constant 4560 : i32
        %dma_start3A_145 = arith.constant 0 : i32
        %dma_start3A_146 = tpu.memref_slice %arg10[%dma_start3A_144, %dma_start3A_145] : memref<5248x128xf32, #tpu.memory_space<vmem_shared>> -> memref<16x128xf32, #tpu.memory_space<vmem_shared>>
        tpu.enqueue_dma source(%arg8 : memref<16x128xf32, #tpu.memory_space<vmem>>) target(%dma_start3A_146 : memref<16x128xf32, #tpu.memory_space<vmem_shared>>) target_semaphore(%run_scoped3A_141 : memref<!tpu.dma_semaphore, #tpu.memory_space<semaphore_mem>>)
        %dma_wait3A_147 = arith.constant 4560 : i32
        %dma_wait3A_148 = arith.constant 0 : i32
        %dma_wait3A_149 = tpu.memref_slice %arg10[%dma_wait3A_147, %dma_wait3A_148] : memref<5248x128xf32, #tpu.memory_space<vmem_shared>> -> memref<16x128xf32, #tpu.memory_space<vmem_shared>>
        %dma_wait3A_150 = arith.constant 4560 : i32
        %dma_wait3A_151 = arith.constant 0 : i32
        %dma_wait3A_152 = tpu.memref_slice %arg10[%dma_wait3A_150, %dma_wait3A_151] : memref<5248x128xf32, #tpu.memory_space<vmem_shared>> -> memref<16x128xf32, #tpu.memory_space<vmem_shared>>
        tpu.wait_dma2 semaphore(%run_scoped3A_141 : memref<!tpu.dma_semaphore, #tpu.memory_space<semaphore_mem>>) src(%arg8 : memref<16x128xf32, #tpu.memory_space<vmem>>) dst(%dma_wait3A_152 : memref<16x128xf32, #tpu.memory_space<vmem_shared>>)
        tpu.yield
      }) : () -> ()
      "tpu.region"() ({
        %run_scoped3A_141 = tpu.sem_alloc : memref<!tpu.dma_semaphore, #tpu.memory_space<semaphore_mem>>
        %dma_start3A = arith.constant 4576 : i32
        %dma_start3A_142 = arith.constant 0 : i32
        %dma_start3A_143 = tpu.memref_slice %arg10[%dma_start3A, %dma_start3A_142] : memref<5248x128xf32, #tpu.memory_space<vmem_shared>> -> memref<16x128xf32, #tpu.memory_space<vmem_shared>>
        %dma_start3A_144 = arith.constant 4576 : i32
        %dma_start3A_145 = arith.constant 0 : i32
        %dma_start3A_146 = tpu.memref_slice %arg10[%dma_start3A_144, %dma_start3A_145] : memref<5248x128xf32, #tpu.memory_space<vmem_shared>> -> memref<16x128xf32, #tpu.memory_space<vmem_shared>>
        tpu.enqueue_dma source(%arg8 : memref<16x128xf32, #tpu.memory_space<vmem>>) target(%dma_start3A_146 : memref<16x128xf32, #tpu.memory_space<vmem_shared>>) target_semaphore(%run_scoped3A_141 : memref<!tpu.dma_semaphore, #tpu.memory_space<semaphore_mem>>)
        %dma_wait3A_147 = arith.constant 4576 : i32
        %dma_wait3A_148 = arith.constant 0 : i32
        %dma_wait3A_149 = tpu.memref_slice %arg10[%dma_wait3A_147, %dma_wait3A_148] : memref<5248x128xf32, #tpu.memory_space<vmem_shared>> -> memref<16x128xf32, #tpu.memory_space<vmem_shared>>
        %dma_wait3A_150 = arith.constant 4576 : i32
        %dma_wait3A_151 = arith.constant 0 : i32
        %dma_wait3A_152 = tpu.memref_slice %arg10[%dma_wait3A_150, %dma_wait3A_151] : memref<5248x128xf32, #tpu.memory_space<vmem_shared>> -> memref<16x128xf32, #tpu.memory_space<vmem_shared>>
        tpu.wait_dma2 semaphore(%run_scoped3A_141 : memref<!tpu.dma_semaphore, #tpu.memory_space<semaphore_mem>>) src(%arg8 : memref<16x128xf32, #tpu.memory_space<vmem>>) dst(%dma_wait3A_152 : memref<16x128xf32, #tpu.memory_space<vmem_shared>>)
        tpu.yield
      }) : () -> ()
      "tpu.region"() ({
        %run_scoped3A_141 = tpu.sem_alloc : memref<!tpu.dma_semaphore, #tpu.memory_space<semaphore_mem>>
        %dma_start3A = arith.constant 4592 : i32
        %dma_start3A_142 = arith.constant 0 : i32
        %dma_start3A_143 = tpu.memref_slice %arg10[%dma_start3A, %dma_start3A_142] : memref<5248x128xf32, #tpu.memory_space<vmem_shared>> -> memref<16x128xf32, #tpu.memory_space<vmem_shared>>
        %dma_start3A_144 = arith.constant 4592 : i32
        %dma_start3A_145 = arith.constant 0 : i32
        %dma_start3A_146 = tpu.memref_slice %arg10[%dma_start3A_144, %dma_start3A_145] : memref<5248x128xf32, #tpu.memory_space<vmem_shared>> -> memref<16x128xf32, #tpu.memory_space<vmem_shared>>
        tpu.enqueue_dma source(%arg8 : memref<16x128xf32, #tpu.memory_space<vmem>>) target(%dma_start3A_146 : memref<16x128xf32, #tpu.memory_space<vmem_shared>>) target_semaphore(%run_scoped3A_141 : memref<!tpu.dma_semaphore, #tpu.memory_space<semaphore_mem>>)
        %dma_wait3A_147 = arith.constant 4592 : i32
        %dma_wait3A_148 = arith.constant 0 : i32
        %dma_wait3A_149 = tpu.memref_slice %arg10[%dma_wait3A_147, %dma_wait3A_148] : memref<5248x128xf32, #tpu.memory_space<vmem_shared>> -> memref<16x128xf32, #tpu.memory_space<vmem_shared>>
        %dma_wait3A_150 = arith.constant 4592 : i32
        %dma_wait3A_151 = arith.constant 0 : i32
        %dma_wait3A_152 = tpu.memref_slice %arg10[%dma_wait3A_150, %dma_wait3A_151] : memref<5248x128xf32, #tpu.memory_space<vmem_shared>> -> memref<16x128xf32, #tpu.memory_space<vmem_shared>>
        tpu.wait_dma2 semaphore(%run_scoped3A_141 : memref<!tpu.dma_semaphore, #tpu.memory_space<semaphore_mem>>) src(%arg8 : memref<16x128xf32, #tpu.memory_space<vmem>>) dst(%dma_wait3A_152 : memref<16x128xf32, #tpu.memory_space<vmem_shared>>)
        tpu.yield
      }) : () -> ()
      "tpu.region"() ({
        %run_scoped3A_141 = tpu.sem_alloc : memref<!tpu.dma_semaphore, #tpu.memory_space<semaphore_mem>>
        %dma_start3A = arith.constant 4608 : i32
        %dma_start3A_142 = arith.constant 0 : i32
        %dma_start3A_143 = tpu.memref_slice %arg10[%dma_start3A, %dma_start3A_142] : memref<5248x128xf32, #tpu.memory_space<vmem_shared>> -> memref<16x128xf32, #tpu.memory_space<vmem_shared>>
        %dma_start3A_144 = arith.constant 4608 : i32
        %dma_start3A_145 = arith.constant 0 : i32
        %dma_start3A_146 = tpu.memref_slice %arg10[%dma_start3A_144, %dma_start3A_145] : memref<5248x128xf32, #tpu.memory_space<vmem_shared>> -> memref<16x128xf32, #tpu.memory_space<vmem_shared>>
        tpu.enqueue_dma source(%arg8 : memref<16x128xf32, #tpu.memory_space<vmem>>) target(%dma_start3A_146 : memref<16x128xf32, #tpu.memory_space<vmem_shared>>) target_semaphore(%run_scoped3A_141 : memref<!tpu.dma_semaphore, #tpu.memory_space<semaphore_mem>>)
        %dma_wait3A_147 = arith.constant 4608 : i32
        %dma_wait3A_148 = arith.constant 0 : i32
        %dma_wait3A_149 = tpu.memref_slice %arg10[%dma_wait3A_147, %dma_wait3A_148] : memref<5248x128xf32, #tpu.memory_space<vmem_shared>> -> memref<16x128xf32, #tpu.memory_space<vmem_shared>>
        %dma_wait3A_150 = arith.constant 4608 : i32
        %dma_wait3A_151 = arith.constant 0 : i32
        %dma_wait3A_152 = tpu.memref_slice %arg10[%dma_wait3A_150, %dma_wait3A_151] : memref<5248x128xf32, #tpu.memory_space<vmem_shared>> -> memref<16x128xf32, #tpu.memory_space<vmem_shared>>
        tpu.wait_dma2 semaphore(%run_scoped3A_141 : memref<!tpu.dma_semaphore, #tpu.memory_space<semaphore_mem>>) src(%arg8 : memref<16x128xf32, #tpu.memory_space<vmem>>) dst(%dma_wait3A_152 : memref<16x128xf32, #tpu.memory_space<vmem_shared>>)
        tpu.yield
      }) : () -> ()
      "tpu.region"() ({
        %run_scoped3A_141 = tpu.sem_alloc : memref<!tpu.dma_semaphore, #tpu.memory_space<semaphore_mem>>
        %dma_start3A = arith.constant 4624 : i32
        %dma_start3A_142 = arith.constant 0 : i32
        %dma_start3A_143 = tpu.memref_slice %arg10[%dma_start3A, %dma_start3A_142] : memref<5248x128xf32, #tpu.memory_space<vmem_shared>> -> memref<16x128xf32, #tpu.memory_space<vmem_shared>>
        %dma_start3A_144 = arith.constant 4624 : i32
        %dma_start3A_145 = arith.constant 0 : i32
        %dma_start3A_146 = tpu.memref_slice %arg10[%dma_start3A_144, %dma_start3A_145] : memref<5248x128xf32, #tpu.memory_space<vmem_shared>> -> memref<16x128xf32, #tpu.memory_space<vmem_shared>>
        tpu.enqueue_dma source(%arg8 : memref<16x128xf32, #tpu.memory_space<vmem>>) target(%dma_start3A_146 : memref<16x128xf32, #tpu.memory_space<vmem_shared>>) target_semaphore(%run_scoped3A_141 : memref<!tpu.dma_semaphore, #tpu.memory_space<semaphore_mem>>)
        %dma_wait3A_147 = arith.constant 4624 : i32
        %dma_wait3A_148 = arith.constant 0 : i32
        %dma_wait3A_149 = tpu.memref_slice %arg10[%dma_wait3A_147, %dma_wait3A_148] : memref<5248x128xf32, #tpu.memory_space<vmem_shared>> -> memref<16x128xf32, #tpu.memory_space<vmem_shared>>
        %dma_wait3A_150 = arith.constant 4624 : i32
        %dma_wait3A_151 = arith.constant 0 : i32
        %dma_wait3A_152 = tpu.memref_slice %arg10[%dma_wait3A_150, %dma_wait3A_151] : memref<5248x128xf32, #tpu.memory_space<vmem_shared>> -> memref<16x128xf32, #tpu.memory_space<vmem_shared>>
        tpu.wait_dma2 semaphore(%run_scoped3A_141 : memref<!tpu.dma_semaphore, #tpu.memory_space<semaphore_mem>>) src(%arg8 : memref<16x128xf32, #tpu.memory_space<vmem>>) dst(%dma_wait3A_152 : memref<16x128xf32, #tpu.memory_space<vmem_shared>>)
        tpu.yield
      }) : () -> ()
      "tpu.region"() ({
        %run_scoped3A_141 = tpu.sem_alloc : memref<!tpu.dma_semaphore, #tpu.memory_space<semaphore_mem>>
        %dma_start3A = arith.constant 4640 : i32
        %dma_start3A_142 = arith.constant 0 : i32
        %dma_start3A_143 = tpu.memref_slice %arg10[%dma_start3A, %dma_start3A_142] : memref<5248x128xf32, #tpu.memory_space<vmem_shared>> -> memref<16x128xf32, #tpu.memory_space<vmem_shared>>
        %dma_start3A_144 = arith.constant 4640 : i32
        %dma_start3A_145 = arith.constant 0 : i32
        %dma_start3A_146 = tpu.memref_slice %arg10[%dma_start3A_144, %dma_start3A_145] : memref<5248x128xf32, #tpu.memory_space<vmem_shared>> -> memref<16x128xf32, #tpu.memory_space<vmem_shared>>
        tpu.enqueue_dma source(%arg8 : memref<16x128xf32, #tpu.memory_space<vmem>>) target(%dma_start3A_146 : memref<16x128xf32, #tpu.memory_space<vmem_shared>>) target_semaphore(%run_scoped3A_141 : memref<!tpu.dma_semaphore, #tpu.memory_space<semaphore_mem>>)
        %dma_wait3A_147 = arith.constant 4640 : i32
        %dma_wait3A_148 = arith.constant 0 : i32
        %dma_wait3A_149 = tpu.memref_slice %arg10[%dma_wait3A_147, %dma_wait3A_148] : memref<5248x128xf32, #tpu.memory_space<vmem_shared>> -> memref<16x128xf32, #tpu.memory_space<vmem_shared>>
        %dma_wait3A_150 = arith.constant 4640 : i32
        %dma_wait3A_151 = arith.constant 0 : i32
        %dma_wait3A_152 = tpu.memref_slice %arg10[%dma_wait3A_150, %dma_wait3A_151] : memref<5248x128xf32, #tpu.memory_space<vmem_shared>> -> memref<16x128xf32, #tpu.memory_space<vmem_shared>>
        tpu.wait_dma2 semaphore(%run_scoped3A_141 : memref<!tpu.dma_semaphore, #tpu.memory_space<semaphore_mem>>) src(%arg8 : memref<16x128xf32, #tpu.memory_space<vmem>>) dst(%dma_wait3A_152 : memref<16x128xf32, #tpu.memory_space<vmem_shared>>)
        tpu.yield
      }) : () -> ()
      "tpu.region"() ({
        %run_scoped3A_141 = tpu.sem_alloc : memref<!tpu.dma_semaphore, #tpu.memory_space<semaphore_mem>>
        %dma_start3A = arith.constant 4656 : i32
        %dma_start3A_142 = arith.constant 0 : i32
        %dma_start3A_143 = tpu.memref_slice %arg10[%dma_start3A, %dma_start3A_142] : memref<5248x128xf32, #tpu.memory_space<vmem_shared>> -> memref<16x128xf32, #tpu.memory_space<vmem_shared>>
        %dma_start3A_144 = arith.constant 4656 : i32
        %dma_start3A_145 = arith.constant 0 : i32
        %dma_start3A_146 = tpu.memref_slice %arg10[%dma_start3A_144, %dma_start3A_145] : memref<5248x128xf32, #tpu.memory_space<vmem_shared>> -> memref<16x128xf32, #tpu.memory_space<vmem_shared>>
        tpu.enqueue_dma source(%arg8 : memref<16x128xf32, #tpu.memory_space<vmem>>) target(%dma_start3A_146 : memref<16x128xf32, #tpu.memory_space<vmem_shared>>) target_semaphore(%run_scoped3A_141 : memref<!tpu.dma_semaphore, #tpu.memory_space<semaphore_mem>>)
        %dma_wait3A_147 = arith.constant 4656 : i32
        %dma_wait3A_148 = arith.constant 0 : i32
        %dma_wait3A_149 = tpu.memref_slice %arg10[%dma_wait3A_147, %dma_wait3A_148] : memref<5248x128xf32, #tpu.memory_space<vmem_shared>> -> memref<16x128xf32, #tpu.memory_space<vmem_shared>>
        %dma_wait3A_150 = arith.constant 4656 : i32
        %dma_wait3A_151 = arith.constant 0 : i32
        %dma_wait3A_152 = tpu.memref_slice %arg10[%dma_wait3A_150, %dma_wait3A_151] : memref<5248x128xf32, #tpu.memory_space<vmem_shared>> -> memref<16x128xf32, #tpu.memory_space<vmem_shared>>
        tpu.wait_dma2 semaphore(%run_scoped3A_141 : memref<!tpu.dma_semaphore, #tpu.memory_space<semaphore_mem>>) src(%arg8 : memref<16x128xf32, #tpu.memory_space<vmem>>) dst(%dma_wait3A_152 : memref<16x128xf32, #tpu.memory_space<vmem_shared>>)
        tpu.yield
      }) : () -> ()
      "tpu.region"() ({
        %run_scoped3A_141 = tpu.sem_alloc : memref<!tpu.dma_semaphore, #tpu.memory_space<semaphore_mem>>
        %dma_start3A = arith.constant 4672 : i32
        %dma_start3A_142 = arith.constant 0 : i32
        %dma_start3A_143 = tpu.memref_slice %arg10[%dma_start3A, %dma_start3A_142] : memref<5248x128xf32, #tpu.memory_space<vmem_shared>> -> memref<16x128xf32, #tpu.memory_space<vmem_shared>>
        %dma_start3A_144 = arith.constant 4672 : i32
        %dma_start3A_145 = arith.constant 0 : i32
        %dma_start3A_146 = tpu.memref_slice %arg10[%dma_start3A_144, %dma_start3A_145] : memref<5248x128xf32, #tpu.memory_space<vmem_shared>> -> memref<16x128xf32, #tpu.memory_space<vmem_shared>>
        tpu.enqueue_dma source(%arg8 : memref<16x128xf32, #tpu.memory_space<vmem>>) target(%dma_start3A_146 : memref<16x128xf32, #tpu.memory_space<vmem_shared>>) target_semaphore(%run_scoped3A_141 : memref<!tpu.dma_semaphore, #tpu.memory_space<semaphore_mem>>)
        %dma_wait3A_147 = arith.constant 4672 : i32
        %dma_wait3A_148 = arith.constant 0 : i32
        %dma_wait3A_149 = tpu.memref_slice %arg10[%dma_wait3A_147, %dma_wait3A_148] : memref<5248x128xf32, #tpu.memory_space<vmem_shared>> -> memref<16x128xf32, #tpu.memory_space<vmem_shared>>
        %dma_wait3A_150 = arith.constant 4672 : i32
        %dma_wait3A_151 = arith.constant 0 : i32
        %dma_wait3A_152 = tpu.memref_slice %arg10[%dma_wait3A_150, %dma_wait3A_151] : memref<5248x128xf32, #tpu.memory_space<vmem_shared>> -> memref<16x128xf32, #tpu.memory_space<vmem_shared>>
        tpu.wait_dma2 semaphore(%run_scoped3A_141 : memref<!tpu.dma_semaphore, #tpu.memory_space<semaphore_mem>>) src(%arg8 : memref<16x128xf32, #tpu.memory_space<vmem>>) dst(%dma_wait3A_152 : memref<16x128xf32, #tpu.memory_space<vmem_shared>>)
        tpu.yield
      }) : () -> ()
      "tpu.region"() ({
        %run_scoped3A_141 = tpu.sem_alloc : memref<!tpu.dma_semaphore, #tpu.memory_space<semaphore_mem>>
        %dma_start3A = arith.constant 4688 : i32
        %dma_start3A_142 = arith.constant 0 : i32
        %dma_start3A_143 = tpu.memref_slice %arg10[%dma_start3A, %dma_start3A_142] : memref<5248x128xf32, #tpu.memory_space<vmem_shared>> -> memref<16x128xf32, #tpu.memory_space<vmem_shared>>
        %dma_start3A_144 = arith.constant 4688 : i32
        %dma_start3A_145 = arith.constant 0 : i32
        %dma_start3A_146 = tpu.memref_slice %arg10[%dma_start3A_144, %dma_start3A_145] : memref<5248x128xf32, #tpu.memory_space<vmem_shared>> -> memref<16x128xf32, #tpu.memory_space<vmem_shared>>
        tpu.enqueue_dma source(%arg8 : memref<16x128xf32, #tpu.memory_space<vmem>>) target(%dma_start3A_146 : memref<16x128xf32, #tpu.memory_space<vmem_shared>>) target_semaphore(%run_scoped3A_141 : memref<!tpu.dma_semaphore, #tpu.memory_space<semaphore_mem>>)
        %dma_wait3A_147 = arith.constant 4688 : i32
        %dma_wait3A_148 = arith.constant 0 : i32
        %dma_wait3A_149 = tpu.memref_slice %arg10[%dma_wait3A_147, %dma_wait3A_148] : memref<5248x128xf32, #tpu.memory_space<vmem_shared>> -> memref<16x128xf32, #tpu.memory_space<vmem_shared>>
        %dma_wait3A_150 = arith.constant 4688 : i32
        %dma_wait3A_151 = arith.constant 0 : i32
        %dma_wait3A_152 = tpu.memref_slice %arg10[%dma_wait3A_150, %dma_wait3A_151] : memref<5248x128xf32, #tpu.memory_space<vmem_shared>> -> memref<16x128xf32, #tpu.memory_space<vmem_shared>>
        tpu.wait_dma2 semaphore(%run_scoped3A_141 : memref<!tpu.dma_semaphore, #tpu.memory_space<semaphore_mem>>) src(%arg8 : memref<16x128xf32, #tpu.memory_space<vmem>>) dst(%dma_wait3A_152 : memref<16x128xf32, #tpu.memory_space<vmem_shared>>)
        tpu.yield
      }) : () -> ()
      "tpu.region"() ({
        %run_scoped3A_141 = tpu.sem_alloc : memref<!tpu.dma_semaphore, #tpu.memory_space<semaphore_mem>>
        %dma_start3A = arith.constant 4704 : i32
        %dma_start3A_142 = arith.constant 0 : i32
        %dma_start3A_143 = tpu.memref_slice %arg10[%dma_start3A, %dma_start3A_142] : memref<5248x128xf32, #tpu.memory_space<vmem_shared>> -> memref<16x128xf32, #tpu.memory_space<vmem_shared>>
        %dma_start3A_144 = arith.constant 4704 : i32
        %dma_start3A_145 = arith.constant 0 : i32
        %dma_start3A_146 = tpu.memref_slice %arg10[%dma_start3A_144, %dma_start3A_145] : memref<5248x128xf32, #tpu.memory_space<vmem_shared>> -> memref<16x128xf32, #tpu.memory_space<vmem_shared>>
        tpu.enqueue_dma source(%arg8 : memref<16x128xf32, #tpu.memory_space<vmem>>) target(%dma_start3A_146 : memref<16x128xf32, #tpu.memory_space<vmem_shared>>) target_semaphore(%run_scoped3A_141 : memref<!tpu.dma_semaphore, #tpu.memory_space<semaphore_mem>>)
        %dma_wait3A_147 = arith.constant 4704 : i32
        %dma_wait3A_148 = arith.constant 0 : i32
        %dma_wait3A_149 = tpu.memref_slice %arg10[%dma_wait3A_147, %dma_wait3A_148] : memref<5248x128xf32, #tpu.memory_space<vmem_shared>> -> memref<16x128xf32, #tpu.memory_space<vmem_shared>>
        %dma_wait3A_150 = arith.constant 4704 : i32
        %dma_wait3A_151 = arith.constant 0 : i32
        %dma_wait3A_152 = tpu.memref_slice %arg10[%dma_wait3A_150, %dma_wait3A_151] : memref<5248x128xf32, #tpu.memory_space<vmem_shared>> -> memref<16x128xf32, #tpu.memory_space<vmem_shared>>
        tpu.wait_dma2 semaphore(%run_scoped3A_141 : memref<!tpu.dma_semaphore, #tpu.memory_space<semaphore_mem>>) src(%arg8 : memref<16x128xf32, #tpu.memory_space<vmem>>) dst(%dma_wait3A_152 : memref<16x128xf32, #tpu.memory_space<vmem_shared>>)
        tpu.yield
      }) : () -> ()
      "tpu.region"() ({
        %run_scoped3A_141 = tpu.sem_alloc : memref<!tpu.dma_semaphore, #tpu.memory_space<semaphore_mem>>
        %dma_start3A = arith.constant 4720 : i32
        %dma_start3A_142 = arith.constant 0 : i32
        %dma_start3A_143 = tpu.memref_slice %arg10[%dma_start3A, %dma_start3A_142] : memref<5248x128xf32, #tpu.memory_space<vmem_shared>> -> memref<16x128xf32, #tpu.memory_space<vmem_shared>>
        %dma_start3A_144 = arith.constant 4720 : i32
        %dma_start3A_145 = arith.constant 0 : i32
        %dma_start3A_146 = tpu.memref_slice %arg10[%dma_start3A_144, %dma_start3A_145] : memref<5248x128xf32, #tpu.memory_space<vmem_shared>> -> memref<16x128xf32, #tpu.memory_space<vmem_shared>>
        tpu.enqueue_dma source(%arg8 : memref<16x128xf32, #tpu.memory_space<vmem>>) target(%dma_start3A_146 : memref<16x128xf32, #tpu.memory_space<vmem_shared>>) target_semaphore(%run_scoped3A_141 : memref<!tpu.dma_semaphore, #tpu.memory_space<semaphore_mem>>)
        %dma_wait3A_147 = arith.constant 4720 : i32
        %dma_wait3A_148 = arith.constant 0 : i32
        %dma_wait3A_149 = tpu.memref_slice %arg10[%dma_wait3A_147, %dma_wait3A_148] : memref<5248x128xf32, #tpu.memory_space<vmem_shared>> -> memref<16x128xf32, #tpu.memory_space<vmem_shared>>
        %dma_wait3A_150 = arith.constant 4720 : i32
        %dma_wait3A_151 = arith.constant 0 : i32
        %dma_wait3A_152 = tpu.memref_slice %arg10[%dma_wait3A_150, %dma_wait3A_151] : memref<5248x128xf32, #tpu.memory_space<vmem_shared>> -> memref<16x128xf32, #tpu.memory_space<vmem_shared>>
        tpu.wait_dma2 semaphore(%run_scoped3A_141 : memref<!tpu.dma_semaphore, #tpu.memory_space<semaphore_mem>>) src(%arg8 : memref<16x128xf32, #tpu.memory_space<vmem>>) dst(%dma_wait3A_152 : memref<16x128xf32, #tpu.memory_space<vmem_shared>>)
        tpu.yield
      }) : () -> ()
      "tpu.region"() ({
        %run_scoped3A_141 = tpu.sem_alloc : memref<!tpu.dma_semaphore, #tpu.memory_space<semaphore_mem>>
        %dma_start3A = arith.constant 4736 : i32
        %dma_start3A_142 = arith.constant 0 : i32
        %dma_start3A_143 = tpu.memref_slice %arg10[%dma_start3A, %dma_start3A_142] : memref<5248x128xf32, #tpu.memory_space<vmem_shared>> -> memref<16x128xf32, #tpu.memory_space<vmem_shared>>
        %dma_start3A_144 = arith.constant 4736 : i32
        %dma_start3A_145 = arith.constant 0 : i32
        %dma_start3A_146 = tpu.memref_slice %arg10[%dma_start3A_144, %dma_start3A_145] : memref<5248x128xf32, #tpu.memory_space<vmem_shared>> -> memref<16x128xf32, #tpu.memory_space<vmem_shared>>
        tpu.enqueue_dma source(%arg8 : memref<16x128xf32, #tpu.memory_space<vmem>>) target(%dma_start3A_146 : memref<16x128xf32, #tpu.memory_space<vmem_shared>>) target_semaphore(%run_scoped3A_141 : memref<!tpu.dma_semaphore, #tpu.memory_space<semaphore_mem>>)
        %dma_wait3A_147 = arith.constant 4736 : i32
        %dma_wait3A_148 = arith.constant 0 : i32
        %dma_wait3A_149 = tpu.memref_slice %arg10[%dma_wait3A_147, %dma_wait3A_148] : memref<5248x128xf32, #tpu.memory_space<vmem_shared>> -> memref<16x128xf32, #tpu.memory_space<vmem_shared>>
        %dma_wait3A_150 = arith.constant 4736 : i32
        %dma_wait3A_151 = arith.constant 0 : i32
        %dma_wait3A_152 = tpu.memref_slice %arg10[%dma_wait3A_150, %dma_wait3A_151] : memref<5248x128xf32, #tpu.memory_space<vmem_shared>> -> memref<16x128xf32, #tpu.memory_space<vmem_shared>>
        tpu.wait_dma2 semaphore(%run_scoped3A_141 : memref<!tpu.dma_semaphore, #tpu.memory_space<semaphore_mem>>) src(%arg8 : memref<16x128xf32, #tpu.memory_space<vmem>>) dst(%dma_wait3A_152 : memref<16x128xf32, #tpu.memory_space<vmem_shared>>)
        tpu.yield
      }) : () -> ()
      "tpu.region"() ({
        %run_scoped3A_141 = tpu.sem_alloc : memref<!tpu.dma_semaphore, #tpu.memory_space<semaphore_mem>>
        %dma_start3A = arith.constant 4752 : i32
        %dma_start3A_142 = arith.constant 0 : i32
        %dma_start3A_143 = tpu.memref_slice %arg10[%dma_start3A, %dma_start3A_142] : memref<5248x128xf32, #tpu.memory_space<vmem_shared>> -> memref<16x128xf32, #tpu.memory_space<vmem_shared>>
        %dma_start3A_144 = arith.constant 4752 : i32
        %dma_start3A_145 = arith.constant 0 : i32
        %dma_start3A_146 = tpu.memref_slice %arg10[%dma_start3A_144, %dma_start3A_145] : memref<5248x128xf32, #tpu.memory_space<vmem_shared>> -> memref<16x128xf32, #tpu.memory_space<vmem_shared>>
        tpu.enqueue_dma source(%arg8 : memref<16x128xf32, #tpu.memory_space<vmem>>) target(%dma_start3A_146 : memref<16x128xf32, #tpu.memory_space<vmem_shared>>) target_semaphore(%run_scoped3A_141 : memref<!tpu.dma_semaphore, #tpu.memory_space<semaphore_mem>>)
        %dma_wait3A_147 = arith.constant 4752 : i32
        %dma_wait3A_148 = arith.constant 0 : i32
        %dma_wait3A_149 = tpu.memref_slice %arg10[%dma_wait3A_147, %dma_wait3A_148] : memref<5248x128xf32, #tpu.memory_space<vmem_shared>> -> memref<16x128xf32, #tpu.memory_space<vmem_shared>>
        %dma_wait3A_150 = arith.constant 4752 : i32
        %dma_wait3A_151 = arith.constant 0 : i32
        %dma_wait3A_152 = tpu.memref_slice %arg10[%dma_wait3A_150, %dma_wait3A_151] : memref<5248x128xf32, #tpu.memory_space<vmem_shared>> -> memref<16x128xf32, #tpu.memory_space<vmem_shared>>
        tpu.wait_dma2 semaphore(%run_scoped3A_141 : memref<!tpu.dma_semaphore, #tpu.memory_space<semaphore_mem>>) src(%arg8 : memref<16x128xf32, #tpu.memory_space<vmem>>) dst(%dma_wait3A_152 : memref<16x128xf32, #tpu.memory_space<vmem_shared>>)
        tpu.yield
      }) : () -> ()
      "tpu.region"() ({
        %run_scoped3A_141 = tpu.sem_alloc : memref<!tpu.dma_semaphore, #tpu.memory_space<semaphore_mem>>
        %dma_start3A = arith.constant 4768 : i32
        %dma_start3A_142 = arith.constant 0 : i32
        %dma_start3A_143 = tpu.memref_slice %arg10[%dma_start3A, %dma_start3A_142] : memref<5248x128xf32, #tpu.memory_space<vmem_shared>> -> memref<16x128xf32, #tpu.memory_space<vmem_shared>>
        %dma_start3A_144 = arith.constant 4768 : i32
        %dma_start3A_145 = arith.constant 0 : i32
        %dma_start3A_146 = tpu.memref_slice %arg10[%dma_start3A_144, %dma_start3A_145] : memref<5248x128xf32, #tpu.memory_space<vmem_shared>> -> memref<16x128xf32, #tpu.memory_space<vmem_shared>>
        tpu.enqueue_dma source(%arg8 : memref<16x128xf32, #tpu.memory_space<vmem>>) target(%dma_start3A_146 : memref<16x128xf32, #tpu.memory_space<vmem_shared>>) target_semaphore(%run_scoped3A_141 : memref<!tpu.dma_semaphore, #tpu.memory_space<semaphore_mem>>)
        %dma_wait3A_147 = arith.constant 4768 : i32
        %dma_wait3A_148 = arith.constant 0 : i32
        %dma_wait3A_149 = tpu.memref_slice %arg10[%dma_wait3A_147, %dma_wait3A_148] : memref<5248x128xf32, #tpu.memory_space<vmem_shared>> -> memref<16x128xf32, #tpu.memory_space<vmem_shared>>
        %dma_wait3A_150 = arith.constant 4768 : i32
        %dma_wait3A_151 = arith.constant 0 : i32
        %dma_wait3A_152 = tpu.memref_slice %arg10[%dma_wait3A_150, %dma_wait3A_151] : memref<5248x128xf32, #tpu.memory_space<vmem_shared>> -> memref<16x128xf32, #tpu.memory_space<vmem_shared>>
        tpu.wait_dma2 semaphore(%run_scoped3A_141 : memref<!tpu.dma_semaphore, #tpu.memory_space<semaphore_mem>>) src(%arg8 : memref<16x128xf32, #tpu.memory_space<vmem>>) dst(%dma_wait3A_152 : memref<16x128xf32, #tpu.memory_space<vmem_shared>>)
        tpu.yield
      }) : () -> ()
      "tpu.region"() ({
        %run_scoped3A_141 = tpu.sem_alloc : memref<!tpu.dma_semaphore, #tpu.memory_space<semaphore_mem>>
        %dma_start3A = arith.constant 4784 : i32
        %dma_start3A_142 = arith.constant 0 : i32
        %dma_start3A_143 = tpu.memref_slice %arg10[%dma_start3A, %dma_start3A_142] : memref<5248x128xf32, #tpu.memory_space<vmem_shared>> -> memref<16x128xf32, #tpu.memory_space<vmem_shared>>
        %dma_start3A_144 = arith.constant 4784 : i32
        %dma_start3A_145 = arith.constant 0 : i32
        %dma_start3A_146 = tpu.memref_slice %arg10[%dma_start3A_144, %dma_start3A_145] : memref<5248x128xf32, #tpu.memory_space<vmem_shared>> -> memref<16x128xf32, #tpu.memory_space<vmem_shared>>
        tpu.enqueue_dma source(%arg8 : memref<16x128xf32, #tpu.memory_space<vmem>>) target(%dma_start3A_146 : memref<16x128xf32, #tpu.memory_space<vmem_shared>>) target_semaphore(%run_scoped3A_141 : memref<!tpu.dma_semaphore, #tpu.memory_space<semaphore_mem>>)
        %dma_wait3A_147 = arith.constant 4784 : i32
        %dma_wait3A_148 = arith.constant 0 : i32
        %dma_wait3A_149 = tpu.memref_slice %arg10[%dma_wait3A_147, %dma_wait3A_148] : memref<5248x128xf32, #tpu.memory_space<vmem_shared>> -> memref<16x128xf32, #tpu.memory_space<vmem_shared>>
        %dma_wait3A_150 = arith.constant 4784 : i32
        %dma_wait3A_151 = arith.constant 0 : i32
        %dma_wait3A_152 = tpu.memref_slice %arg10[%dma_wait3A_150, %dma_wait3A_151] : memref<5248x128xf32, #tpu.memory_space<vmem_shared>> -> memref<16x128xf32, #tpu.memory_space<vmem_shared>>
        tpu.wait_dma2 semaphore(%run_scoped3A_141 : memref<!tpu.dma_semaphore, #tpu.memory_space<semaphore_mem>>) src(%arg8 : memref<16x128xf32, #tpu.memory_space<vmem>>) dst(%dma_wait3A_152 : memref<16x128xf32, #tpu.memory_space<vmem_shared>>)
        tpu.yield
      }) : () -> ()
      "tpu.region"() ({
        %run_scoped3A_141 = tpu.sem_alloc : memref<!tpu.dma_semaphore, #tpu.memory_space<semaphore_mem>>
        %dma_start3A = arith.constant 4800 : i32
        %dma_start3A_142 = arith.constant 0 : i32
        %dma_start3A_143 = tpu.memref_slice %arg10[%dma_start3A, %dma_start3A_142] : memref<5248x128xf32, #tpu.memory_space<vmem_shared>> -> memref<16x128xf32, #tpu.memory_space<vmem_shared>>
        %dma_start3A_144 = arith.constant 4800 : i32
        %dma_start3A_145 = arith.constant 0 : i32
        %dma_start3A_146 = tpu.memref_slice %arg10[%dma_start3A_144, %dma_start3A_145] : memref<5248x128xf32, #tpu.memory_space<vmem_shared>> -> memref<16x128xf32, #tpu.memory_space<vmem_shared>>
        tpu.enqueue_dma source(%arg8 : memref<16x128xf32, #tpu.memory_space<vmem>>) target(%dma_start3A_146 : memref<16x128xf32, #tpu.memory_space<vmem_shared>>) target_semaphore(%run_scoped3A_141 : memref<!tpu.dma_semaphore, #tpu.memory_space<semaphore_mem>>)
        %dma_wait3A_147 = arith.constant 4800 : i32
        %dma_wait3A_148 = arith.constant 0 : i32
        %dma_wait3A_149 = tpu.memref_slice %arg10[%dma_wait3A_147, %dma_wait3A_148] : memref<5248x128xf32, #tpu.memory_space<vmem_shared>> -> memref<16x128xf32, #tpu.memory_space<vmem_shared>>
        %dma_wait3A_150 = arith.constant 4800 : i32
        %dma_wait3A_151 = arith.constant 0 : i32
        %dma_wait3A_152 = tpu.memref_slice %arg10[%dma_wait3A_150, %dma_wait3A_151] : memref<5248x128xf32, #tpu.memory_space<vmem_shared>> -> memref<16x128xf32, #tpu.memory_space<vmem_shared>>
        tpu.wait_dma2 semaphore(%run_scoped3A_141 : memref<!tpu.dma_semaphore, #tpu.memory_space<semaphore_mem>>) src(%arg8 : memref<16x128xf32, #tpu.memory_space<vmem>>) dst(%dma_wait3A_152 : memref<16x128xf32, #tpu.memory_space<vmem_shared>>)
        tpu.yield
      }) : () -> ()
      "tpu.region"() ({
        %run_scoped3A_141 = tpu.sem_alloc : memref<!tpu.dma_semaphore, #tpu.memory_space<semaphore_mem>>
        %dma_start3A = arith.constant 4816 : i32
        %dma_start3A_142 = arith.constant 0 : i32
        %dma_start3A_143 = tpu.memref_slice %arg10[%dma_start3A, %dma_start3A_142] : memref<5248x128xf32, #tpu.memory_space<vmem_shared>> -> memref<16x128xf32, #tpu.memory_space<vmem_shared>>
        %dma_start3A_144 = arith.constant 4816 : i32
        %dma_start3A_145 = arith.constant 0 : i32
        %dma_start3A_146 = tpu.memref_slice %arg10[%dma_start3A_144, %dma_start3A_145] : memref<5248x128xf32, #tpu.memory_space<vmem_shared>> -> memref<16x128xf32, #tpu.memory_space<vmem_shared>>
        tpu.enqueue_dma source(%arg8 : memref<16x128xf32, #tpu.memory_space<vmem>>) target(%dma_start3A_146 : memref<16x128xf32, #tpu.memory_space<vmem_shared>>) target_semaphore(%run_scoped3A_141 : memref<!tpu.dma_semaphore, #tpu.memory_space<semaphore_mem>>)
        %dma_wait3A_147 = arith.constant 4816 : i32
        %dma_wait3A_148 = arith.constant 0 : i32
        %dma_wait3A_149 = tpu.memref_slice %arg10[%dma_wait3A_147, %dma_wait3A_148] : memref<5248x128xf32, #tpu.memory_space<vmem_shared>> -> memref<16x128xf32, #tpu.memory_space<vmem_shared>>
        %dma_wait3A_150 = arith.constant 4816 : i32
        %dma_wait3A_151 = arith.constant 0 : i32
        %dma_wait3A_152 = tpu.memref_slice %arg10[%dma_wait3A_150, %dma_wait3A_151] : memref<5248x128xf32, #tpu.memory_space<vmem_shared>> -> memref<16x128xf32, #tpu.memory_space<vmem_shared>>
        tpu.wait_dma2 semaphore(%run_scoped3A_141 : memref<!tpu.dma_semaphore, #tpu.memory_space<semaphore_mem>>) src(%arg8 : memref<16x128xf32, #tpu.memory_space<vmem>>) dst(%dma_wait3A_152 : memref<16x128xf32, #tpu.memory_space<vmem_shared>>)
        tpu.yield
      }) : () -> ()
      "tpu.region"() ({
        %run_scoped3A_141 = tpu.sem_alloc : memref<!tpu.dma_semaphore, #tpu.memory_space<semaphore_mem>>
        %dma_start3A = arith.constant 4832 : i32
        %dma_start3A_142 = arith.constant 0 : i32
        %dma_start3A_143 = tpu.memref_slice %arg10[%dma_start3A, %dma_start3A_142] : memref<5248x128xf32, #tpu.memory_space<vmem_shared>> -> memref<16x128xf32, #tpu.memory_space<vmem_shared>>
        %dma_start3A_144 = arith.constant 4832 : i32
        %dma_start3A_145 = arith.constant 0 : i32
        %dma_start3A_146 = tpu.memref_slice %arg10[%dma_start3A_144, %dma_start3A_145] : memref<5248x128xf32, #tpu.memory_space<vmem_shared>> -> memref<16x128xf32, #tpu.memory_space<vmem_shared>>
        tpu.enqueue_dma source(%arg8 : memref<16x128xf32, #tpu.memory_space<vmem>>) target(%dma_start3A_146 : memref<16x128xf32, #tpu.memory_space<vmem_shared>>) target_semaphore(%run_scoped3A_141 : memref<!tpu.dma_semaphore, #tpu.memory_space<semaphore_mem>>)
        %dma_wait3A_147 = arith.constant 4832 : i32
        %dma_wait3A_148 = arith.constant 0 : i32
        %dma_wait3A_149 = tpu.memref_slice %arg10[%dma_wait3A_147, %dma_wait3A_148] : memref<5248x128xf32, #tpu.memory_space<vmem_shared>> -> memref<16x128xf32, #tpu.memory_space<vmem_shared>>
        %dma_wait3A_150 = arith.constant 4832 : i32
        %dma_wait3A_151 = arith.constant 0 : i32
        %dma_wait3A_152 = tpu.memref_slice %arg10[%dma_wait3A_150, %dma_wait3A_151] : memref<5248x128xf32, #tpu.memory_space<vmem_shared>> -> memref<16x128xf32, #tpu.memory_space<vmem_shared>>
        tpu.wait_dma2 semaphore(%run_scoped3A_141 : memref<!tpu.dma_semaphore, #tpu.memory_space<semaphore_mem>>) src(%arg8 : memref<16x128xf32, #tpu.memory_space<vmem>>) dst(%dma_wait3A_152 : memref<16x128xf32, #tpu.memory_space<vmem_shared>>)
        tpu.yield
      }) : () -> ()
      "tpu.region"() ({
        %run_scoped3A_141 = tpu.sem_alloc : memref<!tpu.dma_semaphore, #tpu.memory_space<semaphore_mem>>
        %dma_start3A = arith.constant 4848 : i32
        %dma_start3A_142 = arith.constant 0 : i32
        %dma_start3A_143 = tpu.memref_slice %arg10[%dma_start3A, %dma_start3A_142] : memref<5248x128xf32, #tpu.memory_space<vmem_shared>> -> memref<16x128xf32, #tpu.memory_space<vmem_shared>>
        %dma_start3A_144 = arith.constant 4848 : i32
        %dma_start3A_145 = arith.constant 0 : i32
        %dma_start3A_146 = tpu.memref_slice %arg10[%dma_start3A_144, %dma_start3A_145] : memref<5248x128xf32, #tpu.memory_space<vmem_shared>> -> memref<16x128xf32, #tpu.memory_space<vmem_shared>>
        tpu.enqueue_dma source(%arg8 : memref<16x128xf32, #tpu.memory_space<vmem>>) target(%dma_start3A_146 : memref<16x128xf32, #tpu.memory_space<vmem_shared>>) target_semaphore(%run_scoped3A_141 : memref<!tpu.dma_semaphore, #tpu.memory_space<semaphore_mem>>)
        %dma_wait3A_147 = arith.constant 4848 : i32
        %dma_wait3A_148 = arith.constant 0 : i32
        %dma_wait3A_149 = tpu.memref_slice %arg10[%dma_wait3A_147, %dma_wait3A_148] : memref<5248x128xf32, #tpu.memory_space<vmem_shared>> -> memref<16x128xf32, #tpu.memory_space<vmem_shared>>
        %dma_wait3A_150 = arith.constant 4848 : i32
        %dma_wait3A_151 = arith.constant 0 : i32
        %dma_wait3A_152 = tpu.memref_slice %arg10[%dma_wait3A_150, %dma_wait3A_151] : memref<5248x128xf32, #tpu.memory_space<vmem_shared>> -> memref<16x128xf32, #tpu.memory_space<vmem_shared>>
        tpu.wait_dma2 semaphore(%run_scoped3A_141 : memref<!tpu.dma_semaphore, #tpu.memory_space<semaphore_mem>>) src(%arg8 : memref<16x128xf32, #tpu.memory_space<vmem>>) dst(%dma_wait3A_152 : memref<16x128xf32, #tpu.memory_space<vmem_shared>>)
        tpu.yield
      }) : () -> ()
      "tpu.region"() ({
        %run_scoped3A_141 = tpu.sem_alloc : memref<!tpu.dma_semaphore, #tpu.memory_space<semaphore_mem>>
        %dma_start3A = arith.constant 4864 : i32
        %dma_start3A_142 = arith.constant 0 : i32
        %dma_start3A_143 = tpu.memref_slice %arg10[%dma_start3A, %dma_start3A_142] : memref<5248x128xf32, #tpu.memory_space<vmem_shared>> -> memref<16x128xf32, #tpu.memory_space<vmem_shared>>
        %dma_start3A_144 = arith.constant 4864 : i32
        %dma_start3A_145 = arith.constant 0 : i32
        %dma_start3A_146 = tpu.memref_slice %arg10[%dma_start3A_144, %dma_start3A_145] : memref<5248x128xf32, #tpu.memory_space<vmem_shared>> -> memref<16x128xf32, #tpu.memory_space<vmem_shared>>
        tpu.enqueue_dma source(%arg8 : memref<16x128xf32, #tpu.memory_space<vmem>>) target(%dma_start3A_146 : memref<16x128xf32, #tpu.memory_space<vmem_shared>>) target_semaphore(%run_scoped3A_141 : memref<!tpu.dma_semaphore, #tpu.memory_space<semaphore_mem>>)
        %dma_wait3A_147 = arith.constant 4864 : i32
        %dma_wait3A_148 = arith.constant 0 : i32
        %dma_wait3A_149 = tpu.memref_slice %arg10[%dma_wait3A_147, %dma_wait3A_148] : memref<5248x128xf32, #tpu.memory_space<vmem_shared>> -> memref<16x128xf32, #tpu.memory_space<vmem_shared>>
        %dma_wait3A_150 = arith.constant 4864 : i32
        %dma_wait3A_151 = arith.constant 0 : i32
        %dma_wait3A_152 = tpu.memref_slice %arg10[%dma_wait3A_150, %dma_wait3A_151] : memref<5248x128xf32, #tpu.memory_space<vmem_shared>> -> memref<16x128xf32, #tpu.memory_space<vmem_shared>>
        tpu.wait_dma2 semaphore(%run_scoped3A_141 : memref<!tpu.dma_semaphore, #tpu.memory_space<semaphore_mem>>) src(%arg8 : memref<16x128xf32, #tpu.memory_space<vmem>>) dst(%dma_wait3A_152 : memref<16x128xf32, #tpu.memory_space<vmem_shared>>)
        tpu.yield
      }) : () -> ()
    } else {
    }
    "tpu.region"() ({
      %run_scoped3A_141 = tpu.sem_alloc : memref<!tpu.dma_semaphore, #tpu.memory_space<semaphore_mem>>
      %dma_start3A = arith.constant 0 : i32
      %dma_start3A_142 = arith.constant 0 : i32
      %dma_start3A_143 = tpu.memref_slice %arg8[%dma_start3A, %dma_start3A_142] : memref<16x128xf32, #tpu.memory_space<vmem>> -> memref<8x128xf32, #tpu.memory_space<vmem>>
      %dma_start3A_144 = arith.constant 0 : i32
      %dma_start3A_145 = tpu.memref_slice %arg10[%add3A_6, %dma_start3A_144] : memref<5248x128xf32, #tpu.memory_space<vmem_shared>> -> memref<8x128xf32, #tpu.memory_space<vmem_shared>>
      %dma_start3A_146 = arith.constant 0 : i32
      %dma_start3A_147 = tpu.memref_slice %arg10[%add3A_6, %dma_start3A_146] : memref<5248x128xf32, #tpu.memory_space<vmem_shared>> -> memref<8x128xf32, #tpu.memory_space<vmem_shared>>
      %dma_start3A_148 = arith.constant 0 : i32
      %dma_start3A_149 = arith.constant 0 : i32
      %dma_start3A_150 = tpu.memref_slice %arg8[%dma_start3A_148, %dma_start3A_149] : memref<16x128xf32, #tpu.memory_space<vmem>> -> memref<8x128xf32, #tpu.memory_space<vmem>>
      tpu.enqueue_dma source(%dma_start3A_150 : memref<8x128xf32, #tpu.memory_space<vmem>>) target(%dma_start3A_147 : memref<8x128xf32, #tpu.memory_space<vmem_shared>>) target_semaphore(%run_scoped3A_141 : memref<!tpu.dma_semaphore, #tpu.memory_space<semaphore_mem>>)
      %dma_wait3A_151 = arith.constant 0 : i32
      %dma_wait3A_152 = arith.constant 0 : i32
      %dma_wait3A_153 = tpu.memref_slice %arg8[%dma_wait3A_151, %dma_wait3A_152] : memref<16x128xf32, #tpu.memory_space<vmem>> -> memref<8x128xf32, #tpu.memory_space<vmem>>
      %dma_wait3A_154 = arith.constant 0 : i32
      %dma_wait3A_155 = tpu.memref_slice %arg10[%add3A_6, %dma_wait3A_154] : memref<5248x128xf32, #tpu.memory_space<vmem_shared>> -> memref<8x128xf32, #tpu.memory_space<vmem_shared>>
      %dma_wait3A_156 = arith.constant 0 : i32
      %dma_wait3A_157 = tpu.memref_slice %arg10[%add3A_6, %dma_wait3A_156] : memref<5248x128xf32, #tpu.memory_space<vmem_shared>> -> memref<8x128xf32, #tpu.memory_space<vmem_shared>>
      %dma_wait3A_158 = arith.constant 0 : i32
      %dma_wait3A_159 = arith.constant 0 : i32
      %dma_wait3A_160 = tpu.memref_slice %arg8[%dma_wait3A_158, %dma_wait3A_159] : memref<16x128xf32, #tpu.memory_space<vmem>> -> memref<8x128xf32, #tpu.memory_space<vmem>>
      tpu.wait_dma2 semaphore(%run_scoped3A_141 : memref<!tpu.dma_semaphore, #tpu.memory_space<semaphore_mem>>) src(%dma_wait3A_160 : memref<8x128xf32, #tpu.memory_space<vmem>>) dst(%dma_wait3A_157 : memref<8x128xf32, #tpu.memory_space<vmem_shared>>)
      tpu.yield
    }) : () -> ()
    %barrier3A = arith.constant 0 : index
    tpu.barrier barrier_id(%barrier3A)
    %mul3A_29 = arith.constant 10 : i32
    %mul3A_30 = arith.muli %arg1, %mul3A_29 : i32
    %run_scoped3A = arith.constant 0 : i32
    "tpu.region"() ({
      %run_scoped3A_141 = tpu.sem_alloc : memref<!tpu.dma_semaphore, #tpu.memory_space<semaphore_mem>>
      %dma_start3A = arith.constant 0 : i32
      %dma_start3A_142 = arith.constant 0 : i32
      %dma_start3A_143 = tpu.memref_slice %arg6[%run_scoped3A, %dma_start3A, %dma_start3A_142] : memref<2x25x80xi32, #tpu.memory_space<vmem>> -> memref<1x25x80xi32, #tpu.memory_space<vmem>>
      %dma_start3A_144 = tpu.memref_squeeze %dma_start3A_143 : memref<1x25x80xi32, #tpu.memory_space<vmem>> -> memref<25x80xi32, #tpu.memory_space<vmem>>
      %dma_start3A_145 = arith.constant 0 : i32
      %dma_start3A_146 = arith.constant 0 : i32
      %dma_start3A_147 = tpu.memref_slice %arg3[%mul3A_30, %dma_start3A_145, %dma_start3A_146] : memref<160x25x80xi32, #tpu.memory_space<hbm>> -> memref<1x25x80xi32, #tpu.memory_space<hbm>>
      %dma_start3A_148 = tpu.memref_squeeze %dma_start3A_147 : memref<1x25x80xi32, #tpu.memory_space<hbm>> -> memref<25x80xi32, #tpu.memory_space<hbm>>
      %dma_start3A_149 = arith.constant 0 : i32
      %dma_start3A_150 = arith.constant 0 : i32
      %dma_start3A_151 = tpu.memref_slice %arg6[%run_scoped3A, %dma_start3A_149, %dma_start3A_150] : memref<2x25x80xi32, #tpu.memory_space<vmem>> -> memref<1x25x80xi32, #tpu.memory_space<vmem>>
      %dma_start3A_152 = tpu.memref_squeeze %dma_start3A_151 : memref<1x25x80xi32, #tpu.memory_space<vmem>> -> memref<25x80xi32, #tpu.memory_space<vmem>>
      %dma_start3A_153 = arith.constant 0 : i32
      %dma_start3A_154 = arith.constant 0 : i32
      %dma_start3A_155 = tpu.memref_slice %arg3[%mul3A_30, %dma_start3A_153, %dma_start3A_154] : memref<160x25x80xi32, #tpu.memory_space<hbm>> -> memref<1x25x80xi32, #tpu.memory_space<hbm>>
      %dma_start3A_156 = tpu.memref_squeeze %dma_start3A_155 : memref<1x25x80xi32, #tpu.memory_space<hbm>> -> memref<25x80xi32, #tpu.memory_space<hbm>>
      tpu.enqueue_dma source(%dma_start3A_156 : memref<25x80xi32, #tpu.memory_space<hbm>>) target(%dma_start3A_152 : memref<25x80xi32, #tpu.memory_space<vmem>>) target_semaphore(%run_scoped3A_141 : memref<!tpu.dma_semaphore, #tpu.memory_space<semaphore_mem>>)
      %dma_wait3A_157 = arith.constant 0 : i32
      %dma_wait3A_158 = arith.constant 0 : i32
      %dma_wait3A_159 = tpu.memref_slice %arg6[%run_scoped3A, %dma_wait3A_157, %dma_wait3A_158] : memref<2x25x80xi32, #tpu.memory_space<vmem>> -> memref<1x25x80xi32, #tpu.memory_space<vmem>>
      %dma_wait3A_160 = tpu.memref_squeeze %dma_wait3A_159 : memref<1x25x80xi32, #tpu.memory_space<vmem>> -> memref<25x80xi32, #tpu.memory_space<vmem>>
      %dma_wait3A_161 = arith.constant 0 : i32
      %dma_wait3A_162 = arith.constant 0 : i32
      %dma_wait3A_163 = tpu.memref_slice %arg3[%mul3A_30, %dma_wait3A_161, %dma_wait3A_162] : memref<160x25x80xi32, #tpu.memory_space<hbm>> -> memref<1x25x80xi32, #tpu.memory_space<hbm>>
      %dma_wait3A_164 = tpu.memref_squeeze %dma_wait3A_163 : memref<1x25x80xi32, #tpu.memory_space<hbm>> -> memref<25x80xi32, #tpu.memory_space<hbm>>
      %dma_wait3A_165 = arith.constant 0 : i32
      %dma_wait3A_166 = arith.constant 0 : i32
      %dma_wait3A_167 = tpu.memref_slice %arg6[%run_scoped3A, %dma_wait3A_165, %dma_wait3A_166] : memref<2x25x80xi32, #tpu.memory_space<vmem>> -> memref<1x25x80xi32, #tpu.memory_space<vmem>>
      %dma_wait3A_168 = tpu.memref_squeeze %dma_wait3A_167 : memref<1x25x80xi32, #tpu.memory_space<vmem>> -> memref<25x80xi32, #tpu.memory_space<vmem>>
      %dma_wait3A_169 = arith.constant 0 : i32
      %dma_wait3A_170 = arith.constant 0 : i32
      %dma_wait3A_171 = tpu.memref_slice %arg3[%mul3A_30, %dma_wait3A_169, %dma_wait3A_170] : memref<160x25x80xi32, #tpu.memory_space<hbm>> -> memref<1x25x80xi32, #tpu.memory_space<hbm>>
      %dma_wait3A_172 = tpu.memref_squeeze %dma_wait3A_171 : memref<1x25x80xi32, #tpu.memory_space<hbm>> -> memref<25x80xi32, #tpu.memory_space<hbm>>
      tpu.wait_dma2 semaphore(%run_scoped3A_141 : memref<!tpu.dma_semaphore, #tpu.memory_space<semaphore_mem>>) src(%dma_wait3A_172 : memref<25x80xi32, #tpu.memory_space<hbm>>) dst(%dma_wait3A_168 : memref<25x80xi32, #tpu.memory_space<vmem>>)
      tpu.yield
    }) : () -> ()
    %mul3A_31 = arith.constant 10 : i32
    %mul3A_32 = arith.muli %arg1, %mul3A_31 : i32
    %run_scoped3A_33 = arith.constant 0 : i32
    "tpu.region"() ({
      %run_scoped3A_141 = tpu.sem_alloc : memref<!tpu.dma_semaphore, #tpu.memory_space<semaphore_mem>>
      %dma_start3A = arith.constant 0 : i32
      %dma_start3A_142 = arith.constant 0 : i32
      %dma_start3A_143 = tpu.memref_slice %arg7[%run_scoped3A_33, %dma_start3A, %dma_start3A_142] : memref<2x25x80xi32, #tpu.memory_space<vmem>> -> memref<1x25x80xi32, #tpu.memory_space<vmem>>
      %dma_start3A_144 = tpu.memref_squeeze %dma_start3A_143 : memref<1x25x80xi32, #tpu.memory_space<vmem>> -> memref<25x80xi32, #tpu.memory_space<vmem>>
      %dma_start3A_145 = arith.constant 0 : i32
      %dma_start3A_146 = arith.constant 0 : i32
      %dma_start3A_147 = tpu.memref_slice %arg4[%mul3A_32, %dma_start3A_145, %dma_start3A_146] : memref<160x25x80xi32, #tpu.memory_space<hbm>> -> memref<1x25x80xi32, #tpu.memory_space<hbm>>
      %dma_start3A_148 = tpu.memref_squeeze %dma_start3A_147 : memref<1x25x80xi32, #tpu.memory_space<hbm>> -> memref<25x80xi32, #tpu.memory_space<hbm>>
      %dma_start3A_149 = arith.constant 0 : i32
      %dma_start3A_150 = arith.constant 0 : i32
      %dma_start3A_151 = tpu.memref_slice %arg7[%run_scoped3A_33, %dma_start3A_149, %dma_start3A_150] : memref<2x25x80xi32, #tpu.memory_space<vmem>> -> memref<1x25x80xi32, #tpu.memory_space<vmem>>
      %dma_start3A_152 = tpu.memref_squeeze %dma_start3A_151 : memref<1x25x80xi32, #tpu.memory_space<vmem>> -> memref<25x80xi32, #tpu.memory_space<vmem>>
      %dma_start3A_153 = arith.constant 0 : i32
      %dma_start3A_154 = arith.constant 0 : i32
      %dma_start3A_155 = tpu.memref_slice %arg4[%mul3A_32, %dma_start3A_153, %dma_start3A_154] : memref<160x25x80xi32, #tpu.memory_space<hbm>> -> memref<1x25x80xi32, #tpu.memory_space<hbm>>
      %dma_start3A_156 = tpu.memref_squeeze %dma_start3A_155 : memref<1x25x80xi32, #tpu.memory_space<hbm>> -> memref<25x80xi32, #tpu.memory_space<hbm>>
      tpu.enqueue_dma source(%dma_start3A_156 : memref<25x80xi32, #tpu.memory_space<hbm>>) target(%dma_start3A_152 : memref<25x80xi32, #tpu.memory_space<vmem>>) target_semaphore(%run_scoped3A_141 : memref<!tpu.dma_semaphore, #tpu.memory_space<semaphore_mem>>)
      %dma_wait3A_157 = arith.constant 0 : i32
      %dma_wait3A_158 = arith.constant 0 : i32
      %dma_wait3A_159 = tpu.memref_slice %arg7[%run_scoped3A_33, %dma_wait3A_157, %dma_wait3A_158] : memref<2x25x80xi32, #tpu.memory_space<vmem>> -> memref<1x25x80xi32, #tpu.memory_space<vmem>>
      %dma_wait3A_160 = tpu.memref_squeeze %dma_wait3A_159 : memref<1x25x80xi32, #tpu.memory_space<vmem>> -> memref<25x80xi32, #tpu.memory_space<vmem>>
      %dma_wait3A_161 = arith.constant 0 : i32
      %dma_wait3A_162 = arith.constant 0 : i32
      %dma_wait3A_163 = tpu.memref_slice %arg4[%mul3A_32, %dma_wait3A_161, %dma_wait3A_162] : memref<160x25x80xi32, #tpu.memory_space<hbm>> -> memref<1x25x80xi32, #tpu.memory_space<hbm>>
      %dma_wait3A_164 = tpu.memref_squeeze %dma_wait3A_163 : memref<1x25x80xi32, #tpu.memory_space<hbm>> -> memref<25x80xi32, #tpu.memory_space<hbm>>
      %dma_wait3A_165 = arith.constant 0 : i32
      %dma_wait3A_166 = arith.constant 0 : i32
      %dma_wait3A_167 = tpu.memref_slice %arg7[%run_scoped3A_33, %dma_wait3A_165, %dma_wait3A_166] : memref<2x25x80xi32, #tpu.memory_space<vmem>> -> memref<1x25x80xi32, #tpu.memory_space<vmem>>
      %dma_wait3A_168 = tpu.memref_squeeze %dma_wait3A_167 : memref<1x25x80xi32, #tpu.memory_space<vmem>> -> memref<25x80xi32, #tpu.memory_space<vmem>>
      %dma_wait3A_169 = arith.constant 0 : i32
      %dma_wait3A_170 = arith.constant 0 : i32
      %dma_wait3A_171 = tpu.memref_slice %arg4[%mul3A_32, %dma_wait3A_169, %dma_wait3A_170] : memref<160x25x80xi32, #tpu.memory_space<hbm>> -> memref<1x25x80xi32, #tpu.memory_space<hbm>>
      %dma_wait3A_172 = tpu.memref_squeeze %dma_wait3A_171 : memref<1x25x80xi32, #tpu.memory_space<hbm>> -> memref<25x80xi32, #tpu.memory_space<hbm>>
      tpu.wait_dma2 semaphore(%run_scoped3A_141 : memref<!tpu.dma_semaphore, #tpu.memory_space<semaphore_mem>>) src(%dma_wait3A_172 : memref<25x80xi32, #tpu.memory_space<hbm>>) dst(%dma_wait3A_168 : memref<25x80xi32, #tpu.memory_space<vmem>>)
      tpu.yield
    }) : () -> ()
    %scan3A_34 = arith.constant 0 : i32
    %scan3A_35 = arith.constant 0 : i32
    %scan3A_36 = arith.constant 10 : i32
    %scan3A_37 = arith.addi %scan3A_35, %scan3A_36 : i32
    %scan3A_38 = arith.constant 1 : i32
    scf.for %scan3A_141 = %scan3A_35 to %scan3A_37 step %scan3A_38  : i32 {
      %jit3A = arith.constant 2 : i32
      %eq3A_142 = arith.constant 0 : i32
      %eq3A_143 = arith.cmpi eq, %jit3A, %eq3A_142 : i32
      %jit3A_144 = arith.constant 1 : i32
      %select_n3A = arith.select %eq3A_143, %jit3A_144, %jit3A : i32
      %rem3A = arith.remsi %scan3A_141, %select_n3A : i32
      %ne3A = arith.constant 0 : i32
      %ne3A_145 = arith.cmpi ne, %rem3A, %ne3A : i32
      %lt3A_146 = arith.constant 0 : i32
      %lt3A_147 = arith.cmpi slt, %rem3A, %lt3A_146 : i32
      %lt3A_148 = arith.constant 0 : i32
      %lt3A_149 = arith.cmpi slt, %select_n3A, %lt3A_148 : i32
      %ne3A_150 = arith.xori %lt3A_147, %lt3A_149 : i1
      %and3A_151 = arith.andi %ne3A_150, %ne3A_145 : i1
      %add3A_152 = arith.addi %rem3A, %select_n3A : i32
      %select_n3A_153 = arith.select %and3A_151, %add3A_152, %rem3A : i32
      %gt3A = arith.constant 0 : i32
      %gt3A_154 = arith.cmpi sgt, %scan3A_141, %gt3A : i32
      %convert_element_type3A_155 = arith.extui %gt3A_154 : i1 to i32
      %cond3A_156 = arith.constant 0 : i32
      %cond3A_157 = arith.cmpi ne, %convert_element_type3A_155, %cond3A_156 : i32
      scf.if %cond3A_157 {
        %mul3A_1112 = arith.constant 10 : i32
        %mul3A_1113 = arith.muli %arg1, %mul3A_1112 : i32
        %add3A_1114 = arith.addi %mul3A_1113, %scan3A_141 : i32
        %dma_wait3A_1115 = arith.constant 0 : i32
        %dma_wait3A_1116 = arith.constant 0 : i32
        %dma_wait3A_1117 = tpu.memref_slice %arg6[%select_n3A_153, %dma_wait3A_1115, %dma_wait3A_1116] : memref<2x25x80xi32, #tpu.memory_space<vmem>> -> memref<1x25x80xi32, #tpu.memory_space<vmem>>
        %dma_wait3A_1118 = tpu.memref_squeeze %dma_wait3A_1117 : memref<1x25x80xi32, #tpu.memory_space<vmem>> -> memref<25x80xi32, #tpu.memory_space<vmem>>
        %dma_wait3A_1119 = arith.constant 0 : i32
        %dma_wait3A_1120 = arith.constant 0 : i32
        %dma_wait3A_1121 = tpu.memref_slice %arg3[%add3A_1114, %dma_wait3A_1119, %dma_wait3A_1120] : memref<160x25x80xi32, #tpu.memory_space<hbm>> -> memref<1x25x80xi32, #tpu.memory_space<hbm>>
        %dma_wait3A_1122 = tpu.memref_squeeze %dma_wait3A_1121 : memref<1x25x80xi32, #tpu.memory_space<hbm>> -> memref<25x80xi32, #tpu.memory_space<hbm>>
        %dma_wait3A_1123 = tpu.memref_slice %arg13[%select_n3A_153] : memref<2x!tpu.dma_semaphore, #tpu.memory_space<semaphore_mem>> -> memref<1x!tpu.dma_semaphore, #tpu.memory_space<semaphore_mem>>
        %dma_wait3A_1124 = tpu.memref_squeeze %dma_wait3A_1123 : memref<1x!tpu.dma_semaphore, #tpu.memory_space<semaphore_mem>> -> memref<!tpu.dma_semaphore, #tpu.memory_space<semaphore_mem>>
        %dma_wait3A_1125 = arith.constant 0 : i32
        %dma_wait3A_1126 = arith.constant 0 : i32
        %dma_wait3A_1127 = tpu.memref_slice %arg6[%select_n3A_153, %dma_wait3A_1125, %dma_wait3A_1126] : memref<2x25x80xi32, #tpu.memory_space<vmem>> -> memref<1x25x80xi32, #tpu.memory_space<vmem>>
        %dma_wait3A_1128 = tpu.memref_squeeze %dma_wait3A_1127 : memref<1x25x80xi32, #tpu.memory_space<vmem>> -> memref<25x80xi32, #tpu.memory_space<vmem>>
        %dma_wait3A_1129 = arith.constant 0 : i32
        %dma_wait3A_1130 = arith.constant 0 : i32
        %dma_wait3A_1131 = tpu.memref_slice %arg3[%add3A_1114, %dma_wait3A_1129, %dma_wait3A_1130] : memref<160x25x80xi32, #tpu.memory_space<hbm>> -> memref<1x25x80xi32, #tpu.memory_space<hbm>>
        %dma_wait3A_1132 = tpu.memref_squeeze %dma_wait3A_1131 : memref<1x25x80xi32, #tpu.memory_space<hbm>> -> memref<25x80xi32, #tpu.memory_space<hbm>>
        tpu.wait_dma2 semaphore(%dma_wait3A_1124 : memref<!tpu.dma_semaphore, #tpu.memory_space<semaphore_mem>>) src(%dma_wait3A_1132 : memref<25x80xi32, #tpu.memory_space<hbm>>) dst(%dma_wait3A_1128 : memref<25x80xi32, #tpu.memory_space<vmem>>)
        %mul3A_1133 = arith.constant 10 : i32
        %mul3A_1134 = arith.muli %arg1, %mul3A_1133 : i32
        %add3A_1135 = arith.addi %mul3A_1134, %scan3A_141 : i32
        %dma_wait3A_1136 = arith.constant 0 : i32
        %dma_wait3A_1137 = arith.constant 0 : i32
        %dma_wait3A_1138 = tpu.memref_slice %arg7[%select_n3A_153, %dma_wait3A_1136, %dma_wait3A_1137] : memref<2x25x80xi32, #tpu.memory_space<vmem>> -> memref<1x25x80xi32, #tpu.memory_space<vmem>>
        %dma_wait3A_1139 = tpu.memref_squeeze %dma_wait3A_1138 : memref<1x25x80xi32, #tpu.memory_space<vmem>> -> memref<25x80xi32, #tpu.memory_space<vmem>>
        %dma_wait3A_1140 = arith.constant 0 : i32
        %dma_wait3A_1141 = arith.constant 0 : i32
        %dma_wait3A_1142 = tpu.memref_slice %arg4[%add3A_1135, %dma_wait3A_1140, %dma_wait3A_1141] : memref<160x25x80xi32, #tpu.memory_space<hbm>> -> memref<1x25x80xi32, #tpu.memory_space<hbm>>
        %dma_wait3A_1143 = tpu.memref_squeeze %dma_wait3A_1142 : memref<1x25x80xi32, #tpu.memory_space<hbm>> -> memref<25x80xi32, #tpu.memory_space<hbm>>
        %dma_wait3A_1144 = tpu.memref_slice %arg13[%select_n3A_153] : memref<2x!tpu.dma_semaphore, #tpu.memory_space<semaphore_mem>> -> memref<1x!tpu.dma_semaphore, #tpu.memory_space<semaphore_mem>>
        %dma_wait3A_1145 = tpu.memref_squeeze %dma_wait3A_1144 : memref<1x!tpu.dma_semaphore, #tpu.memory_space<semaphore_mem>> -> memref<!tpu.dma_semaphore, #tpu.memory_space<semaphore_mem>>
        %dma_wait3A_1146 = arith.constant 0 : i32
        %dma_wait3A_1147 = arith.constant 0 : i32
        %dma_wait3A_1148 = tpu.memref_slice %arg7[%select_n3A_153, %dma_wait3A_1146, %dma_wait3A_1147] : memref<2x25x80xi32, #tpu.memory_space<vmem>> -> memref<1x25x80xi32, #tpu.memory_space<vmem>>
        %dma_wait3A_1149 = tpu.memref_squeeze %dma_wait3A_1148 : memref<1x25x80xi32, #tpu.memory_space<vmem>> -> memref<25x80xi32, #tpu.memory_space<vmem>>
        %dma_wait3A_1150 = arith.constant 0 : i32
        %dma_wait3A_1151 = arith.constant 0 : i32
        %dma_wait3A_1152 = tpu.memref_slice %arg4[%add3A_1135, %dma_wait3A_1150, %dma_wait3A_1151] : memref<160x25x80xi32, #tpu.memory_space<hbm>> -> memref<1x25x80xi32, #tpu.memory_space<hbm>>
        %dma_wait3A_1153 = tpu.memref_squeeze %dma_wait3A_1152 : memref<1x25x80xi32, #tpu.memory_space<hbm>> -> memref<25x80xi32, #tpu.memory_space<hbm>>
        tpu.wait_dma2 semaphore(%dma_wait3A_1145 : memref<!tpu.dma_semaphore, #tpu.memory_space<semaphore_mem>>) src(%dma_wait3A_1153 : memref<25x80xi32, #tpu.memory_space<hbm>>) dst(%dma_wait3A_1149 : memref<25x80xi32, #tpu.memory_space<vmem>>)
      } else {
      }
      %gt3A_158 = arith.constant 0 : i32
      %gt3A_159 = arith.cmpi sgt, %scan3A_141, %gt3A_158 : i32
      %convert_element_type3A_160 = arith.extui %gt3A_159 : i1 to i32
      %cond3A_161 = arith.constant 0 : i32
      %cond3A_162 = arith.cmpi ne, %convert_element_type3A_160, %cond3A_161 : i32
      scf.if %cond3A_162 {
        %dma_wait3A_1112 = arith.constant 0 : i32
        %dma_wait3A_1113 = arith.constant 0 : i32
        %dma_wait3A_1114 = arith.constant 0 : i32
        %dma_wait3A_1115 = arith.constant 0 : i32
        %dma_wait3A_1116 = arith.constant 0 : i32
        %dma_wait3A_1117 = tpu.memref_slice %arg9[%dma_wait3A_1112, %dma_wait3A_1115, %dma_wait3A_1116] : memref<5x80x128xf32, #tpu.memory_space<vmem>> -> memref<1x80x128xf32, #tpu.memory_space<vmem>>
        %dma_wait3A_1118 = tpu.memref_squeeze %dma_wait3A_1117 : memref<1x80x128xf32, #tpu.memory_space<vmem>> -> memref<80x128xf32, #tpu.memory_space<vmem>>
        %dma_wait3A_1119 = arith.constant 0 : i32
        %dma_wait3A_1120 = tpu.memref_slice %arg7[%select_n3A_153, %dma_wait3A_1113, %dma_wait3A_1119] : memref<2x25x80xi32, #tpu.memory_space<vmem>> -> memref<1x1x80xi32, #tpu.memory_space<vmem>>
        %dma_wait3A_1121 = tpu.memref_squeeze %dma_wait3A_1120 : memref<1x1x80xi32, #tpu.memory_space<vmem>> -> memref<80xi32, #tpu.memory_space<vmem>>
        %dma_wait3A_1122 = arith.constant 0 : i32
        %dma_wait3A_1123 = arith.constant 0 : i32
        %dma_wait3A_1124 = tpu.memref_slice %arg10[%dma_wait3A_1122, %dma_wait3A_1123] : memref<5248x128xf32, #tpu.memory_space<vmem_shared>> -> memref<5248x128xf32, #tpu.memory_space<vmem_shared>>
        %dma_wait3A_1125 = tpu.memref_slice %arg12[%dma_wait3A_1114] : memref<5x!tpu.dma_semaphore, #tpu.memory_space<semaphore_mem>> -> memref<1x!tpu.dma_semaphore, #tpu.memory_space<semaphore_mem>>
        %dma_wait3A_1126 = tpu.memref_squeeze %dma_wait3A_1125 : memref<1x!tpu.dma_semaphore, #tpu.memory_space<semaphore_mem>> -> memref<!tpu.dma_semaphore, #tpu.memory_space<semaphore_mem>>
        tpu.wait_indirect_dma semaphore(%dma_wait3A_1126 : memref<!tpu.dma_semaphore, #tpu.memory_space<semaphore_mem>>) src(%dma_wait3A_1118 : memref<80x128xf32, #tpu.memory_space<vmem>>) dst(%dma_wait3A_1124 : memref<5248x128xf32, #tpu.memory_space<vmem_shared>>)
      } else {
      }
      %dma_start3A = arith.constant 0 : i32
      %dma_start3A_163 = arith.constant 0 : i32
      %dma_start3A_164 = arith.constant 0 : i32
      %dma_start3A_165 = arith.constant 0 : i32
      %dma_start3A_166 = arith.constant 0 : i32
      %dma_start3A_167 = tpu.memref_slice %arg9[%dma_start3A_163, %dma_start3A_165, %dma_start3A_166] : memref<5x80x128xf32, #tpu.memory_space<vmem>> -> memref<1x80x128xf32, #tpu.memory_space<vmem>>
      %dma_start3A_168 = tpu.memref_squeeze %dma_start3A_167 : memref<1x80x128xf32, #tpu.memory_space<vmem>> -> memref<80x128xf32, #tpu.memory_space<vmem>>
      %dma_start3A_169 = arith.constant 0 : i32
      %dma_start3A_170 = tpu.memref_slice %arg6[%select_n3A_153, %dma_start3A, %dma_start3A_169] : memref<2x25x80xi32, #tpu.memory_space<vmem>> -> memref<1x1x80xi32, #tpu.memory_space<vmem>>
      %dma_start3A_171 = tpu.memref_squeeze %dma_start3A_170 : memref<1x1x80xi32, #tpu.memory_space<vmem>> -> memref<80xi32, #tpu.memory_space<vmem>>
      %dma_start3A_172 = arith.constant 0 : i32
      %dma_start3A_173 = arith.constant 0 : i32
      %dma_start3A_174 = tpu.memref_slice %arg2[%dma_start3A_172, %dma_start3A_173] : memref<10000x128xf32, #tpu.memory_space<hbm>> -> memref<10000x128xf32, #tpu.memory_space<hbm>>
      %dma_start3A_175 = tpu.memref_slice %arg11[%dma_start3A_164] : memref<5x!tpu.dma_semaphore, #tpu.memory_space<semaphore_mem>> -> memref<1x!tpu.dma_semaphore, #tpu.memory_space<semaphore_mem>>
      %dma_start3A_176 = tpu.memref_squeeze %dma_start3A_175 : memref<1x!tpu.dma_semaphore, #tpu.memory_space<semaphore_mem>> -> memref<!tpu.dma_semaphore, #tpu.memory_space<semaphore_mem>>
      tpu.enqueue_indirect_dma source(%dma_start3A_174 : memref<10000x128xf32, #tpu.memory_space<hbm>>) target(%dma_start3A_168 : memref<80x128xf32, #tpu.memory_space<vmem>>) offsets(%dma_start3A_171 : memref<80xi32, #tpu.memory_space<vmem>>) semaphore(%dma_start3A_176 : memref<!tpu.dma_semaphore, #tpu.memory_space<semaphore_mem>>)
      %gt3A_177 = arith.constant 0 : i32
      %gt3A_178 = arith.cmpi sgt, %scan3A_141, %gt3A_177 : i32
      %convert_element_type3A_179 = arith.extui %gt3A_178 : i1 to i32
      %cond3A_180 = arith.constant 0 : i32
      %cond3A_181 = arith.cmpi ne, %convert_element_type3A_179, %cond3A_180 : i32
      scf.if %cond3A_181 {
        %dma_wait3A_1112 = arith.constant 1 : i32
        %dma_wait3A_1113 = arith.constant 0 : i32
        %dma_wait3A_1114 = arith.constant 1 : i32
        %dma_wait3A_1115 = arith.constant 0 : i32
        %dma_wait3A_1116 = arith.constant 0 : i32
        %dma_wait3A_1117 = tpu.memref_slice %arg9[%dma_wait3A_1112, %dma_wait3A_1115, %dma_wait3A_1116] : memref<5x80x128xf32, #tpu.memory_space<vmem>> -> memref<1x80x128xf32, #tpu.memory_space<vmem>>
        %dma_wait3A_1118 = tpu.memref_squeeze %dma_wait3A_1117 : memref<1x80x128xf32, #tpu.memory_space<vmem>> -> memref<80x128xf32, #tpu.memory_space<vmem>>
        %dma_wait3A_1119 = arith.constant 0 : i32
        %dma_wait3A_1120 = tpu.memref_slice %arg7[%select_n3A_153, %dma_wait3A_1113, %dma_wait3A_1119] : memref<2x25x80xi32, #tpu.memory_space<vmem>> -> memref<1x1x80xi32, #tpu.memory_space<vmem>>
        %dma_wait3A_1121 = tpu.memref_squeeze %dma_wait3A_1120 : memref<1x1x80xi32, #tpu.memory_space<vmem>> -> memref<80xi32, #tpu.memory_space<vmem>>
        %dma_wait3A_1122 = arith.constant 0 : i32
        %dma_wait3A_1123 = arith.constant 0 : i32
        %dma_wait3A_1124 = tpu.memref_slice %arg10[%dma_wait3A_1122, %dma_wait3A_1123] : memref<5248x128xf32, #tpu.memory_space<vmem_shared>> -> memref<5248x128xf32, #tpu.memory_space<vmem_shared>>
        %dma_wait3A_1125 = tpu.memref_slice %arg12[%dma_wait3A_1114] : memref<5x!tpu.dma_semaphore, #tpu.memory_space<semaphore_mem>> -> memref<1x!tpu.dma_semaphore, #tpu.memory_space<semaphore_mem>>
        %dma_wait3A_1126 = tpu.memref_squeeze %dma_wait3A_1125 : memref<1x!tpu.dma_semaphore, #tpu.memory_space<semaphore_mem>> -> memref<!tpu.dma_semaphore, #tpu.memory_space<semaphore_mem>>
        tpu.wait_indirect_dma semaphore(%dma_wait3A_1126 : memref<!tpu.dma_semaphore, #tpu.memory_space<semaphore_mem>>) src(%dma_wait3A_1118 : memref<80x128xf32, #tpu.memory_space<vmem>>) dst(%dma_wait3A_1124 : memref<5248x128xf32, #tpu.memory_space<vmem_shared>>)
      } else {
      }
      %dma_start3A_182 = arith.constant 1 : i32
      %dma_start3A_183 = arith.constant 1 : i32
      %dma_start3A_184 = arith.constant 1 : i32
      %dma_start3A_185 = arith.constant 0 : i32
      %dma_start3A_186 = arith.constant 0 : i32
      %dma_start3A_187 = tpu.memref_slice %arg9[%dma_start3A_183, %dma_start3A_185, %dma_start3A_186] : memref<5x80x128xf32, #tpu.memory_space<vmem>> -> memref<1x80x128xf32, #tpu.memory_space<vmem>>
      %dma_start3A_188 = tpu.memref_squeeze %dma_start3A_187 : memref<1x80x128xf32, #tpu.memory_space<vmem>> -> memref<80x128xf32, #tpu.memory_space<vmem>>
      %dma_start3A_189 = arith.constant 0 : i32
      %dma_start3A_190 = tpu.memref_slice %arg6[%select_n3A_153, %dma_start3A_182, %dma_start3A_189] : memref<2x25x80xi32, #tpu.memory_space<vmem>> -> memref<1x1x80xi32, #tpu.memory_space<vmem>>
      %dma_start3A_191 = tpu.memref_squeeze %dma_start3A_190 : memref<1x1x80xi32, #tpu.memory_space<vmem>> -> memref<80xi32, #tpu.memory_space<vmem>>
      %dma_start3A_192 = arith.constant 0 : i32
      %dma_start3A_193 = arith.constant 0 : i32
      %dma_start3A_194 = tpu.memref_slice %arg2[%dma_start3A_192, %dma_start3A_193] : memref<10000x128xf32, #tpu.memory_space<hbm>> -> memref<10000x128xf32, #tpu.memory_space<hbm>>
      %dma_start3A_195 = tpu.memref_slice %arg11[%dma_start3A_184] : memref<5x!tpu.dma_semaphore, #tpu.memory_space<semaphore_mem>> -> memref<1x!tpu.dma_semaphore, #tpu.memory_space<semaphore_mem>>
      %dma_start3A_196 = tpu.memref_squeeze %dma_start3A_195 : memref<1x!tpu.dma_semaphore, #tpu.memory_space<semaphore_mem>> -> memref<!tpu.dma_semaphore, #tpu.memory_space<semaphore_mem>>
      tpu.enqueue_indirect_dma source(%dma_start3A_194 : memref<10000x128xf32, #tpu.memory_space<hbm>>) target(%dma_start3A_188 : memref<80x128xf32, #tpu.memory_space<vmem>>) offsets(%dma_start3A_191 : memref<80xi32, #tpu.memory_space<vmem>>) semaphore(%dma_start3A_196 : memref<!tpu.dma_semaphore, #tpu.memory_space<semaphore_mem>>)
      %gt3A_197 = arith.constant 0 : i32
      %gt3A_198 = arith.cmpi sgt, %scan3A_141, %gt3A_197 : i32
      %convert_element_type3A_199 = arith.extui %gt3A_198 : i1 to i32
      %cond3A_200 = arith.constant 0 : i32
      %cond3A_201 = arith.cmpi ne, %convert_element_type3A_199, %cond3A_200 : i32
      scf.if %cond3A_201 {
        %dma_wait3A_1112 = arith.constant 2 : i32
        %dma_wait3A_1113 = arith.constant 0 : i32
        %dma_wait3A_1114 = arith.constant 2 : i32
        %dma_wait3A_1115 = arith.constant 0 : i32
        %dma_wait3A_1116 = arith.constant 0 : i32
        %dma_wait3A_1117 = tpu.memref_slice %arg9[%dma_wait3A_1112, %dma_wait3A_1115, %dma_wait3A_1116] : memref<5x80x128xf32, #tpu.memory_space<vmem>> -> memref<1x80x128xf32, #tpu.memory_space<vmem>>
        %dma_wait3A_1118 = tpu.memref_squeeze %dma_wait3A_1117 : memref<1x80x128xf32, #tpu.memory_space<vmem>> -> memref<80x128xf32, #tpu.memory_space<vmem>>
        %dma_wait3A_1119 = arith.constant 0 : i32
        %dma_wait3A_1120 = tpu.memref_slice %arg7[%select_n3A_153, %dma_wait3A_1113, %dma_wait3A_1119] : memref<2x25x80xi32, #tpu.memory_space<vmem>> -> memref<1x1x80xi32, #tpu.memory_space<vmem>>
        %dma_wait3A_1121 = tpu.memref_squeeze %dma_wait3A_1120 : memref<1x1x80xi32, #tpu.memory_space<vmem>> -> memref<80xi32, #tpu.memory_space<vmem>>
        %dma_wait3A_1122 = arith.constant 0 : i32
        %dma_wait3A_1123 = arith.constant 0 : i32
        %dma_wait3A_1124 = tpu.memref_slice %arg10[%dma_wait3A_1122, %dma_wait3A_1123] : memref<5248x128xf32, #tpu.memory_space<vmem_shared>> -> memref<5248x128xf32, #tpu.memory_space<vmem_shared>>
        %dma_wait3A_1125 = tpu.memref_slice %arg12[%dma_wait3A_1114] : memref<5x!tpu.dma_semaphore, #tpu.memory_space<semaphore_mem>> -> memref<1x!tpu.dma_semaphore, #tpu.memory_space<semaphore_mem>>
        %dma_wait3A_1126 = tpu.memref_squeeze %dma_wait3A_1125 : memref<1x!tpu.dma_semaphore, #tpu.memory_space<semaphore_mem>> -> memref<!tpu.dma_semaphore, #tpu.memory_space<semaphore_mem>>
        tpu.wait_indirect_dma semaphore(%dma_wait3A_1126 : memref<!tpu.dma_semaphore, #tpu.memory_space<semaphore_mem>>) src(%dma_wait3A_1118 : memref<80x128xf32, #tpu.memory_space<vmem>>) dst(%dma_wait3A_1124 : memref<5248x128xf32, #tpu.memory_space<vmem_shared>>)
      } else {
      }
      %dma_start3A_202 = arith.constant 2 : i32
      %dma_start3A_203 = arith.constant 2 : i32
      %dma_start3A_204 = arith.constant 2 : i32
      %dma_start3A_205 = arith.constant 0 : i32
      %dma_start3A_206 = arith.constant 0 : i32
      %dma_start3A_207 = tpu.memref_slice %arg9[%dma_start3A_203, %dma_start3A_205, %dma_start3A_206] : memref<5x80x128xf32, #tpu.memory_space<vmem>> -> memref<1x80x128xf32, #tpu.memory_space<vmem>>
      %dma_start3A_208 = tpu.memref_squeeze %dma_start3A_207 : memref<1x80x128xf32, #tpu.memory_space<vmem>> -> memref<80x128xf32, #tpu.memory_space<vmem>>
      %dma_start3A_209 = arith.constant 0 : i32
      %dma_start3A_210 = tpu.memref_slice %arg6[%select_n3A_153, %dma_start3A_202, %dma_start3A_209] : memref<2x25x80xi32, #tpu.memory_space<vmem>> -> memref<1x1x80xi32, #tpu.memory_space<vmem>>
      %dma_start3A_211 = tpu.memref_squeeze %dma_start3A_210 : memref<1x1x80xi32, #tpu.memory_space<vmem>> -> memref<80xi32, #tpu.memory_space<vmem>>
      %dma_start3A_212 = arith.constant 0 : i32
      %dma_start3A_213 = arith.constant 0 : i32
      %dma_start3A_214 = tpu.memref_slice %arg2[%dma_start3A_212, %dma_start3A_213] : memref<10000x128xf32, #tpu.memory_space<hbm>> -> memref<10000x128xf32, #tpu.memory_space<hbm>>
      %dma_start3A_215 = tpu.memref_slice %arg11[%dma_start3A_204] : memref<5x!tpu.dma_semaphore, #tpu.memory_space<semaphore_mem>> -> memref<1x!tpu.dma_semaphore, #tpu.memory_space<semaphore_mem>>
      %dma_start3A_216 = tpu.memref_squeeze %dma_start3A_215 : memref<1x!tpu.dma_semaphore, #tpu.memory_space<semaphore_mem>> -> memref<!tpu.dma_semaphore, #tpu.memory_space<semaphore_mem>>
      tpu.enqueue_indirect_dma source(%dma_start3A_214 : memref<10000x128xf32, #tpu.memory_space<hbm>>) target(%dma_start3A_208 : memref<80x128xf32, #tpu.memory_space<vmem>>) offsets(%dma_start3A_211 : memref<80xi32, #tpu.memory_space<vmem>>) semaphore(%dma_start3A_216 : memref<!tpu.dma_semaphore, #tpu.memory_space<semaphore_mem>>)
      %gt3A_217 = arith.constant 0 : i32
      %gt3A_218 = arith.cmpi sgt, %scan3A_141, %gt3A_217 : i32
      %convert_element_type3A_219 = arith.extui %gt3A_218 : i1 to i32
      %cond3A_220 = arith.constant 0 : i32
      %cond3A_221 = arith.cmpi ne, %convert_element_type3A_219, %cond3A_220 : i32
      scf.if %cond3A_221 {
        %dma_wait3A_1112 = arith.constant 3 : i32
        %dma_wait3A_1113 = arith.constant 0 : i32
        %dma_wait3A_1114 = arith.constant 3 : i32
        %dma_wait3A_1115 = arith.constant 0 : i32
        %dma_wait3A_1116 = arith.constant 0 : i32
        %dma_wait3A_1117 = tpu.memref_slice %arg9[%dma_wait3A_1112, %dma_wait3A_1115, %dma_wait3A_1116] : memref<5x80x128xf32, #tpu.memory_space<vmem>> -> memref<1x80x128xf32, #tpu.memory_space<vmem>>
        %dma_wait3A_1118 = tpu.memref_squeeze %dma_wait3A_1117 : memref<1x80x128xf32, #tpu.memory_space<vmem>> -> memref<80x128xf32, #tpu.memory_space<vmem>>
        %dma_wait3A_1119 = arith.constant 0 : i32
        %dma_wait3A_1120 = tpu.memref_slice %arg7[%select_n3A_153, %dma_wait3A_1113, %dma_wait3A_1119] : memref<2x25x80xi32, #tpu.memory_space<vmem>> -> memref<1x1x80xi32, #tpu.memory_space<vmem>>
        %dma_wait3A_1121 = tpu.memref_squeeze %dma_wait3A_1120 : memref<1x1x80xi32, #tpu.memory_space<vmem>> -> memref<80xi32, #tpu.memory_space<vmem>>
        %dma_wait3A_1122 = arith.constant 0 : i32
        %dma_wait3A_1123 = arith.constant 0 : i32
        %dma_wait3A_1124 = tpu.memref_slice %arg10[%dma_wait3A_1122, %dma_wait3A_1123] : memref<5248x128xf32, #tpu.memory_space<vmem_shared>> -> memref<5248x128xf32, #tpu.memory_space<vmem_shared>>
        %dma_wait3A_1125 = tpu.memref_slice %arg12[%dma_wait3A_1114] : memref<5x!tpu.dma_semaphore, #tpu.memory_space<semaphore_mem>> -> memref<1x!tpu.dma_semaphore, #tpu.memory_space<semaphore_mem>>
        %dma_wait3A_1126 = tpu.memref_squeeze %dma_wait3A_1125 : memref<1x!tpu.dma_semaphore, #tpu.memory_space<semaphore_mem>> -> memref<!tpu.dma_semaphore, #tpu.memory_space<semaphore_mem>>
        tpu.wait_indirect_dma semaphore(%dma_wait3A_1126 : memref<!tpu.dma_semaphore, #tpu.memory_space<semaphore_mem>>) src(%dma_wait3A_1118 : memref<80x128xf32, #tpu.memory_space<vmem>>) dst(%dma_wait3A_1124 : memref<5248x128xf32, #tpu.memory_space<vmem_shared>>)
      } else {
      }
      %dma_start3A_222 = arith.constant 3 : i32
      %dma_start3A_223 = arith.constant 3 : i32
      %dma_start3A_224 = arith.constant 3 : i32
      %dma_start3A_225 = arith.constant 0 : i32
      %dma_start3A_226 = arith.constant 0 : i32
      %dma_start3A_227 = tpu.memref_slice %arg9[%dma_start3A_223, %dma_start3A_225, %dma_start3A_226] : memref<5x80x128xf32, #tpu.memory_space<vmem>> -> memref<1x80x128xf32, #tpu.memory_space<vmem>>
      %dma_start3A_228 = tpu.memref_squeeze %dma_start3A_227 : memref<1x80x128xf32, #tpu.memory_space<vmem>> -> memref<80x128xf32, #tpu.memory_space<vmem>>
      %dma_start3A_229 = arith.constant 0 : i32
      %dma_start3A_230 = tpu.memref_slice %arg6[%select_n3A_153, %dma_start3A_222, %dma_start3A_229] : memref<2x25x80xi32, #tpu.memory_space<vmem>> -> memref<1x1x80xi32, #tpu.memory_space<vmem>>
      %dma_start3A_231 = tpu.memref_squeeze %dma_start3A_230 : memref<1x1x80xi32, #tpu.memory_space<vmem>> -> memref<80xi32, #tpu.memory_space<vmem>>
      %dma_start3A_232 = arith.constant 0 : i32
      %dma_start3A_233 = arith.constant 0 : i32
      %dma_start3A_234 = tpu.memref_slice %arg2[%dma_start3A_232, %dma_start3A_233] : memref<10000x128xf32, #tpu.memory_space<hbm>> -> memref<10000x128xf32, #tpu.memory_space<hbm>>
      %dma_start3A_235 = tpu.memref_slice %arg11[%dma_start3A_224] : memref<5x!tpu.dma_semaphore, #tpu.memory_space<semaphore_mem>> -> memref<1x!tpu.dma_semaphore, #tpu.memory_space<semaphore_mem>>
      %dma_start3A_236 = tpu.memref_squeeze %dma_start3A_235 : memref<1x!tpu.dma_semaphore, #tpu.memory_space<semaphore_mem>> -> memref<!tpu.dma_semaphore, #tpu.memory_space<semaphore_mem>>
      tpu.enqueue_indirect_dma source(%dma_start3A_234 : memref<10000x128xf32, #tpu.memory_space<hbm>>) target(%dma_start3A_228 : memref<80x128xf32, #tpu.memory_space<vmem>>) offsets(%dma_start3A_231 : memref<80xi32, #tpu.memory_space<vmem>>) semaphore(%dma_start3A_236 : memref<!tpu.dma_semaphore, #tpu.memory_space<semaphore_mem>>)
      %gt3A_237 = arith.constant 0 : i32
      %gt3A_238 = arith.cmpi sgt, %scan3A_141, %gt3A_237 : i32
      %convert_element_type3A_239 = arith.extui %gt3A_238 : i1 to i32
      %cond3A_240 = arith.constant 0 : i32
      %cond3A_241 = arith.cmpi ne, %convert_element_type3A_239, %cond3A_240 : i32
      scf.if %cond3A_241 {
        %dma_wait3A_1112 = arith.constant 4 : i32
        %dma_wait3A_1113 = arith.constant 0 : i32
        %dma_wait3A_1114 = arith.constant 4 : i32
        %dma_wait3A_1115 = arith.constant 0 : i32
        %dma_wait3A_1116 = arith.constant 0 : i32
        %dma_wait3A_1117 = tpu.memref_slice %arg9[%dma_wait3A_1112, %dma_wait3A_1115, %dma_wait3A_1116] : memref<5x80x128xf32, #tpu.memory_space<vmem>> -> memref<1x80x128xf32, #tpu.memory_space<vmem>>
        %dma_wait3A_1118 = tpu.memref_squeeze %dma_wait3A_1117 : memref<1x80x128xf32, #tpu.memory_space<vmem>> -> memref<80x128xf32, #tpu.memory_space<vmem>>
        %dma_wait3A_1119 = arith.constant 0 : i32
        %dma_wait3A_1120 = tpu.memref_slice %arg7[%select_n3A_153, %dma_wait3A_1113, %dma_wait3A_1119] : memref<2x25x80xi32, #tpu.memory_space<vmem>> -> memref<1x1x80xi32, #tpu.memory_space<vmem>>
        %dma_wait3A_1121 = tpu.memref_squeeze %dma_wait3A_1120 : memref<1x1x80xi32, #tpu.memory_space<vmem>> -> memref<80xi32, #tpu.memory_space<vmem>>
        %dma_wait3A_1122 = arith.constant 0 : i32
        %dma_wait3A_1123 = arith.constant 0 : i32
        %dma_wait3A_1124 = tpu.memref_slice %arg10[%dma_wait3A_1122, %dma_wait3A_1123] : memref<5248x128xf32, #tpu.memory_space<vmem_shared>> -> memref<5248x128xf32, #tpu.memory_space<vmem_shared>>
        %dma_wait3A_1125 = tpu.memref_slice %arg12[%dma_wait3A_1114] : memref<5x!tpu.dma_semaphore, #tpu.memory_space<semaphore_mem>> -> memref<1x!tpu.dma_semaphore, #tpu.memory_space<semaphore_mem>>
        %dma_wait3A_1126 = tpu.memref_squeeze %dma_wait3A_1125 : memref<1x!tpu.dma_semaphore, #tpu.memory_space<semaphore_mem>> -> memref<!tpu.dma_semaphore, #tpu.memory_space<semaphore_mem>>
        tpu.wait_indirect_dma semaphore(%dma_wait3A_1126 : memref<!tpu.dma_semaphore, #tpu.memory_space<semaphore_mem>>) src(%dma_wait3A_1118 : memref<80x128xf32, #tpu.memory_space<vmem>>) dst(%dma_wait3A_1124 : memref<5248x128xf32, #tpu.memory_space<vmem_shared>>)
      } else {
      }
      %dma_start3A_242 = arith.constant 4 : i32
      %dma_start3A_243 = arith.constant 4 : i32
      %dma_start3A_244 = arith.constant 4 : i32
      %dma_start3A_245 = arith.constant 0 : i32
      %dma_start3A_246 = arith.constant 0 : i32
      %dma_start3A_247 = tpu.memref_slice %arg9[%dma_start3A_243, %dma_start3A_245, %dma_start3A_246] : memref<5x80x128xf32, #tpu.memory_space<vmem>> -> memref<1x80x128xf32, #tpu.memory_space<vmem>>
      %dma_start3A_248 = tpu.memref_squeeze %dma_start3A_247 : memref<1x80x128xf32, #tpu.memory_space<vmem>> -> memref<80x128xf32, #tpu.memory_space<vmem>>
      %dma_start3A_249 = arith.constant 0 : i32
      %dma_start3A_250 = tpu.memref_slice %arg6[%select_n3A_153, %dma_start3A_242, %dma_start3A_249] : memref<2x25x80xi32, #tpu.memory_space<vmem>> -> memref<1x1x80xi32, #tpu.memory_space<vmem>>
      %dma_start3A_251 = tpu.memref_squeeze %dma_start3A_250 : memref<1x1x80xi32, #tpu.memory_space<vmem>> -> memref<80xi32, #tpu.memory_space<vmem>>
      %dma_start3A_252 = arith.constant 0 : i32
      %dma_start3A_253 = arith.constant 0 : i32
      %dma_start3A_254 = tpu.memref_slice %arg2[%dma_start3A_252, %dma_start3A_253] : memref<10000x128xf32, #tpu.memory_space<hbm>> -> memref<10000x128xf32, #tpu.memory_space<hbm>>
      %dma_start3A_255 = tpu.memref_slice %arg11[%dma_start3A_244] : memref<5x!tpu.dma_semaphore, #tpu.memory_space<semaphore_mem>> -> memref<1x!tpu.dma_semaphore, #tpu.memory_space<semaphore_mem>>
      %dma_start3A_256 = tpu.memref_squeeze %dma_start3A_255 : memref<1x!tpu.dma_semaphore, #tpu.memory_space<semaphore_mem>> -> memref<!tpu.dma_semaphore, #tpu.memory_space<semaphore_mem>>
      tpu.enqueue_indirect_dma source(%dma_start3A_254 : memref<10000x128xf32, #tpu.memory_space<hbm>>) target(%dma_start3A_248 : memref<80x128xf32, #tpu.memory_space<vmem>>) offsets(%dma_start3A_251 : memref<80xi32, #tpu.memory_space<vmem>>) semaphore(%dma_start3A_256 : memref<!tpu.dma_semaphore, #tpu.memory_space<semaphore_mem>>)
      %dma_wait3A_257 = arith.constant 0 : i32
      %dma_wait3A_258 = arith.constant 0 : i32
      %dma_wait3A_259 = arith.constant 0 : i32
      %dma_wait3A_260 = arith.constant 0 : i32
      %dma_wait3A_261 = arith.constant 0 : i32
      %dma_wait3A_262 = tpu.memref_slice %arg9[%dma_wait3A_258, %dma_wait3A_260, %dma_wait3A_261] : memref<5x80x128xf32, #tpu.memory_space<vmem>> -> memref<1x80x128xf32, #tpu.memory_space<vmem>>
      %dma_wait3A_263 = tpu.memref_squeeze %dma_wait3A_262 : memref<1x80x128xf32, #tpu.memory_space<vmem>> -> memref<80x128xf32, #tpu.memory_space<vmem>>
      %dma_wait3A_264 = arith.constant 0 : i32
      %dma_wait3A_265 = tpu.memref_slice %arg6[%select_n3A_153, %dma_wait3A_257, %dma_wait3A_264] : memref<2x25x80xi32, #tpu.memory_space<vmem>> -> memref<1x1x80xi32, #tpu.memory_space<vmem>>
      %dma_wait3A_266 = tpu.memref_squeeze %dma_wait3A_265 : memref<1x1x80xi32, #tpu.memory_space<vmem>> -> memref<80xi32, #tpu.memory_space<vmem>>
      %dma_wait3A_267 = arith.constant 0 : i32
      %dma_wait3A_268 = arith.constant 0 : i32
      %dma_wait3A_269 = tpu.memref_slice %arg2[%dma_wait3A_267, %dma_wait3A_268] : memref<10000x128xf32, #tpu.memory_space<hbm>> -> memref<10000x128xf32, #tpu.memory_space<hbm>>
      %dma_wait3A_270 = tpu.memref_slice %arg11[%dma_wait3A_259] : memref<5x!tpu.dma_semaphore, #tpu.memory_space<semaphore_mem>> -> memref<1x!tpu.dma_semaphore, #tpu.memory_space<semaphore_mem>>
      %dma_wait3A_271 = tpu.memref_squeeze %dma_wait3A_270 : memref<1x!tpu.dma_semaphore, #tpu.memory_space<semaphore_mem>> -> memref<!tpu.dma_semaphore, #tpu.memory_space<semaphore_mem>>
      tpu.wait_indirect_dma semaphore(%dma_wait3A_271 : memref<!tpu.dma_semaphore, #tpu.memory_space<semaphore_mem>>) src(%dma_wait3A_269 : memref<10000x128xf32, #tpu.memory_space<hbm>>) dst(%dma_wait3A_263 : memref<80x128xf32, #tpu.memory_space<vmem>>)
      %get3A = arith.constant 0 : i32
      %get3A_272 = arith.index_cast %select_n3A_153 : i32 to index
      %get3A_273 = arith.index_cast %get3A : i32 to index
      %get3A_274 = arith.constant 0 : index
      %get3A_275 = tpu.vector_load %arg7[%get3A_272, %get3A_273, %get3A_274] {strides = array<i32>} : memref<2x25x80xi32, #tpu.memory_space<vmem>>, vector<1x1x16xi32>,
      %get3A_276 = vector.shape_cast %get3A_275 : vector<1x1x16xi32> to vector<16xi32>
      %sub3A_277 = vector.broadcast %mul3A_0 : i32 to vector<16xi32>
      %sub3A_278 = arith.subi %get3A_276, %sub3A_277 : vector<16xi32>
      %ge3A = arith.constant 0 : i32
      %ge3A_279 = vector.broadcast %ge3A : i32 to vector<16xi32>
      %ge3A_280 = arith.cmpi sge, %sub3A_278, %ge3A_279 : vector<16xi32>
      %lt3A_281 = vector.broadcast %sub3A_3 : i32 to vector<16xi32>
      %lt3A_282 = arith.cmpi slt, %sub3A_278, %lt3A_281 : vector<16xi32>
      %and3A_283 = arith.andi %ge3A_280, %lt3A_282 : vector<16xi1>
      %broadcast_in_dim3A_284 = vector.broadcast %add3A_6 : i32 to vector<16xi32>
      %select_n3A_285 = arith.select %and3A_283, %sub3A_278, %broadcast_in_dim3A_284 : vector<16xi1>, vector<16xi32>
      %swap3A = arith.constant 0 : i32
      %swap3A_286 = arith.index_cast %select_n3A_153 : i32 to index
      %swap3A_287 = arith.index_cast %swap3A : i32 to index
      %swap3A_288 = arith.constant 0 : index
      %swap3A_289 = tpu.vector_load %arg7[%swap3A_286, %swap3A_287, %swap3A_288] {strides = array<i32>} : memref<2x25x80xi32, #tpu.memory_space<vmem>>, vector<1x1x16xi32>,
      %swap3A_290 = vector.shape_cast %swap3A_289 : vector<1x1x16xi32> to vector<16xi32>
      %swap3A_291 = vector.shape_cast %select_n3A_285 : vector<16xi32> to vector<1x1x16xi32>
      tpu.vector_store %arg7[%swap3A_286, %swap3A_287, %swap3A_288], %swap3A_291 {strides = array<i32>} : memref<2x25x80xi32, #tpu.memory_space<vmem>>, vector<1x1x16xi32>,
      %get3A_292 = arith.constant 0 : i32
      %get3A_293 = arith.index_cast %select_n3A_153 : i32 to index
      %get3A_294 = arith.index_cast %get3A_292 : i32 to index
      %get3A_295 = arith.constant 16 : index
      %get3A_296 = tpu.vector_load %arg7[%get3A_293, %get3A_294, %get3A_295] {strides = array<i32>} : memref<2x25x80xi32, #tpu.memory_space<vmem>>, vector<1x1x16xi32>,
      %get3A_297 = vector.shape_cast %get3A_296 : vector<1x1x16xi32> to vector<16xi32>
      %sub3A_298 = vector.broadcast %mul3A_0 : i32 to vector<16xi32>
      %sub3A_299 = arith.subi %get3A_297, %sub3A_298 : vector<16xi32>
      %ge3A_300 = arith.constant 0 : i32
      %ge3A_301 = vector.broadcast %ge3A_300 : i32 to vector<16xi32>
      %ge3A_302 = arith.cmpi sge, %sub3A_299, %ge3A_301 : vector<16xi32>
      %lt3A_303 = vector.broadcast %sub3A_3 : i32 to vector<16xi32>
      %lt3A_304 = arith.cmpi slt, %sub3A_299, %lt3A_303 : vector<16xi32>
      %and3A_305 = arith.andi %ge3A_302, %lt3A_304 : vector<16xi1>
      %broadcast_in_dim3A_306 = vector.broadcast %add3A_6 : i32 to vector<16xi32>
      %select_n3A_307 = arith.select %and3A_305, %sub3A_299, %broadcast_in_dim3A_306 : vector<16xi1>, vector<16xi32>
      %swap3A_308 = arith.constant 0 : i32
      %swap3A_309 = arith.index_cast %select_n3A_153 : i32 to index
      %swap3A_310 = arith.index_cast %swap3A_308 : i32 to index
      %swap3A_311 = arith.constant 16 : index
      %swap3A_312 = tpu.vector_load %arg7[%swap3A_309, %swap3A_310, %swap3A_311] {strides = array<i32>} : memref<2x25x80xi32, #tpu.memory_space<vmem>>, vector<1x1x16xi32>,
      %swap3A_313 = vector.shape_cast %swap3A_312 : vector<1x1x16xi32> to vector<16xi32>
      %swap3A_314 = vector.shape_cast %select_n3A_307 : vector<16xi32> to vector<1x1x16xi32>
      tpu.vector_store %arg7[%swap3A_309, %swap3A_310, %swap3A_311], %swap3A_314 {strides = array<i32>} : memref<2x25x80xi32, #tpu.memory_space<vmem>>, vector<1x1x16xi32>,
      %get3A_315 = arith.constant 0 : i32
      %get3A_316 = arith.index_cast %select_n3A_153 : i32 to index
      %get3A_317 = arith.index_cast %get3A_315 : i32 to index
      %get3A_318 = arith.constant 32 : index
      %get3A_319 = tpu.vector_load %arg7[%get3A_316, %get3A_317, %get3A_318] {strides = array<i32>} : memref<2x25x80xi32, #tpu.memory_space<vmem>>, vector<1x1x16xi32>,
      %get3A_320 = vector.shape_cast %get3A_319 : vector<1x1x16xi32> to vector<16xi32>
      %sub3A_321 = vector.broadcast %mul3A_0 : i32 to vector<16xi32>
      %sub3A_322 = arith.subi %get3A_320, %sub3A_321 : vector<16xi32>
      %ge3A_323 = arith.constant 0 : i32
      %ge3A_324 = vector.broadcast %ge3A_323 : i32 to vector<16xi32>
      %ge3A_325 = arith.cmpi sge, %sub3A_322, %ge3A_324 : vector<16xi32>
      %lt3A_326 = vector.broadcast %sub3A_3 : i32 to vector<16xi32>
      %lt3A_327 = arith.cmpi slt, %sub3A_322, %lt3A_326 : vector<16xi32>
      %and3A_328 = arith.andi %ge3A_325, %lt3A_327 : vector<16xi1>
      %broadcast_in_dim3A_329 = vector.broadcast %add3A_6 : i32 to vector<16xi32>
      %select_n3A_330 = arith.select %and3A_328, %sub3A_322, %broadcast_in_dim3A_329 : vector<16xi1>, vector<16xi32>
      %swap3A_331 = arith.constant 0 : i32
      %swap3A_332 = arith.index_cast %select_n3A_153 : i32 to index
      %swap3A_333 = arith.index_cast %swap3A_331 : i32 to index
      %swap3A_334 = arith.constant 32 : index
      %swap3A_335 = tpu.vector_load %arg7[%swap3A_332, %swap3A_333, %swap3A_334] {strides = array<i32>} : memref<2x25x80xi32, #tpu.memory_space<vmem>>, vector<1x1x16xi32>,
      %swap3A_336 = vector.shape_cast %swap3A_335 : vector<1x1x16xi32> to vector<16xi32>
      %swap3A_337 = vector.shape_cast %select_n3A_330 : vector<16xi32> to vector<1x1x16xi32>
      tpu.vector_store %arg7[%swap3A_332, %swap3A_333, %swap3A_334], %swap3A_337 {strides = array<i32>} : memref<2x25x80xi32, #tpu.memory_space<vmem>>, vector<1x1x16xi32>,
      %get3A_338 = arith.constant 0 : i32
      %get3A_339 = arith.index_cast %select_n3A_153 : i32 to index
      %get3A_340 = arith.index_cast %get3A_338 : i32 to index
      %get3A_341 = arith.constant 48 : index
      %get3A_342 = tpu.vector_load %arg7[%get3A_339, %get3A_340, %get3A_341] {strides = array<i32>} : memref<2x25x80xi32, #tpu.memory_space<vmem>>, vector<1x1x16xi32>,
      %get3A_343 = vector.shape_cast %get3A_342 : vector<1x1x16xi32> to vector<16xi32>
      %sub3A_344 = vector.broadcast %mul3A_0 : i32 to vector<16xi32>
      %sub3A_345 = arith.subi %get3A_343, %sub3A_344 : vector<16xi32>
      %ge3A_346 = arith.constant 0 : i32
      %ge3A_347 = vector.broadcast %ge3A_346 : i32 to vector<16xi32>
      %ge3A_348 = arith.cmpi sge, %sub3A_345, %ge3A_347 : vector<16xi32>
      %lt3A_349 = vector.broadcast %sub3A_3 : i32 to vector<16xi32>
      %lt3A_350 = arith.cmpi slt, %sub3A_345, %lt3A_349 : vector<16xi32>
      %and3A_351 = arith.andi %ge3A_348, %lt3A_350 : vector<16xi1>
      %broadcast_in_dim3A_352 = vector.broadcast %add3A_6 : i32 to vector<16xi32>
      %select_n3A_353 = arith.select %and3A_351, %sub3A_345, %broadcast_in_dim3A_352 : vector<16xi1>, vector<16xi32>
      %swap3A_354 = arith.constant 0 : i32
      %swap3A_355 = arith.index_cast %select_n3A_153 : i32 to index
      %swap3A_356 = arith.index_cast %swap3A_354 : i32 to index
      %swap3A_357 = arith.constant 48 : index
      %swap3A_358 = tpu.vector_load %arg7[%swap3A_355, %swap3A_356, %swap3A_357] {strides = array<i32>} : memref<2x25x80xi32, #tpu.memory_space<vmem>>, vector<1x1x16xi32>,
      %swap3A_359 = vector.shape_cast %swap3A_358 : vector<1x1x16xi32> to vector<16xi32>
      %swap3A_360 = vector.shape_cast %select_n3A_353 : vector<16xi32> to vector<1x1x16xi32>
      tpu.vector_store %arg7[%swap3A_355, %swap3A_356, %swap3A_357], %swap3A_360 {strides = array<i32>} : memref<2x25x80xi32, #tpu.memory_space<vmem>>, vector<1x1x16xi32>,
      %get3A_361 = arith.constant 0 : i32
      %get3A_362 = arith.index_cast %select_n3A_153 : i32 to index
      %get3A_363 = arith.index_cast %get3A_361 : i32 to index
      %get3A_364 = arith.constant 64 : index
      %get3A_365 = tpu.vector_load %arg7[%get3A_362, %get3A_363, %get3A_364] {strides = array<i32>} : memref<2x25x80xi32, #tpu.memory_space<vmem>>, vector<1x1x16xi32>,
      %get3A_366 = vector.shape_cast %get3A_365 : vector<1x1x16xi32> to vector<16xi32>
      %sub3A_367 = vector.broadcast %mul3A_0 : i32 to vector<16xi32>
      %sub3A_368 = arith.subi %get3A_366, %sub3A_367 : vector<16xi32>
      %ge3A_369 = arith.constant 0 : i32
      %ge3A_370 = vector.broadcast %ge3A_369 : i32 to vector<16xi32>
      %ge3A_371 = arith.cmpi sge, %sub3A_368, %ge3A_370 : vector<16xi32>
      %lt3A_372 = vector.broadcast %sub3A_3 : i32 to vector<16xi32>
      %lt3A_373 = arith.cmpi slt, %sub3A_368, %lt3A_372 : vector<16xi32>
      %and3A_374 = arith.andi %ge3A_371, %lt3A_373 : vector<16xi1>
      %broadcast_in_dim3A_375 = vector.broadcast %add3A_6 : i32 to vector<16xi32>
      %select_n3A_376 = arith.select %and3A_374, %sub3A_368, %broadcast_in_dim3A_375 : vector<16xi1>, vector<16xi32>
      %swap3A_377 = arith.constant 0 : i32
      %swap3A_378 = arith.index_cast %select_n3A_153 : i32 to index
      %swap3A_379 = arith.index_cast %swap3A_377 : i32 to index
      %swap3A_380 = arith.constant 64 : index
      %swap3A_381 = tpu.vector_load %arg7[%swap3A_378, %swap3A_379, %swap3A_380] {strides = array<i32>} : memref<2x25x80xi32, #tpu.memory_space<vmem>>, vector<1x1x16xi32>,
      %swap3A_382 = vector.shape_cast %swap3A_381 : vector<1x1x16xi32> to vector<16xi32>
      %swap3A_383 = vector.shape_cast %select_n3A_376 : vector<16xi32> to vector<1x1x16xi32>
      tpu.vector_store %arg7[%swap3A_378, %swap3A_379, %swap3A_380], %swap3A_383 {strides = array<i32>} : memref<2x25x80xi32, #tpu.memory_space<vmem>>, vector<1x1x16xi32>,
      %dma_start3A_384 = arith.constant 0 : i32
      %dma_start3A_385 = arith.constant 0 : i32
      %dma_start3A_386 = arith.constant 0 : i32
      %dma_start3A_387 = arith.constant 0 : i32
      %dma_start3A_388 = arith.constant 0 : i32
      %dma_start3A_389 = tpu.memref_slice %arg9[%dma_start3A_384, %dma_start3A_387, %dma_start3A_388] : memref<5x80x128xf32, #tpu.memory_space<vmem>> -> memref<1x80x128xf32, #tpu.memory_space<vmem>>
      %dma_start3A_390 = tpu.memref_squeeze %dma_start3A_389 : memref<1x80x128xf32, #tpu.memory_space<vmem>> -> memref<80x128xf32, #tpu.memory_space<vmem>>
      %dma_start3A_391 = arith.constant 0 : i32
      %dma_start3A_392 = tpu.memref_slice %arg7[%select_n3A_153, %dma_start3A_385, %dma_start3A_391] : memref<2x25x80xi32, #tpu.memory_space<vmem>> -> memref<1x1x80xi32, #tpu.memory_space<vmem>>
      %dma_start3A_393 = tpu.memref_squeeze %dma_start3A_392 : memref<1x1x80xi32, #tpu.memory_space<vmem>> -> memref<80xi32, #tpu.memory_space<vmem>>
      %dma_start3A_394 = arith.constant 0 : i32
      %dma_start3A_395 = arith.constant 0 : i32
      %dma_start3A_396 = tpu.memref_slice %arg10[%dma_start3A_394, %dma_start3A_395] : memref<5248x128xf32, #tpu.memory_space<vmem_shared>> -> memref<5248x128xf32, #tpu.memory_space<vmem_shared>>
      %dma_start3A_397 = tpu.memref_slice %arg12[%dma_start3A_386] : memref<5x!tpu.dma_semaphore, #tpu.memory_space<semaphore_mem>> -> memref<1x!tpu.dma_semaphore, #tpu.memory_space<semaphore_mem>>
      %dma_start3A_398 = tpu.memref_squeeze %dma_start3A_397 : memref<1x!tpu.dma_semaphore, #tpu.memory_space<semaphore_mem>> -> memref<!tpu.dma_semaphore, #tpu.memory_space<semaphore_mem>>
      tpu.enqueue_indirect_dma source(%dma_start3A_390 : memref<80x128xf32, #tpu.memory_space<vmem>>) target(%dma_start3A_396 : memref<5248x128xf32, #tpu.memory_space<vmem_shared>>) offsets(%dma_start3A_393 : memref<80xi32, #tpu.memory_space<vmem>>) semaphore(%dma_start3A_398 : memref<!tpu.dma_semaphore, #tpu.memory_space<semaphore_mem>>) {add = true}
      %dma_wait3A_399 = arith.constant 1 : i32
      %dma_wait3A_400 = arith.constant 1 : i32
      %dma_wait3A_401 = arith.constant 1 : i32
      %dma_wait3A_402 = arith.constant 0 : i32
      %dma_wait3A_403 = arith.constant 0 : i32
      %dma_wait3A_404 = tpu.memref_slice %arg9[%dma_wait3A_400, %dma_wait3A_402, %dma_wait3A_403] : memref<5x80x128xf32, #tpu.memory_space<vmem>> -> memref<1x80x128xf32, #tpu.memory_space<vmem>>
      %dma_wait3A_405 = tpu.memref_squeeze %dma_wait3A_404 : memref<1x80x128xf32, #tpu.memory_space<vmem>> -> memref<80x128xf32, #tpu.memory_space<vmem>>
      %dma_wait3A_406 = arith.constant 0 : i32
      %dma_wait3A_407 = tpu.memref_slice %arg6[%select_n3A_153, %dma_wait3A_399, %dma_wait3A_406] : memref<2x25x80xi32, #tpu.memory_space<vmem>> -> memref<1x1x80xi32, #tpu.memory_space<vmem>>
      %dma_wait3A_408 = tpu.memref_squeeze %dma_wait3A_407 : memref<1x1x80xi32, #tpu.memory_space<vmem>> -> memref<80xi32, #tpu.memory_space<vmem>>
      %dma_wait3A_409 = arith.constant 0 : i32
      %dma_wait3A_410 = arith.constant 0 : i32
      %dma_wait3A_411 = tpu.memref_slice %arg2[%dma_wait3A_409, %dma_wait3A_410] : memref<10000x128xf32, #tpu.memory_space<hbm>> -> memref<10000x128xf32, #tpu.memory_space<hbm>>
      %dma_wait3A_412 = tpu.memref_slice %arg11[%dma_wait3A_401] : memref<5x!tpu.dma_semaphore, #tpu.memory_space<semaphore_mem>> -> memref<1x!tpu.dma_semaphore, #tpu.memory_space<semaphore_mem>>
      %dma_wait3A_413 = tpu.memref_squeeze %dma_wait3A_412 : memref<1x!tpu.dma_semaphore, #tpu.memory_space<semaphore_mem>> -> memref<!tpu.dma_semaphore, #tpu.memory_space<semaphore_mem>>
      tpu.wait_indirect_dma semaphore(%dma_wait3A_413 : memref<!tpu.dma_semaphore, #tpu.memory_space<semaphore_mem>>) src(%dma_wait3A_411 : memref<10000x128xf32, #tpu.memory_space<hbm>>) dst(%dma_wait3A_405 : memref<80x128xf32, #tpu.memory_space<vmem>>)
      %get3A_414 = arith.constant 1 : i32
      %get3A_415 = arith.index_cast %select_n3A_153 : i32 to index
      %get3A_416 = arith.index_cast %get3A_414 : i32 to index
      %get3A_417 = arith.constant 0 : index
      %get3A_418 = tpu.vector_load %arg7[%get3A_415, %get3A_416, %get3A_417] {strides = array<i32>} : memref<2x25x80xi32, #tpu.memory_space<vmem>>, vector<1x1x16xi32>,
      %get3A_419 = vector.shape_cast %get3A_418 : vector<1x1x16xi32> to vector<16xi32>
      %sub3A_420 = vector.broadcast %mul3A_0 : i32 to vector<16xi32>
      %sub3A_421 = arith.subi %get3A_419, %sub3A_420 : vector<16xi32>
      %ge3A_422 = arith.constant 0 : i32
      %ge3A_423 = vector.broadcast %ge3A_422 : i32 to vector<16xi32>
      %ge3A_424 = arith.cmpi sge, %sub3A_421, %ge3A_423 : vector<16xi32>
      %lt3A_425 = vector.broadcast %sub3A_3 : i32 to vector<16xi32>
      %lt3A_426 = arith.cmpi slt, %sub3A_421, %lt3A_425 : vector<16xi32>
      %and3A_427 = arith.andi %ge3A_424, %lt3A_426 : vector<16xi1>
      %broadcast_in_dim3A_428 = vector.broadcast %add3A_6 : i32 to vector<16xi32>
      %select_n3A_429 = arith.select %and3A_427, %sub3A_421, %broadcast_in_dim3A_428 : vector<16xi1>, vector<16xi32>
      %swap3A_430 = arith.constant 1 : i32
      %swap3A_431 = arith.index_cast %select_n3A_153 : i32 to index
      %swap3A_432 = arith.index_cast %swap3A_430 : i32 to index
      %swap3A_433 = arith.constant 0 : index
      %swap3A_434 = tpu.vector_load %arg7[%swap3A_431, %swap3A_432, %swap3A_433] {strides = array<i32>} : memref<2x25x80xi32, #tpu.memory_space<vmem>>, vector<1x1x16xi32>,
      %swap3A_435 = vector.shape_cast %swap3A_434 : vector<1x1x16xi32> to vector<16xi32>
      %swap3A_436 = vector.shape_cast %select_n3A_429 : vector<16xi32> to vector<1x1x16xi32>
      tpu.vector_store %arg7[%swap3A_431, %swap3A_432, %swap3A_433], %swap3A_436 {strides = array<i32>} : memref<2x25x80xi32, #tpu.memory_space<vmem>>, vector<1x1x16xi32>,
      %get3A_437 = arith.constant 1 : i32
      %get3A_438 = arith.index_cast %select_n3A_153 : i32 to index
      %get3A_439 = arith.index_cast %get3A_437 : i32 to index
      %get3A_440 = arith.constant 16 : index
      %get3A_441 = tpu.vector_load %arg7[%get3A_438, %get3A_439, %get3A_440] {strides = array<i32>} : memref<2x25x80xi32, #tpu.memory_space<vmem>>, vector<1x1x16xi32>,
      %get3A_442 = vector.shape_cast %get3A_441 : vector<1x1x16xi32> to vector<16xi32>
      %sub3A_443 = vector.broadcast %mul3A_0 : i32 to vector<16xi32>
      %sub3A_444 = arith.subi %get3A_442, %sub3A_443 : vector<16xi32>
      %ge3A_445 = arith.constant 0 : i32
      %ge3A_446 = vector.broadcast %ge3A_445 : i32 to vector<16xi32>
      %ge3A_447 = arith.cmpi sge, %sub3A_444, %ge3A_446 : vector<16xi32>
      %lt3A_448 = vector.broadcast %sub3A_3 : i32 to vector<16xi32>
      %lt3A_449 = arith.cmpi slt, %sub3A_444, %lt3A_448 : vector<16xi32>
      %and3A_450 = arith.andi %ge3A_447, %lt3A_449 : vector<16xi1>
      %broadcast_in_dim3A_451 = vector.broadcast %add3A_6 : i32 to vector<16xi32>
      %select_n3A_452 = arith.select %and3A_450, %sub3A_444, %broadcast_in_dim3A_451 : vector<16xi1>, vector<16xi32>
      %swap3A_453 = arith.constant 1 : i32
      %swap3A_454 = arith.index_cast %select_n3A_153 : i32 to index
      %swap3A_455 = arith.index_cast %swap3A_453 : i32 to index
      %swap3A_456 = arith.constant 16 : index
      %swap3A_457 = tpu.vector_load %arg7[%swap3A_454, %swap3A_455, %swap3A_456] {strides = array<i32>} : memref<2x25x80xi32, #tpu.memory_space<vmem>>, vector<1x1x16xi32>,
      %swap3A_458 = vector.shape_cast %swap3A_457 : vector<1x1x16xi32> to vector<16xi32>
      %swap3A_459 = vector.shape_cast %select_n3A_452 : vector<16xi32> to vector<1x1x16xi32>
      tpu.vector_store %arg7[%swap3A_454, %swap3A_455, %swap3A_456], %swap3A_459 {strides = array<i32>} : memref<2x25x80xi32, #tpu.memory_space<vmem>>, vector<1x1x16xi32>,
      %get3A_460 = arith.constant 1 : i32
      %get3A_461 = arith.index_cast %select_n3A_153 : i32 to index
      %get3A_462 = arith.index_cast %get3A_460 : i32 to index
      %get3A_463 = arith.constant 32 : index
      %get3A_464 = tpu.vector_load %arg7[%get3A_461, %get3A_462, %get3A_463] {strides = array<i32>} : memref<2x25x80xi32, #tpu.memory_space<vmem>>, vector<1x1x16xi32>,
      %get3A_465 = vector.shape_cast %get3A_464 : vector<1x1x16xi32> to vector<16xi32>
      %sub3A_466 = vector.broadcast %mul3A_0 : i32 to vector<16xi32>
      %sub3A_467 = arith.subi %get3A_465, %sub3A_466 : vector<16xi32>
      %ge3A_468 = arith.constant 0 : i32
      %ge3A_469 = vector.broadcast %ge3A_468 : i32 to vector<16xi32>
      %ge3A_470 = arith.cmpi sge, %sub3A_467, %ge3A_469 : vector<16xi32>
      %lt3A_471 = vector.broadcast %sub3A_3 : i32 to vector<16xi32>
      %lt3A_472 = arith.cmpi slt, %sub3A_467, %lt3A_471 : vector<16xi32>
      %and3A_473 = arith.andi %ge3A_470, %lt3A_472 : vector<16xi1>
      %broadcast_in_dim3A_474 = vector.broadcast %add3A_6 : i32 to vector<16xi32>
      %select_n3A_475 = arith.select %and3A_473, %sub3A_467, %broadcast_in_dim3A_474 : vector<16xi1>, vector<16xi32>
      %swap3A_476 = arith.constant 1 : i32
      %swap3A_477 = arith.index_cast %select_n3A_153 : i32 to index
      %swap3A_478 = arith.index_cast %swap3A_476 : i32 to index
      %swap3A_479 = arith.constant 32 : index
      %swap3A_480 = tpu.vector_load %arg7[%swap3A_477, %swap3A_478, %swap3A_479] {strides = array<i32>} : memref<2x25x80xi32, #tpu.memory_space<vmem>>, vector<1x1x16xi32>,
      %swap3A_481 = vector.shape_cast %swap3A_480 : vector<1x1x16xi32> to vector<16xi32>
      %swap3A_482 = vector.shape_cast %select_n3A_475 : vector<16xi32> to vector<1x1x16xi32>
      tpu.vector_store %arg7[%swap3A_477, %swap3A_478, %swap3A_479], %swap3A_482 {strides = array<i32>} : memref<2x25x80xi32, #tpu.memory_space<vmem>>, vector<1x1x16xi32>,
      %get3A_483 = arith.constant 1 : i32
      %get3A_484 = arith.index_cast %select_n3A_153 : i32 to index
      %get3A_485 = arith.index_cast %get3A_483 : i32 to index
      %get3A_486 = arith.constant 48 : index
      %get3A_487 = tpu.vector_load %arg7[%get3A_484, %get3A_485, %get3A_486] {strides = array<i32>} : memref<2x25x80xi32, #tpu.memory_space<vmem>>, vector<1x1x16xi32>,
      %get3A_488 = vector.shape_cast %get3A_487 : vector<1x1x16xi32> to vector<16xi32>
      %sub3A_489 = vector.broadcast %mul3A_0 : i32 to vector<16xi32>
      %sub3A_490 = arith.subi %get3A_488, %sub3A_489 : vector<16xi32>
      %ge3A_491 = arith.constant 0 : i32
      %ge3A_492 = vector.broadcast %ge3A_491 : i32 to vector<16xi32>
      %ge3A_493 = arith.cmpi sge, %sub3A_490, %ge3A_492 : vector<16xi32>
      %lt3A_494 = vector.broadcast %sub3A_3 : i32 to vector<16xi32>
      %lt3A_495 = arith.cmpi slt, %sub3A_490, %lt3A_494 : vector<16xi32>
      %and3A_496 = arith.andi %ge3A_493, %lt3A_495 : vector<16xi1>
      %broadcast_in_dim3A_497 = vector.broadcast %add3A_6 : i32 to vector<16xi32>
      %select_n3A_498 = arith.select %and3A_496, %sub3A_490, %broadcast_in_dim3A_497 : vector<16xi1>, vector<16xi32>
      %swap3A_499 = arith.constant 1 : i32
      %swap3A_500 = arith.index_cast %select_n3A_153 : i32 to index
      %swap3A_501 = arith.index_cast %swap3A_499 : i32 to index
      %swap3A_502 = arith.constant 48 : index
      %swap3A_503 = tpu.vector_load %arg7[%swap3A_500, %swap3A_501, %swap3A_502] {strides = array<i32>} : memref<2x25x80xi32, #tpu.memory_space<vmem>>, vector<1x1x16xi32>,
      %swap3A_504 = vector.shape_cast %swap3A_503 : vector<1x1x16xi32> to vector<16xi32>
      %swap3A_505 = vector.shape_cast %select_n3A_498 : vector<16xi32> to vector<1x1x16xi32>
      tpu.vector_store %arg7[%swap3A_500, %swap3A_501, %swap3A_502], %swap3A_505 {strides = array<i32>} : memref<2x25x80xi32, #tpu.memory_space<vmem>>, vector<1x1x16xi32>,
      %get3A_506 = arith.constant 1 : i32
      %get3A_507 = arith.index_cast %select_n3A_153 : i32 to index
      %get3A_508 = arith.index_cast %get3A_506 : i32 to index
      %get3A_509 = arith.constant 64 : index
      %get3A_510 = tpu.vector_load %arg7[%get3A_507, %get3A_508, %get3A_509] {strides = array<i32>} : memref<2x25x80xi32, #tpu.memory_space<vmem>>, vector<1x1x16xi32>,
      %get3A_511 = vector.shape_cast %get3A_510 : vector<1x1x16xi32> to vector<16xi32>
      %sub3A_512 = vector.broadcast %mul3A_0 : i32 to vector<16xi32>
      %sub3A_513 = arith.subi %get3A_511, %sub3A_512 : vector<16xi32>
      %ge3A_514 = arith.constant 0 : i32
      %ge3A_515 = vector.broadcast %ge3A_514 : i32 to vector<16xi32>
      %ge3A_516 = arith.cmpi sge, %sub3A_513, %ge3A_515 : vector<16xi32>
      %lt3A_517 = vector.broadcast %sub3A_3 : i32 to vector<16xi32>
      %lt3A_518 = arith.cmpi slt, %sub3A_513, %lt3A_517 : vector<16xi32>
      %and3A_519 = arith.andi %ge3A_516, %lt3A_518 : vector<16xi1>
      %broadcast_in_dim3A_520 = vector.broadcast %add3A_6 : i32 to vector<16xi32>
      %select_n3A_521 = arith.select %and3A_519, %sub3A_513, %broadcast_in_dim3A_520 : vector<16xi1>, vector<16xi32>
      %swap3A_522 = arith.constant 1 : i32
      %swap3A_523 = arith.index_cast %select_n3A_153 : i32 to index
      %swap3A_524 = arith.index_cast %swap3A_522 : i32 to index
      %swap3A_525 = arith.constant 64 : index
      %swap3A_526 = tpu.vector_load %arg7[%swap3A_523, %swap3A_524, %swap3A_525] {strides = array<i32>} : memref<2x25x80xi32, #tpu.memory_space<vmem>>, vector<1x1x16xi32>,
      %swap3A_527 = vector.shape_cast %swap3A_526 : vector<1x1x16xi32> to vector<16xi32>
      %swap3A_528 = vector.shape_cast %select_n3A_521 : vector<16xi32> to vector<1x1x16xi32>
      tpu.vector_store %arg7[%swap3A_523, %swap3A_524, %swap3A_525], %swap3A_528 {strides = array<i32>} : memref<2x25x80xi32, #tpu.memory_space<vmem>>, vector<1x1x16xi32>,
      %dma_start3A_529 = arith.constant 1 : i32
      %dma_start3A_530 = arith.constant 1 : i32
      %dma_start3A_531 = arith.constant 1 : i32
      %dma_start3A_532 = arith.constant 0 : i32
      %dma_start3A_533 = arith.constant 0 : i32
      %dma_start3A_534 = tpu.memref_slice %arg9[%dma_start3A_529, %dma_start3A_532, %dma_start3A_533] : memref<5x80x128xf32, #tpu.memory_space<vmem>> -> memref<1x80x128xf32, #tpu.memory_space<vmem>>
      %dma_start3A_535 = tpu.memref_squeeze %dma_start3A_534 : memref<1x80x128xf32, #tpu.memory_space<vmem>> -> memref<80x128xf32, #tpu.memory_space<vmem>>
      %dma_start3A_536 = arith.constant 0 : i32
      %dma_start3A_537 = tpu.memref_slice %arg7[%select_n3A_153, %dma_start3A_530, %dma_start3A_536] : memref<2x25x80xi32, #tpu.memory_space<vmem>> -> memref<1x1x80xi32, #tpu.memory_space<vmem>>
      %dma_start3A_538 = tpu.memref_squeeze %dma_start3A_537 : memref<1x1x80xi32, #tpu.memory_space<vmem>> -> memref<80xi32, #tpu.memory_space<vmem>>
      %dma_start3A_539 = arith.constant 0 : i32
      %dma_start3A_540 = arith.constant 0 : i32
      %dma_start3A_541 = tpu.memref_slice %arg10[%dma_start3A_539, %dma_start3A_540] : memref<5248x128xf32, #tpu.memory_space<vmem_shared>> -> memref<5248x128xf32, #tpu.memory_space<vmem_shared>>
      %dma_start3A_542 = tpu.memref_slice %arg12[%dma_start3A_531] : memref<5x!tpu.dma_semaphore, #tpu.memory_space<semaphore_mem>> -> memref<1x!tpu.dma_semaphore, #tpu.memory_space<semaphore_mem>>
      %dma_start3A_543 = tpu.memref_squeeze %dma_start3A_542 : memref<1x!tpu.dma_semaphore, #tpu.memory_space<semaphore_mem>> -> memref<!tpu.dma_semaphore, #tpu.memory_space<semaphore_mem>>
      tpu.enqueue_indirect_dma source(%dma_start3A_535 : memref<80x128xf32, #tpu.memory_space<vmem>>) target(%dma_start3A_541 : memref<5248x128xf32, #tpu.memory_space<vmem_shared>>) offsets(%dma_start3A_538 : memref<80xi32, #tpu.memory_space<vmem>>) semaphore(%dma_start3A_543 : memref<!tpu.dma_semaphore, #tpu.memory_space<semaphore_mem>>) {add = true}
      %dma_wait3A_544 = arith.constant 0 : i32
      %dma_wait3A_545 = arith.constant 0 : i32
      %dma_wait3A_546 = arith.constant 0 : i32
      %dma_wait3A_547 = arith.constant 0 : i32
      %dma_wait3A_548 = arith.constant 0 : i32
      %dma_wait3A_549 = tpu.memref_slice %arg9[%dma_wait3A_544, %dma_wait3A_547, %dma_wait3A_548] : memref<5x80x128xf32, #tpu.memory_space<vmem>> -> memref<1x80x128xf32, #tpu.memory_space<vmem>>
      %dma_wait3A_550 = tpu.memref_squeeze %dma_wait3A_549 : memref<1x80x128xf32, #tpu.memory_space<vmem>> -> memref<80x128xf32, #tpu.memory_space<vmem>>
      %dma_wait3A_551 = arith.constant 0 : i32
      %dma_wait3A_552 = tpu.memref_slice %arg7[%select_n3A_153, %dma_wait3A_545, %dma_wait3A_551] : memref<2x25x80xi32, #tpu.memory_space<vmem>> -> memref<1x1x80xi32, #tpu.memory_space<vmem>>
      %dma_wait3A_553 = tpu.memref_squeeze %dma_wait3A_552 : memref<1x1x80xi32, #tpu.memory_space<vmem>> -> memref<80xi32, #tpu.memory_space<vmem>>
      %dma_wait3A_554 = arith.constant 0 : i32
      %dma_wait3A_555 = arith.constant 0 : i32
      %dma_wait3A_556 = tpu.memref_slice %arg10[%dma_wait3A_554, %dma_wait3A_555] : memref<5248x128xf32, #tpu.memory_space<vmem_shared>> -> memref<5248x128xf32, #tpu.memory_space<vmem_shared>>
      %dma_wait3A_557 = tpu.memref_slice %arg12[%dma_wait3A_546] : memref<5x!tpu.dma_semaphore, #tpu.memory_space<semaphore_mem>> -> memref<1x!tpu.dma_semaphore, #tpu.memory_space<semaphore_mem>>
      %dma_wait3A_558 = tpu.memref_squeeze %dma_wait3A_557 : memref<1x!tpu.dma_semaphore, #tpu.memory_space<semaphore_mem>> -> memref<!tpu.dma_semaphore, #tpu.memory_space<semaphore_mem>>
      tpu.wait_indirect_dma semaphore(%dma_wait3A_558 : memref<!tpu.dma_semaphore, #tpu.memory_space<semaphore_mem>>) src(%dma_wait3A_550 : memref<80x128xf32, #tpu.memory_space<vmem>>) dst(%dma_wait3A_556 : memref<5248x128xf32, #tpu.memory_space<vmem_shared>>)
      %dma_start3A_559 = arith.constant 5 : i32
      %dma_start3A_560 = arith.constant 0 : i32
      %dma_start3A_561 = arith.constant 0 : i32
      %dma_start3A_562 = arith.constant 0 : i32
      %dma_start3A_563 = arith.constant 0 : i32
      %dma_start3A_564 = tpu.memref_slice %arg9[%dma_start3A_560, %dma_start3A_562, %dma_start3A_563] : memref<5x80x128xf32, #tpu.memory_space<vmem>> -> memref<1x80x128xf32, #tpu.memory_space<vmem>>
      %dma_start3A_565 = tpu.memref_squeeze %dma_start3A_564 : memref<1x80x128xf32, #tpu.memory_space<vmem>> -> memref<80x128xf32, #tpu.memory_space<vmem>>
      %dma_start3A_566 = arith.constant 0 : i32
      %dma_start3A_567 = tpu.memref_slice %arg6[%select_n3A_153, %dma_start3A_559, %dma_start3A_566] : memref<2x25x80xi32, #tpu.memory_space<vmem>> -> memref<1x1x80xi32, #tpu.memory_space<vmem>>
      %dma_start3A_568 = tpu.memref_squeeze %dma_start3A_567 : memref<1x1x80xi32, #tpu.memory_space<vmem>> -> memref<80xi32, #tpu.memory_space<vmem>>
      %dma_start3A_569 = arith.constant 0 : i32
      %dma_start3A_570 = arith.constant 0 : i32
      %dma_start3A_571 = tpu.memref_slice %arg2[%dma_start3A_569, %dma_start3A_570] : memref<10000x128xf32, #tpu.memory_space<hbm>> -> memref<10000x128xf32, #tpu.memory_space<hbm>>
      %dma_start3A_572 = tpu.memref_slice %arg11[%dma_start3A_561] : memref<5x!tpu.dma_semaphore, #tpu.memory_space<semaphore_mem>> -> memref<1x!tpu.dma_semaphore, #tpu.memory_space<semaphore_mem>>
      %dma_start3A_573 = tpu.memref_squeeze %dma_start3A_572 : memref<1x!tpu.dma_semaphore, #tpu.memory_space<semaphore_mem>> -> memref<!tpu.dma_semaphore, #tpu.memory_space<semaphore_mem>>
      tpu.enqueue_indirect_dma source(%dma_start3A_571 : memref<10000x128xf32, #tpu.memory_space<hbm>>) target(%dma_start3A_565 : memref<80x128xf32, #tpu.memory_space<vmem>>) offsets(%dma_start3A_568 : memref<80xi32, #tpu.memory_space<vmem>>) semaphore(%dma_start3A_573 : memref<!tpu.dma_semaphore, #tpu.memory_space<semaphore_mem>>)
      %dma_wait3A_574 = arith.constant 2 : i32
      %dma_wait3A_575 = arith.constant 2 : i32
      %dma_wait3A_576 = arith.constant 2 : i32
      %dma_wait3A_577 = arith.constant 0 : i32
      %dma_wait3A_578 = arith.constant 0 : i32
      %dma_wait3A_579 = tpu.memref_slice %arg9[%dma_wait3A_575, %dma_wait3A_577, %dma_wait3A_578] : memref<5x80x128xf32, #tpu.memory_space<vmem>> -> memref<1x80x128xf32, #tpu.memory_space<vmem>>
      %dma_wait3A_580 = tpu.memref_squeeze %dma_wait3A_579 : memref<1x80x128xf32, #tpu.memory_space<vmem>> -> memref<80x128xf32, #tpu.memory_space<vmem>>
      %dma_wait3A_581 = arith.constant 0 : i32
      %dma_wait3A_582 = tpu.memref_slice %arg6[%select_n3A_153, %dma_wait3A_574, %dma_wait3A_581] : memref<2x25x80xi32, #tpu.memory_space<vmem>> -> memref<1x1x80xi32, #tpu.memory_space<vmem>>
      %dma_wait3A_583 = tpu.memref_squeeze %dma_wait3A_582 : memref<1x1x80xi32, #tpu.memory_space<vmem>> -> memref<80xi32, #tpu.memory_space<vmem>>
      %dma_wait3A_584 = arith.constant 0 : i32
      %dma_wait3A_585 = arith.constant 0 : i32
      %dma_wait3A_586 = tpu.memref_slice %arg2[%dma_wait3A_584, %dma_wait3A_585] : memref<10000x128xf32, #tpu.memory_space<hbm>> -> memref<10000x128xf32, #tpu.memory_space<hbm>>
      %dma_wait3A_587 = tpu.memref_slice %arg11[%dma_wait3A_576] : memref<5x!tpu.dma_semaphore, #tpu.memory_space<semaphore_mem>> -> memref<1x!tpu.dma_semaphore, #tpu.memory_space<semaphore_mem>>
      %dma_wait3A_588 = tpu.memref_squeeze %dma_wait3A_587 : memref<1x!tpu.dma_semaphore, #tpu.memory_space<semaphore_mem>> -> memref<!tpu.dma_semaphore, #tpu.memory_space<semaphore_mem>>
      tpu.wait_indirect_dma semaphore(%dma_wait3A_588 : memref<!tpu.dma_semaphore, #tpu.memory_space<semaphore_mem>>) src(%dma_wait3A_586 : memref<10000x128xf32, #tpu.memory_space<hbm>>) dst(%dma_wait3A_580 : memref<80x128xf32, #tpu.memory_space<vmem>>)
      %get3A_589 = arith.constant 2 : i32
      %get3A_590 = arith.index_cast %select_n3A_153 : i32 to index
      %get3A_591 = arith.index_cast %get3A_589 : i32 to index
      %get3A_592 = arith.constant 0 : index
      %get3A_593 = tpu.vector_load %arg7[%get3A_590, %get3A_591, %get3A_592] {strides = array<i32>} : memref<2x25x80xi32, #tpu.memory_space<vmem>>, vector<1x1x16xi32>,
      %get3A_594 = vector.shape_cast %get3A_593 : vector<1x1x16xi32> to vector<16xi32>
      %sub3A_595 = vector.broadcast %mul3A_0 : i32 to vector<16xi32>
      %sub3A_596 = arith.subi %get3A_594, %sub3A_595 : vector<16xi32>
      %ge3A_597 = arith.constant 0 : i32
      %ge3A_598 = vector.broadcast %ge3A_597 : i32 to vector<16xi32>
      %ge3A_599 = arith.cmpi sge, %sub3A_596, %ge3A_598 : vector<16xi32>
      %lt3A_600 = vector.broadcast %sub3A_3 : i32 to vector<16xi32>
      %lt3A_601 = arith.cmpi slt, %sub3A_596, %lt3A_600 : vector<16xi32>
      %and3A_602 = arith.andi %ge3A_599, %lt3A_601 : vector<16xi1>
      %broadcast_in_dim3A_603 = vector.broadcast %add3A_6 : i32 to vector<16xi32>
      %select_n3A_604 = arith.select %and3A_602, %sub3A_596, %broadcast_in_dim3A_603 : vector<16xi1>, vector<16xi32>
      %swap3A_605 = arith.constant 2 : i32
      %swap3A_606 = arith.index_cast %select_n3A_153 : i32 to index
      %swap3A_607 = arith.index_cast %swap3A_605 : i32 to index
      %swap3A_608 = arith.constant 0 : index
      %swap3A_609 = tpu.vector_load %arg7[%swap3A_606, %swap3A_607, %swap3A_608] {strides = array<i32>} : memref<2x25x80xi32, #tpu.memory_space<vmem>>, vector<1x1x16xi32>,
      %swap3A_610 = vector.shape_cast %swap3A_609 : vector<1x1x16xi32> to vector<16xi32>
      %swap3A_611 = vector.shape_cast %select_n3A_604 : vector<16xi32> to vector<1x1x16xi32>
      tpu.vector_store %arg7[%swap3A_606, %swap3A_607, %swap3A_608], %swap3A_611 {strides = array<i32>} : memref<2x25x80xi32, #tpu.memory_space<vmem>>, vector<1x1x16xi32>,
      %get3A_612 = arith.constant 2 : i32
      %get3A_613 = arith.index_cast %select_n3A_153 : i32 to index
      %get3A_614 = arith.index_cast %get3A_612 : i32 to index
      %get3A_615 = arith.constant 16 : index
      %get3A_616 = tpu.vector_load %arg7[%get3A_613, %get3A_614, %get3A_615] {strides = array<i32>} : memref<2x25x80xi32, #tpu.memory_space<vmem>>, vector<1x1x16xi32>,
      %get3A_617 = vector.shape_cast %get3A_616 : vector<1x1x16xi32> to vector<16xi32>
      %sub3A_618 = vector.broadcast %mul3A_0 : i32 to vector<16xi32>
      %sub3A_619 = arith.subi %get3A_617, %sub3A_618 : vector<16xi32>
      %ge3A_620 = arith.constant 0 : i32
      %ge3A_621 = vector.broadcast %ge3A_620 : i32 to vector<16xi32>
      %ge3A_622 = arith.cmpi sge, %sub3A_619, %ge3A_621 : vector<16xi32>
      %lt3A_623 = vector.broadcast %sub3A_3 : i32 to vector<16xi32>
      %lt3A_624 = arith.cmpi slt, %sub3A_619, %lt3A_623 : vector<16xi32>
      %and3A_625 = arith.andi %ge3A_622, %lt3A_624 : vector<16xi1>
      %broadcast_in_dim3A_626 = vector.broadcast %add3A_6 : i32 to vector<16xi32>
      %select_n3A_627 = arith.select %and3A_625, %sub3A_619, %broadcast_in_dim3A_626 : vector<16xi1>, vector<16xi32>
      %swap3A_628 = arith.constant 2 : i32
      %swap3A_629 = arith.index_cast %select_n3A_153 : i32 to index
      %swap3A_630 = arith.index_cast %swap3A_628 : i32 to index
      %swap3A_631 = arith.constant 16 : index
      %swap3A_632 = tpu.vector_load %arg7[%swap3A_629, %swap3A_630, %swap3A_631] {strides = array<i32>} : memref<2x25x80xi32, #tpu.memory_space<vmem>>, vector<1x1x16xi32>,
      %swap3A_633 = vector.shape_cast %swap3A_632 : vector<1x1x16xi32> to vector<16xi32>
      %swap3A_634 = vector.shape_cast %select_n3A_627 : vector<16xi32> to vector<1x1x16xi32>
      tpu.vector_store %arg7[%swap3A_629, %swap3A_630, %swap3A_631], %swap3A_634 {strides = array<i32>} : memref<2x25x80xi32, #tpu.memory_space<vmem>>, vector<1x1x16xi32>,
      %get3A_635 = arith.constant 2 : i32
      %get3A_636 = arith.index_cast %select_n3A_153 : i32 to index
      %get3A_637 = arith.index_cast %get3A_635 : i32 to index
      %get3A_638 = arith.constant 32 : index
      %get3A_639 = tpu.vector_load %arg7[%get3A_636, %get3A_637, %get3A_638] {strides = array<i32>} : memref<2x25x80xi32, #tpu.memory_space<vmem>>, vector<1x1x16xi32>,
      %get3A_640 = vector.shape_cast %get3A_639 : vector<1x1x16xi32> to vector<16xi32>
      %sub3A_641 = vector.broadcast %mul3A_0 : i32 to vector<16xi32>
      %sub3A_642 = arith.subi %get3A_640, %sub3A_641 : vector<16xi32>
      %ge3A_643 = arith.constant 0 : i32
      %ge3A_644 = vector.broadcast %ge3A_643 : i32 to vector<16xi32>
      %ge3A_645 = arith.cmpi sge, %sub3A_642, %ge3A_644 : vector<16xi32>
      %lt3A_646 = vector.broadcast %sub3A_3 : i32 to vector<16xi32>
      %lt3A_647 = arith.cmpi slt, %sub3A_642, %lt3A_646 : vector<16xi32>
      %and3A_648 = arith.andi %ge3A_645, %lt3A_647 : vector<16xi1>
      %broadcast_in_dim3A_649 = vector.broadcast %add3A_6 : i32 to vector<16xi32>
      %select_n3A_650 = arith.select %and3A_648, %sub3A_642, %broadcast_in_dim3A_649 : vector<16xi1>, vector<16xi32>
      %swap3A_651 = arith.constant 2 : i32
      %swap3A_652 = arith.index_cast %select_n3A_153 : i32 to index
      %swap3A_653 = arith.index_cast %swap3A_651 : i32 to index
      %swap3A_654 = arith.constant 32 : index
      %swap3A_655 = tpu.vector_load %arg7[%swap3A_652, %swap3A_653, %swap3A_654] {strides = array<i32>} : memref<2x25x80xi32, #tpu.memory_space<vmem>>, vector<1x1x16xi32>,
      %swap3A_656 = vector.shape_cast %swap3A_655 : vector<1x1x16xi32> to vector<16xi32>
      %swap3A_657 = vector.shape_cast %select_n3A_650 : vector<16xi32> to vector<1x1x16xi32>
      tpu.vector_store %arg7[%swap3A_652, %swap3A_653, %swap3A_654], %swap3A_657 {strides = array<i32>} : memref<2x25x80xi32, #tpu.memory_space<vmem>>, vector<1x1x16xi32>,
      %get3A_658 = arith.constant 2 : i32
      %get3A_659 = arith.index_cast %select_n3A_153 : i32 to index
      %get3A_660 = arith.index_cast %get3A_658 : i32 to index
      %get3A_661 = arith.constant 48 : index
      %get3A_662 = tpu.vector_load %arg7[%get3A_659, %get3A_660, %get3A_661] {strides = array<i32>} : memref<2x25x80xi32, #tpu.memory_space<vmem>>, vector<1x1x16xi32>,
      %get3A_663 = vector.shape_cast %get3A_662 : vector<1x1x16xi32> to vector<16xi32>
      %sub3A_664 = vector.broadcast %mul3A_0 : i32 to vector<16xi32>
      %sub3A_665 = arith.subi %get3A_663, %sub3A_664 : vector<16xi32>
      %ge3A_666 = arith.constant 0 : i32
      %ge3A_667 = vector.broadcast %ge3A_666 : i32 to vector<16xi32>
      %ge3A_668 = arith.cmpi sge, %sub3A_665, %ge3A_667 : vector<16xi32>
      %lt3A_669 = vector.broadcast %sub3A_3 : i32 to vector<16xi32>
      %lt3A_670 = arith.cmpi slt, %sub3A_665, %lt3A_669 : vector<16xi32>
      %and3A_671 = arith.andi %ge3A_668, %lt3A_670 : vector<16xi1>
      %broadcast_in_dim3A_672 = vector.broadcast %add3A_6 : i32 to vector<16xi32>
      %select_n3A_673 = arith.select %and3A_671, %sub3A_665, %broadcast_in_dim3A_672 : vector<16xi1>, vector<16xi32>
      %swap3A_674 = arith.constant 2 : i32
      %swap3A_675 = arith.index_cast %select_n3A_153 : i32 to index
      %swap3A_676 = arith.index_cast %swap3A_674 : i32 to index
      %swap3A_677 = arith.constant 48 : index
      %swap3A_678 = tpu.vector_load %arg7[%swap3A_675, %swap3A_676, %swap3A_677] {strides = array<i32>} : memref<2x25x80xi32, #tpu.memory_space<vmem>>, vector<1x1x16xi32>,
      %swap3A_679 = vector.shape_cast %swap3A_678 : vector<1x1x16xi32> to vector<16xi32>
      %swap3A_680 = vector.shape_cast %select_n3A_673 : vector<16xi32> to vector<1x1x16xi32>
      tpu.vector_store %arg7[%swap3A_675, %swap3A_676, %swap3A_677], %swap3A_680 {strides = array<i32>} : memref<2x25x80xi32, #tpu.memory_space<vmem>>, vector<1x1x16xi32>,
      %get3A_681 = arith.constant 2 : i32
      %get3A_682 = arith.index_cast %select_n3A_153 : i32 to index
      %get3A_683 = arith.index_cast %get3A_681 : i32 to index
      %get3A_684 = arith.constant 64 : index
      %get3A_685 = tpu.vector_load %arg7[%get3A_682, %get3A_683, %get3A_684] {strides = array<i32>} : memref<2x25x80xi32, #tpu.memory_space<vmem>>, vector<1x1x16xi32>,
      %get3A_686 = vector.shape_cast %get3A_685 : vector<1x1x16xi32> to vector<16xi32>
      %sub3A_687 = vector.broadcast %mul3A_0 : i32 to vector<16xi32>
      %sub3A_688 = arith.subi %get3A_686, %sub3A_687 : vector<16xi32>
      %ge3A_689 = arith.constant 0 : i32
      %ge3A_690 = vector.broadcast %ge3A_689 : i32 to vector<16xi32>
      %ge3A_691 = arith.cmpi sge, %sub3A_688, %ge3A_690 : vector<16xi32>
      %lt3A_692 = vector.broadcast %sub3A_3 : i32 to vector<16xi32>
      %lt3A_693 = arith.cmpi slt, %sub3A_688, %lt3A_692 : vector<16xi32>
      %and3A_694 = arith.andi %ge3A_691, %lt3A_693 : vector<16xi1>
      %broadcast_in_dim3A_695 = vector.broadcast %add3A_6 : i32 to vector<16xi32>
      %select_n3A_696 = arith.select %and3A_694, %sub3A_688, %broadcast_in_dim3A_695 : vector<16xi1>, vector<16xi32>
      %swap3A_697 = arith.constant 2 : i32
      %swap3A_698 = arith.index_cast %select_n3A_153 : i32 to index
      %swap3A_699 = arith.index_cast %swap3A_697 : i32 to index
      %swap3A_700 = arith.constant 64 : index
      %swap3A_701 = tpu.vector_load %arg7[%swap3A_698, %swap3A_699, %swap3A_700] {strides = array<i32>} : memref<2x25x80xi32, #tpu.memory_space<vmem>>, vector<1x1x16xi32>,
      %swap3A_702 = vector.shape_cast %swap3A_701 : vector<1x1x16xi32> to vector<16xi32>
      %swap3A_703 = vector.shape_cast %select_n3A_696 : vector<16xi32> to vector<1x1x16xi32>
      tpu.vector_store %arg7[%swap3A_698, %swap3A_699, %swap3A_700], %swap3A_703 {strides = array<i32>} : memref<2x25x80xi32, #tpu.memory_space<vmem>>, vector<1x1x16xi32>,
      %dma_start3A_704 = arith.constant 2 : i32
      %dma_start3A_705 = arith.constant 2 : i32
      %dma_start3A_706 = arith.constant 2 : i32
      %dma_start3A_707 = arith.constant 0 : i32
      %dma_start3A_708 = arith.constant 0 : i32
      %dma_start3A_709 = tpu.memref_slice %arg9[%dma_start3A_704, %dma_start3A_707, %dma_start3A_708] : memref<5x80x128xf32, #tpu.memory_space<vmem>> -> memref<1x80x128xf32, #tpu.memory_space<vmem>>
      %dma_start3A_710 = tpu.memref_squeeze %dma_start3A_709 : memref<1x80x128xf32, #tpu.memory_space<vmem>> -> memref<80x128xf32, #tpu.memory_space<vmem>>
      %dma_start3A_711 = arith.constant 0 : i32
      %dma_start3A_712 = tpu.memref_slice %arg7[%select_n3A_153, %dma_start3A_705, %dma_start3A_711] : memref<2x25x80xi32, #tpu.memory_space<vmem>> -> memref<1x1x80xi32, #tpu.memory_space<vmem>>
      %dma_start3A_713 = tpu.memref_squeeze %dma_start3A_712 : memref<1x1x80xi32, #tpu.memory_space<vmem>> -> memref<80xi32, #tpu.memory_space<vmem>>
      %dma_start3A_714 = arith.constant 0 : i32
      %dma_start3A_715 = arith.constant 0 : i32
      %dma_start3A_716 = tpu.memref_slice %arg10[%dma_start3A_714, %dma_start3A_715] : memref<5248x128xf32, #tpu.memory_space<vmem_shared>> -> memref<5248x128xf32, #tpu.memory_space<vmem_shared>>
      %dma_start3A_717 = tpu.memref_slice %arg12[%dma_start3A_706] : memref<5x!tpu.dma_semaphore, #tpu.memory_space<semaphore_mem>> -> memref<1x!tpu.dma_semaphore, #tpu.memory_space<semaphore_mem>>
      %dma_start3A_718 = tpu.memref_squeeze %dma_start3A_717 : memref<1x!tpu.dma_semaphore, #tpu.memory_space<semaphore_mem>> -> memref<!tpu.dma_semaphore, #tpu.memory_space<semaphore_mem>>
      tpu.enqueue_indirect_dma source(%dma_start3A_710 : memref<80x128xf32, #tpu.memory_space<vmem>>) target(%dma_start3A_716 : memref<5248x128xf32, #tpu.memory_space<vmem_shared>>) offsets(%dma_start3A_713 : memref<80xi32, #tpu.memory_space<vmem>>) semaphore(%dma_start3A_718 : memref<!tpu.dma_semaphore, #tpu.memory_space<semaphore_mem>>) {add = true}
      %dma_wait3A_719 = arith.constant 1 : i32
      %dma_wait3A_720 = arith.constant 0 : i32
      %dma_wait3A_721 = arith.constant 1 : i32
      %dma_wait3A_722 = arith.constant 0 : i32
      %dma_wait3A_723 = arith.constant 0 : i32
      %dma_wait3A_724 = tpu.memref_slice %arg9[%dma_wait3A_719, %dma_wait3A_722, %dma_wait3A_723] : memref<5x80x128xf32, #tpu.memory_space<vmem>> -> memref<1x80x128xf32, #tpu.memory_space<vmem>>
      %dma_wait3A_725 = tpu.memref_squeeze %dma_wait3A_724 : memref<1x80x128xf32, #tpu.memory_space<vmem>> -> memref<80x128xf32, #tpu.memory_space<vmem>>
      %dma_wait3A_726 = arith.constant 0 : i32
      %dma_wait3A_727 = tpu.memref_slice %arg7[%select_n3A_153, %dma_wait3A_720, %dma_wait3A_726] : memref<2x25x80xi32, #tpu.memory_space<vmem>> -> memref<1x1x80xi32, #tpu.memory_space<vmem>>
      %dma_wait3A_728 = tpu.memref_squeeze %dma_wait3A_727 : memref<1x1x80xi32, #tpu.memory_space<vmem>> -> memref<80xi32, #tpu.memory_space<vmem>>
      %dma_wait3A_729 = arith.constant 0 : i32
      %dma_wait3A_730 = arith.constant 0 : i32
      %dma_wait3A_731 = tpu.memref_slice %arg10[%dma_wait3A_729, %dma_wait3A_730] : memref<5248x128xf32, #tpu.memory_space<vmem_shared>> -> memref<5248x128xf32, #tpu.memory_space<vmem_shared>>
      %dma_wait3A_732 = tpu.memref_slice %arg12[%dma_wait3A_721] : memref<5x!tpu.dma_semaphore, #tpu.memory_space<semaphore_mem>> -> memref<1x!tpu.dma_semaphore, #tpu.memory_space<semaphore_mem>>
      %dma_wait3A_733 = tpu.memref_squeeze %dma_wait3A_732 : memref<1x!tpu.dma_semaphore, #tpu.memory_space<semaphore_mem>> -> memref<!tpu.dma_semaphore, #tpu.memory_space<semaphore_mem>>
      tpu.wait_indirect_dma semaphore(%dma_wait3A_733 : memref<!tpu.dma_semaphore, #tpu.memory_space<semaphore_mem>>) src(%dma_wait3A_725 : memref<80x128xf32, #tpu.memory_space<vmem>>) dst(%dma_wait3A_731 : memref<5248x128xf32, #tpu.memory_space<vmem_shared>>)
      %dma_start3A_734 = arith.constant 6 : i32
      %dma_start3A_735 = arith.constant 1 : i32
      %dma_start3A_736 = arith.constant 1 : i32
      %dma_start3A_737 = arith.constant 0 : i32
      %dma_start3A_738 = arith.constant 0 : i32
      %dma_start3A_739 = tpu.memref_slice %arg9[%dma_start3A_735, %dma_start3A_737, %dma_start3A_738] : memref<5x80x128xf32, #tpu.memory_space<vmem>> -> memref<1x80x128xf32, #tpu.memory_space<vmem>>
      %dma_start3A_740 = tpu.memref_squeeze %dma_start3A_739 : memref<1x80x128xf32, #tpu.memory_space<vmem>> -> memref<80x128xf32, #tpu.memory_space<vmem>>
      %dma_start3A_741 = arith.constant 0 : i32
      %dma_start3A_742 = tpu.memref_slice %arg6[%select_n3A_153, %dma_start3A_734, %dma_start3A_741] : memref<2x25x80xi32, #tpu.memory_space<vmem>> -> memref<1x1x80xi32, #tpu.memory_space<vmem>>
      %dma_start3A_743 = tpu.memref_squeeze %dma_start3A_742 : memref<1x1x80xi32, #tpu.memory_space<vmem>> -> memref<80xi32, #tpu.memory_space<vmem>>
      %dma_start3A_744 = arith.constant 0 : i32
      %dma_start3A_745 = arith.constant 0 : i32
      %dma_start3A_746 = tpu.memref_slice %arg2[%dma_start3A_744, %dma_start3A_745] : memref<10000x128xf32, #tpu.memory_space<hbm>> -> memref<10000x128xf32, #tpu.memory_space<hbm>>
      %dma_start3A_747 = tpu.memref_slice %arg11[%dma_start3A_736] : memref<5x!tpu.dma_semaphore, #tpu.memory_space<semaphore_mem>> -> memref<1x!tpu.dma_semaphore, #tpu.memory_space<semaphore_mem>>
      %dma_start3A_748 = tpu.memref_squeeze %dma_start3A_747 : memref<1x!tpu.dma_semaphore, #tpu.memory_space<semaphore_mem>> -> memref<!tpu.dma_semaphore, #tpu.memory_space<semaphore_mem>>
      tpu.enqueue_indirect_dma source(%dma_start3A_746 : memref<10000x128xf32, #tpu.memory_space<hbm>>) target(%dma_start3A_740 : memref<80x128xf32, #tpu.memory_space<vmem>>) offsets(%dma_start3A_743 : memref<80xi32, #tpu.memory_space<vmem>>) semaphore(%dma_start3A_748 : memref<!tpu.dma_semaphore, #tpu.memory_space<semaphore_mem>>)
      %dma_wait3A_749 = arith.constant 3 : i32
      %dma_wait3A_750 = arith.constant 3 : i32
      %dma_wait3A_751 = arith.constant 3 : i32
      %dma_wait3A_752 = arith.constant 0 : i32
      %dma_wait3A_753 = arith.constant 0 : i32
      %dma_wait3A_754 = tpu.memref_slice %arg9[%dma_wait3A_750, %dma_wait3A_752, %dma_wait3A_753] : memref<5x80x128xf32, #tpu.memory_space<vmem>> -> memref<1x80x128xf32, #tpu.memory_space<vmem>>
      %dma_wait3A_755 = tpu.memref_squeeze %dma_wait3A_754 : memref<1x80x128xf32, #tpu.memory_space<vmem>> -> memref<80x128xf32, #tpu.memory_space<vmem>>
      %dma_wait3A_756 = arith.constant 0 : i32
      %dma_wait3A_757 = tpu.memref_slice %arg6[%select_n3A_153, %dma_wait3A_749, %dma_wait3A_756] : memref<2x25x80xi32, #tpu.memory_space<vmem>> -> memref<1x1x80xi32, #tpu.memory_space<vmem>>
      %dma_wait3A_758 = tpu.memref_squeeze %dma_wait3A_757 : memref<1x1x80xi32, #tpu.memory_space<vmem>> -> memref<80xi32, #tpu.memory_space<vmem>>
      %dma_wait3A_759 = arith.constant 0 : i32
      %dma_wait3A_760 = arith.constant 0 : i32
      %dma_wait3A_761 = tpu.memref_slice %arg2[%dma_wait3A_759, %dma_wait3A_760] : memref<10000x128xf32, #tpu.memory_space<hbm>> -> memref<10000x128xf32, #tpu.memory_space<hbm>>
      %dma_wait3A_762 = tpu.memref_slice %arg11[%dma_wait3A_751] : memref<5x!tpu.dma_semaphore, #tpu.memory_space<semaphore_mem>> -> memref<1x!tpu.dma_semaphore, #tpu.memory_space<semaphore_mem>>
      %dma_wait3A_763 = tpu.memref_squeeze %dma_wait3A_762 : memref<1x!tpu.dma_semaphore, #tpu.memory_space<semaphore_mem>> -> memref<!tpu.dma_semaphore, #tpu.memory_space<semaphore_mem>>
      tpu.wait_indirect_dma semaphore(%dma_wait3A_763 : memref<!tpu.dma_semaphore, #tpu.memory_space<semaphore_mem>>) src(%dma_wait3A_761 : memref<10000x128xf32, #tpu.memory_space<hbm>>) dst(%dma_wait3A_755 : memref<80x128xf32, #tpu.memory_space<vmem>>)
      %get3A_764 = arith.constant 3 : i32
      %get3A_765 = arith.index_cast %select_n3A_153 : i32 to index
      %get3A_766 = arith.index_cast %get3A_764 : i32 to index
      %get3A_767 = arith.constant 0 : index
      %get3A_768 = tpu.vector_load %arg7[%get3A_765, %get3A_766, %get3A_767] {strides = array<i32>} : memref<2x25x80xi32, #tpu.memory_space<vmem>>, vector<1x1x16xi32>,
      %get3A_769 = vector.shape_cast %get3A_768 : vector<1x1x16xi32> to vector<16xi32>
      %sub3A_770 = vector.broadcast %mul3A_0 : i32 to vector<16xi32>
      %sub3A_771 = arith.subi %get3A_769, %sub3A_770 : vector<16xi32>
      %ge3A_772 = arith.constant 0 : i32
      %ge3A_773 = vector.broadcast %ge3A_772 : i32 to vector<16xi32>
      %ge3A_774 = arith.cmpi sge, %sub3A_771, %ge3A_773 : vector<16xi32>
      %lt3A_775 = vector.broadcast %sub3A_3 : i32 to vector<16xi32>
      %lt3A_776 = arith.cmpi slt, %sub3A_771, %lt3A_775 : vector<16xi32>
      %and3A_777 = arith.andi %ge3A_774, %lt3A_776 : vector<16xi1>
      %broadcast_in_dim3A_778 = vector.broadcast %add3A_6 : i32 to vector<16xi32>
      %select_n3A_779 = arith.select %and3A_777, %sub3A_771, %broadcast_in_dim3A_778 : vector<16xi1>, vector<16xi32>
      %swap3A_780 = arith.constant 3 : i32
      %swap3A_781 = arith.index_cast %select_n3A_153 : i32 to index
      %swap3A_782 = arith.index_cast %swap3A_780 : i32 to index
      %swap3A_783 = arith.constant 0 : index
      %swap3A_784 = tpu.vector_load %arg7[%swap3A_781, %swap3A_782, %swap3A_783] {strides = array<i32>} : memref<2x25x80xi32, #tpu.memory_space<vmem>>, vector<1x1x16xi32>,
      %swap3A_785 = vector.shape_cast %swap3A_784 : vector<1x1x16xi32> to vector<16xi32>
      %swap3A_786 = vector.shape_cast %select_n3A_779 : vector<16xi32> to vector<1x1x16xi32>
      tpu.vector_store %arg7[%swap3A_781, %swap3A_782, %swap3A_783], %swap3A_786 {strides = array<i32>} : memref<2x25x80xi32, #tpu.memory_space<vmem>>, vector<1x1x16xi32>,
      %get3A_787 = arith.constant 3 : i32
      %get3A_788 = arith.index_cast %select_n3A_153 : i32 to index
      %get3A_789 = arith.index_cast %get3A_787 : i32 to index
      %get3A_790 = arith.constant 16 : index
      %get3A_791 = tpu.vector_load %arg7[%get3A_788, %get3A_789, %get3A_790] {strides = array<i32>} : memref<2x25x80xi32, #tpu.memory_space<vmem>>, vector<1x1x16xi32>,
      %get3A_792 = vector.shape_cast %get3A_791 : vector<1x1x16xi32> to vector<16xi32>
      %sub3A_793 = vector.broadcast %mul3A_0 : i32 to vector<16xi32>
      %sub3A_794 = arith.subi %get3A_792, %sub3A_793 : vector<16xi32>
      %ge3A_795 = arith.constant 0 : i32
      %ge3A_796 = vector.broadcast %ge3A_795 : i32 to vector<16xi32>
      %ge3A_797 = arith.cmpi sge, %sub3A_794, %ge3A_796 : vector<16xi32>
      %lt3A_798 = vector.broadcast %sub3A_3 : i32 to vector<16xi32>
      %lt3A_799 = arith.cmpi slt, %sub3A_794, %lt3A_798 : vector<16xi32>
      %and3A_800 = arith.andi %ge3A_797, %lt3A_799 : vector<16xi1>
      %broadcast_in_dim3A_801 = vector.broadcast %add3A_6 : i32 to vector<16xi32>
      %select_n3A_802 = arith.select %and3A_800, %sub3A_794, %broadcast_in_dim3A_801 : vector<16xi1>, vector<16xi32>
      %swap3A_803 = arith.constant 3 : i32
      %swap3A_804 = arith.index_cast %select_n3A_153 : i32 to index
      %swap3A_805 = arith.index_cast %swap3A_803 : i32 to index
      %swap3A_806 = arith.constant 16 : index
      %swap3A_807 = tpu.vector_load %arg7[%swap3A_804, %swap3A_805, %swap3A_806] {strides = array<i32>} : memref<2x25x80xi32, #tpu.memory_space<vmem>>, vector<1x1x16xi32>,
      %swap3A_808 = vector.shape_cast %swap3A_807 : vector<1x1x16xi32> to vector<16xi32>
      %swap3A_809 = vector.shape_cast %select_n3A_802 : vector<16xi32> to vector<1x1x16xi32>
      tpu.vector_store %arg7[%swap3A_804, %swap3A_805, %swap3A_806], %swap3A_809 {strides = array<i32>} : memref<2x25x80xi32, #tpu.memory_space<vmem>>, vector<1x1x16xi32>,
      %get3A_810 = arith.constant 3 : i32
      %get3A_811 = arith.index_cast %select_n3A_153 : i32 to index
      %get3A_812 = arith.index_cast %get3A_810 : i32 to index
      %get3A_813 = arith.constant 32 : index
      %get3A_814 = tpu.vector_load %arg7[%get3A_811, %get3A_812, %get3A_813] {strides = array<i32>} : memref<2x25x80xi32, #tpu.memory_space<vmem>>, vector<1x1x16xi32>,
      %get3A_815 = vector.shape_cast %get3A_814 : vector<1x1x16xi32> to vector<16xi32>
      %sub3A_816 = vector.broadcast %mul3A_0 : i32 to vector<16xi32>
      %sub3A_817 = arith.subi %get3A_815, %sub3A_816 : vector<16xi32>
      %ge3A_818 = arith.constant 0 : i32
      %ge3A_819 = vector.broadcast %ge3A_818 : i32 to vector<16xi32>
      %ge3A_820 = arith.cmpi sge, %sub3A_817, %ge3A_819 : vector<16xi32>
      %lt3A_821 = vector.broadcast %sub3A_3 : i32 to vector<16xi32>
      %lt3A_822 = arith.cmpi slt, %sub3A_817, %lt3A_821 : vector<16xi32>
      %and3A_823 = arith.andi %ge3A_820, %lt3A_822 : vector<16xi1>
      %broadcast_in_dim3A_824 = vector.broadcast %add3A_6 : i32 to vector<16xi32>
      %select_n3A_825 = arith.select %and3A_823, %sub3A_817, %broadcast_in_dim3A_824 : vector<16xi1>, vector<16xi32>
      %swap3A_826 = arith.constant 3 : i32
      %swap3A_827 = arith.index_cast %select_n3A_153 : i32 to index
      %swap3A_828 = arith.index_cast %swap3A_826 : i32 to index
      %swap3A_829 = arith.constant 32 : index
      %swap3A_830 = tpu.vector_load %arg7[%swap3A_827, %swap3A_828, %swap3A_829] {strides = array<i32>} : memref<2x25x80xi32, #tpu.memory_space<vmem>>, vector<1x1x16xi32>,
      %swap3A_831 = vector.shape_cast %swap3A_830 : vector<1x1x16xi32> to vector<16xi32>
      %swap3A_832 = vector.shape_cast %select_n3A_825 : vector<16xi32> to vector<1x1x16xi32>
      tpu.vector_store %arg7[%swap3A_827, %swap3A_828, %swap3A_829], %swap3A_832 {strides = array<i32>} : memref<2x25x80xi32, #tpu.memory_space<vmem>>, vector<1x1x16xi32>,
      %get3A_833 = arith.constant 3 : i32
      %get3A_834 = arith.index_cast %select_n3A_153 : i32 to index
      %get3A_835 = arith.index_cast %get3A_833 : i32 to index
      %get3A_836 = arith.constant 48 : index
      %get3A_837 = tpu.vector_load %arg7[%get3A_834, %get3A_835, %get3A_836] {strides = array<i32>} : memref<2x25x80xi32, #tpu.memory_space<vmem>>, vector<1x1x16xi32>,
      %get3A_838 = vector.shape_cast %get3A_837 : vector<1x1x16xi32> to vector<16xi32>
      %sub3A_839 = vector.broadcast %mul3A_0 : i32 to vector<16xi32>
      %sub3A_840 = arith.subi %get3A_838, %sub3A_839 : vector<16xi32>
      %ge3A_841 = arith.constant 0 : i32
      %ge3A_842 = vector.broadcast %ge3A_841 : i32 to vector<16xi32>
      %ge3A_843 = arith.cmpi sge, %sub3A_840, %ge3A_842 : vector<16xi32>
      %lt3A_844 = vector.broadcast %sub3A_3 : i32 to vector<16xi32>
      %lt3A_845 = arith.cmpi slt, %sub3A_840, %lt3A_844 : vector<16xi32>
      %and3A_846 = arith.andi %ge3A_843, %lt3A_845 : vector<16xi1>
      %broadcast_in_dim3A_847 = vector.broadcast %add3A_6 : i32 to vector<16xi32>
      %select_n3A_848 = arith.select %and3A_846, %sub3A_840, %broadcast_in_dim3A_847 : vector<16xi1>, vector<16xi32>
      %swap3A_849 = arith.constant 3 : i32
      %swap3A_850 = arith.index_cast %select_n3A_153 : i32 to index
      %swap3A_851 = arith.index_cast %swap3A_849 : i32 to index
      %swap3A_852 = arith.constant 48 : index
      %swap3A_853 = tpu.vector_load %arg7[%swap3A_850, %swap3A_851, %swap3A_852] {strides = array<i32>} : memref<2x25x80xi32, #tpu.memory_space<vmem>>, vector<1x1x16xi32>,
      %swap3A_854 = vector.shape_cast %swap3A_853 : vector<1x1x16xi32> to vector<16xi32>
      %swap3A_855 = vector.shape_cast %select_n3A_848 : vector<16xi32> to vector<1x1x16xi32>
      tpu.vector_store %arg7[%swap3A_850, %swap3A_851, %swap3A_852], %swap3A_855 {strides = array<i32>} : memref<2x25x80xi32, #tpu.memory_space<vmem>>, vector<1x1x16xi32>,
      %get3A_856 = arith.constant 3 : i32
      %get3A_857 = arith.index_cast %select_n3A_153 : i32 to index
      %get3A_858 = arith.index_cast %get3A_856 : i32 to index
      %get3A_859 = arith.constant 64 : index
      %get3A_860 = tpu.vector_load %arg7[%get3A_857, %get3A_858, %get3A_859] {strides = array<i32>} : memref<2x25x80xi32, #tpu.memory_space<vmem>>, vector<1x1x16xi32>,
      %get3A_861 = vector.shape_cast %get3A_860 : vector<1x1x16xi32> to vector<16xi32>
      %sub3A_862 = vector.broadcast %mul3A_0 : i32 to vector<16xi32>
      %sub3A_863 = arith.subi %get3A_861, %sub3A_862 : vector<16xi32>
      %ge3A_864 = arith.constant 0 : i32
      %ge3A_865 = vector.broadcast %ge3A_864 : i32 to vector<16xi32>
      %ge3A_866 = arith.cmpi sge, %sub3A_863, %ge3A_865 : vector<16xi32>
      %lt3A_867 = vector.broadcast %sub3A_3 : i32 to vector<16xi32>
      %lt3A_868 = arith.cmpi slt, %sub3A_863, %lt3A_867 : vector<16xi32>
      %and3A_869 = arith.andi %ge3A_866, %lt3A_868 : vector<16xi1>
      %broadcast_in_dim3A_870 = vector.broadcast %add3A_6 : i32 to vector<16xi32>
      %select_n3A_871 = arith.select %and3A_869, %sub3A_863, %broadcast_in_dim3A_870 : vector<16xi1>, vector<16xi32>
      %swap3A_872 = arith.constant 3 : i32
      %swap3A_873 = arith.index_cast %select_n3A_153 : i32 to index
      %swap3A_874 = arith.index_cast %swap3A_872 : i32 to index
      %swap3A_875 = arith.constant 64 : index
      %swap3A_876 = tpu.vector_load %arg7[%swap3A_873, %swap3A_874, %swap3A_875] {strides = array<i32>} : memref<2x25x80xi32, #tpu.memory_space<vmem>>, vector<1x1x16xi32>,
      %swap3A_877 = vector.shape_cast %swap3A_876 : vector<1x1x16xi32> to vector<16xi32>
      %swap3A_878 = vector.shape_cast %select_n3A_871 : vector<16xi32> to vector<1x1x16xi32>
      tpu.vector_store %arg7[%swap3A_873, %swap3A_874, %swap3A_875], %swap3A_878 {strides = array<i32>} : memref<2x25x80xi32, #tpu.memory_space<vmem>>, vector<1x1x16xi32>,
      %dma_start3A_879 = arith.constant 3 : i32
      %dma_start3A_880 = arith.constant 3 : i32
      %dma_start3A_881 = arith.constant 3 : i32
      %dma_start3A_882 = arith.constant 0 : i32
      %dma_start3A_883 = arith.constant 0 : i32
      %dma_start3A_884 = tpu.memref_slice %arg9[%dma_start3A_879, %dma_start3A_882, %dma_start3A_883] : memref<5x80x128xf32, #tpu.memory_space<vmem>> -> memref<1x80x128xf32, #tpu.memory_space<vmem>>
      %dma_start3A_885 = tpu.memref_squeeze %dma_start3A_884 : memref<1x80x128xf32, #tpu.memory_space<vmem>> -> memref<80x128xf32, #tpu.memory_space<vmem>>
      %dma_start3A_886 = arith.constant 0 : i32
      %dma_start3A_887 = tpu.memref_slice %arg7[%select_n3A_153, %dma_start3A_880, %dma_start3A_886] : memref<2x25x80xi32, #tpu.memory_space<vmem>> -> memref<1x1x80xi32, #tpu.memory_space<vmem>>
      %dma_start3A_888 = tpu.memref_squeeze %dma_start3A_887 : memref<1x1x80xi32, #tpu.memory_space<vmem>> -> memref<80xi32, #tpu.memory_space<vmem>>
      %dma_start3A_889 = arith.constant 0 : i32
      %dma_start3A_890 = arith.constant 0 : i32
      %dma_start3A_891 = tpu.memref_slice %arg10[%dma_start3A_889, %dma_start3A_890] : memref<5248x128xf32, #tpu.memory_space<vmem_shared>> -> memref<5248x128xf32, #tpu.memory_space<vmem_shared>>
      %dma_start3A_892 = tpu.memref_slice %arg12[%dma_start3A_881] : memref<5x!tpu.dma_semaphore, #tpu.memory_space<semaphore_mem>> -> memref<1x!tpu.dma_semaphore, #tpu.memory_space<semaphore_mem>>
      %dma_start3A_893 = tpu.memref_squeeze %dma_start3A_892 : memref<1x!tpu.dma_semaphore, #tpu.memory_space<semaphore_mem>> -> memref<!tpu.dma_semaphore, #tpu.memory_space<semaphore_mem>>
      tpu.enqueue_indirect_dma source(%dma_start3A_885 : memref<80x128xf32, #tpu.memory_space<vmem>>) target(%dma_start3A_891 : memref<5248x128xf32, #tpu.memory_space<vmem_shared>>) offsets(%dma_start3A_888 : memref<80xi32, #tpu.memory_space<vmem>>) semaphore(%dma_start3A_893 : memref<!tpu.dma_semaphore, #tpu.memory_space<semaphore_mem>>) {add = true}
      %dma_wait3A_894 = arith.constant 2 : i32
      %dma_wait3A_895 = arith.constant 0 : i32
      %dma_wait3A_896 = arith.constant 2 : i32
      %dma_wait3A_897 = arith.constant 0 : i32
      %dma_wait3A_898 = arith.constant 0 : i32
      %dma_wait3A_899 = tpu.memref_slice %arg9[%dma_wait3A_894, %dma_wait3A_897, %dma_wait3A_898] : memref<5x80x128xf32, #tpu.memory_space<vmem>> -> memref<1x80x128xf32, #tpu.memory_space<vmem>>
      %dma_wait3A_900 = tpu.memref_squeeze %dma_wait3A_899 : memref<1x80x128xf32, #tpu.memory_space<vmem>> -> memref<80x128xf32, #tpu.memory_space<vmem>>
      %dma_wait3A_901 = arith.constant 0 : i32
      %dma_wait3A_902 = tpu.memref_slice %arg7[%select_n3A_153, %dma_wait3A_895, %dma_wait3A_901] : memref<2x25x80xi32, #tpu.memory_space<vmem>> -> memref<1x1x80xi32, #tpu.memory_space<vmem>>
      %dma_wait3A_903 = tpu.memref_squeeze %dma_wait3A_902 : memref<1x1x80xi32, #tpu.memory_space<vmem>> -> memref<80xi32, #tpu.memory_space<vmem>>
      %dma_wait3A_904 = arith.constant 0 : i32
      %dma_wait3A_905 = arith.constant 0 : i32
      %dma_wait3A_906 = tpu.memref_slice %arg10[%dma_wait3A_904, %dma_wait3A_905] : memref<5248x128xf32, #tpu.memory_space<vmem_shared>> -> memref<5248x128xf32, #tpu.memory_space<vmem_shared>>
      %dma_wait3A_907 = tpu.memref_slice %arg12[%dma_wait3A_896] : memref<5x!tpu.dma_semaphore, #tpu.memory_space<semaphore_mem>> -> memref<1x!tpu.dma_semaphore, #tpu.memory_space<semaphore_mem>>
      %dma_wait3A_908 = tpu.memref_squeeze %dma_wait3A_907 : memref<1x!tpu.dma_semaphore, #tpu.memory_space<semaphore_mem>> -> memref<!tpu.dma_semaphore, #tpu.memory_space<semaphore_mem>>
      tpu.wait_indirect_dma semaphore(%dma_wait3A_908 : memref<!tpu.dma_semaphore, #tpu.memory_space<semaphore_mem>>) src(%dma_wait3A_900 : memref<80x128xf32, #tpu.memory_space<vmem>>) dst(%dma_wait3A_906 : memref<5248x128xf32, #tpu.memory_space<vmem_shared>>)
      %dma_start3A_909 = arith.constant 7 : i32
      %dma_start3A_910 = arith.constant 2 : i32
      %dma_start3A_911 = arith.constant 2 : i32
      %dma_start3A_912 = arith.constant 0 : i32
      %dma_start3A_913 = arith.constant 0 : i32
      %dma_start3A_914 = tpu.memref_slice %arg9[%dma_start3A_910, %dma_start3A_912, %dma_start3A_913] : memref<5x80x128xf32, #tpu.memory_space<vmem>> -> memref<1x80x128xf32, #tpu.memory_space<vmem>>
      %dma_start3A_915 = tpu.memref_squeeze %dma_start3A_914 : memref<1x80x128xf32, #tpu.memory_space<vmem>> -> memref<80x128xf32, #tpu.memory_space<vmem>>
      %dma_start3A_916 = arith.constant 0 : i32
      %dma_start3A_917 = tpu.memref_slice %arg6[%select_n3A_153, %dma_start3A_909, %dma_start3A_916] : memref<2x25x80xi32, #tpu.memory_space<vmem>> -> memref<1x1x80xi32, #tpu.memory_space<vmem>>
      %dma_start3A_918 = tpu.memref_squeeze %dma_start3A_917 : memref<1x1x80xi32, #tpu.memory_space<vmem>> -> memref<80xi32, #tpu.memory_space<vmem>>
      %dma_start3A_919 = arith.constant 0 : i32
      %dma_start3A_920 = arith.constant 0 : i32
      %dma_start3A_921 = tpu.memref_slice %arg2[%dma_start3A_919, %dma_start3A_920] : memref<10000x128xf32, #tpu.memory_space<hbm>> -> memref<10000x128xf32, #tpu.memory_space<hbm>>
      %dma_start3A_922 = tpu.memref_slice %arg11[%dma_start3A_911] : memref<5x!tpu.dma_semaphore, #tpu.memory_space<semaphore_mem>> -> memref<1x!tpu.dma_semaphore, #tpu.memory_space<semaphore_mem>>
      %dma_start3A_923 = tpu.memref_squeeze %dma_start3A_922 : memref<1x!tpu.dma_semaphore, #tpu.memory_space<semaphore_mem>> -> memref<!tpu.dma_semaphore, #tpu.memory_space<semaphore_mem>>
      tpu.enqueue_indirect_dma source(%dma_start3A_921 : memref<10000x128xf32, #tpu.memory_space<hbm>>) target(%dma_start3A_915 : memref<80x128xf32, #tpu.memory_space<vmem>>) offsets(%dma_start3A_918 : memref<80xi32, #tpu.memory_space<vmem>>) semaphore(%dma_start3A_923 : memref<!tpu.dma_semaphore, #tpu.memory_space<semaphore_mem>>)
      %dma_wait3A_924 = arith.constant 4 : i32
      %dma_wait3A_925 = arith.constant 4 : i32
      %dma_wait3A_926 = arith.constant 4 : i32
      %dma_wait3A_927 = arith.constant 0 : i32
      %dma_wait3A_928 = arith.constant 0 : i32
      %dma_wait3A_929 = tpu.memref_slice %arg9[%dma_wait3A_925, %dma_wait3A_927, %dma_wait3A_928] : memref<5x80x128xf32, #tpu.memory_space<vmem>> -> memref<1x80x128xf32, #tpu.memory_space<vmem>>
      %dma_wait3A_930 = tpu.memref_squeeze %dma_wait3A_929 : memref<1x80x128xf32, #tpu.memory_space<vmem>> -> memref<80x128xf32, #tpu.memory_space<vmem>>
      %dma_wait3A_931 = arith.constant 0 : i32
      %dma_wait3A_932 = tpu.memref_slice %arg6[%select_n3A_153, %dma_wait3A_924, %dma_wait3A_931] : memref<2x25x80xi32, #tpu.memory_space<vmem>> -> memref<1x1x80xi32, #tpu.memory_space<vmem>>
      %dma_wait3A_933 = tpu.memref_squeeze %dma_wait3A_932 : memref<1x1x80xi32, #tpu.memory_space<vmem>> -> memref<80xi32, #tpu.memory_space<vmem>>
      %dma_wait3A_934 = arith.constant 0 : i32
      %dma_wait3A_935 = arith.constant 0 : i32
      %dma_wait3A_936 = tpu.memref_slice %arg2[%dma_wait3A_934, %dma_wait3A_935] : memref<10000x128xf32, #tpu.memory_space<hbm>> -> memref<10000x128xf32, #tpu.memory_space<hbm>>
      %dma_wait3A_937 = tpu.memref_slice %arg11[%dma_wait3A_926] : memref<5x!tpu.dma_semaphore, #tpu.memory_space<semaphore_mem>> -> memref<1x!tpu.dma_semaphore, #tpu.memory_space<semaphore_mem>>
      %dma_wait3A_938 = tpu.memref_squeeze %dma_wait3A_937 : memref<1x!tpu.dma_semaphore, #tpu.memory_space<semaphore_mem>> -> memref<!tpu.dma_semaphore, #tpu.memory_space<semaphore_mem>>
      tpu.wait_indirect_dma semaphore(%dma_wait3A_938 : memref<!tpu.dma_semaphore, #tpu.memory_space<semaphore_mem>>) src(%dma_wait3A_936 : memref<10000x128xf32, #tpu.memory_space<hbm>>) dst(%dma_wait3A_930 : memref<80x128xf32, #tpu.memory_space<vmem>>)
      %get3A_939 = arith.constant 4 : i32
      %get3A_940 = arith.index_cast %select_n3A_153 : i32 to index
      %get3A_941 = arith.index_cast %get3A_939 : i32 to index
      %get3A_942 = arith.constant 0 : index
      %get3A_943 = tpu.vector_load %arg7[%get3A_940, %get3A_941, %get3A_942] {strides = array<i32>} : memref<2x25x80xi32, #tpu.memory_space<vmem>>, vector<1x1x16xi32>,
      %get3A_944 = vector.shape_cast %get3A_943 : vector<1x1x16xi32> to vector<16xi32>
      %sub3A_945 = vector.broadcast %mul3A_0 : i32 to vector<16xi32>
      %sub3A_946 = arith.subi %get3A_944, %sub3A_945 : vector<16xi32>
      %ge3A_947 = arith.constant 0 : i32
      %ge3A_948 = vector.broadcast %ge3A_947 : i32 to vector<16xi32>
      %ge3A_949 = arith.cmpi sge, %sub3A_946, %ge3A_948 : vector<16xi32>
      %lt3A_950 = vector.broadcast %sub3A_3 : i32 to vector<16xi32>
      %lt3A_951 = arith.cmpi slt, %sub3A_946, %lt3A_950 : vector<16xi32>
      %and3A_952 = arith.andi %ge3A_949, %lt3A_951 : vector<16xi1>
      %broadcast_in_dim3A_953 = vector.broadcast %add3A_6 : i32 to vector<16xi32>
      %select_n3A_954 = arith.select %and3A_952, %sub3A_946, %broadcast_in_dim3A_953 : vector<16xi1>, vector<16xi32>
      %swap3A_955 = arith.constant 4 : i32
      %swap3A_956 = arith.index_cast %select_n3A_153 : i32 to index
      %swap3A_957 = arith.index_cast %swap3A_955 : i32 to index
      %swap3A_958 = arith.constant 0 : index
      %swap3A_959 = tpu.vector_load %arg7[%swap3A_956, %swap3A_957, %swap3A_958] {strides = array<i32>} : memref<2x25x80xi32, #tpu.memory_space<vmem>>, vector<1x1x16xi32>,
      %swap3A_960 = vector.shape_cast %swap3A_959 : vector<1x1x16xi32> to vector<16xi32>
      %swap3A_961 = vector.shape_cast %select_n3A_954 : vector<16xi32> to vector<1x1x16xi32>
      tpu.vector_store %arg7[%swap3A_956, %swap3A_957, %swap3A_958], %swap3A_961 {strides = array<i32>} : memref<2x25x80xi32, #tpu.memory_space<vmem>>, vector<1x1x16xi32>,
      %get3A_962 = arith.constant 4 : i32
      %get3A_963 = arith.index_cast %select_n3A_153 : i32 to index
      %get3A_964 = arith.index_cast %get3A_962 : i32 to index
      %get3A_965 = arith.constant 16 : index
      %get3A_966 = tpu.vector_load %arg7[%get3A_963, %get3A_964, %get3A_965] {strides = array<i32>} : memref<2x25x80xi32, #tpu.memory_space<vmem>>, vector<1x1x16xi32>,
      %get3A_967 = vector.shape_cast %get3A_966 : vector<1x1x16xi32> to vector<16xi32>
      %sub3A_968 = vector.broadcast %mul3A_0 : i32 to vector<16xi32>
      %sub3A_969 = arith.subi %get3A_967, %sub3A_968 : vector<16xi32>
      %ge3A_970 = arith.constant 0 : i32
      %ge3A_971 = vector.broadcast %ge3A_970 : i32 to vector<16xi32>
      %ge3A_972 = arith.cmpi sge, %sub3A_969, %ge3A_971 : vector<16xi32>
      %lt3A_973 = vector.broadcast %sub3A_3 : i32 to vector<16xi32>
      %lt3A_974 = arith.cmpi slt, %sub3A_969, %lt3A_973 : vector<16xi32>
      %and3A_975 = arith.andi %ge3A_972, %lt3A_974 : vector<16xi1>
      %broadcast_in_dim3A_976 = vector.broadcast %add3A_6 : i32 to vector<16xi32>
      %select_n3A_977 = arith.select %and3A_975, %sub3A_969, %broadcast_in_dim3A_976 : vector<16xi1>, vector<16xi32>
      %swap3A_978 = arith.constant 4 : i32
      %swap3A_979 = arith.index_cast %select_n3A_153 : i32 to index
      %swap3A_980 = arith.index_cast %swap3A_978 : i32 to index
      %swap3A_981 = arith.constant 16 : index
      %swap3A_982 = tpu.vector_load %arg7[%swap3A_979, %swap3A_980, %swap3A_981] {strides = array<i32>} : memref<2x25x80xi32, #tpu.memory_space<vmem>>, vector<1x1x16xi32>,
      %swap3A_983 = vector.shape_cast %swap3A_982 : vector<1x1x16xi32> to vector<16xi32>
      %swap3A_984 = vector.shape_cast %select_n3A_977 : vector<16xi32> to vector<1x1x16xi32>
      tpu.vector_store %arg7[%swap3A_979, %swap3A_980, %swap3A_981], %swap3A_984 {strides = array<i32>} : memref<2x25x80xi32, #tpu.memory_space<vmem>>, vector<1x1x16xi32>,
      %get3A_985 = arith.constant 4 : i32
      %get3A_986 = arith.index_cast %select_n3A_153 : i32 to index
      %get3A_987 = arith.index_cast %get3A_985 : i32 to index
      %get3A_988 = arith.constant 32 : index
      %get3A_989 = tpu.vector_load %arg7[%get3A_986, %get3A_987, %get3A_988] {strides = array<i32>} : memref<2x25x80xi32, #tpu.memory_space<vmem>>, vector<1x1x16xi32>,
      %get3A_990 = vector.shape_cast %get3A_989 : vector<1x1x16xi32> to vector<16xi32>
      %sub3A_991 = vector.broadcast %mul3A_0 : i32 to vector<16xi32>
      %sub3A_992 = arith.subi %get3A_990, %sub3A_991 : vector<16xi32>
      %ge3A_993 = arith.constant 0 : i32
      %ge3A_994 = vector.broadcast %ge3A_993 : i32 to vector<16xi32>
      %ge3A_995 = arith.cmpi sge, %sub3A_992, %ge3A_994 : vector<16xi32>
      %lt3A_996 = vector.broadcast %sub3A_3 : i32 to vector<16xi32>
      %lt3A_997 = arith.cmpi slt, %sub3A_992, %lt3A_996 : vector<16xi32>
      %and3A_998 = arith.andi %ge3A_995, %lt3A_997 : vector<16xi1>
      %broadcast_in_dim3A_999 = vector.broadcast %add3A_6 : i32 to vector<16xi32>
      %select_n3A_1000 = arith.select %and3A_998, %sub3A_992, %broadcast_in_dim3A_999 : vector<16xi1>, vector<16xi32>
      %swap3A_1001 = arith.constant 4 : i32
      %swap3A_1002 = arith.index_cast %select_n3A_153 : i32 to index
      %swap3A_1003 = arith.index_cast %swap3A_1001 : i32 to index
      %swap3A_1004 = arith.constant 32 : index
      %swap3A_1005 = tpu.vector_load %arg7[%swap3A_1002, %swap3A_1003, %swap3A_1004] {strides = array<i32>} : memref<2x25x80xi32, #tpu.memory_space<vmem>>, vector<1x1x16xi32>,
      %swap3A_1006 = vector.shape_cast %swap3A_1005 : vector<1x1x16xi32> to vector<16xi32>
      %swap3A_1007 = vector.shape_cast %select_n3A_1000 : vector<16xi32> to vector<1x1x16xi32>
      tpu.vector_store %arg7[%swap3A_1002, %swap3A_1003, %swap3A_1004], %swap3A_1007 {strides = array<i32>} : memref<2x25x80xi32, #tpu.memory_space<vmem>>, vector<1x1x16xi32>,
      %get3A_1008 = arith.constant 4 : i32
      %get3A_1009 = arith.index_cast %select_n3A_153 : i32 to index
      %get3A_1010 = arith.index_cast %get3A_1008 : i32 to index
      %get3A_1011 = arith.constant 48 : index
      %get3A_1012 = tpu.vector_load %arg7[%get3A_1009, %get3A_1010, %get3A_1011] {strides = array<i32>} : memref<2x25x80xi32, #tpu.memory_space<vmem>>, vector<1x1x16xi32>,
      %get3A_1013 = vector.shape_cast %get3A_1012 : vector<1x1x16xi32> to vector<16xi32>
      %sub3A_1014 = vector.broadcast %mul3A_0 : i32 to vector<16xi32>
      %sub3A_1015 = arith.subi %get3A_1013, %sub3A_1014 : vector<16xi32>
      %ge3A_1016 = arith.constant 0 : i32
      %ge3A_1017 = vector.broadcast %ge3A_1016 : i32 to vector<16xi32>
      %ge3A_1018 = arith.cmpi sge, %sub3A_1015, %ge3A_1017 : vector<16xi32>
      %lt3A_1019 = vector.broadcast %sub3A_3 : i32 to vector<16xi32>
      %lt3A_1020 = arith.cmpi slt, %sub3A_1015, %lt3A_1019 : vector<16xi32>
      %and3A_1021 = arith.andi %ge3A_1018, %lt3A_1020 : vector<16xi1>
      %broadcast_in_dim3A_1022 = vector.broadcast %add3A_6 : i32 to vector<16xi32>
      %select_n3A_1023 = arith.select %and3A_1021, %sub3A_1015, %broadcast_in_dim3A_1022 : vector<16xi1>, vector<16xi32>
      %swap3A_1024 = arith.constant 4 : i32
      %swap3A_1025 = arith.index_cast %select_n3A_153 : i32 to index
      %swap3A_1026 = arith.index_cast %swap3A_1024 : i32 to index
      %swap3A_1027 = arith.constant 48 : index
      %swap3A_1028 = tpu.vector_load %arg7[%swap3A_1025, %swap3A_1026, %swap3A_1027] {strides = array<i32>} : memref<2x25x80xi32, #tpu.memory_space<vmem>>, vector<1x1x16xi32>,
      %swap3A_1029 = vector.shape_cast %swap3A_1028 : vector<1x1x16xi32> to vector<16xi32>
      %swap3A_1030 = vector.shape_cast %select_n3A_1023 : vector<16xi32> to vector<1x1x16xi32>
      tpu.vector_store %arg7[%swap3A_1025, %swap3A_1026, %swap3A_1027], %swap3A_1030 {strides = array<i32>} : memref<2x25x80xi32, #tpu.memory_space<vmem>>, vector<1x1x16xi32>,
      %get3A_1031 = arith.constant 4 : i32
      %get3A_1032 = arith.index_cast %select_n3A_153 : i32 to index
      %get3A_1033 = arith.index_cast %get3A_1031 : i32 to index
      %get3A_1034 = arith.constant 64 : index
      %get3A_1035 = tpu.vector_load %arg7[%get3A_1032, %get3A_1033, %get3A_1034] {strides = array<i32>} : memref<2x25x80xi32, #tpu.memory_space<vmem>>, vector<1x1x16xi32>,
      %get3A_1036 = vector.shape_cast %get3A_1035 : vector<1x1x16xi32> to vector<16xi32>
      %sub3A_1037 = vector.broadcast %mul3A_0 : i32 to vector<16xi32>
      %sub3A_1038 = arith.subi %get3A_1036, %sub3A_1037 : vector<16xi32>
      %ge3A_1039 = arith.constant 0 : i32
      %ge3A_1040 = vector.broadcast %ge3A_1039 : i32 to vector<16xi32>
      %ge3A_1041 = arith.cmpi sge, %sub3A_1038, %ge3A_1040 : vector<16xi32>
      %lt3A_1042 = vector.broadcast %sub3A_3 : i32 to vector<16xi32>
      %lt3A_1043 = arith.cmpi slt, %sub3A_1038, %lt3A_1042 : vector<16xi32>
      %and3A_1044 = arith.andi %ge3A_1041, %lt3A_1043 : vector<16xi1>
      %broadcast_in_dim3A_1045 = vector.broadcast %add3A_6 : i32 to vector<16xi32>
      %select_n3A_1046 = arith.select %and3A_1044, %sub3A_1038, %broadcast_in_dim3A_1045 : vector<16xi1>, vector<16xi32>
      %swap3A_1047 = arith.constant 4 : i32
      %swap3A_1048 = arith.index_cast %select_n3A_153 : i32 to index
      %swap3A_1049 = arith.index_cast %swap3A_1047 : i32 to index
      %swap3A_1050 = arith.constant 64 : index
      %swap3A_1051 = tpu.vector_load %arg7[%swap3A_1048, %swap3A_1049, %swap3A_1050] {strides = array<i32>} : memref<2x25x80xi32, #tpu.memory_space<vmem>>, vector<1x1x16xi32>,
      %swap3A_1052 = vector.shape_cast %swap3A_1051 : vector<1x1x16xi32> to vector<16xi32>
      %swap3A_1053 = vector.shape_cast %select_n3A_1046 : vector<16xi32> to vector<1x1x16xi32>
      tpu.vector_store %arg7[%swap3A_1048, %swap3A_1049, %swap3A_1050], %swap3A_1053 {strides = array<i32>} : memref<2x25x80xi32, #tpu.memory_space<vmem>>, vector<1x1x16xi32>,
      %dma_start3A_1054 = arith.constant 4 : i32
      %dma_start3A_1055 = arith.constant 4 : i32
      %dma_start3A_1056 = arith.constant 4 : i32
      %dma_start3A_1057 = arith.constant 0 : i32
      %dma_start3A_1058 = arith.constant 0 : i32
      %dma_start3A_1059 = tpu.memref_slice %arg9[%dma_start3A_1054, %dma_start3A_1057, %dma_start3A_1058] : memref<5x80x128xf32, #tpu.memory_space<vmem>> -> memref<1x80x128xf32, #tpu.memory_space<vmem>>
      %dma_start3A_1060 = tpu.memref_squeeze %dma_start3A_1059 : memref<1x80x128xf32, #tpu.memory_space<vmem>> -> memref<80x128xf32, #tpu.memory_space<vmem>>
      %dma_start3A_1061 = arith.constant 0 : i32
      %dma_start3A_1062 = tpu.memref_slice %arg7[%select_n3A_153, %dma_start3A_1055, %dma_start3A_1061] : memref<2x25x80xi32, #tpu.memory_space<vmem>> -> memref<1x1x80xi32, #tpu.memory_space<vmem>>
      %dma_start3A_1063 = tpu.memref_squeeze %dma_start3A_1062 : memref<1x1x80xi32, #tpu.memory_space<vmem>> -> memref<80xi32, #tpu.memory_space<vmem>>
      %dma_start3A_1064 = arith.constant 0 : i32
      %dma_start3A_1065 = arith.constant 0 : i32
      %dma_start3A_1066 = tpu.memref_slice %arg10[%dma_start3A_1064, %dma_start3A_1065] : memref<5248x128xf32, #tpu.memory_space<vmem_shared>> -> memref<5248x128xf32, #tpu.memory_space<vmem_shared>>
      %dma_start3A_1067 = tpu.memref_slice %arg12[%dma_start3A_1056] : memref<5x!tpu.dma_semaphore, #tpu.memory_space<semaphore_mem>> -> memref<1x!tpu.dma_semaphore, #tpu.memory_space<semaphore_mem>>
      %dma_start3A_1068 = tpu.memref_squeeze %dma_start3A_1067 : memref<1x!tpu.dma_semaphore, #tpu.memory_space<semaphore_mem>> -> memref<!tpu.dma_semaphore, #tpu.memory_space<semaphore_mem>>
      tpu.enqueue_indirect_dma source(%dma_start3A_1060 : memref<80x128xf32, #tpu.memory_space<vmem>>) target(%dma_start3A_1066 : memref<5248x128xf32, #tpu.memory_space<vmem_shared>>) offsets(%dma_start3A_1063 : memref<80xi32, #tpu.memory_space<vmem>>) semaphore(%dma_start3A_1068 : memref<!tpu.dma_semaphore, #tpu.memory_space<semaphore_mem>>) {add = true}
      %dma_wait3A_1069 = arith.constant 3 : i32
      %dma_wait3A_1070 = arith.constant 0 : i32
      %dma_wait3A_1071 = arith.constant 3 : i32
      %dma_wait3A_1072 = arith.constant 0 : i32
      %dma_wait3A_1073 = arith.constant 0 : i32
      %dma_wait3A_1074 = tpu.memref_slice %arg9[%dma_wait3A_1069, %dma_wait3A_1072, %dma_wait3A_1073] : memref<5x80x128xf32, #tpu.memory_space<vmem>> -> memref<1x80x128xf32, #tpu.memory_space<vmem>>
      %dma_wait3A_1075 = tpu.memref_squeeze %dma_wait3A_1074 : memref<1x80x128xf32, #tpu.memory_space<vmem>> -> memref<80x128xf32, #tpu.memory_space<vmem>>
      %dma_wait3A_1076 = arith.constant 0 : i32
      %dma_wait3A_1077 = tpu.memref_slice %arg7[%select_n3A_153, %dma_wait3A_1070, %dma_wait3A_1076] : memref<2x25x80xi32, #tpu.memory_space<vmem>> -> memref<1x1x80xi32, #tpu.memory_space<vmem>>
      %dma_wait3A_1078 = tpu.memref_squeeze %dma_wait3A_1077 : memref<1x1x80xi32, #tpu.memory_space<vmem>> -> memref<80xi32, #tpu.memory_space<vmem>>
      %dma_wait3A_1079 = arith.constant 0 : i32
      %dma_wait3A_1080 = arith.constant 0 : i32
      %dma_wait3A_1081 = tpu.memref_slice %arg10[%dma_wait3A_1079, %dma_wait3A_1080] : memref<5248x128xf32, #tpu.memory_space<vmem_shared>> -> memref<5248x128xf32, #tpu.memory_space<vmem_shared>>
      %dma_wait3A_1082 = tpu.memref_slice %arg12[%dma_wait3A_1071] : memref<5x!tpu.dma_semaphore, #tpu.memory_space<semaphore_mem>> -> memref<1x!tpu.dma_semaphore, #tpu.memory_space<semaphore_mem>>
      %dma_wait3A_1083 = tpu.memref_squeeze %dma_wait3A_1082 : memref<1x!tpu.dma_semaphore, #tpu.memory_space<semaphore_mem>> -> memref<!tpu.dma_semaphore, #tpu.memory_space<semaphore_mem>>
      tpu.wait_indirect_dma semaphore(%dma_wait3A_1083 : memref<!tpu.dma_semaphore, #tpu.memory_space<semaphore_mem>>) src(%dma_wait3A_1075 : memref<80x128xf32, #tpu.memory_space<vmem>>) dst(%dma_wait3A_1081 : memref<5248x128xf32, #tpu.memory_space<vmem_shared>>)
      %dma_start3A_1084 = arith.constant 8 : i32
      %dma_start3A_1085 = arith.constant 3 : i32
      %dma_start3A_1086 = arith.constant 3 : i32
      %dma_start3A_1087 = arith.constant 0 : i32
      %dma_start3A_1088 = arith.constant 0 : i32
      %dma_start3A_1089 = tpu.memref_slice %arg9[%dma_start3A_1085, %dma_start3A_1087, %dma_start3A_1088] : memref<5x80x128xf32, #tpu.memory_space<vmem>> -> memref<1x80x128xf32, #tpu.memory_space<vmem>>
      %dma_start3A_1090 = tpu.memref_squeeze %dma_start3A_1089 : memref<1x80x128xf32, #tpu.memory_space<vmem>> -> memref<80x128xf32, #tpu.memory_space<vmem>>
      %dma_start3A_1091 = arith.constant 0 : i32
      %dma_start3A_1092 = tpu.memref_slice %arg6[%select_n3A_153, %dma_start3A_1084, %dma_start3A_1091] : memref<2x25x80xi32, #tpu.memory_space<vmem>> -> memref<1x1x80xi32, #tpu.memory_space<vmem>>
      %dma_start3A_1093 = tpu.memref_squeeze %dma_start3A_1092 : memref<1x1x80xi32, #tpu.memory_space<vmem>> -> memref<80xi32, #tpu.memory_space<vmem>>
      %dma_start3A_1094 = arith.constant 0 : i32
      %dma_start3A_1095 = arith.constant 0 : i32
      %dma_start3A_1096 = tpu.memref_slice %arg2[%dma_start3A_1094, %dma_start3A_1095] : memref<10000x128xf32, #tpu.memory_space<hbm>> -> memref<10000x128xf32, #tpu.memory_space<hbm>>
      %dma_start3A_1097 = tpu.memref_slice %arg11[%dma_start3A_1086] : memref<5x!tpu.dma_semaphore, #tpu.memory_space<semaphore_mem>> -> memref<1x!tpu.dma_semaphore, #tpu.memory_space<semaphore_mem>>
      %dma_start3A_1098 = tpu.memref_squeeze %dma_start3A_1097 : memref<1x!tpu.dma_semaphore, #tpu.memory_space<semaphore_mem>> -> memref<!tpu.dma_semaphore, #tpu.memory_space<semaphore_mem>>
      tpu.enqueue_indirect_dma source(%dma_start3A_1096 : memref<10000x128xf32, #tpu.memory_space<hbm>>) target(%dma_start3A_1090 : memref<80x128xf32, #tpu.memory_space<vmem>>) offsets(%dma_start3A_1093 : memref<80xi32, #tpu.memory_space<vmem>>) semaphore(%dma_start3A_1098 : memref<!tpu.dma_semaphore, #tpu.memory_space<semaphore_mem>>)
      %add3A_1099 = arith.constant 1 : i32
      %add3A_1100 = arith.addi %scan3A_141, %add3A_1099 : i32
      %lt3A_1101 = arith.constant 10 : i32
      %lt3A_1102 = arith.cmpi slt, %add3A_1100, %lt3A_1101 : i32
      %convert_element_type3A_1103 = arith.extui %lt3A_1102 : i1 to i32
      %cond3A_1104 = arith.constant 0 : i32
      %cond3A_1105 = arith.cmpi ne, %convert_element_type3A_1103, %cond3A_1104 : i32
      scf.if %cond3A_1105 {
        %add3A_1112 = arith.constant 1 : i32
        %add3A_1113 = arith.addi %scan3A_141, %add3A_1112 : i32
        %jit3A_1114 = arith.constant 2 : i32
        %eq3A_1115 = arith.constant 0 : i32
        %eq3A_1116 = arith.cmpi eq, %jit3A_1114, %eq3A_1115 : i32
        %jit3A_1117 = arith.constant 1 : i32
        %select_n3A_1118 = arith.select %eq3A_1116, %jit3A_1117, %jit3A_1114 : i32
        %rem3A_1119 = arith.remsi %add3A_1113, %select_n3A_1118 : i32
        %ne3A_1120 = arith.constant 0 : i32
        %ne3A_1121 = arith.cmpi ne, %rem3A_1119, %ne3A_1120 : i32
        %lt3A_1122 = arith.constant 0 : i32
        %lt3A_1123 = arith.cmpi slt, %rem3A_1119, %lt3A_1122 : i32
        %lt3A_1124 = arith.constant 0 : i32
        %lt3A_1125 = arith.cmpi slt, %select_n3A_1118, %lt3A_1124 : i32
        %ne3A_1126 = arith.xori %lt3A_1123, %lt3A_1125 : i1
        %and3A_1127 = arith.andi %ne3A_1126, %ne3A_1121 : i1
        %add3A_1128 = arith.addi %rem3A_1119, %select_n3A_1118 : i32
        %select_n3A_1129 = arith.select %and3A_1127, %add3A_1128, %rem3A_1119 : i32
        %mul3A_1130 = arith.constant 10 : i32
        %mul3A_1131 = arith.muli %arg1, %mul3A_1130 : i32
        %add3A_1132 = arith.addi %mul3A_1131, %scan3A_141 : i32
        %add3A_1133 = arith.constant 1 : i32
        %add3A_1134 = arith.addi %add3A_1132, %add3A_1133 : i32
        %dma_start3A_1135 = arith.constant 0 : i32
        %dma_start3A_1136 = arith.constant 0 : i32
        %dma_start3A_1137 = tpu.memref_slice %arg6[%select_n3A_1129, %dma_start3A_1135, %dma_start3A_1136] : memref<2x25x80xi32, #tpu.memory_space<vmem>> -> memref<1x25x80xi32, #tpu.memory_space<vmem>>
        %dma_start3A_1138 = tpu.memref_squeeze %dma_start3A_1137 : memref<1x25x80xi32, #tpu.memory_space<vmem>> -> memref<25x80xi32, #tpu.memory_space<vmem>>
        %dma_start3A_1139 = arith.constant 0 : i32
        %dma_start3A_1140 = arith.constant 0 : i32
        %dma_start3A_1141 = tpu.memref_slice %arg3[%add3A_1134, %dma_start3A_1139, %dma_start3A_1140] : memref<160x25x80xi32, #tpu.memory_space<hbm>> -> memref<1x25x80xi32, #tpu.memory_space<hbm>>
        %dma_start3A_1142 = tpu.memref_squeeze %dma_start3A_1141 : memref<1x25x80xi32, #tpu.memory_space<hbm>> -> memref<25x80xi32, #tpu.memory_space<hbm>>
        %dma_start3A_1143 = tpu.memref_slice %arg13[%select_n3A_1129] : memref<2x!tpu.dma_semaphore, #tpu.memory_space<semaphore_mem>> -> memref<1x!tpu.dma_semaphore, #tpu.memory_space<semaphore_mem>>
        %dma_start3A_1144 = tpu.memref_squeeze %dma_start3A_1143 : memref<1x!tpu.dma_semaphore, #tpu.memory_space<semaphore_mem>> -> memref<!tpu.dma_semaphore, #tpu.memory_space<semaphore_mem>>
        %dma_start3A_1145 = arith.constant 0 : i32
        %dma_start3A_1146 = arith.constant 0 : i32
        %dma_start3A_1147 = tpu.memref_slice %arg6[%select_n3A_1129, %dma_start3A_1145, %dma_start3A_1146] : memref<2x25x80xi32, #tpu.memory_space<vmem>> -> memref<1x25x80xi32, #tpu.memory_space<vmem>>
        %dma_start3A_1148 = tpu.memref_squeeze %dma_start3A_1147 : memref<1x25x80xi32, #tpu.memory_space<vmem>> -> memref<25x80xi32, #tpu.memory_space<vmem>>
        %dma_start3A_1149 = arith.constant 0 : i32
        %dma_start3A_1150 = arith.constant 0 : i32
        %dma_start3A_1151 = tpu.memref_slice %arg3[%add3A_1134, %dma_start3A_1149, %dma_start3A_1150] : memref<160x25x80xi32, #tpu.memory_space<hbm>> -> memref<1x25x80xi32, #tpu.memory_space<hbm>>
        %dma_start3A_1152 = tpu.memref_squeeze %dma_start3A_1151 : memref<1x25x80xi32, #tpu.memory_space<hbm>> -> memref<25x80xi32, #tpu.memory_space<hbm>>
        tpu.enqueue_dma source(%dma_start3A_1152 : memref<25x80xi32, #tpu.memory_space<hbm>>) target(%dma_start3A_1148 : memref<25x80xi32, #tpu.memory_space<vmem>>) target_semaphore(%dma_start3A_1144 : memref<!tpu.dma_semaphore, #tpu.memory_space<semaphore_mem>>)
        %mul3A_1153 = arith.constant 10 : i32
        %mul3A_1154 = arith.muli %arg1, %mul3A_1153 : i32
        %add3A_1155 = arith.addi %mul3A_1154, %scan3A_141 : i32
        %add3A_1156 = arith.constant 1 : i32
        %add3A_1157 = arith.addi %add3A_1155, %add3A_1156 : i32
        %dma_start3A_1158 = arith.constant 0 : i32
        %dma_start3A_1159 = arith.constant 0 : i32
        %dma_start3A_1160 = tpu.memref_slice %arg7[%select_n3A_1129, %dma_start3A_1158, %dma_start3A_1159] : memref<2x25x80xi32, #tpu.memory_space<vmem>> -> memref<1x25x80xi32, #tpu.memory_space<vmem>>
        %dma_start3A_1161 = tpu.memref_squeeze %dma_start3A_1160 : memref<1x25x80xi32, #tpu.memory_space<vmem>> -> memref<25x80xi32, #tpu.memory_space<vmem>>
        %dma_start3A_1162 = arith.constant 0 : i32
        %dma_start3A_1163 = arith.constant 0 : i32
        %dma_start3A_1164 = tpu.memref_slice %arg4[%add3A_1157, %dma_start3A_1162, %dma_start3A_1163] : memref<160x25x80xi32, #tpu.memory_space<hbm>> -> memref<1x25x80xi32, #tpu.memory_space<hbm>>
        %dma_start3A_1165 = tpu.memref_squeeze %dma_start3A_1164 : memref<1x25x80xi32, #tpu.memory_space<hbm>> -> memref<25x80xi32, #tpu.memory_space<hbm>>
        %dma_start3A_1166 = tpu.memref_slice %arg13[%select_n3A_1129] : memref<2x!tpu.dma_semaphore, #tpu.memory_space<semaphore_mem>> -> memref<1x!tpu.dma_semaphore, #tpu.memory_space<semaphore_mem>>
        %dma_start3A_1167 = tpu.memref_squeeze %dma_start3A_1166 : memref<1x!tpu.dma_semaphore, #tpu.memory_space<semaphore_mem>> -> memref<!tpu.dma_semaphore, #tpu.memory_space<semaphore_mem>>
        %dma_start3A_1168 = arith.constant 0 : i32
        %dma_start3A_1169 = arith.constant 0 : i32
        %dma_start3A_1170 = tpu.memref_slice %arg7[%select_n3A_1129, %dma_start3A_1168, %dma_start3A_1169] : memref<2x25x80xi32, #tpu.memory_space<vmem>> -> memref<1x25x80xi32, #tpu.memory_space<vmem>>
        %dma_start3A_1171 = tpu.memref_squeeze %dma_start3A_1170 : memref<1x25x80xi32, #tpu.memory_space<vmem>> -> memref<25x80xi32, #tpu.memory_space<vmem>>
        %dma_start3A_1172 = arith.constant 0 : i32
        %dma_start3A_1173 = arith.constant 0 : i32
        %dma_start3A_1174 = tpu.memref_slice %arg4[%add3A_1157, %dma_start3A_1172, %dma_start3A_1173] : memref<160x25x80xi32, #tpu.memory_space<hbm>> -> memref<1x25x80xi32, #tpu.memory_space<hbm>>
        %dma_start3A_1175 = tpu.memref_squeeze %dma_start3A_1174 : memref<1x25x80xi32, #tpu.memory_space<hbm>> -> memref<25x80xi32, #tpu.memory_space<hbm>>
        tpu.enqueue_dma source(%dma_start3A_1175 : memref<25x80xi32, #tpu.memory_space<hbm>>) target(%dma_start3A_1171 : memref<25x80xi32, #tpu.memory_space<vmem>>) target_semaphore(%dma_start3A_1167 : memref<!tpu.dma_semaphore, #tpu.memory_space<semaphore_mem>>)
      } else {
      }
      %scan3A_1106 = arith.constant 0 : i32
      %scan3A_1107 = arith.constant 1 : i32
      %scan3A_1108 = arith.constant 4 : i32
      %scan3A_1109 = arith.addi %scan3A_1107, %scan3A_1108 : i32
      %scan3A_1110 = arith.constant 1 : i32
      scf.for %scan3A_1112 = %scan3A_1107 to %scan3A_1109 step %scan3A_1110  : i32 {
        %mul3A_1113 = arith.constant 5 : i32
        %mul3A_1114 = arith.muli %scan3A_1112, %mul3A_1113 : i32
        %add3A_1115 = arith.constant 0 : i32
        %add3A_1116 = arith.addi %mul3A_1114, %add3A_1115 : i32
        %le3A = arith.constant 20 : i32
        %le3A_1117 = arith.cmpi sle, %add3A_1116, %le3A : i32
        %dma_wait3A_1118 = arith.constant 0 : i32
        %dma_wait3A_1119 = arith.constant 0 : i32
        %dma_wait3A_1120 = arith.constant 0 : i32
        %dma_wait3A_1121 = arith.constant 0 : i32
        %dma_wait3A_1122 = tpu.memref_slice %arg9[%dma_wait3A_1118, %dma_wait3A_1120, %dma_wait3A_1121] : memref<5x80x128xf32, #tpu.memory_space<vmem>> -> memref<1x80x128xf32, #tpu.memory_space<vmem>>
        %dma_wait3A_1123 = tpu.memref_squeeze %dma_wait3A_1122 : memref<1x80x128xf32, #tpu.memory_space<vmem>> -> memref<80x128xf32, #tpu.memory_space<vmem>>
        %dma_wait3A_1124 = arith.constant 0 : i32
        %dma_wait3A_1125 = tpu.memref_slice %arg6[%select_n3A_153, %add3A_1116, %dma_wait3A_1124] : memref<2x25x80xi32, #tpu.memory_space<vmem>> -> memref<1x1x80xi32, #tpu.memory_space<vmem>>
        %dma_wait3A_1126 = tpu.memref_squeeze %dma_wait3A_1125 : memref<1x1x80xi32, #tpu.memory_space<vmem>> -> memref<80xi32, #tpu.memory_space<vmem>>
        %dma_wait3A_1127 = arith.constant 0 : i32
        %dma_wait3A_1128 = arith.constant 0 : i32
        %dma_wait3A_1129 = tpu.memref_slice %arg2[%dma_wait3A_1127, %dma_wait3A_1128] : memref<10000x128xf32, #tpu.memory_space<hbm>> -> memref<10000x128xf32, #tpu.memory_space<hbm>>
        %dma_wait3A_1130 = tpu.memref_slice %arg11[%dma_wait3A_1119] : memref<5x!tpu.dma_semaphore, #tpu.memory_space<semaphore_mem>> -> memref<1x!tpu.dma_semaphore, #tpu.memory_space<semaphore_mem>>
        %dma_wait3A_1131 = tpu.memref_squeeze %dma_wait3A_1130 : memref<1x!tpu.dma_semaphore, #tpu.memory_space<semaphore_mem>> -> memref<!tpu.dma_semaphore, #tpu.memory_space<semaphore_mem>>
        tpu.wait_indirect_dma semaphore(%dma_wait3A_1131 : memref<!tpu.dma_semaphore, #tpu.memory_space<semaphore_mem>>) src(%dma_wait3A_1129 : memref<10000x128xf32, #tpu.memory_space<hbm>>) dst(%dma_wait3A_1123 : memref<80x128xf32, #tpu.memory_space<vmem>>)
        %get3A_1132 = arith.index_cast %select_n3A_153 : i32 to index
        %get3A_1133 = arith.index_cast %add3A_1116 : i32 to index
        %get3A_1134 = arith.constant 0 : index
        %get3A_1135 = tpu.vector_load %arg7[%get3A_1132, %get3A_1133, %get3A_1134] {strides = array<i32>} : memref<2x25x80xi32, #tpu.memory_space<vmem>>, vector<1x1x16xi32>,
        %get3A_1136 = vector.shape_cast %get3A_1135 : vector<1x1x16xi32> to vector<16xi32>
        %sub3A_1137 = vector.broadcast %mul3A_0 : i32 to vector<16xi32>
        %sub3A_1138 = arith.subi %get3A_1136, %sub3A_1137 : vector<16xi32>
        %ge3A_1139 = arith.constant 0 : i32
        %ge3A_1140 = vector.broadcast %ge3A_1139 : i32 to vector<16xi32>
        %ge3A_1141 = arith.cmpi sge, %sub3A_1138, %ge3A_1140 : vector<16xi32>
        %lt3A_1142 = vector.broadcast %sub3A_3 : i32 to vector<16xi32>
        %lt3A_1143 = arith.cmpi slt, %sub3A_1138, %lt3A_1142 : vector<16xi32>
        %and3A_1144 = arith.andi %ge3A_1141, %lt3A_1143 : vector<16xi1>
        %broadcast_in_dim3A_1145 = vector.broadcast %add3A_6 : i32 to vector<16xi32>
        %select_n3A_1146 = arith.select %and3A_1144, %sub3A_1138, %broadcast_in_dim3A_1145 : vector<16xi1>, vector<16xi32>
        %swap3A_1147 = arith.index_cast %select_n3A_153 : i32 to index
        %swap3A_1148 = arith.index_cast %add3A_1116 : i32 to index
        %swap3A_1149 = arith.constant 0 : index
        %swap3A_1150 = tpu.vector_load %arg7[%swap3A_1147, %swap3A_1148, %swap3A_1149] {strides = array<i32>} : memref<2x25x80xi32, #tpu.memory_space<vmem>>, vector<1x1x16xi32>,
        %swap3A_1151 = vector.shape_cast %swap3A_1150 : vector<1x1x16xi32> to vector<16xi32>
        %swap3A_1152 = vector.shape_cast %select_n3A_1146 : vector<16xi32> to vector<1x1x16xi32>
        tpu.vector_store %arg7[%swap3A_1147, %swap3A_1148, %swap3A_1149], %swap3A_1152 {strides = array<i32>} : memref<2x25x80xi32, #tpu.memory_space<vmem>>, vector<1x1x16xi32>,
        %get3A_1153 = arith.index_cast %select_n3A_153 : i32 to index
        %get3A_1154 = arith.index_cast %add3A_1116 : i32 to index
        %get3A_1155 = arith.constant 16 : index
        %get3A_1156 = tpu.vector_load %arg7[%get3A_1153, %get3A_1154, %get3A_1155] {strides = array<i32>} : memref<2x25x80xi32, #tpu.memory_space<vmem>>, vector<1x1x16xi32>,
        %get3A_1157 = vector.shape_cast %get3A_1156 : vector<1x1x16xi32> to vector<16xi32>
        %sub3A_1158 = vector.broadcast %mul3A_0 : i32 to vector<16xi32>
        %sub3A_1159 = arith.subi %get3A_1157, %sub3A_1158 : vector<16xi32>
        %ge3A_1160 = arith.constant 0 : i32
        %ge3A_1161 = vector.broadcast %ge3A_1160 : i32 to vector<16xi32>
        %ge3A_1162 = arith.cmpi sge, %sub3A_1159, %ge3A_1161 : vector<16xi32>
        %lt3A_1163 = vector.broadcast %sub3A_3 : i32 to vector<16xi32>
        %lt3A_1164 = arith.cmpi slt, %sub3A_1159, %lt3A_1163 : vector<16xi32>
        %and3A_1165 = arith.andi %ge3A_1162, %lt3A_1164 : vector<16xi1>
        %broadcast_in_dim3A_1166 = vector.broadcast %add3A_6 : i32 to vector<16xi32>
        %select_n3A_1167 = arith.select %and3A_1165, %sub3A_1159, %broadcast_in_dim3A_1166 : vector<16xi1>, vector<16xi32>
        %swap3A_1168 = arith.index_cast %select_n3A_153 : i32 to index
        %swap3A_1169 = arith.index_cast %add3A_1116 : i32 to index
        %swap3A_1170 = arith.constant 16 : index
        %swap3A_1171 = tpu.vector_load %arg7[%swap3A_1168, %swap3A_1169, %swap3A_1170] {strides = array<i32>} : memref<2x25x80xi32, #tpu.memory_space<vmem>>, vector<1x1x16xi32>,
        %swap3A_1172 = vector.shape_cast %swap3A_1171 : vector<1x1x16xi32> to vector<16xi32>
        %swap3A_1173 = vector.shape_cast %select_n3A_1167 : vector<16xi32> to vector<1x1x16xi32>
        tpu.vector_store %arg7[%swap3A_1168, %swap3A_1169, %swap3A_1170], %swap3A_1173 {strides = array<i32>} : memref<2x25x80xi32, #tpu.memory_space<vmem>>, vector<1x1x16xi32>,
        %get3A_1174 = arith.index_cast %select_n3A_153 : i32 to index
        %get3A_1175 = arith.index_cast %add3A_1116 : i32 to index
        %get3A_1176 = arith.constant 32 : index
        %get3A_1177 = tpu.vector_load %arg7[%get3A_1174, %get3A_1175, %get3A_1176] {strides = array<i32>} : memref<2x25x80xi32, #tpu.memory_space<vmem>>, vector<1x1x16xi32>,
        %get3A_1178 = vector.shape_cast %get3A_1177 : vector<1x1x16xi32> to vector<16xi32>
        %sub3A_1179 = vector.broadcast %mul3A_0 : i32 to vector<16xi32>
        %sub3A_1180 = arith.subi %get3A_1178, %sub3A_1179 : vector<16xi32>
        %ge3A_1181 = arith.constant 0 : i32
        %ge3A_1182 = vector.broadcast %ge3A_1181 : i32 to vector<16xi32>
        %ge3A_1183 = arith.cmpi sge, %sub3A_1180, %ge3A_1182 : vector<16xi32>
        %lt3A_1184 = vector.broadcast %sub3A_3 : i32 to vector<16xi32>
        %lt3A_1185 = arith.cmpi slt, %sub3A_1180, %lt3A_1184 : vector<16xi32>
        %and3A_1186 = arith.andi %ge3A_1183, %lt3A_1185 : vector<16xi1>
        %broadcast_in_dim3A_1187 = vector.broadcast %add3A_6 : i32 to vector<16xi32>
        %select_n3A_1188 = arith.select %and3A_1186, %sub3A_1180, %broadcast_in_dim3A_1187 : vector<16xi1>, vector<16xi32>
        %swap3A_1189 = arith.index_cast %select_n3A_153 : i32 to index
        %swap3A_1190 = arith.index_cast %add3A_1116 : i32 to index
        %swap3A_1191 = arith.constant 32 : index
        %swap3A_1192 = tpu.vector_load %arg7[%swap3A_1189, %swap3A_1190, %swap3A_1191] {strides = array<i32>} : memref<2x25x80xi32, #tpu.memory_space<vmem>>, vector<1x1x16xi32>,
        %swap3A_1193 = vector.shape_cast %swap3A_1192 : vector<1x1x16xi32> to vector<16xi32>
        %swap3A_1194 = vector.shape_cast %select_n3A_1188 : vector<16xi32> to vector<1x1x16xi32>
        tpu.vector_store %arg7[%swap3A_1189, %swap3A_1190, %swap3A_1191], %swap3A_1194 {strides = array<i32>} : memref<2x25x80xi32, #tpu.memory_space<vmem>>, vector<1x1x16xi32>,
        %get3A_1195 = arith.index_cast %select_n3A_153 : i32 to index
        %get3A_1196 = arith.index_cast %add3A_1116 : i32 to index
        %get3A_1197 = arith.constant 48 : index
        %get3A_1198 = tpu.vector_load %arg7[%get3A_1195, %get3A_1196, %get3A_1197] {strides = array<i32>} : memref<2x25x80xi32, #tpu.memory_space<vmem>>, vector<1x1x16xi32>,
        %get3A_1199 = vector.shape_cast %get3A_1198 : vector<1x1x16xi32> to vector<16xi32>
        %sub3A_1200 = vector.broadcast %mul3A_0 : i32 to vector<16xi32>
        %sub3A_1201 = arith.subi %get3A_1199, %sub3A_1200 : vector<16xi32>
        %ge3A_1202 = arith.constant 0 : i32
        %ge3A_1203 = vector.broadcast %ge3A_1202 : i32 to vector<16xi32>
        %ge3A_1204 = arith.cmpi sge, %sub3A_1201, %ge3A_1203 : vector<16xi32>
        %lt3A_1205 = vector.broadcast %sub3A_3 : i32 to vector<16xi32>
        %lt3A_1206 = arith.cmpi slt, %sub3A_1201, %lt3A_1205 : vector<16xi32>
        %and3A_1207 = arith.andi %ge3A_1204, %lt3A_1206 : vector<16xi1>
        %broadcast_in_dim3A_1208 = vector.broadcast %add3A_6 : i32 to vector<16xi32>
        %select_n3A_1209 = arith.select %and3A_1207, %sub3A_1201, %broadcast_in_dim3A_1208 : vector<16xi1>, vector<16xi32>
        %swap3A_1210 = arith.index_cast %select_n3A_153 : i32 to index
        %swap3A_1211 = arith.index_cast %add3A_1116 : i32 to index
        %swap3A_1212 = arith.constant 48 : index
        %swap3A_1213 = tpu.vector_load %arg7[%swap3A_1210, %swap3A_1211, %swap3A_1212] {strides = array<i32>} : memref<2x25x80xi32, #tpu.memory_space<vmem>>, vector<1x1x16xi32>,
        %swap3A_1214 = vector.shape_cast %swap3A_1213 : vector<1x1x16xi32> to vector<16xi32>
        %swap3A_1215 = vector.shape_cast %select_n3A_1209 : vector<16xi32> to vector<1x1x16xi32>
        tpu.vector_store %arg7[%swap3A_1210, %swap3A_1211, %swap3A_1212], %swap3A_1215 {strides = array<i32>} : memref<2x25x80xi32, #tpu.memory_space<vmem>>, vector<1x1x16xi32>,
        %get3A_1216 = arith.index_cast %select_n3A_153 : i32 to index
        %get3A_1217 = arith.index_cast %add3A_1116 : i32 to index
        %get3A_1218 = arith.constant 64 : index
        %get3A_1219 = tpu.vector_load %arg7[%get3A_1216, %get3A_1217, %get3A_1218] {strides = array<i32>} : memref<2x25x80xi32, #tpu.memory_space<vmem>>, vector<1x1x16xi32>,
        %get3A_1220 = vector.shape_cast %get3A_1219 : vector<1x1x16xi32> to vector<16xi32>
        %sub3A_1221 = vector.broadcast %mul3A_0 : i32 to vector<16xi32>
        %sub3A_1222 = arith.subi %get3A_1220, %sub3A_1221 : vector<16xi32>
        %ge3A_1223 = arith.constant 0 : i32
        %ge3A_1224 = vector.broadcast %ge3A_1223 : i32 to vector<16xi32>
        %ge3A_1225 = arith.cmpi sge, %sub3A_1222, %ge3A_1224 : vector<16xi32>
        %lt3A_1226 = vector.broadcast %sub3A_3 : i32 to vector<16xi32>
        %lt3A_1227 = arith.cmpi slt, %sub3A_1222, %lt3A_1226 : vector<16xi32>
        %and3A_1228 = arith.andi %ge3A_1225, %lt3A_1227 : vector<16xi1>
        %broadcast_in_dim3A_1229 = vector.broadcast %add3A_6 : i32 to vector<16xi32>
        %select_n3A_1230 = arith.select %and3A_1228, %sub3A_1222, %broadcast_in_dim3A_1229 : vector<16xi1>, vector<16xi32>
        %swap3A_1231 = arith.index_cast %select_n3A_153 : i32 to index
        %swap3A_1232 = arith.index_cast %add3A_1116 : i32 to index
        %swap3A_1233 = arith.constant 64 : index
        %swap3A_1234 = tpu.vector_load %arg7[%swap3A_1231, %swap3A_1232, %swap3A_1233] {strides = array<i32>} : memref<2x25x80xi32, #tpu.memory_space<vmem>>, vector<1x1x16xi32>,
        %swap3A_1235 = vector.shape_cast %swap3A_1234 : vector<1x1x16xi32> to vector<16xi32>
        %swap3A_1236 = vector.shape_cast %select_n3A_1230 : vector<16xi32> to vector<1x1x16xi32>
        tpu.vector_store %arg7[%swap3A_1231, %swap3A_1232, %swap3A_1233], %swap3A_1236 {strides = array<i32>} : memref<2x25x80xi32, #tpu.memory_space<vmem>>, vector<1x1x16xi32>,
        %dma_start3A_1237 = arith.constant 0 : i32
        %dma_start3A_1238 = arith.constant 0 : i32
        %dma_start3A_1239 = arith.constant 0 : i32
        %dma_start3A_1240 = arith.constant 0 : i32
        %dma_start3A_1241 = tpu.memref_slice %arg9[%dma_start3A_1237, %dma_start3A_1239, %dma_start3A_1240] : memref<5x80x128xf32, #tpu.memory_space<vmem>> -> memref<1x80x128xf32, #tpu.memory_space<vmem>>
        %dma_start3A_1242 = tpu.memref_squeeze %dma_start3A_1241 : memref<1x80x128xf32, #tpu.memory_space<vmem>> -> memref<80x128xf32, #tpu.memory_space<vmem>>
        %dma_start3A_1243 = arith.constant 0 : i32
        %dma_start3A_1244 = tpu.memref_slice %arg7[%select_n3A_153, %add3A_1116, %dma_start3A_1243] : memref<2x25x80xi32, #tpu.memory_space<vmem>> -> memref<1x1x80xi32, #tpu.memory_space<vmem>>
        %dma_start3A_1245 = tpu.memref_squeeze %dma_start3A_1244 : memref<1x1x80xi32, #tpu.memory_space<vmem>> -> memref<80xi32, #tpu.memory_space<vmem>>
        %dma_start3A_1246 = arith.constant 0 : i32
        %dma_start3A_1247 = arith.constant 0 : i32
        %dma_start3A_1248 = tpu.memref_slice %arg10[%dma_start3A_1246, %dma_start3A_1247] : memref<5248x128xf32, #tpu.memory_space<vmem_shared>> -> memref<5248x128xf32, #tpu.memory_space<vmem_shared>>
        %dma_start3A_1249 = tpu.memref_slice %arg12[%dma_start3A_1238] : memref<5x!tpu.dma_semaphore, #tpu.memory_space<semaphore_mem>> -> memref<1x!tpu.dma_semaphore, #tpu.memory_space<semaphore_mem>>
        %dma_start3A_1250 = tpu.memref_squeeze %dma_start3A_1249 : memref<1x!tpu.dma_semaphore, #tpu.memory_space<semaphore_mem>> -> memref<!tpu.dma_semaphore, #tpu.memory_space<semaphore_mem>>
        tpu.enqueue_indirect_dma source(%dma_start3A_1242 : memref<80x128xf32, #tpu.memory_space<vmem>>) target(%dma_start3A_1248 : memref<5248x128xf32, #tpu.memory_space<vmem_shared>>) offsets(%dma_start3A_1245 : memref<80xi32, #tpu.memory_space<vmem>>) semaphore(%dma_start3A_1250 : memref<!tpu.dma_semaphore, #tpu.memory_space<semaphore_mem>>) {add = true}
        %convert_element_type3A_1251 = arith.extui %le3A_1117 : i1 to i32
        %cond3A_1252 = arith.constant 0 : i32
        %cond3A_1253 = arith.cmpi ne, %convert_element_type3A_1251, %cond3A_1252 : i32
        scf.if %cond3A_1253 {
          %dma_wait3A_1822 = arith.constant 4 : i32
          %dma_wait3A_1823 = arith.constant 0 : i32
          %dma_wait3A_1824 = arith.constant 4 : i32
          %dma_wait3A_1825 = arith.constant 0 : i32
          %dma_wait3A_1826 = arith.constant 0 : i32
          %dma_wait3A_1827 = tpu.memref_slice %arg9[%dma_wait3A_1822, %dma_wait3A_1825, %dma_wait3A_1826] : memref<5x80x128xf32, #tpu.memory_space<vmem>> -> memref<1x80x128xf32, #tpu.memory_space<vmem>>
          %dma_wait3A_1828 = tpu.memref_squeeze %dma_wait3A_1827 : memref<1x80x128xf32, #tpu.memory_space<vmem>> -> memref<80x128xf32, #tpu.memory_space<vmem>>
          %dma_wait3A_1829 = arith.constant 0 : i32
          %dma_wait3A_1830 = tpu.memref_slice %arg7[%select_n3A_153, %dma_wait3A_1823, %dma_wait3A_1829] : memref<2x25x80xi32, #tpu.memory_space<vmem>> -> memref<1x1x80xi32, #tpu.memory_space<vmem>>
          %dma_wait3A_1831 = tpu.memref_squeeze %dma_wait3A_1830 : memref<1x1x80xi32, #tpu.memory_space<vmem>> -> memref<80xi32, #tpu.memory_space<vmem>>
          %dma_wait3A_1832 = arith.constant 0 : i32
          %dma_wait3A_1833 = arith.constant 0 : i32
          %dma_wait3A_1834 = tpu.memref_slice %arg10[%dma_wait3A_1832, %dma_wait3A_1833] : memref<5248x128xf32, #tpu.memory_space<vmem_shared>> -> memref<5248x128xf32, #tpu.memory_space<vmem_shared>>
          %dma_wait3A_1835 = tpu.memref_slice %arg12[%dma_wait3A_1824] : memref<5x!tpu.dma_semaphore, #tpu.memory_space<semaphore_mem>> -> memref<1x!tpu.dma_semaphore, #tpu.memory_space<semaphore_mem>>
          %dma_wait3A_1836 = tpu.memref_squeeze %dma_wait3A_1835 : memref<1x!tpu.dma_semaphore, #tpu.memory_space<semaphore_mem>> -> memref<!tpu.dma_semaphore, #tpu.memory_space<semaphore_mem>>
          tpu.wait_indirect_dma semaphore(%dma_wait3A_1836 : memref<!tpu.dma_semaphore, #tpu.memory_space<semaphore_mem>>) src(%dma_wait3A_1828 : memref<80x128xf32, #tpu.memory_space<vmem>>) dst(%dma_wait3A_1834 : memref<5248x128xf32, #tpu.memory_space<vmem_shared>>)
          %sub3A_1837 = arith.constant 1 : i32
          %sub3A_1838 = arith.subi %add3A_1116, %sub3A_1837 : i32
          %add3A_1839 = arith.constant 5 : i32
          %add3A_1840 = arith.addi %sub3A_1838, %add3A_1839 : i32
          %dma_start3A_1841 = arith.constant 4 : i32
          %dma_start3A_1842 = arith.constant 4 : i32
          %dma_start3A_1843 = arith.constant 0 : i32
          %dma_start3A_1844 = arith.constant 0 : i32
          %dma_start3A_1845 = tpu.memref_slice %arg9[%dma_start3A_1841, %dma_start3A_1843, %dma_start3A_1844] : memref<5x80x128xf32, #tpu.memory_space<vmem>> -> memref<1x80x128xf32, #tpu.memory_space<vmem>>
          %dma_start3A_1846 = tpu.memref_squeeze %dma_start3A_1845 : memref<1x80x128xf32, #tpu.memory_space<vmem>> -> memref<80x128xf32, #tpu.memory_space<vmem>>
          %dma_start3A_1847 = arith.constant 0 : i32
          %dma_start3A_1848 = tpu.memref_slice %arg6[%select_n3A_153, %add3A_1840, %dma_start3A_1847] : memref<2x25x80xi32, #tpu.memory_space<vmem>> -> memref<1x1x80xi32, #tpu.memory_space<vmem>>
          %dma_start3A_1849 = tpu.memref_squeeze %dma_start3A_1848 : memref<1x1x80xi32, #tpu.memory_space<vmem>> -> memref<80xi32, #tpu.memory_space<vmem>>
          %dma_start3A_1850 = arith.constant 0 : i32
          %dma_start3A_1851 = arith.constant 0 : i32
          %dma_start3A_1852 = tpu.memref_slice %arg2[%dma_start3A_1850, %dma_start3A_1851] : memref<10000x128xf32, #tpu.memory_space<hbm>> -> memref<10000x128xf32, #tpu.memory_space<hbm>>
          %dma_start3A_1853 = tpu.memref_slice %arg11[%dma_start3A_1842] : memref<5x!tpu.dma_semaphore, #tpu.memory_space<semaphore_mem>> -> memref<1x!tpu.dma_semaphore, #tpu.memory_space<semaphore_mem>>
          %dma_start3A_1854 = tpu.memref_squeeze %dma_start3A_1853 : memref<1x!tpu.dma_semaphore, #tpu.memory_space<semaphore_mem>> -> memref<!tpu.dma_semaphore, #tpu.memory_space<semaphore_mem>>
          tpu.enqueue_indirect_dma source(%dma_start3A_1852 : memref<10000x128xf32, #tpu.memory_space<hbm>>) target(%dma_start3A_1846 : memref<80x128xf32, #tpu.memory_space<vmem>>) offsets(%dma_start3A_1849 : memref<80xi32, #tpu.memory_space<vmem>>) semaphore(%dma_start3A_1854 : memref<!tpu.dma_semaphore, #tpu.memory_space<semaphore_mem>>)
        } else {
        }
        %mul3A_1254 = arith.constant 5 : i32
        %mul3A_1255 = arith.muli %scan3A_1112, %mul3A_1254 : i32
        %add3A_1256 = arith.constant 1 : i32
        %add3A_1257 = arith.addi %mul3A_1255, %add3A_1256 : i32
        %le3A_1258 = arith.constant 20 : i32
        %le3A_1259 = arith.cmpi sle, %add3A_1257, %le3A_1258 : i32
        %dma_wait3A_1260 = arith.constant 1 : i32
        %dma_wait3A_1261 = arith.constant 1 : i32
        %dma_wait3A_1262 = arith.constant 0 : i32
        %dma_wait3A_1263 = arith.constant 0 : i32
        %dma_wait3A_1264 = tpu.memref_slice %arg9[%dma_wait3A_1260, %dma_wait3A_1262, %dma_wait3A_1263] : memref<5x80x128xf32, #tpu.memory_space<vmem>> -> memref<1x80x128xf32, #tpu.memory_space<vmem>>
        %dma_wait3A_1265 = tpu.memref_squeeze %dma_wait3A_1264 : memref<1x80x128xf32, #tpu.memory_space<vmem>> -> memref<80x128xf32, #tpu.memory_space<vmem>>
        %dma_wait3A_1266 = arith.constant 0 : i32
        %dma_wait3A_1267 = tpu.memref_slice %arg6[%select_n3A_153, %add3A_1257, %dma_wait3A_1266] : memref<2x25x80xi32, #tpu.memory_space<vmem>> -> memref<1x1x80xi32, #tpu.memory_space<vmem>>
        %dma_wait3A_1268 = tpu.memref_squeeze %dma_wait3A_1267 : memref<1x1x80xi32, #tpu.memory_space<vmem>> -> memref<80xi32, #tpu.memory_space<vmem>>
        %dma_wait3A_1269 = arith.constant 0 : i32
        %dma_wait3A_1270 = arith.constant 0 : i32
        %dma_wait3A_1271 = tpu.memref_slice %arg2[%dma_wait3A_1269, %dma_wait3A_1270] : memref<10000x128xf32, #tpu.memory_space<hbm>> -> memref<10000x128xf32, #tpu.memory_space<hbm>>
        %dma_wait3A_1272 = tpu.memref_slice %arg11[%dma_wait3A_1261] : memref<5x!tpu.dma_semaphore, #tpu.memory_space<semaphore_mem>> -> memref<1x!tpu.dma_semaphore, #tpu.memory_space<semaphore_mem>>
        %dma_wait3A_1273 = tpu.memref_squeeze %dma_wait3A_1272 : memref<1x!tpu.dma_semaphore, #tpu.memory_space<semaphore_mem>> -> memref<!tpu.dma_semaphore, #tpu.memory_space<semaphore_mem>>
        tpu.wait_indirect_dma semaphore(%dma_wait3A_1273 : memref<!tpu.dma_semaphore, #tpu.memory_space<semaphore_mem>>) src(%dma_wait3A_1271 : memref<10000x128xf32, #tpu.memory_space<hbm>>) dst(%dma_wait3A_1265 : memref<80x128xf32, #tpu.memory_space<vmem>>)
        %get3A_1274 = arith.index_cast %select_n3A_153 : i32 to index
        %get3A_1275 = arith.index_cast %add3A_1257 : i32 to index
        %get3A_1276 = arith.constant 0 : index
        %get3A_1277 = tpu.vector_load %arg7[%get3A_1274, %get3A_1275, %get3A_1276] {strides = array<i32>} : memref<2x25x80xi32, #tpu.memory_space<vmem>>, vector<1x1x16xi32>,
        %get3A_1278 = vector.shape_cast %get3A_1277 : vector<1x1x16xi32> to vector<16xi32>
        %sub3A_1279 = vector.broadcast %mul3A_0 : i32 to vector<16xi32>
        %sub3A_1280 = arith.subi %get3A_1278, %sub3A_1279 : vector<16xi32>
        %ge3A_1281 = arith.constant 0 : i32
        %ge3A_1282 = vector.broadcast %ge3A_1281 : i32 to vector<16xi32>
        %ge3A_1283 = arith.cmpi sge, %sub3A_1280, %ge3A_1282 : vector<16xi32>
        %lt3A_1284 = vector.broadcast %sub3A_3 : i32 to vector<16xi32>
        %lt3A_1285 = arith.cmpi slt, %sub3A_1280, %lt3A_1284 : vector<16xi32>
        %and3A_1286 = arith.andi %ge3A_1283, %lt3A_1285 : vector<16xi1>
        %broadcast_in_dim3A_1287 = vector.broadcast %add3A_6 : i32 to vector<16xi32>
        %select_n3A_1288 = arith.select %and3A_1286, %sub3A_1280, %broadcast_in_dim3A_1287 : vector<16xi1>, vector<16xi32>
        %swap3A_1289 = arith.index_cast %select_n3A_153 : i32 to index
        %swap3A_1290 = arith.index_cast %add3A_1257 : i32 to index
        %swap3A_1291 = arith.constant 0 : index
        %swap3A_1292 = tpu.vector_load %arg7[%swap3A_1289, %swap3A_1290, %swap3A_1291] {strides = array<i32>} : memref<2x25x80xi32, #tpu.memory_space<vmem>>, vector<1x1x16xi32>,
        %swap3A_1293 = vector.shape_cast %swap3A_1292 : vector<1x1x16xi32> to vector<16xi32>
        %swap3A_1294 = vector.shape_cast %select_n3A_1288 : vector<16xi32> to vector<1x1x16xi32>
        tpu.vector_store %arg7[%swap3A_1289, %swap3A_1290, %swap3A_1291], %swap3A_1294 {strides = array<i32>} : memref<2x25x80xi32, #tpu.memory_space<vmem>>, vector<1x1x16xi32>,
        %get3A_1295 = arith.index_cast %select_n3A_153 : i32 to index
        %get3A_1296 = arith.index_cast %add3A_1257 : i32 to index
        %get3A_1297 = arith.constant 16 : index
        %get3A_1298 = tpu.vector_load %arg7[%get3A_1295, %get3A_1296, %get3A_1297] {strides = array<i32>} : memref<2x25x80xi32, #tpu.memory_space<vmem>>, vector<1x1x16xi32>,
        %get3A_1299 = vector.shape_cast %get3A_1298 : vector<1x1x16xi32> to vector<16xi32>
        %sub3A_1300 = vector.broadcast %mul3A_0 : i32 to vector<16xi32>
        %sub3A_1301 = arith.subi %get3A_1299, %sub3A_1300 : vector<16xi32>
        %ge3A_1302 = arith.constant 0 : i32
        %ge3A_1303 = vector.broadcast %ge3A_1302 : i32 to vector<16xi32>
        %ge3A_1304 = arith.cmpi sge, %sub3A_1301, %ge3A_1303 : vector<16xi32>
        %lt3A_1305 = vector.broadcast %sub3A_3 : i32 to vector<16xi32>
        %lt3A_1306 = arith.cmpi slt, %sub3A_1301, %lt3A_1305 : vector<16xi32>
        %and3A_1307 = arith.andi %ge3A_1304, %lt3A_1306 : vector<16xi1>
        %broadcast_in_dim3A_1308 = vector.broadcast %add3A_6 : i32 to vector<16xi32>
        %select_n3A_1309 = arith.select %and3A_1307, %sub3A_1301, %broadcast_in_dim3A_1308 : vector<16xi1>, vector<16xi32>
        %swap3A_1310 = arith.index_cast %select_n3A_153 : i32 to index
        %swap3A_1311 = arith.index_cast %add3A_1257 : i32 to index
        %swap3A_1312 = arith.constant 16 : index
        %swap3A_1313 = tpu.vector_load %arg7[%swap3A_1310, %swap3A_1311, %swap3A_1312] {strides = array<i32>} : memref<2x25x80xi32, #tpu.memory_space<vmem>>, vector<1x1x16xi32>,
        %swap3A_1314 = vector.shape_cast %swap3A_1313 : vector<1x1x16xi32> to vector<16xi32>
        %swap3A_1315 = vector.shape_cast %select_n3A_1309 : vector<16xi32> to vector<1x1x16xi32>
        tpu.vector_store %arg7[%swap3A_1310, %swap3A_1311, %swap3A_1312], %swap3A_1315 {strides = array<i32>} : memref<2x25x80xi32, #tpu.memory_space<vmem>>, vector<1x1x16xi32>,
        %get3A_1316 = arith.index_cast %select_n3A_153 : i32 to index
        %get3A_1317 = arith.index_cast %add3A_1257 : i32 to index
        %get3A_1318 = arith.constant 32 : index
        %get3A_1319 = tpu.vector_load %arg7[%get3A_1316, %get3A_1317, %get3A_1318] {strides = array<i32>} : memref<2x25x80xi32, #tpu.memory_space<vmem>>, vector<1x1x16xi32>,
        %get3A_1320 = vector.shape_cast %get3A_1319 : vector<1x1x16xi32> to vector<16xi32>
        %sub3A_1321 = vector.broadcast %mul3A_0 : i32 to vector<16xi32>
        %sub3A_1322 = arith.subi %get3A_1320, %sub3A_1321 : vector<16xi32>
        %ge3A_1323 = arith.constant 0 : i32
        %ge3A_1324 = vector.broadcast %ge3A_1323 : i32 to vector<16xi32>
        %ge3A_1325 = arith.cmpi sge, %sub3A_1322, %ge3A_1324 : vector<16xi32>
        %lt3A_1326 = vector.broadcast %sub3A_3 : i32 to vector<16xi32>
        %lt3A_1327 = arith.cmpi slt, %sub3A_1322, %lt3A_1326 : vector<16xi32>
        %and3A_1328 = arith.andi %ge3A_1325, %lt3A_1327 : vector<16xi1>
        %broadcast_in_dim3A_1329 = vector.broadcast %add3A_6 : i32 to vector<16xi32>
        %select_n3A_1330 = arith.select %and3A_1328, %sub3A_1322, %broadcast_in_dim3A_1329 : vector<16xi1>, vector<16xi32>
        %swap3A_1331 = arith.index_cast %select_n3A_153 : i32 to index
        %swap3A_1332 = arith.index_cast %add3A_1257 : i32 to index
        %swap3A_1333 = arith.constant 32 : index
        %swap3A_1334 = tpu.vector_load %arg7[%swap3A_1331, %swap3A_1332, %swap3A_1333] {strides = array<i32>} : memref<2x25x80xi32, #tpu.memory_space<vmem>>, vector<1x1x16xi32>,
        %swap3A_1335 = vector.shape_cast %swap3A_1334 : vector<1x1x16xi32> to vector<16xi32>
        %swap3A_1336 = vector.shape_cast %select_n3A_1330 : vector<16xi32> to vector<1x1x16xi32>
        tpu.vector_store %arg7[%swap3A_1331, %swap3A_1332, %swap3A_1333], %swap3A_1336 {strides = array<i32>} : memref<2x25x80xi32, #tpu.memory_space<vmem>>, vector<1x1x16xi32>,
        %get3A_1337 = arith.index_cast %select_n3A_153 : i32 to index
        %get3A_1338 = arith.index_cast %add3A_1257 : i32 to index
        %get3A_1339 = arith.constant 48 : index
        %get3A_1340 = tpu.vector_load %arg7[%get3A_1337, %get3A_1338, %get3A_1339] {strides = array<i32>} : memref<2x25x80xi32, #tpu.memory_space<vmem>>, vector<1x1x16xi32>,
        %get3A_1341 = vector.shape_cast %get3A_1340 : vector<1x1x16xi32> to vector<16xi32>
        %sub3A_1342 = vector.broadcast %mul3A_0 : i32 to vector<16xi32>
        %sub3A_1343 = arith.subi %get3A_1341, %sub3A_1342 : vector<16xi32>
        %ge3A_1344 = arith.constant 0 : i32
        %ge3A_1345 = vector.broadcast %ge3A_1344 : i32 to vector<16xi32>
        %ge3A_1346 = arith.cmpi sge, %sub3A_1343, %ge3A_1345 : vector<16xi32>
        %lt3A_1347 = vector.broadcast %sub3A_3 : i32 to vector<16xi32>
        %lt3A_1348 = arith.cmpi slt, %sub3A_1343, %lt3A_1347 : vector<16xi32>
        %and3A_1349 = arith.andi %ge3A_1346, %lt3A_1348 : vector<16xi1>
        %broadcast_in_dim3A_1350 = vector.broadcast %add3A_6 : i32 to vector<16xi32>
        %select_n3A_1351 = arith.select %and3A_1349, %sub3A_1343, %broadcast_in_dim3A_1350 : vector<16xi1>, vector<16xi32>
        %swap3A_1352 = arith.index_cast %select_n3A_153 : i32 to index
        %swap3A_1353 = arith.index_cast %add3A_1257 : i32 to index
        %swap3A_1354 = arith.constant 48 : index
        %swap3A_1355 = tpu.vector_load %arg7[%swap3A_1352, %swap3A_1353, %swap3A_1354] {strides = array<i32>} : memref<2x25x80xi32, #tpu.memory_space<vmem>>, vector<1x1x16xi32>,
        %swap3A_1356 = vector.shape_cast %swap3A_1355 : vector<1x1x16xi32> to vector<16xi32>
        %swap3A_1357 = vector.shape_cast %select_n3A_1351 : vector<16xi32> to vector<1x1x16xi32>
        tpu.vector_store %arg7[%swap3A_1352, %swap3A_1353, %swap3A_1354], %swap3A_1357 {strides = array<i32>} : memref<2x25x80xi32, #tpu.memory_space<vmem>>, vector<1x1x16xi32>,
        %get3A_1358 = arith.index_cast %select_n3A_153 : i32 to index
        %get3A_1359 = arith.index_cast %add3A_1257 : i32 to index
        %get3A_1360 = arith.constant 64 : index
        %get3A_1361 = tpu.vector_load %arg7[%get3A_1358, %get3A_1359, %get3A_1360] {strides = array<i32>} : memref<2x25x80xi32, #tpu.memory_space<vmem>>, vector<1x1x16xi32>,
        %get3A_1362 = vector.shape_cast %get3A_1361 : vector<1x1x16xi32> to vector<16xi32>
        %sub3A_1363 = vector.broadcast %mul3A_0 : i32 to vector<16xi32>
        %sub3A_1364 = arith.subi %get3A_1362, %sub3A_1363 : vector<16xi32>
        %ge3A_1365 = arith.constant 0 : i32
        %ge3A_1366 = vector.broadcast %ge3A_1365 : i32 to vector<16xi32>
        %ge3A_1367 = arith.cmpi sge, %sub3A_1364, %ge3A_1366 : vector<16xi32>
        %lt3A_1368 = vector.broadcast %sub3A_3 : i32 to vector<16xi32>
        %lt3A_1369 = arith.cmpi slt, %sub3A_1364, %lt3A_1368 : vector<16xi32>
        %and3A_1370 = arith.andi %ge3A_1367, %lt3A_1369 : vector<16xi1>
        %broadcast_in_dim3A_1371 = vector.broadcast %add3A_6 : i32 to vector<16xi32>
        %select_n3A_1372 = arith.select %and3A_1370, %sub3A_1364, %broadcast_in_dim3A_1371 : vector<16xi1>, vector<16xi32>
        %swap3A_1373 = arith.index_cast %select_n3A_153 : i32 to index
        %swap3A_1374 = arith.index_cast %add3A_1257 : i32 to index
        %swap3A_1375 = arith.constant 64 : index
        %swap3A_1376 = tpu.vector_load %arg7[%swap3A_1373, %swap3A_1374, %swap3A_1375] {strides = array<i32>} : memref<2x25x80xi32, #tpu.memory_space<vmem>>, vector<1x1x16xi32>,
        %swap3A_1377 = vector.shape_cast %swap3A_1376 : vector<1x1x16xi32> to vector<16xi32>
        %swap3A_1378 = vector.shape_cast %select_n3A_1372 : vector<16xi32> to vector<1x1x16xi32>
        tpu.vector_store %arg7[%swap3A_1373, %swap3A_1374, %swap3A_1375], %swap3A_1378 {strides = array<i32>} : memref<2x25x80xi32, #tpu.memory_space<vmem>>, vector<1x1x16xi32>,
        %dma_start3A_1379 = arith.constant 1 : i32
        %dma_start3A_1380 = arith.constant 1 : i32
        %dma_start3A_1381 = arith.constant 0 : i32
        %dma_start3A_1382 = arith.constant 0 : i32
        %dma_start3A_1383 = tpu.memref_slice %arg9[%dma_start3A_1379, %dma_start3A_1381, %dma_start3A_1382] : memref<5x80x128xf32, #tpu.memory_space<vmem>> -> memref<1x80x128xf32, #tpu.memory_space<vmem>>
        %dma_start3A_1384 = tpu.memref_squeeze %dma_start3A_1383 : memref<1x80x128xf32, #tpu.memory_space<vmem>> -> memref<80x128xf32, #tpu.memory_space<vmem>>
        %dma_start3A_1385 = arith.constant 0 : i32
        %dma_start3A_1386 = tpu.memref_slice %arg7[%select_n3A_153, %add3A_1257, %dma_start3A_1385] : memref<2x25x80xi32, #tpu.memory_space<vmem>> -> memref<1x1x80xi32, #tpu.memory_space<vmem>>
        %dma_start3A_1387 = tpu.memref_squeeze %dma_start3A_1386 : memref<1x1x80xi32, #tpu.memory_space<vmem>> -> memref<80xi32, #tpu.memory_space<vmem>>
        %dma_start3A_1388 = arith.constant 0 : i32
        %dma_start3A_1389 = arith.constant 0 : i32
        %dma_start3A_1390 = tpu.memref_slice %arg10[%dma_start3A_1388, %dma_start3A_1389] : memref<5248x128xf32, #tpu.memory_space<vmem_shared>> -> memref<5248x128xf32, #tpu.memory_space<vmem_shared>>
        %dma_start3A_1391 = tpu.memref_slice %arg12[%dma_start3A_1380] : memref<5x!tpu.dma_semaphore, #tpu.memory_space<semaphore_mem>> -> memref<1x!tpu.dma_semaphore, #tpu.memory_space<semaphore_mem>>
        %dma_start3A_1392 = tpu.memref_squeeze %dma_start3A_1391 : memref<1x!tpu.dma_semaphore, #tpu.memory_space<semaphore_mem>> -> memref<!tpu.dma_semaphore, #tpu.memory_space<semaphore_mem>>
        tpu.enqueue_indirect_dma source(%dma_start3A_1384 : memref<80x128xf32, #tpu.memory_space<vmem>>) target(%dma_start3A_1390 : memref<5248x128xf32, #tpu.memory_space<vmem_shared>>) offsets(%dma_start3A_1387 : memref<80xi32, #tpu.memory_space<vmem>>) semaphore(%dma_start3A_1392 : memref<!tpu.dma_semaphore, #tpu.memory_space<semaphore_mem>>) {add = true}
        %convert_element_type3A_1393 = arith.extui %le3A_1259 : i1 to i32
        %cond3A_1394 = arith.constant 0 : i32
        %cond3A_1395 = arith.cmpi ne, %convert_element_type3A_1393, %cond3A_1394 : i32
        scf.if %cond3A_1395 {
          %dma_wait3A_1822 = arith.constant 0 : i32
          %dma_wait3A_1823 = arith.constant 0 : i32
          %dma_wait3A_1824 = arith.constant 0 : i32
          %dma_wait3A_1825 = arith.constant 0 : i32
          %dma_wait3A_1826 = arith.constant 0 : i32
          %dma_wait3A_1827 = tpu.memref_slice %arg9[%dma_wait3A_1822, %dma_wait3A_1825, %dma_wait3A_1826] : memref<5x80x128xf32, #tpu.memory_space<vmem>> -> memref<1x80x128xf32, #tpu.memory_space<vmem>>
          %dma_wait3A_1828 = tpu.memref_squeeze %dma_wait3A_1827 : memref<1x80x128xf32, #tpu.memory_space<vmem>> -> memref<80x128xf32, #tpu.memory_space<vmem>>
          %dma_wait3A_1829 = arith.constant 0 : i32
          %dma_wait3A_1830 = tpu.memref_slice %arg7[%select_n3A_153, %dma_wait3A_1823, %dma_wait3A_1829] : memref<2x25x80xi32, #tpu.memory_space<vmem>> -> memref<1x1x80xi32, #tpu.memory_space<vmem>>
          %dma_wait3A_1831 = tpu.memref_squeeze %dma_wait3A_1830 : memref<1x1x80xi32, #tpu.memory_space<vmem>> -> memref<80xi32, #tpu.memory_space<vmem>>
          %dma_wait3A_1832 = arith.constant 0 : i32
          %dma_wait3A_1833 = arith.constant 0 : i32
          %dma_wait3A_1834 = tpu.memref_slice %arg10[%dma_wait3A_1832, %dma_wait3A_1833] : memref<5248x128xf32, #tpu.memory_space<vmem_shared>> -> memref<5248x128xf32, #tpu.memory_space<vmem_shared>>
          %dma_wait3A_1835 = tpu.memref_slice %arg12[%dma_wait3A_1824] : memref<5x!tpu.dma_semaphore, #tpu.memory_space<semaphore_mem>> -> memref<1x!tpu.dma_semaphore, #tpu.memory_space<semaphore_mem>>
          %dma_wait3A_1836 = tpu.memref_squeeze %dma_wait3A_1835 : memref<1x!tpu.dma_semaphore, #tpu.memory_space<semaphore_mem>> -> memref<!tpu.dma_semaphore, #tpu.memory_space<semaphore_mem>>
          tpu.wait_indirect_dma semaphore(%dma_wait3A_1836 : memref<!tpu.dma_semaphore, #tpu.memory_space<semaphore_mem>>) src(%dma_wait3A_1828 : memref<80x128xf32, #tpu.memory_space<vmem>>) dst(%dma_wait3A_1834 : memref<5248x128xf32, #tpu.memory_space<vmem_shared>>)
          %sub3A_1837 = arith.constant 1 : i32
          %sub3A_1838 = arith.subi %add3A_1257, %sub3A_1837 : i32
          %add3A_1839 = arith.constant 5 : i32
          %add3A_1840 = arith.addi %sub3A_1838, %add3A_1839 : i32
          %dma_start3A_1841 = arith.constant 0 : i32
          %dma_start3A_1842 = arith.constant 0 : i32
          %dma_start3A_1843 = arith.constant 0 : i32
          %dma_start3A_1844 = arith.constant 0 : i32
          %dma_start3A_1845 = tpu.memref_slice %arg9[%dma_start3A_1841, %dma_start3A_1843, %dma_start3A_1844] : memref<5x80x128xf32, #tpu.memory_space<vmem>> -> memref<1x80x128xf32, #tpu.memory_space<vmem>>
          %dma_start3A_1846 = tpu.memref_squeeze %dma_start3A_1845 : memref<1x80x128xf32, #tpu.memory_space<vmem>> -> memref<80x128xf32, #tpu.memory_space<vmem>>
          %dma_start3A_1847 = arith.constant 0 : i32
          %dma_start3A_1848 = tpu.memref_slice %arg6[%select_n3A_153, %add3A_1840, %dma_start3A_1847] : memref<2x25x80xi32, #tpu.memory_space<vmem>> -> memref<1x1x80xi32, #tpu.memory_space<vmem>>
          %dma_start3A_1849 = tpu.memref_squeeze %dma_start3A_1848 : memref<1x1x80xi32, #tpu.memory_space<vmem>> -> memref<80xi32, #tpu.memory_space<vmem>>
          %dma_start3A_1850 = arith.constant 0 : i32
          %dma_start3A_1851 = arith.constant 0 : i32
          %dma_start3A_1852 = tpu.memref_slice %arg2[%dma_start3A_1850, %dma_start3A_1851] : memref<10000x128xf32, #tpu.memory_space<hbm>> -> memref<10000x128xf32, #tpu.memory_space<hbm>>
          %dma_start3A_1853 = tpu.memref_slice %arg11[%dma_start3A_1842] : memref<5x!tpu.dma_semaphore, #tpu.memory_space<semaphore_mem>> -> memref<1x!tpu.dma_semaphore, #tpu.memory_space<semaphore_mem>>
          %dma_start3A_1854 = tpu.memref_squeeze %dma_start3A_1853 : memref<1x!tpu.dma_semaphore, #tpu.memory_space<semaphore_mem>> -> memref<!tpu.dma_semaphore, #tpu.memory_space<semaphore_mem>>
          tpu.enqueue_indirect_dma source(%dma_start3A_1852 : memref<10000x128xf32, #tpu.memory_space<hbm>>) target(%dma_start3A_1846 : memref<80x128xf32, #tpu.memory_space<vmem>>) offsets(%dma_start3A_1849 : memref<80xi32, #tpu.memory_space<vmem>>) semaphore(%dma_start3A_1854 : memref<!tpu.dma_semaphore, #tpu.memory_space<semaphore_mem>>)
        } else {
        }
        %mul3A_1396 = arith.constant 5 : i32
        %mul3A_1397 = arith.muli %scan3A_1112, %mul3A_1396 : i32
        %add3A_1398 = arith.constant 2 : i32
        %add3A_1399 = arith.addi %mul3A_1397, %add3A_1398 : i32
        %le3A_1400 = arith.constant 20 : i32
        %le3A_1401 = arith.cmpi sle, %add3A_1399, %le3A_1400 : i32
        %dma_wait3A_1402 = arith.constant 2 : i32
        %dma_wait3A_1403 = arith.constant 2 : i32
        %dma_wait3A_1404 = arith.constant 0 : i32
        %dma_wait3A_1405 = arith.constant 0 : i32
        %dma_wait3A_1406 = tpu.memref_slice %arg9[%dma_wait3A_1402, %dma_wait3A_1404, %dma_wait3A_1405] : memref<5x80x128xf32, #tpu.memory_space<vmem>> -> memref<1x80x128xf32, #tpu.memory_space<vmem>>
        %dma_wait3A_1407 = tpu.memref_squeeze %dma_wait3A_1406 : memref<1x80x128xf32, #tpu.memory_space<vmem>> -> memref<80x128xf32, #tpu.memory_space<vmem>>
        %dma_wait3A_1408 = arith.constant 0 : i32
        %dma_wait3A_1409 = tpu.memref_slice %arg6[%select_n3A_153, %add3A_1399, %dma_wait3A_1408] : memref<2x25x80xi32, #tpu.memory_space<vmem>> -> memref<1x1x80xi32, #tpu.memory_space<vmem>>
        %dma_wait3A_1410 = tpu.memref_squeeze %dma_wait3A_1409 : memref<1x1x80xi32, #tpu.memory_space<vmem>> -> memref<80xi32, #tpu.memory_space<vmem>>
        %dma_wait3A_1411 = arith.constant 0 : i32
        %dma_wait3A_1412 = arith.constant 0 : i32
        %dma_wait3A_1413 = tpu.memref_slice %arg2[%dma_wait3A_1411, %dma_wait3A_1412] : memref<10000x128xf32, #tpu.memory_space<hbm>> -> memref<10000x128xf32, #tpu.memory_space<hbm>>
        %dma_wait3A_1414 = tpu.memref_slice %arg11[%dma_wait3A_1403] : memref<5x!tpu.dma_semaphore, #tpu.memory_space<semaphore_mem>> -> memref<1x!tpu.dma_semaphore, #tpu.memory_space<semaphore_mem>>
        %dma_wait3A_1415 = tpu.memref_squeeze %dma_wait3A_1414 : memref<1x!tpu.dma_semaphore, #tpu.memory_space<semaphore_mem>> -> memref<!tpu.dma_semaphore, #tpu.memory_space<semaphore_mem>>
        tpu.wait_indirect_dma semaphore(%dma_wait3A_1415 : memref<!tpu.dma_semaphore, #tpu.memory_space<semaphore_mem>>) src(%dma_wait3A_1413 : memref<10000x128xf32, #tpu.memory_space<hbm>>) dst(%dma_wait3A_1407 : memref<80x128xf32, #tpu.memory_space<vmem>>)
        %get3A_1416 = arith.index_cast %select_n3A_153 : i32 to index
        %get3A_1417 = arith.index_cast %add3A_1399 : i32 to index
        %get3A_1418 = arith.constant 0 : index
        %get3A_1419 = tpu.vector_load %arg7[%get3A_1416, %get3A_1417, %get3A_1418] {strides = array<i32>} : memref<2x25x80xi32, #tpu.memory_space<vmem>>, vector<1x1x16xi32>,
        %get3A_1420 = vector.shape_cast %get3A_1419 : vector<1x1x16xi32> to vector<16xi32>
        %sub3A_1421 = vector.broadcast %mul3A_0 : i32 to vector<16xi32>
        %sub3A_1422 = arith.subi %get3A_1420, %sub3A_1421 : vector<16xi32>
        %ge3A_1423 = arith.constant 0 : i32
        %ge3A_1424 = vector.broadcast %ge3A_1423 : i32 to vector<16xi32>
        %ge3A_1425 = arith.cmpi sge, %sub3A_1422, %ge3A_1424 : vector<16xi32>
        %lt3A_1426 = vector.broadcast %sub3A_3 : i32 to vector<16xi32>
        %lt3A_1427 = arith.cmpi slt, %sub3A_1422, %lt3A_1426 : vector<16xi32>
        %and3A_1428 = arith.andi %ge3A_1425, %lt3A_1427 : vector<16xi1>
        %broadcast_in_dim3A_1429 = vector.broadcast %add3A_6 : i32 to vector<16xi32>
        %select_n3A_1430 = arith.select %and3A_1428, %sub3A_1422, %broadcast_in_dim3A_1429 : vector<16xi1>, vector<16xi32>
        %swap3A_1431 = arith.index_cast %select_n3A_153 : i32 to index
        %swap3A_1432 = arith.index_cast %add3A_1399 : i32 to index
        %swap3A_1433 = arith.constant 0 : index
        %swap3A_1434 = tpu.vector_load %arg7[%swap3A_1431, %swap3A_1432, %swap3A_1433] {strides = array<i32>} : memref<2x25x80xi32, #tpu.memory_space<vmem>>, vector<1x1x16xi32>,
        %swap3A_1435 = vector.shape_cast %swap3A_1434 : vector<1x1x16xi32> to vector<16xi32>
        %swap3A_1436 = vector.shape_cast %select_n3A_1430 : vector<16xi32> to vector<1x1x16xi32>
        tpu.vector_store %arg7[%swap3A_1431, %swap3A_1432, %swap3A_1433], %swap3A_1436 {strides = array<i32>} : memref<2x25x80xi32, #tpu.memory_space<vmem>>, vector<1x1x16xi32>,
        %get3A_1437 = arith.index_cast %select_n3A_153 : i32 to index
        %get3A_1438 = arith.index_cast %add3A_1399 : i32 to index
        %get3A_1439 = arith.constant 16 : index
        %get3A_1440 = tpu.vector_load %arg7[%get3A_1437, %get3A_1438, %get3A_1439] {strides = array<i32>} : memref<2x25x80xi32, #tpu.memory_space<vmem>>, vector<1x1x16xi32>,
        %get3A_1441 = vector.shape_cast %get3A_1440 : vector<1x1x16xi32> to vector<16xi32>
        %sub3A_1442 = vector.broadcast %mul3A_0 : i32 to vector<16xi32>
        %sub3A_1443 = arith.subi %get3A_1441, %sub3A_1442 : vector<16xi32>
        %ge3A_1444 = arith.constant 0 : i32
        %ge3A_1445 = vector.broadcast %ge3A_1444 : i32 to vector<16xi32>
        %ge3A_1446 = arith.cmpi sge, %sub3A_1443, %ge3A_1445 : vector<16xi32>
        %lt3A_1447 = vector.broadcast %sub3A_3 : i32 to vector<16xi32>
        %lt3A_1448 = arith.cmpi slt, %sub3A_1443, %lt3A_1447 : vector<16xi32>
        %and3A_1449 = arith.andi %ge3A_1446, %lt3A_1448 : vector<16xi1>
        %broadcast_in_dim3A_1450 = vector.broadcast %add3A_6 : i32 to vector<16xi32>
        %select_n3A_1451 = arith.select %and3A_1449, %sub3A_1443, %broadcast_in_dim3A_1450 : vector<16xi1>, vector<16xi32>
        %swap3A_1452 = arith.index_cast %select_n3A_153 : i32 to index
        %swap3A_1453 = arith.index_cast %add3A_1399 : i32 to index
        %swap3A_1454 = arith.constant 16 : index
        %swap3A_1455 = tpu.vector_load %arg7[%swap3A_1452, %swap3A_1453, %swap3A_1454] {strides = array<i32>} : memref<2x25x80xi32, #tpu.memory_space<vmem>>, vector<1x1x16xi32>,
        %swap3A_1456 = vector.shape_cast %swap3A_1455 : vector<1x1x16xi32> to vector<16xi32>
        %swap3A_1457 = vector.shape_cast %select_n3A_1451 : vector<16xi32> to vector<1x1x16xi32>
        tpu.vector_store %arg7[%swap3A_1452, %swap3A_1453, %swap3A_1454], %swap3A_1457 {strides = array<i32>} : memref<2x25x80xi32, #tpu.memory_space<vmem>>, vector<1x1x16xi32>,
        %get3A_1458 = arith.index_cast %select_n3A_153 : i32 to index
        %get3A_1459 = arith.index_cast %add3A_1399 : i32 to index
        %get3A_1460 = arith.constant 32 : index
        %get3A_1461 = tpu.vector_load %arg7[%get3A_1458, %get3A_1459, %get3A_1460] {strides = array<i32>} : memref<2x25x80xi32, #tpu.memory_space<vmem>>, vector<1x1x16xi32>,
        %get3A_1462 = vector.shape_cast %get3A_1461 : vector<1x1x16xi32> to vector<16xi32>
        %sub3A_1463 = vector.broadcast %mul3A_0 : i32 to vector<16xi32>
        %sub3A_1464 = arith.subi %get3A_1462, %sub3A_1463 : vector<16xi32>
        %ge3A_1465 = arith.constant 0 : i32
        %ge3A_1466 = vector.broadcast %ge3A_1465 : i32 to vector<16xi32>
        %ge3A_1467 = arith.cmpi sge, %sub3A_1464, %ge3A_1466 : vector<16xi32>
        %lt3A_1468 = vector.broadcast %sub3A_3 : i32 to vector<16xi32>
        %lt3A_1469 = arith.cmpi slt, %sub3A_1464, %lt3A_1468 : vector<16xi32>
        %and3A_1470 = arith.andi %ge3A_1467, %lt3A_1469 : vector<16xi1>
        %broadcast_in_dim3A_1471 = vector.broadcast %add3A_6 : i32 to vector<16xi32>
        %select_n3A_1472 = arith.select %and3A_1470, %sub3A_1464, %broadcast_in_dim3A_1471 : vector<16xi1>, vector<16xi32>
        %swap3A_1473 = arith.index_cast %select_n3A_153 : i32 to index
        %swap3A_1474 = arith.index_cast %add3A_1399 : i32 to index
        %swap3A_1475 = arith.constant 32 : index
        %swap3A_1476 = tpu.vector_load %arg7[%swap3A_1473, %swap3A_1474, %swap3A_1475] {strides = array<i32>} : memref<2x25x80xi32, #tpu.memory_space<vmem>>, vector<1x1x16xi32>,
        %swap3A_1477 = vector.shape_cast %swap3A_1476 : vector<1x1x16xi32> to vector<16xi32>
        %swap3A_1478 = vector.shape_cast %select_n3A_1472 : vector<16xi32> to vector<1x1x16xi32>
        tpu.vector_store %arg7[%swap3A_1473, %swap3A_1474, %swap3A_1475], %swap3A_1478 {strides = array<i32>} : memref<2x25x80xi32, #tpu.memory_space<vmem>>, vector<1x1x16xi32>,
        %get3A_1479 = arith.index_cast %select_n3A_153 : i32 to index
        %get3A_1480 = arith.index_cast %add3A_1399 : i32 to index
        %get3A_1481 = arith.constant 48 : index
        %get3A_1482 = tpu.vector_load %arg7[%get3A_1479, %get3A_1480, %get3A_1481] {strides = array<i32>} : memref<2x25x80xi32, #tpu.memory_space<vmem>>, vector<1x1x16xi32>,
        %get3A_1483 = vector.shape_cast %get3A_1482 : vector<1x1x16xi32> to vector<16xi32>
        %sub3A_1484 = vector.broadcast %mul3A_0 : i32 to vector<16xi32>
        %sub3A_1485 = arith.subi %get3A_1483, %sub3A_1484 : vector<16xi32>
        %ge3A_1486 = arith.constant 0 : i32
        %ge3A_1487 = vector.broadcast %ge3A_1486 : i32 to vector<16xi32>
        %ge3A_1488 = arith.cmpi sge, %sub3A_1485, %ge3A_1487 : vector<16xi32>
        %lt3A_1489 = vector.broadcast %sub3A_3 : i32 to vector<16xi32>
        %lt3A_1490 = arith.cmpi slt, %sub3A_1485, %lt3A_1489 : vector<16xi32>
        %and3A_1491 = arith.andi %ge3A_1488, %lt3A_1490 : vector<16xi1>
        %broadcast_in_dim3A_1492 = vector.broadcast %add3A_6 : i32 to vector<16xi32>
        %select_n3A_1493 = arith.select %and3A_1491, %sub3A_1485, %broadcast_in_dim3A_1492 : vector<16xi1>, vector<16xi32>
        %swap3A_1494 = arith.index_cast %select_n3A_153 : i32 to index
        %swap3A_1495 = arith.index_cast %add3A_1399 : i32 to index
        %swap3A_1496 = arith.constant 48 : index
        %swap3A_1497 = tpu.vector_load %arg7[%swap3A_1494, %swap3A_1495, %swap3A_1496] {strides = array<i32>} : memref<2x25x80xi32, #tpu.memory_space<vmem>>, vector<1x1x16xi32>,
        %swap3A_1498 = vector.shape_cast %swap3A_1497 : vector<1x1x16xi32> to vector<16xi32>
        %swap3A_1499 = vector.shape_cast %select_n3A_1493 : vector<16xi32> to vector<1x1x16xi32>
        tpu.vector_store %arg7[%swap3A_1494, %swap3A_1495, %swap3A_1496], %swap3A_1499 {strides = array<i32>} : memref<2x25x80xi32, #tpu.memory_space<vmem>>, vector<1x1x16xi32>,
        %get3A_1500 = arith.index_cast %select_n3A_153 : i32 to index
        %get3A_1501 = arith.index_cast %add3A_1399 : i32 to index
        %get3A_1502 = arith.constant 64 : index
        %get3A_1503 = tpu.vector_load %arg7[%get3A_1500, %get3A_1501, %get3A_1502] {strides = array<i32>} : memref<2x25x80xi32, #tpu.memory_space<vmem>>, vector<1x1x16xi32>,
        %get3A_1504 = vector.shape_cast %get3A_1503 : vector<1x1x16xi32> to vector<16xi32>
        %sub3A_1505 = vector.broadcast %mul3A_0 : i32 to vector<16xi32>
        %sub3A_1506 = arith.subi %get3A_1504, %sub3A_1505 : vector<16xi32>
        %ge3A_1507 = arith.constant 0 : i32
        %ge3A_1508 = vector.broadcast %ge3A_1507 : i32 to vector<16xi32>
        %ge3A_1509 = arith.cmpi sge, %sub3A_1506, %ge3A_1508 : vector<16xi32>
        %lt3A_1510 = vector.broadcast %sub3A_3 : i32 to vector<16xi32>
        %lt3A_1511 = arith.cmpi slt, %sub3A_1506, %lt3A_1510 : vector<16xi32>
        %and3A_1512 = arith.andi %ge3A_1509, %lt3A_1511 : vector<16xi1>
        %broadcast_in_dim3A_1513 = vector.broadcast %add3A_6 : i32 to vector<16xi32>
        %select_n3A_1514 = arith.select %and3A_1512, %sub3A_1506, %broadcast_in_dim3A_1513 : vector<16xi1>, vector<16xi32>
        %swap3A_1515 = arith.index_cast %select_n3A_153 : i32 to index
        %swap3A_1516 = arith.index_cast %add3A_1399 : i32 to index
        %swap3A_1517 = arith.constant 64 : index
        %swap3A_1518 = tpu.vector_load %arg7[%swap3A_1515, %swap3A_1516, %swap3A_1517] {strides = array<i32>} : memref<2x25x80xi32, #tpu.memory_space<vmem>>, vector<1x1x16xi32>,
        %swap3A_1519 = vector.shape_cast %swap3A_1518 : vector<1x1x16xi32> to vector<16xi32>
        %swap3A_1520 = vector.shape_cast %select_n3A_1514 : vector<16xi32> to vector<1x1x16xi32>
        tpu.vector_store %arg7[%swap3A_1515, %swap3A_1516, %swap3A_1517], %swap3A_1520 {strides = array<i32>} : memref<2x25x80xi32, #tpu.memory_space<vmem>>, vector<1x1x16xi32>,
        %dma_start3A_1521 = arith.constant 2 : i32
        %dma_start3A_1522 = arith.constant 2 : i32
        %dma_start3A_1523 = arith.constant 0 : i32
        %dma_start3A_1524 = arith.constant 0 : i32
        %dma_start3A_1525 = tpu.memref_slice %arg9[%dma_start3A_1521, %dma_start3A_1523, %dma_start3A_1524] : memref<5x80x128xf32, #tpu.memory_space<vmem>> -> memref<1x80x128xf32, #tpu.memory_space<vmem>>
        %dma_start3A_1526 = tpu.memref_squeeze %dma_start3A_1525 : memref<1x80x128xf32, #tpu.memory_space<vmem>> -> memref<80x128xf32, #tpu.memory_space<vmem>>
        %dma_start3A_1527 = arith.constant 0 : i32
        %dma_start3A_1528 = tpu.memref_slice %arg7[%select_n3A_153, %add3A_1399, %dma_start3A_1527] : memref<2x25x80xi32, #tpu.memory_space<vmem>> -> memref<1x1x80xi32, #tpu.memory_space<vmem>>
        %dma_start3A_1529 = tpu.memref_squeeze %dma_start3A_1528 : memref<1x1x80xi32, #tpu.memory_space<vmem>> -> memref<80xi32, #tpu.memory_space<vmem>>
        %dma_start3A_1530 = arith.constant 0 : i32
        %dma_start3A_1531 = arith.constant 0 : i32
        %dma_start3A_1532 = tpu.memref_slice %arg10[%dma_start3A_1530, %dma_start3A_1531] : memref<5248x128xf32, #tpu.memory_space<vmem_shared>> -> memref<5248x128xf32, #tpu.memory_space<vmem_shared>>
        %dma_start3A_1533 = tpu.memref_slice %arg12[%dma_start3A_1522] : memref<5x!tpu.dma_semaphore, #tpu.memory_space<semaphore_mem>> -> memref<1x!tpu.dma_semaphore, #tpu.memory_space<semaphore_mem>>
        %dma_start3A_1534 = tpu.memref_squeeze %dma_start3A_1533 : memref<1x!tpu.dma_semaphore, #tpu.memory_space<semaphore_mem>> -> memref<!tpu.dma_semaphore, #tpu.memory_space<semaphore_mem>>
        tpu.enqueue_indirect_dma source(%dma_start3A_1526 : memref<80x128xf32, #tpu.memory_space<vmem>>) target(%dma_start3A_1532 : memref<5248x128xf32, #tpu.memory_space<vmem_shared>>) offsets(%dma_start3A_1529 : memref<80xi32, #tpu.memory_space<vmem>>) semaphore(%dma_start3A_1534 : memref<!tpu.dma_semaphore, #tpu.memory_space<semaphore_mem>>) {add = true}
        %convert_element_type3A_1535 = arith.extui %le3A_1401 : i1 to i32
        %cond3A_1536 = arith.constant 0 : i32
        %cond3A_1537 = arith.cmpi ne, %convert_element_type3A_1535, %cond3A_1536 : i32
        scf.if %cond3A_1537 {
          %dma_wait3A_1822 = arith.constant 1 : i32
          %dma_wait3A_1823 = arith.constant 0 : i32
          %dma_wait3A_1824 = arith.constant 1 : i32
          %dma_wait3A_1825 = arith.constant 0 : i32
          %dma_wait3A_1826 = arith.constant 0 : i32
          %dma_wait3A_1827 = tpu.memref_slice %arg9[%dma_wait3A_1822, %dma_wait3A_1825, %dma_wait3A_1826] : memref<5x80x128xf32, #tpu.memory_space<vmem>> -> memref<1x80x128xf32, #tpu.memory_space<vmem>>
          %dma_wait3A_1828 = tpu.memref_squeeze %dma_wait3A_1827 : memref<1x80x128xf32, #tpu.memory_space<vmem>> -> memref<80x128xf32, #tpu.memory_space<vmem>>
          %dma_wait3A_1829 = arith.constant 0 : i32
          %dma_wait3A_1830 = tpu.memref_slice %arg7[%select_n3A_153, %dma_wait3A_1823, %dma_wait3A_1829] : memref<2x25x80xi32, #tpu.memory_space<vmem>> -> memref<1x1x80xi32, #tpu.memory_space<vmem>>
          %dma_wait3A_1831 = tpu.memref_squeeze %dma_wait3A_1830 : memref<1x1x80xi32, #tpu.memory_space<vmem>> -> memref<80xi32, #tpu.memory_space<vmem>>
          %dma_wait3A_1832 = arith.constant 0 : i32
          %dma_wait3A_1833 = arith.constant 0 : i32
          %dma_wait3A_1834 = tpu.memref_slice %arg10[%dma_wait3A_1832, %dma_wait3A_1833] : memref<5248x128xf32, #tpu.memory_space<vmem_shared>> -> memref<5248x128xf32, #tpu.memory_space<vmem_shared>>
          %dma_wait3A_1835 = tpu.memref_slice %arg12[%dma_wait3A_1824] : memref<5x!tpu.dma_semaphore, #tpu.memory_space<semaphore_mem>> -> memref<1x!tpu.dma_semaphore, #tpu.memory_space<semaphore_mem>>
          %dma_wait3A_1836 = tpu.memref_squeeze %dma_wait3A_1835 : memref<1x!tpu.dma_semaphore, #tpu.memory_space<semaphore_mem>> -> memref<!tpu.dma_semaphore, #tpu.memory_space<semaphore_mem>>
          tpu.wait_indirect_dma semaphore(%dma_wait3A_1836 : memref<!tpu.dma_semaphore, #tpu.memory_space<semaphore_mem>>) src(%dma_wait3A_1828 : memref<80x128xf32, #tpu.memory_space<vmem>>) dst(%dma_wait3A_1834 : memref<5248x128xf32, #tpu.memory_space<vmem_shared>>)
          %sub3A_1837 = arith.constant 1 : i32
          %sub3A_1838 = arith.subi %add3A_1399, %sub3A_1837 : i32
          %add3A_1839 = arith.constant 5 : i32
          %add3A_1840 = arith.addi %sub3A_1838, %add3A_1839 : i32
          %dma_start3A_1841 = arith.constant 1 : i32
          %dma_start3A_1842 = arith.constant 1 : i32
          %dma_start3A_1843 = arith.constant 0 : i32
          %dma_start3A_1844 = arith.constant 0 : i32
          %dma_start3A_1845 = tpu.memref_slice %arg9[%dma_start3A_1841, %dma_start3A_1843, %dma_start3A_1844] : memref<5x80x128xf32, #tpu.memory_space<vmem>> -> memref<1x80x128xf32, #tpu.memory_space<vmem>>
          %dma_start3A_1846 = tpu.memref_squeeze %dma_start3A_1845 : memref<1x80x128xf32, #tpu.memory_space<vmem>> -> memref<80x128xf32, #tpu.memory_space<vmem>>
          %dma_start3A_1847 = arith.constant 0 : i32
          %dma_start3A_1848 = tpu.memref_slice %arg6[%select_n3A_153, %add3A_1840, %dma_start3A_1847] : memref<2x25x80xi32, #tpu.memory_space<vmem>> -> memref<1x1x80xi32, #tpu.memory_space<vmem>>
          %dma_start3A_1849 = tpu.memref_squeeze %dma_start3A_1848 : memref<1x1x80xi32, #tpu.memory_space<vmem>> -> memref<80xi32, #tpu.memory_space<vmem>>
          %dma_start3A_1850 = arith.constant 0 : i32
          %dma_start3A_1851 = arith.constant 0 : i32
          %dma_start3A_1852 = tpu.memref_slice %arg2[%dma_start3A_1850, %dma_start3A_1851] : memref<10000x128xf32, #tpu.memory_space<hbm>> -> memref<10000x128xf32, #tpu.memory_space<hbm>>
          %dma_start3A_1853 = tpu.memref_slice %arg11[%dma_start3A_1842] : memref<5x!tpu.dma_semaphore, #tpu.memory_space<semaphore_mem>> -> memref<1x!tpu.dma_semaphore, #tpu.memory_space<semaphore_mem>>
          %dma_start3A_1854 = tpu.memref_squeeze %dma_start3A_1853 : memref<1x!tpu.dma_semaphore, #tpu.memory_space<semaphore_mem>> -> memref<!tpu.dma_semaphore, #tpu.memory_space<semaphore_mem>>
          tpu.enqueue_indirect_dma source(%dma_start3A_1852 : memref<10000x128xf32, #tpu.memory_space<hbm>>) target(%dma_start3A_1846 : memref<80x128xf32, #tpu.memory_space<vmem>>) offsets(%dma_start3A_1849 : memref<80xi32, #tpu.memory_space<vmem>>) semaphore(%dma_start3A_1854 : memref<!tpu.dma_semaphore, #tpu.memory_space<semaphore_mem>>)
        } else {
        }
        %mul3A_1538 = arith.constant 5 : i32
        %mul3A_1539 = arith.muli %scan3A_1112, %mul3A_1538 : i32
        %add3A_1540 = arith.constant 3 : i32
        %add3A_1541 = arith.addi %mul3A_1539, %add3A_1540 : i32
        %le3A_1542 = arith.constant 20 : i32
        %le3A_1543 = arith.cmpi sle, %add3A_1541, %le3A_1542 : i32
        %dma_wait3A_1544 = arith.constant 3 : i32
        %dma_wait3A_1545 = arith.constant 3 : i32
        %dma_wait3A_1546 = arith.constant 0 : i32
        %dma_wait3A_1547 = arith.constant 0 : i32
        %dma_wait3A_1548 = tpu.memref_slice %arg9[%dma_wait3A_1544, %dma_wait3A_1546, %dma_wait3A_1547] : memref<5x80x128xf32, #tpu.memory_space<vmem>> -> memref<1x80x128xf32, #tpu.memory_space<vmem>>
        %dma_wait3A_1549 = tpu.memref_squeeze %dma_wait3A_1548 : memref<1x80x128xf32, #tpu.memory_space<vmem>> -> memref<80x128xf32, #tpu.memory_space<vmem>>
        %dma_wait3A_1550 = arith.constant 0 : i32
        %dma_wait3A_1551 = tpu.memref_slice %arg6[%select_n3A_153, %add3A_1541, %dma_wait3A_1550] : memref<2x25x80xi32, #tpu.memory_space<vmem>> -> memref<1x1x80xi32, #tpu.memory_space<vmem>>
        %dma_wait3A_1552 = tpu.memref_squeeze %dma_wait3A_1551 : memref<1x1x80xi32, #tpu.memory_space<vmem>> -> memref<80xi32, #tpu.memory_space<vmem>>
        %dma_wait3A_1553 = arith.constant 0 : i32
        %dma_wait3A_1554 = arith.constant 0 : i32
        %dma_wait3A_1555 = tpu.memref_slice %arg2[%dma_wait3A_1553, %dma_wait3A_1554] : memref<10000x128xf32, #tpu.memory_space<hbm>> -> memref<10000x128xf32, #tpu.memory_space<hbm>>
        %dma_wait3A_1556 = tpu.memref_slice %arg11[%dma_wait3A_1545] : memref<5x!tpu.dma_semaphore, #tpu.memory_space<semaphore_mem>> -> memref<1x!tpu.dma_semaphore, #tpu.memory_space<semaphore_mem>>
        %dma_wait3A_1557 = tpu.memref_squeeze %dma_wait3A_1556 : memref<1x!tpu.dma_semaphore, #tpu.memory_space<semaphore_mem>> -> memref<!tpu.dma_semaphore, #tpu.memory_space<semaphore_mem>>
        tpu.wait_indirect_dma semaphore(%dma_wait3A_1557 : memref<!tpu.dma_semaphore, #tpu.memory_space<semaphore_mem>>) src(%dma_wait3A_1555 : memref<10000x128xf32, #tpu.memory_space<hbm>>) dst(%dma_wait3A_1549 : memref<80x128xf32, #tpu.memory_space<vmem>>)
        %get3A_1558 = arith.index_cast %select_n3A_153 : i32 to index
        %get3A_1559 = arith.index_cast %add3A_1541 : i32 to index
        %get3A_1560 = arith.constant 0 : index
        %get3A_1561 = tpu.vector_load %arg7[%get3A_1558, %get3A_1559, %get3A_1560] {strides = array<i32>} : memref<2x25x80xi32, #tpu.memory_space<vmem>>, vector<1x1x16xi32>,
        %get3A_1562 = vector.shape_cast %get3A_1561 : vector<1x1x16xi32> to vector<16xi32>
        %sub3A_1563 = vector.broadcast %mul3A_0 : i32 to vector<16xi32>
        %sub3A_1564 = arith.subi %get3A_1562, %sub3A_1563 : vector<16xi32>
        %ge3A_1565 = arith.constant 0 : i32
        %ge3A_1566 = vector.broadcast %ge3A_1565 : i32 to vector<16xi32>
        %ge3A_1567 = arith.cmpi sge, %sub3A_1564, %ge3A_1566 : vector<16xi32>
        %lt3A_1568 = vector.broadcast %sub3A_3 : i32 to vector<16xi32>
        %lt3A_1569 = arith.cmpi slt, %sub3A_1564, %lt3A_1568 : vector<16xi32>
        %and3A_1570 = arith.andi %ge3A_1567, %lt3A_1569 : vector<16xi1>
        %broadcast_in_dim3A_1571 = vector.broadcast %add3A_6 : i32 to vector<16xi32>
        %select_n3A_1572 = arith.select %and3A_1570, %sub3A_1564, %broadcast_in_dim3A_1571 : vector<16xi1>, vector<16xi32>
        %swap3A_1573 = arith.index_cast %select_n3A_153 : i32 to index
        %swap3A_1574 = arith.index_cast %add3A_1541 : i32 to index
        %swap3A_1575 = arith.constant 0 : index
        %swap3A_1576 = tpu.vector_load %arg7[%swap3A_1573, %swap3A_1574, %swap3A_1575] {strides = array<i32>} : memref<2x25x80xi32, #tpu.memory_space<vmem>>, vector<1x1x16xi32>,
        %swap3A_1577 = vector.shape_cast %swap3A_1576 : vector<1x1x16xi32> to vector<16xi32>
        %swap3A_1578 = vector.shape_cast %select_n3A_1572 : vector<16xi32> to vector<1x1x16xi32>
        tpu.vector_store %arg7[%swap3A_1573, %swap3A_1574, %swap3A_1575], %swap3A_1578 {strides = array<i32>} : memref<2x25x80xi32, #tpu.memory_space<vmem>>, vector<1x1x16xi32>,
        %get3A_1579 = arith.index_cast %select_n3A_153 : i32 to index
        %get3A_1580 = arith.index_cast %add3A_1541 : i32 to index
        %get3A_1581 = arith.constant 16 : index
        %get3A_1582 = tpu.vector_load %arg7[%get3A_1579, %get3A_1580, %get3A_1581] {strides = array<i32>} : memref<2x25x80xi32, #tpu.memory_space<vmem>>, vector<1x1x16xi32>,
        %get3A_1583 = vector.shape_cast %get3A_1582 : vector<1x1x16xi32> to vector<16xi32>
        %sub3A_1584 = vector.broadcast %mul3A_0 : i32 to vector<16xi32>
        %sub3A_1585 = arith.subi %get3A_1583, %sub3A_1584 : vector<16xi32>
        %ge3A_1586 = arith.constant 0 : i32
        %ge3A_1587 = vector.broadcast %ge3A_1586 : i32 to vector<16xi32>
        %ge3A_1588 = arith.cmpi sge, %sub3A_1585, %ge3A_1587 : vector<16xi32>
        %lt3A_1589 = vector.broadcast %sub3A_3 : i32 to vector<16xi32>
        %lt3A_1590 = arith.cmpi slt, %sub3A_1585, %lt3A_1589 : vector<16xi32>
        %and3A_1591 = arith.andi %ge3A_1588, %lt3A_1590 : vector<16xi1>
        %broadcast_in_dim3A_1592 = vector.broadcast %add3A_6 : i32 to vector<16xi32>
        %select_n3A_1593 = arith.select %and3A_1591, %sub3A_1585, %broadcast_in_dim3A_1592 : vector<16xi1>, vector<16xi32>
        %swap3A_1594 = arith.index_cast %select_n3A_153 : i32 to index
        %swap3A_1595 = arith.index_cast %add3A_1541 : i32 to index
        %swap3A_1596 = arith.constant 16 : index
        %swap3A_1597 = tpu.vector_load %arg7[%swap3A_1594, %swap3A_1595, %swap3A_1596] {strides = array<i32>} : memref<2x25x80xi32, #tpu.memory_space<vmem>>, vector<1x1x16xi32>,
        %swap3A_1598 = vector.shape_cast %swap3A_1597 : vector<1x1x16xi32> to vector<16xi32>
        %swap3A_1599 = vector.shape_cast %select_n3A_1593 : vector<16xi32> to vector<1x1x16xi32>
        tpu.vector_store %arg7[%swap3A_1594, %swap3A_1595, %swap3A_1596], %swap3A_1599 {strides = array<i32>} : memref<2x25x80xi32, #tpu.memory_space<vmem>>, vector<1x1x16xi32>,
        %get3A_1600 = arith.index_cast %select_n3A_153 : i32 to index
        %get3A_1601 = arith.index_cast %add3A_1541 : i32 to index
        %get3A_1602 = arith.constant 32 : index
        %get3A_1603 = tpu.vector_load %arg7[%get3A_1600, %get3A_1601, %get3A_1602] {strides = array<i32>} : memref<2x25x80xi32, #tpu.memory_space<vmem>>, vector<1x1x16xi32>,
        %get3A_1604 = vector.shape_cast %get3A_1603 : vector<1x1x16xi32> to vector<16xi32>
        %sub3A_1605 = vector.broadcast %mul3A_0 : i32 to vector<16xi32>
        %sub3A_1606 = arith.subi %get3A_1604, %sub3A_1605 : vector<16xi32>
        %ge3A_1607 = arith.constant 0 : i32
        %ge3A_1608 = vector.broadcast %ge3A_1607 : i32 to vector<16xi32>
        %ge3A_1609 = arith.cmpi sge, %sub3A_1606, %ge3A_1608 : vector<16xi32>
        %lt3A_1610 = vector.broadcast %sub3A_3 : i32 to vector<16xi32>
        %lt3A_1611 = arith.cmpi slt, %sub3A_1606, %lt3A_1610 : vector<16xi32>
        %and3A_1612 = arith.andi %ge3A_1609, %lt3A_1611 : vector<16xi1>
        %broadcast_in_dim3A_1613 = vector.broadcast %add3A_6 : i32 to vector<16xi32>
        %select_n3A_1614 = arith.select %and3A_1612, %sub3A_1606, %broadcast_in_dim3A_1613 : vector<16xi1>, vector<16xi32>
        %swap3A_1615 = arith.index_cast %select_n3A_153 : i32 to index
        %swap3A_1616 = arith.index_cast %add3A_1541 : i32 to index
        %swap3A_1617 = arith.constant 32 : index
        %swap3A_1618 = tpu.vector_load %arg7[%swap3A_1615, %swap3A_1616, %swap3A_1617] {strides = array<i32>} : memref<2x25x80xi32, #tpu.memory_space<vmem>>, vector<1x1x16xi32>,
        %swap3A_1619 = vector.shape_cast %swap3A_1618 : vector<1x1x16xi32> to vector<16xi32>
        %swap3A_1620 = vector.shape_cast %select_n3A_1614 : vector<16xi32> to vector<1x1x16xi32>
        tpu.vector_store %arg7[%swap3A_1615, %swap3A_1616, %swap3A_1617], %swap3A_1620 {strides = array<i32>} : memref<2x25x80xi32, #tpu.memory_space<vmem>>, vector<1x1x16xi32>,
        %get3A_1621 = arith.index_cast %select_n3A_153 : i32 to index
        %get3A_1622 = arith.index_cast %add3A_1541 : i32 to index
        %get3A_1623 = arith.constant 48 : index
        %get3A_1624 = tpu.vector_load %arg7[%get3A_1621, %get3A_1622, %get3A_1623] {strides = array<i32>} : memref<2x25x80xi32, #tpu.memory_space<vmem>>, vector<1x1x16xi32>,
        %get3A_1625 = vector.shape_cast %get3A_1624 : vector<1x1x16xi32> to vector<16xi32>
        %sub3A_1626 = vector.broadcast %mul3A_0 : i32 to vector<16xi32>
        %sub3A_1627 = arith.subi %get3A_1625, %sub3A_1626 : vector<16xi32>
        %ge3A_1628 = arith.constant 0 : i32
        %ge3A_1629 = vector.broadcast %ge3A_1628 : i32 to vector<16xi32>
        %ge3A_1630 = arith.cmpi sge, %sub3A_1627, %ge3A_1629 : vector<16xi32>
        %lt3A_1631 = vector.broadcast %sub3A_3 : i32 to vector<16xi32>
        %lt3A_1632 = arith.cmpi slt, %sub3A_1627, %lt3A_1631 : vector<16xi32>
        %and3A_1633 = arith.andi %ge3A_1630, %lt3A_1632 : vector<16xi1>
        %broadcast_in_dim3A_1634 = vector.broadcast %add3A_6 : i32 to vector<16xi32>
        %select_n3A_1635 = arith.select %and3A_1633, %sub3A_1627, %broadcast_in_dim3A_1634 : vector<16xi1>, vector<16xi32>
        %swap3A_1636 = arith.index_cast %select_n3A_153 : i32 to index
        %swap3A_1637 = arith.index_cast %add3A_1541 : i32 to index
        %swap3A_1638 = arith.constant 48 : index
        %swap3A_1639 = tpu.vector_load %arg7[%swap3A_1636, %swap3A_1637, %swap3A_1638] {strides = array<i32>} : memref<2x25x80xi32, #tpu.memory_space<vmem>>, vector<1x1x16xi32>,
        %swap3A_1640 = vector.shape_cast %swap3A_1639 : vector<1x1x16xi32> to vector<16xi32>
        %swap3A_1641 = vector.shape_cast %select_n3A_1635 : vector<16xi32> to vector<1x1x16xi32>
        tpu.vector_store %arg7[%swap3A_1636, %swap3A_1637, %swap3A_1638], %swap3A_1641 {strides = array<i32>} : memref<2x25x80xi32, #tpu.memory_space<vmem>>, vector<1x1x16xi32>,
        %get3A_1642 = arith.index_cast %select_n3A_153 : i32 to index
        %get3A_1643 = arith.index_cast %add3A_1541 : i32 to index
        %get3A_1644 = arith.constant 64 : index
        %get3A_1645 = tpu.vector_load %arg7[%get3A_1642, %get3A_1643, %get3A_1644] {strides = array<i32>} : memref<2x25x80xi32, #tpu.memory_space<vmem>>, vector<1x1x16xi32>,
        %get3A_1646 = vector.shape_cast %get3A_1645 : vector<1x1x16xi32> to vector<16xi32>
        %sub3A_1647 = vector.broadcast %mul3A_0 : i32 to vector<16xi32>
        %sub3A_1648 = arith.subi %get3A_1646, %sub3A_1647 : vector<16xi32>
        %ge3A_1649 = arith.constant 0 : i32
        %ge3A_1650 = vector.broadcast %ge3A_1649 : i32 to vector<16xi32>
        %ge3A_1651 = arith.cmpi sge, %sub3A_1648, %ge3A_1650 : vector<16xi32>
        %lt3A_1652 = vector.broadcast %sub3A_3 : i32 to vector<16xi32>
        %lt3A_1653 = arith.cmpi slt, %sub3A_1648, %lt3A_1652 : vector<16xi32>
        %and3A_1654 = arith.andi %ge3A_1651, %lt3A_1653 : vector<16xi1>
        %broadcast_in_dim3A_1655 = vector.broadcast %add3A_6 : i32 to vector<16xi32>
        %select_n3A_1656 = arith.select %and3A_1654, %sub3A_1648, %broadcast_in_dim3A_1655 : vector<16xi1>, vector<16xi32>
        %swap3A_1657 = arith.index_cast %select_n3A_153 : i32 to index
        %swap3A_1658 = arith.index_cast %add3A_1541 : i32 to index
        %swap3A_1659 = arith.constant 64 : index
        %swap3A_1660 = tpu.vector_load %arg7[%swap3A_1657, %swap3A_1658, %swap3A_1659] {strides = array<i32>} : memref<2x25x80xi32, #tpu.memory_space<vmem>>, vector<1x1x16xi32>,
        %swap3A_1661 = vector.shape_cast %swap3A_1660 : vector<1x1x16xi32> to vector<16xi32>
        %swap3A_1662 = vector.shape_cast %select_n3A_1656 : vector<16xi32> to vector<1x1x16xi32>
        tpu.vector_store %arg7[%swap3A_1657, %swap3A_1658, %swap3A_1659], %swap3A_1662 {strides = array<i32>} : memref<2x25x80xi32, #tpu.memory_space<vmem>>, vector<1x1x16xi32>,
        %dma_start3A_1663 = arith.constant 3 : i32
        %dma_start3A_1664 = arith.constant 3 : i32
        %dma_start3A_1665 = arith.constant 0 : i32
        %dma_start3A_1666 = arith.constant 0 : i32
        %dma_start3A_1667 = tpu.memref_slice %arg9[%dma_start3A_1663, %dma_start3A_1665, %dma_start3A_1666] : memref<5x80x128xf32, #tpu.memory_space<vmem>> -> memref<1x80x128xf32, #tpu.memory_space<vmem>>
        %dma_start3A_1668 = tpu.memref_squeeze %dma_start3A_1667 : memref<1x80x128xf32, #tpu.memory_space<vmem>> -> memref<80x128xf32, #tpu.memory_space<vmem>>
        %dma_start3A_1669 = arith.constant 0 : i32
        %dma_start3A_1670 = tpu.memref_slice %arg7[%select_n3A_153, %add3A_1541, %dma_start3A_1669] : memref<2x25x80xi32, #tpu.memory_space<vmem>> -> memref<1x1x80xi32, #tpu.memory_space<vmem>>
        %dma_start3A_1671 = tpu.memref_squeeze %dma_start3A_1670 : memref<1x1x80xi32, #tpu.memory_space<vmem>> -> memref<80xi32, #tpu.memory_space<vmem>>
        %dma_start3A_1672 = arith.constant 0 : i32
        %dma_start3A_1673 = arith.constant 0 : i32
        %dma_start3A_1674 = tpu.memref_slice %arg10[%dma_start3A_1672, %dma_start3A_1673] : memref<5248x128xf32, #tpu.memory_space<vmem_shared>> -> memref<5248x128xf32, #tpu.memory_space<vmem_shared>>
        %dma_start3A_1675 = tpu.memref_slice %arg12[%dma_start3A_1664] : memref<5x!tpu.dma_semaphore, #tpu.memory_space<semaphore_mem>> -> memref<1x!tpu.dma_semaphore, #tpu.memory_space<semaphore_mem>>
        %dma_start3A_1676 = tpu.memref_squeeze %dma_start3A_1675 : memref<1x!tpu.dma_semaphore, #tpu.memory_space<semaphore_mem>> -> memref<!tpu.dma_semaphore, #tpu.memory_space<semaphore_mem>>
        tpu.enqueue_indirect_dma source(%dma_start3A_1668 : memref<80x128xf32, #tpu.memory_space<vmem>>) target(%dma_start3A_1674 : memref<5248x128xf32, #tpu.memory_space<vmem_shared>>) offsets(%dma_start3A_1671 : memref<80xi32, #tpu.memory_space<vmem>>) semaphore(%dma_start3A_1676 : memref<!tpu.dma_semaphore, #tpu.memory_space<semaphore_mem>>) {add = true}
        %convert_element_type3A_1677 = arith.extui %le3A_1543 : i1 to i32
        %cond3A_1678 = arith.constant 0 : i32
        %cond3A_1679 = arith.cmpi ne, %convert_element_type3A_1677, %cond3A_1678 : i32
        scf.if %cond3A_1679 {
          %dma_wait3A_1822 = arith.constant 2 : i32
          %dma_wait3A_1823 = arith.constant 0 : i32
          %dma_wait3A_1824 = arith.constant 2 : i32
          %dma_wait3A_1825 = arith.constant 0 : i32
          %dma_wait3A_1826 = arith.constant 0 : i32
          %dma_wait3A_1827 = tpu.memref_slice %arg9[%dma_wait3A_1822, %dma_wait3A_1825, %dma_wait3A_1826] : memref<5x80x128xf32, #tpu.memory_space<vmem>> -> memref<1x80x128xf32, #tpu.memory_space<vmem>>
          %dma_wait3A_1828 = tpu.memref_squeeze %dma_wait3A_1827 : memref<1x80x128xf32, #tpu.memory_space<vmem>> -> memref<80x128xf32, #tpu.memory_space<vmem>>
          %dma_wait3A_1829 = arith.constant 0 : i32
          %dma_wait3A_1830 = tpu.memref_slice %arg7[%select_n3A_153, %dma_wait3A_1823, %dma_wait3A_1829] : memref<2x25x80xi32, #tpu.memory_space<vmem>> -> memref<1x1x80xi32, #tpu.memory_space<vmem>>
          %dma_wait3A_1831 = tpu.memref_squeeze %dma_wait3A_1830 : memref<1x1x80xi32, #tpu.memory_space<vmem>> -> memref<80xi32, #tpu.memory_space<vmem>>
          %dma_wait3A_1832 = arith.constant 0 : i32
          %dma_wait3A_1833 = arith.constant 0 : i32
          %dma_wait3A_1834 = tpu.memref_slice %arg10[%dma_wait3A_1832, %dma_wait3A_1833] : memref<5248x128xf32, #tpu.memory_space<vmem_shared>> -> memref<5248x128xf32, #tpu.memory_space<vmem_shared>>
          %dma_wait3A_1835 = tpu.memref_slice %arg12[%dma_wait3A_1824] : memref<5x!tpu.dma_semaphore, #tpu.memory_space<semaphore_mem>> -> memref<1x!tpu.dma_semaphore, #tpu.memory_space<semaphore_mem>>
          %dma_wait3A_1836 = tpu.memref_squeeze %dma_wait3A_1835 : memref<1x!tpu.dma_semaphore, #tpu.memory_space<semaphore_mem>> -> memref<!tpu.dma_semaphore, #tpu.memory_space<semaphore_mem>>
          tpu.wait_indirect_dma semaphore(%dma_wait3A_1836 : memref<!tpu.dma_semaphore, #tpu.memory_space<semaphore_mem>>) src(%dma_wait3A_1828 : memref<80x128xf32, #tpu.memory_space<vmem>>) dst(%dma_wait3A_1834 : memref<5248x128xf32, #tpu.memory_space<vmem_shared>>)
          %sub3A_1837 = arith.constant 1 : i32
          %sub3A_1838 = arith.subi %add3A_1541, %sub3A_1837 : i32
          %add3A_1839 = arith.constant 5 : i32
          %add3A_1840 = arith.addi %sub3A_1838, %add3A_1839 : i32
          %dma_start3A_1841 = arith.constant 2 : i32
          %dma_start3A_1842 = arith.constant 2 : i32
          %dma_start3A_1843 = arith.constant 0 : i32
          %dma_start3A_1844 = arith.constant 0 : i32
          %dma_start3A_1845 = tpu.memref_slice %arg9[%dma_start3A_1841, %dma_start3A_1843, %dma_start3A_1844] : memref<5x80x128xf32, #tpu.memory_space<vmem>> -> memref<1x80x128xf32, #tpu.memory_space<vmem>>
          %dma_start3A_1846 = tpu.memref_squeeze %dma_start3A_1845 : memref<1x80x128xf32, #tpu.memory_space<vmem>> -> memref<80x128xf32, #tpu.memory_space<vmem>>
          %dma_start3A_1847 = arith.constant 0 : i32
          %dma_start3A_1848 = tpu.memref_slice %arg6[%select_n3A_153, %add3A_1840, %dma_start3A_1847] : memref<2x25x80xi32, #tpu.memory_space<vmem>> -> memref<1x1x80xi32, #tpu.memory_space<vmem>>
          %dma_start3A_1849 = tpu.memref_squeeze %dma_start3A_1848 : memref<1x1x80xi32, #tpu.memory_space<vmem>> -> memref<80xi32, #tpu.memory_space<vmem>>
          %dma_start3A_1850 = arith.constant 0 : i32
          %dma_start3A_1851 = arith.constant 0 : i32
          %dma_start3A_1852 = tpu.memref_slice %arg2[%dma_start3A_1850, %dma_start3A_1851] : memref<10000x128xf32, #tpu.memory_space<hbm>> -> memref<10000x128xf32, #tpu.memory_space<hbm>>
          %dma_start3A_1853 = tpu.memref_slice %arg11[%dma_start3A_1842] : memref<5x!tpu.dma_semaphore, #tpu.memory_space<semaphore_mem>> -> memref<1x!tpu.dma_semaphore, #tpu.memory_space<semaphore_mem>>
          %dma_start3A_1854 = tpu.memref_squeeze %dma_start3A_1853 : memref<1x!tpu.dma_semaphore, #tpu.memory_space<semaphore_mem>> -> memref<!tpu.dma_semaphore, #tpu.memory_space<semaphore_mem>>
          tpu.enqueue_indirect_dma source(%dma_start3A_1852 : memref<10000x128xf32, #tpu.memory_space<hbm>>) target(%dma_start3A_1846 : memref<80x128xf32, #tpu.memory_space<vmem>>) offsets(%dma_start3A_1849 : memref<80xi32, #tpu.memory_space<vmem>>) semaphore(%dma_start3A_1854 : memref<!tpu.dma_semaphore, #tpu.memory_space<semaphore_mem>>)
        } else {
        }
        %mul3A_1680 = arith.constant 5 : i32
        %mul3A_1681 = arith.muli %scan3A_1112, %mul3A_1680 : i32
        %add3A_1682 = arith.constant 4 : i32
        %add3A_1683 = arith.addi %mul3A_1681, %add3A_1682 : i32
        %le3A_1684 = arith.constant 20 : i32
        %le3A_1685 = arith.cmpi sle, %add3A_1683, %le3A_1684 : i32
        %dma_wait3A_1686 = arith.constant 4 : i32
        %dma_wait3A_1687 = arith.constant 4 : i32
        %dma_wait3A_1688 = arith.constant 0 : i32
        %dma_wait3A_1689 = arith.constant 0 : i32
        %dma_wait3A_1690 = tpu.memref_slice %arg9[%dma_wait3A_1686, %dma_wait3A_1688, %dma_wait3A_1689] : memref<5x80x128xf32, #tpu.memory_space<vmem>> -> memref<1x80x128xf32, #tpu.memory_space<vmem>>
        %dma_wait3A_1691 = tpu.memref_squeeze %dma_wait3A_1690 : memref<1x80x128xf32, #tpu.memory_space<vmem>> -> memref<80x128xf32, #tpu.memory_space<vmem>>
        %dma_wait3A_1692 = arith.constant 0 : i32
        %dma_wait3A_1693 = tpu.memref_slice %arg6[%select_n3A_153, %add3A_1683, %dma_wait3A_1692] : memref<2x25x80xi32, #tpu.memory_space<vmem>> -> memref<1x1x80xi32, #tpu.memory_space<vmem>>
        %dma_wait3A_1694 = tpu.memref_squeeze %dma_wait3A_1693 : memref<1x1x80xi32, #tpu.memory_space<vmem>> -> memref<80xi32, #tpu.memory_space<vmem>>
        %dma_wait3A_1695 = arith.constant 0 : i32
        %dma_wait3A_1696 = arith.constant 0 : i32
        %dma_wait3A_1697 = tpu.memref_slice %arg2[%dma_wait3A_1695, %dma_wait3A_1696] : memref<10000x128xf32, #tpu.memory_space<hbm>> -> memref<10000x128xf32, #tpu.memory_space<hbm>>
        %dma_wait3A_1698 = tpu.memref_slice %arg11[%dma_wait3A_1687] : memref<5x!tpu.dma_semaphore, #tpu.memory_space<semaphore_mem>> -> memref<1x!tpu.dma_semaphore, #tpu.memory_space<semaphore_mem>>
        %dma_wait3A_1699 = tpu.memref_squeeze %dma_wait3A_1698 : memref<1x!tpu.dma_semaphore, #tpu.memory_space<semaphore_mem>> -> memref<!tpu.dma_semaphore, #tpu.memory_space<semaphore_mem>>
        tpu.wait_indirect_dma semaphore(%dma_wait3A_1699 : memref<!tpu.dma_semaphore, #tpu.memory_space<semaphore_mem>>) src(%dma_wait3A_1697 : memref<10000x128xf32, #tpu.memory_space<hbm>>) dst(%dma_wait3A_1691 : memref<80x128xf32, #tpu.memory_space<vmem>>)
        %get3A_1700 = arith.index_cast %select_n3A_153 : i32 to index
        %get3A_1701 = arith.index_cast %add3A_1683 : i32 to index
        %get3A_1702 = arith.constant 0 : index
        %get3A_1703 = tpu.vector_load %arg7[%get3A_1700, %get3A_1701, %get3A_1702] {strides = array<i32>} : memref<2x25x80xi32, #tpu.memory_space<vmem>>, vector<1x1x16xi32>,
        %get3A_1704 = vector.shape_cast %get3A_1703 : vector<1x1x16xi32> to vector<16xi32>
        %sub3A_1705 = vector.broadcast %mul3A_0 : i32 to vector<16xi32>
        %sub3A_1706 = arith.subi %get3A_1704, %sub3A_1705 : vector<16xi32>
        %ge3A_1707 = arith.constant 0 : i32
        %ge3A_1708 = vector.broadcast %ge3A_1707 : i32 to vector<16xi32>
        %ge3A_1709 = arith.cmpi sge, %sub3A_1706, %ge3A_1708 : vector<16xi32>
        %lt3A_1710 = vector.broadcast %sub3A_3 : i32 to vector<16xi32>
        %lt3A_1711 = arith.cmpi slt, %sub3A_1706, %lt3A_1710 : vector<16xi32>
        %and3A_1712 = arith.andi %ge3A_1709, %lt3A_1711 : vector<16xi1>
        %broadcast_in_dim3A_1713 = vector.broadcast %add3A_6 : i32 to vector<16xi32>
        %select_n3A_1714 = arith.select %and3A_1712, %sub3A_1706, %broadcast_in_dim3A_1713 : vector<16xi1>, vector<16xi32>
        %swap3A_1715 = arith.index_cast %select_n3A_153 : i32 to index
        %swap3A_1716 = arith.index_cast %add3A_1683 : i32 to index
        %swap3A_1717 = arith.constant 0 : index
        %swap3A_1718 = tpu.vector_load %arg7[%swap3A_1715, %swap3A_1716, %swap3A_1717] {strides = array<i32>} : memref<2x25x80xi32, #tpu.memory_space<vmem>>, vector<1x1x16xi32>,
        %swap3A_1719 = vector.shape_cast %swap3A_1718 : vector<1x1x16xi32> to vector<16xi32>
        %swap3A_1720 = vector.shape_cast %select_n3A_1714 : vector<16xi32> to vector<1x1x16xi32>
        tpu.vector_store %arg7[%swap3A_1715, %swap3A_1716, %swap3A_1717], %swap3A_1720 {strides = array<i32>} : memref<2x25x80xi32, #tpu.memory_space<vmem>>, vector<1x1x16xi32>,
        %get3A_1721 = arith.index_cast %select_n3A_153 : i32 to index
        %get3A_1722 = arith.index_cast %add3A_1683 : i32 to index
        %get3A_1723 = arith.constant 16 : index
        %get3A_1724 = tpu.vector_load %arg7[%get3A_1721, %get3A_1722, %get3A_1723] {strides = array<i32>} : memref<2x25x80xi32, #tpu.memory_space<vmem>>, vector<1x1x16xi32>,
        %get3A_1725 = vector.shape_cast %get3A_1724 : vector<1x1x16xi32> to vector<16xi32>
        %sub3A_1726 = vector.broadcast %mul3A_0 : i32 to vector<16xi32>
        %sub3A_1727 = arith.subi %get3A_1725, %sub3A_1726 : vector<16xi32>
        %ge3A_1728 = arith.constant 0 : i32
        %ge3A_1729 = vector.broadcast %ge3A_1728 : i32 to vector<16xi32>
        %ge3A_1730 = arith.cmpi sge, %sub3A_1727, %ge3A_1729 : vector<16xi32>
        %lt3A_1731 = vector.broadcast %sub3A_3 : i32 to vector<16xi32>
        %lt3A_1732 = arith.cmpi slt, %sub3A_1727, %lt3A_1731 : vector<16xi32>
        %and3A_1733 = arith.andi %ge3A_1730, %lt3A_1732 : vector<16xi1>
        %broadcast_in_dim3A_1734 = vector.broadcast %add3A_6 : i32 to vector<16xi32>
        %select_n3A_1735 = arith.select %and3A_1733, %sub3A_1727, %broadcast_in_dim3A_1734 : vector<16xi1>, vector<16xi32>
        %swap3A_1736 = arith.index_cast %select_n3A_153 : i32 to index
        %swap3A_1737 = arith.index_cast %add3A_1683 : i32 to index
        %swap3A_1738 = arith.constant 16 : index
        %swap3A_1739 = tpu.vector_load %arg7[%swap3A_1736, %swap3A_1737, %swap3A_1738] {strides = array<i32>} : memref<2x25x80xi32, #tpu.memory_space<vmem>>, vector<1x1x16xi32>,
        %swap3A_1740 = vector.shape_cast %swap3A_1739 : vector<1x1x16xi32> to vector<16xi32>
        %swap3A_1741 = vector.shape_cast %select_n3A_1735 : vector<16xi32> to vector<1x1x16xi32>
        tpu.vector_store %arg7[%swap3A_1736, %swap3A_1737, %swap3A_1738], %swap3A_1741 {strides = array<i32>} : memref<2x25x80xi32, #tpu.memory_space<vmem>>, vector<1x1x16xi32>,
        %get3A_1742 = arith.index_cast %select_n3A_153 : i32 to index
        %get3A_1743 = arith.index_cast %add3A_1683 : i32 to index
        %get3A_1744 = arith.constant 32 : index
        %get3A_1745 = tpu.vector_load %arg7[%get3A_1742, %get3A_1743, %get3A_1744] {strides = array<i32>} : memref<2x25x80xi32, #tpu.memory_space<vmem>>, vector<1x1x16xi32>,
        %get3A_1746 = vector.shape_cast %get3A_1745 : vector<1x1x16xi32> to vector<16xi32>
        %sub3A_1747 = vector.broadcast %mul3A_0 : i32 to vector<16xi32>
        %sub3A_1748 = arith.subi %get3A_1746, %sub3A_1747 : vector<16xi32>
        %ge3A_1749 = arith.constant 0 : i32
        %ge3A_1750 = vector.broadcast %ge3A_1749 : i32 to vector<16xi32>
        %ge3A_1751 = arith.cmpi sge, %sub3A_1748, %ge3A_1750 : vector<16xi32>
        %lt3A_1752 = vector.broadcast %sub3A_3 : i32 to vector<16xi32>
        %lt3A_1753 = arith.cmpi slt, %sub3A_1748, %lt3A_1752 : vector<16xi32>
        %and3A_1754 = arith.andi %ge3A_1751, %lt3A_1753 : vector<16xi1>
        %broadcast_in_dim3A_1755 = vector.broadcast %add3A_6 : i32 to vector<16xi32>
        %select_n3A_1756 = arith.select %and3A_1754, %sub3A_1748, %broadcast_in_dim3A_1755 : vector<16xi1>, vector<16xi32>
        %swap3A_1757 = arith.index_cast %select_n3A_153 : i32 to index
        %swap3A_1758 = arith.index_cast %add3A_1683 : i32 to index
        %swap3A_1759 = arith.constant 32 : index
        %swap3A_1760 = tpu.vector_load %arg7[%swap3A_1757, %swap3A_1758, %swap3A_1759] {strides = array<i32>} : memref<2x25x80xi32, #tpu.memory_space<vmem>>, vector<1x1x16xi32>,
        %swap3A_1761 = vector.shape_cast %swap3A_1760 : vector<1x1x16xi32> to vector<16xi32>
        %swap3A_1762 = vector.shape_cast %select_n3A_1756 : vector<16xi32> to vector<1x1x16xi32>
        tpu.vector_store %arg7[%swap3A_1757, %swap3A_1758, %swap3A_1759], %swap3A_1762 {strides = array<i32>} : memref<2x25x80xi32, #tpu.memory_space<vmem>>, vector<1x1x16xi32>,
        %get3A_1763 = arith.index_cast %select_n3A_153 : i32 to index
        %get3A_1764 = arith.index_cast %add3A_1683 : i32 to index
        %get3A_1765 = arith.constant 48 : index
        %get3A_1766 = tpu.vector_load %arg7[%get3A_1763, %get3A_1764, %get3A_1765] {strides = array<i32>} : memref<2x25x80xi32, #tpu.memory_space<vmem>>, vector<1x1x16xi32>,
        %get3A_1767 = vector.shape_cast %get3A_1766 : vector<1x1x16xi32> to vector<16xi32>
        %sub3A_1768 = vector.broadcast %mul3A_0 : i32 to vector<16xi32>
        %sub3A_1769 = arith.subi %get3A_1767, %sub3A_1768 : vector<16xi32>
        %ge3A_1770 = arith.constant 0 : i32
        %ge3A_1771 = vector.broadcast %ge3A_1770 : i32 to vector<16xi32>
        %ge3A_1772 = arith.cmpi sge, %sub3A_1769, %ge3A_1771 : vector<16xi32>
        %lt3A_1773 = vector.broadcast %sub3A_3 : i32 to vector<16xi32>
        %lt3A_1774 = arith.cmpi slt, %sub3A_1769, %lt3A_1773 : vector<16xi32>
        %and3A_1775 = arith.andi %ge3A_1772, %lt3A_1774 : vector<16xi1>
        %broadcast_in_dim3A_1776 = vector.broadcast %add3A_6 : i32 to vector<16xi32>
        %select_n3A_1777 = arith.select %and3A_1775, %sub3A_1769, %broadcast_in_dim3A_1776 : vector<16xi1>, vector<16xi32>
        %swap3A_1778 = arith.index_cast %select_n3A_153 : i32 to index
        %swap3A_1779 = arith.index_cast %add3A_1683 : i32 to index
        %swap3A_1780 = arith.constant 48 : index
        %swap3A_1781 = tpu.vector_load %arg7[%swap3A_1778, %swap3A_1779, %swap3A_1780] {strides = array<i32>} : memref<2x25x80xi32, #tpu.memory_space<vmem>>, vector<1x1x16xi32>,
        %swap3A_1782 = vector.shape_cast %swap3A_1781 : vector<1x1x16xi32> to vector<16xi32>
        %swap3A_1783 = vector.shape_cast %select_n3A_1777 : vector<16xi32> to vector<1x1x16xi32>
        tpu.vector_store %arg7[%swap3A_1778, %swap3A_1779, %swap3A_1780], %swap3A_1783 {strides = array<i32>} : memref<2x25x80xi32, #tpu.memory_space<vmem>>, vector<1x1x16xi32>,
        %get3A_1784 = arith.index_cast %select_n3A_153 : i32 to index
        %get3A_1785 = arith.index_cast %add3A_1683 : i32 to index
        %get3A_1786 = arith.constant 64 : index
        %get3A_1787 = tpu.vector_load %arg7[%get3A_1784, %get3A_1785, %get3A_1786] {strides = array<i32>} : memref<2x25x80xi32, #tpu.memory_space<vmem>>, vector<1x1x16xi32>,
        %get3A_1788 = vector.shape_cast %get3A_1787 : vector<1x1x16xi32> to vector<16xi32>
        %sub3A_1789 = vector.broadcast %mul3A_0 : i32 to vector<16xi32>
        %sub3A_1790 = arith.subi %get3A_1788, %sub3A_1789 : vector<16xi32>
        %ge3A_1791 = arith.constant 0 : i32
        %ge3A_1792 = vector.broadcast %ge3A_1791 : i32 to vector<16xi32>
        %ge3A_1793 = arith.cmpi sge, %sub3A_1790, %ge3A_1792 : vector<16xi32>
        %lt3A_1794 = vector.broadcast %sub3A_3 : i32 to vector<16xi32>
        %lt3A_1795 = arith.cmpi slt, %sub3A_1790, %lt3A_1794 : vector<16xi32>
        %and3A_1796 = arith.andi %ge3A_1793, %lt3A_1795 : vector<16xi1>
        %broadcast_in_dim3A_1797 = vector.broadcast %add3A_6 : i32 to vector<16xi32>
        %select_n3A_1798 = arith.select %and3A_1796, %sub3A_1790, %broadcast_in_dim3A_1797 : vector<16xi1>, vector<16xi32>
        %swap3A_1799 = arith.index_cast %select_n3A_153 : i32 to index
        %swap3A_1800 = arith.index_cast %add3A_1683 : i32 to index
        %swap3A_1801 = arith.constant 64 : index
        %swap3A_1802 = tpu.vector_load %arg7[%swap3A_1799, %swap3A_1800, %swap3A_1801] {strides = array<i32>} : memref<2x25x80xi32, #tpu.memory_space<vmem>>, vector<1x1x16xi32>,
        %swap3A_1803 = vector.shape_cast %swap3A_1802 : vector<1x1x16xi32> to vector<16xi32>
        %swap3A_1804 = vector.shape_cast %select_n3A_1798 : vector<16xi32> to vector<1x1x16xi32>
        tpu.vector_store %arg7[%swap3A_1799, %swap3A_1800, %swap3A_1801], %swap3A_1804 {strides = array<i32>} : memref<2x25x80xi32, #tpu.memory_space<vmem>>, vector<1x1x16xi32>,
        %dma_start3A_1805 = arith.constant 4 : i32
        %dma_start3A_1806 = arith.constant 4 : i32
        %dma_start3A_1807 = arith.constant 0 : i32
        %dma_start3A_1808 = arith.constant 0 : i32
        %dma_start3A_1809 = tpu.memref_slice %arg9[%dma_start3A_1805, %dma_start3A_1807, %dma_start3A_1808] : memref<5x80x128xf32, #tpu.memory_space<vmem>> -> memref<1x80x128xf32, #tpu.memory_space<vmem>>
        %dma_start3A_1810 = tpu.memref_squeeze %dma_start3A_1809 : memref<1x80x128xf32, #tpu.memory_space<vmem>> -> memref<80x128xf32, #tpu.memory_space<vmem>>
        %dma_start3A_1811 = arith.constant 0 : i32
        %dma_start3A_1812 = tpu.memref_slice %arg7[%select_n3A_153, %add3A_1683, %dma_start3A_1811] : memref<2x25x80xi32, #tpu.memory_space<vmem>> -> memref<1x1x80xi32, #tpu.memory_space<vmem>>
        %dma_start3A_1813 = tpu.memref_squeeze %dma_start3A_1812 : memref<1x1x80xi32, #tpu.memory_space<vmem>> -> memref<80xi32, #tpu.memory_space<vmem>>
        %dma_start3A_1814 = arith.constant 0 : i32
        %dma_start3A_1815 = arith.constant 0 : i32
        %dma_start3A_1816 = tpu.memref_slice %arg10[%dma_start3A_1814, %dma_start3A_1815] : memref<5248x128xf32, #tpu.memory_space<vmem_shared>> -> memref<5248x128xf32, #tpu.memory_space<vmem_shared>>
        %dma_start3A_1817 = tpu.memref_slice %arg12[%dma_start3A_1806] : memref<5x!tpu.dma_semaphore, #tpu.memory_space<semaphore_mem>> -> memref<1x!tpu.dma_semaphore, #tpu.memory_space<semaphore_mem>>
        %dma_start3A_1818 = tpu.memref_squeeze %dma_start3A_1817 : memref<1x!tpu.dma_semaphore, #tpu.memory_space<semaphore_mem>> -> memref<!tpu.dma_semaphore, #tpu.memory_space<semaphore_mem>>
        tpu.enqueue_indirect_dma source(%dma_start3A_1810 : memref<80x128xf32, #tpu.memory_space<vmem>>) target(%dma_start3A_1816 : memref<5248x128xf32, #tpu.memory_space<vmem_shared>>) offsets(%dma_start3A_1813 : memref<80xi32, #tpu.memory_space<vmem>>) semaphore(%dma_start3A_1818 : memref<!tpu.dma_semaphore, #tpu.memory_space<semaphore_mem>>) {add = true}
        %convert_element_type3A_1819 = arith.extui %le3A_1685 : i1 to i32
        %cond3A_1820 = arith.constant 0 : i32
        %cond3A_1821 = arith.cmpi ne, %convert_element_type3A_1819, %cond3A_1820 : i32
        scf.if %cond3A_1821 {
          %dma_wait3A_1822 = arith.constant 3 : i32
          %dma_wait3A_1823 = arith.constant 0 : i32
          %dma_wait3A_1824 = arith.constant 3 : i32
          %dma_wait3A_1825 = arith.constant 0 : i32
          %dma_wait3A_1826 = arith.constant 0 : i32
          %dma_wait3A_1827 = tpu.memref_slice %arg9[%dma_wait3A_1822, %dma_wait3A_1825, %dma_wait3A_1826] : memref<5x80x128xf32, #tpu.memory_space<vmem>> -> memref<1x80x128xf32, #tpu.memory_space<vmem>>
          %dma_wait3A_1828 = tpu.memref_squeeze %dma_wait3A_1827 : memref<1x80x128xf32, #tpu.memory_space<vmem>> -> memref<80x128xf32, #tpu.memory_space<vmem>>
          %dma_wait3A_1829 = arith.constant 0 : i32
          %dma_wait3A_1830 = tpu.memref_slice %arg7[%select_n3A_153, %dma_wait3A_1823, %dma_wait3A_1829] : memref<2x25x80xi32, #tpu.memory_space<vmem>> -> memref<1x1x80xi32, #tpu.memory_space<vmem>>
          %dma_wait3A_1831 = tpu.memref_squeeze %dma_wait3A_1830 : memref<1x1x80xi32, #tpu.memory_space<vmem>> -> memref<80xi32, #tpu.memory_space<vmem>>
          %dma_wait3A_1832 = arith.constant 0 : i32
          %dma_wait3A_1833 = arith.constant 0 : i32
          %dma_wait3A_1834 = tpu.memref_slice %arg10[%dma_wait3A_1832, %dma_wait3A_1833] : memref<5248x128xf32, #tpu.memory_space<vmem_shared>> -> memref<5248x128xf32, #tpu.memory_space<vmem_shared>>
          %dma_wait3A_1835 = tpu.memref_slice %arg12[%dma_wait3A_1824] : memref<5x!tpu.dma_semaphore, #tpu.memory_space<semaphore_mem>> -> memref<1x!tpu.dma_semaphore, #tpu.memory_space<semaphore_mem>>
          %dma_wait3A_1836 = tpu.memref_squeeze %dma_wait3A_1835 : memref<1x!tpu.dma_semaphore, #tpu.memory_space<semaphore_mem>> -> memref<!tpu.dma_semaphore, #tpu.memory_space<semaphore_mem>>
          tpu.wait_indirect_dma semaphore(%dma_wait3A_1836 : memref<!tpu.dma_semaphore, #tpu.memory_space<semaphore_mem>>) src(%dma_wait3A_1828 : memref<80x128xf32, #tpu.memory_space<vmem>>) dst(%dma_wait3A_1834 : memref<5248x128xf32, #tpu.memory_space<vmem_shared>>)
          %sub3A_1837 = arith.constant 1 : i32
          %sub3A_1838 = arith.subi %add3A_1683, %sub3A_1837 : i32
          %add3A_1839 = arith.constant 5 : i32
          %add3A_1840 = arith.addi %sub3A_1838, %add3A_1839 : i32
          %dma_start3A_1841 = arith.constant 3 : i32
          %dma_start3A_1842 = arith.constant 3 : i32
          %dma_start3A_1843 = arith.constant 0 : i32
          %dma_start3A_1844 = arith.constant 0 : i32
          %dma_start3A_1845 = tpu.memref_slice %arg9[%dma_start3A_1841, %dma_start3A_1843, %dma_start3A_1844] : memref<5x80x128xf32, #tpu.memory_space<vmem>> -> memref<1x80x128xf32, #tpu.memory_space<vmem>>
          %dma_start3A_1846 = tpu.memref_squeeze %dma_start3A_1845 : memref<1x80x128xf32, #tpu.memory_space<vmem>> -> memref<80x128xf32, #tpu.memory_space<vmem>>
          %dma_start3A_1847 = arith.constant 0 : i32
          %dma_start3A_1848 = tpu.memref_slice %arg6[%select_n3A_153, %add3A_1840, %dma_start3A_1847] : memref<2x25x80xi32, #tpu.memory_space<vmem>> -> memref<1x1x80xi32, #tpu.memory_space<vmem>>
          %dma_start3A_1849 = tpu.memref_squeeze %dma_start3A_1848 : memref<1x1x80xi32, #tpu.memory_space<vmem>> -> memref<80xi32, #tpu.memory_space<vmem>>
          %dma_start3A_1850 = arith.constant 0 : i32
          %dma_start3A_1851 = arith.constant 0 : i32
          %dma_start3A_1852 = tpu.memref_slice %arg2[%dma_start3A_1850, %dma_start3A_1851] : memref<10000x128xf32, #tpu.memory_space<hbm>> -> memref<10000x128xf32, #tpu.memory_space<hbm>>
          %dma_start3A_1853 = tpu.memref_slice %arg11[%dma_start3A_1842] : memref<5x!tpu.dma_semaphore, #tpu.memory_space<semaphore_mem>> -> memref<1x!tpu.dma_semaphore, #tpu.memory_space<semaphore_mem>>
          %dma_start3A_1854 = tpu.memref_squeeze %dma_start3A_1853 : memref<1x!tpu.dma_semaphore, #tpu.memory_space<semaphore_mem>> -> memref<!tpu.dma_semaphore, #tpu.memory_space<semaphore_mem>>
          tpu.enqueue_indirect_dma source(%dma_start3A_1852 : memref<10000x128xf32, #tpu.memory_space<hbm>>) target(%dma_start3A_1846 : memref<80x128xf32, #tpu.memory_space<vmem>>) offsets(%dma_start3A_1849 : memref<80xi32, #tpu.memory_space<vmem>>) semaphore(%dma_start3A_1854 : memref<!tpu.dma_semaphore, #tpu.memory_space<semaphore_mem>>)
        } else {
        }
      }
      %scan3A_1111 = arith.constant 4 : i32
    }
    %scan3A_39 = arith.constant 10 : i32
    %dma_wait3A = arith.constant 0 : i32
    %dma_wait3A_40 = arith.constant 1 : i32
    %dma_wait3A_41 = arith.constant 0 : i32
    %dma_wait3A_42 = arith.constant 0 : i32
    %dma_wait3A_43 = arith.constant 0 : i32
    %dma_wait3A_44 = arith.constant 0 : i32
    %dma_wait3A_45 = tpu.memref_slice %arg9[%dma_wait3A, %dma_wait3A_43, %dma_wait3A_44] : memref<5x80x128xf32, #tpu.memory_space<vmem>> -> memref<1x80x128xf32, #tpu.memory_space<vmem>>
    %dma_wait3A_46 = tpu.memref_squeeze %dma_wait3A_45 : memref<1x80x128xf32, #tpu.memory_space<vmem>> -> memref<80x128xf32, #tpu.memory_space<vmem>>
    %dma_wait3A_47 = arith.constant 0 : i32
    %dma_wait3A_48 = tpu.memref_slice %arg7[%dma_wait3A_40, %dma_wait3A_41, %dma_wait3A_47] : memref<2x25x80xi32, #tpu.memory_space<vmem>> -> memref<1x1x80xi32, #tpu.memory_space<vmem>>
    %dma_wait3A_49 = tpu.memref_squeeze %dma_wait3A_48 : memref<1x1x80xi32, #tpu.memory_space<vmem>> -> memref<80xi32, #tpu.memory_space<vmem>>
    %dma_wait3A_50 = arith.constant 0 : i32
    %dma_wait3A_51 = arith.constant 0 : i32
    %dma_wait3A_52 = tpu.memref_slice %arg10[%dma_wait3A_50, %dma_wait3A_51] : memref<5248x128xf32, #tpu.memory_space<vmem_shared>> -> memref<5248x128xf32, #tpu.memory_space<vmem_shared>>
    %dma_wait3A_53 = tpu.memref_slice %arg12[%dma_wait3A_42] : memref<5x!tpu.dma_semaphore, #tpu.memory_space<semaphore_mem>> -> memref<1x!tpu.dma_semaphore, #tpu.memory_space<semaphore_mem>>
    %dma_wait3A_54 = tpu.memref_squeeze %dma_wait3A_53 : memref<1x!tpu.dma_semaphore, #tpu.memory_space<semaphore_mem>> -> memref<!tpu.dma_semaphore, #tpu.memory_space<semaphore_mem>>
    tpu.wait_indirect_dma semaphore(%dma_wait3A_54 : memref<!tpu.dma_semaphore, #tpu.memory_space<semaphore_mem>>) src(%dma_wait3A_46 : memref<80x128xf32, #tpu.memory_space<vmem>>) dst(%dma_wait3A_52 : memref<5248x128xf32, #tpu.memory_space<vmem_shared>>)
    %dma_wait3A_55 = arith.constant 1 : i32
    %dma_wait3A_56 = arith.constant 1 : i32
    %dma_wait3A_57 = arith.constant 0 : i32
    %dma_wait3A_58 = arith.constant 1 : i32
    %dma_wait3A_59 = arith.constant 0 : i32
    %dma_wait3A_60 = arith.constant 0 : i32
    %dma_wait3A_61 = tpu.memref_slice %arg9[%dma_wait3A_55, %dma_wait3A_59, %dma_wait3A_60] : memref<5x80x128xf32, #tpu.memory_space<vmem>> -> memref<1x80x128xf32, #tpu.memory_space<vmem>>
    %dma_wait3A_62 = tpu.memref_squeeze %dma_wait3A_61 : memref<1x80x128xf32, #tpu.memory_space<vmem>> -> memref<80x128xf32, #tpu.memory_space<vmem>>
    %dma_wait3A_63 = arith.constant 0 : i32
    %dma_wait3A_64 = tpu.memref_slice %arg7[%dma_wait3A_56, %dma_wait3A_57, %dma_wait3A_63] : memref<2x25x80xi32, #tpu.memory_space<vmem>> -> memref<1x1x80xi32, #tpu.memory_space<vmem>>
    %dma_wait3A_65 = tpu.memref_squeeze %dma_wait3A_64 : memref<1x1x80xi32, #tpu.memory_space<vmem>> -> memref<80xi32, #tpu.memory_space<vmem>>
    %dma_wait3A_66 = arith.constant 0 : i32
    %dma_wait3A_67 = arith.constant 0 : i32
    %dma_wait3A_68 = tpu.memref_slice %arg10[%dma_wait3A_66, %dma_wait3A_67] : memref<5248x128xf32, #tpu.memory_space<vmem_shared>> -> memref<5248x128xf32, #tpu.memory_space<vmem_shared>>
    %dma_wait3A_69 = tpu.memref_slice %arg12[%dma_wait3A_58] : memref<5x!tpu.dma_semaphore, #tpu.memory_space<semaphore_mem>> -> memref<1x!tpu.dma_semaphore, #tpu.memory_space<semaphore_mem>>
    %dma_wait3A_70 = tpu.memref_squeeze %dma_wait3A_69 : memref<1x!tpu.dma_semaphore, #tpu.memory_space<semaphore_mem>> -> memref<!tpu.dma_semaphore, #tpu.memory_space<semaphore_mem>>
    tpu.wait_indirect_dma semaphore(%dma_wait3A_70 : memref<!tpu.dma_semaphore, #tpu.memory_space<semaphore_mem>>) src(%dma_wait3A_62 : memref<80x128xf32, #tpu.memory_space<vmem>>) dst(%dma_wait3A_68 : memref<5248x128xf32, #tpu.memory_space<vmem_shared>>)
    %dma_wait3A_71 = arith.constant 2 : i32
    %dma_wait3A_72 = arith.constant 1 : i32
    %dma_wait3A_73 = arith.constant 0 : i32
    %dma_wait3A_74 = arith.constant 2 : i32
    %dma_wait3A_75 = arith.constant 0 : i32
    %dma_wait3A_76 = arith.constant 0 : i32
    %dma_wait3A_77 = tpu.memref_slice %arg9[%dma_wait3A_71, %dma_wait3A_75, %dma_wait3A_76] : memref<5x80x128xf32, #tpu.memory_space<vmem>> -> memref<1x80x128xf32, #tpu.memory_space<vmem>>
    %dma_wait3A_78 = tpu.memref_squeeze %dma_wait3A_77 : memref<1x80x128xf32, #tpu.memory_space<vmem>> -> memref<80x128xf32, #tpu.memory_space<vmem>>
    %dma_wait3A_79 = arith.constant 0 : i32
    %dma_wait3A_80 = tpu.memref_slice %arg7[%dma_wait3A_72, %dma_wait3A_73, %dma_wait3A_79] : memref<2x25x80xi32, #tpu.memory_space<vmem>> -> memref<1x1x80xi32, #tpu.memory_space<vmem>>
    %dma_wait3A_81 = tpu.memref_squeeze %dma_wait3A_80 : memref<1x1x80xi32, #tpu.memory_space<vmem>> -> memref<80xi32, #tpu.memory_space<vmem>>
    %dma_wait3A_82 = arith.constant 0 : i32
    %dma_wait3A_83 = arith.constant 0 : i32
    %dma_wait3A_84 = tpu.memref_slice %arg10[%dma_wait3A_82, %dma_wait3A_83] : memref<5248x128xf32, #tpu.memory_space<vmem_shared>> -> memref<5248x128xf32, #tpu.memory_space<vmem_shared>>
    %dma_wait3A_85 = tpu.memref_slice %arg12[%dma_wait3A_74] : memref<5x!tpu.dma_semaphore, #tpu.memory_space<semaphore_mem>> -> memref<1x!tpu.dma_semaphore, #tpu.memory_space<semaphore_mem>>
    %dma_wait3A_86 = tpu.memref_squeeze %dma_wait3A_85 : memref<1x!tpu.dma_semaphore, #tpu.memory_space<semaphore_mem>> -> memref<!tpu.dma_semaphore, #tpu.memory_space<semaphore_mem>>
    tpu.wait_indirect_dma semaphore(%dma_wait3A_86 : memref<!tpu.dma_semaphore, #tpu.memory_space<semaphore_mem>>) src(%dma_wait3A_78 : memref<80x128xf32, #tpu.memory_space<vmem>>) dst(%dma_wait3A_84 : memref<5248x128xf32, #tpu.memory_space<vmem_shared>>)
    %dma_wait3A_87 = arith.constant 3 : i32
    %dma_wait3A_88 = arith.constant 1 : i32
    %dma_wait3A_89 = arith.constant 0 : i32
    %dma_wait3A_90 = arith.constant 3 : i32
    %dma_wait3A_91 = arith.constant 0 : i32
    %dma_wait3A_92 = arith.constant 0 : i32
    %dma_wait3A_93 = tpu.memref_slice %arg9[%dma_wait3A_87, %dma_wait3A_91, %dma_wait3A_92] : memref<5x80x128xf32, #tpu.memory_space<vmem>> -> memref<1x80x128xf32, #tpu.memory_space<vmem>>
    %dma_wait3A_94 = tpu.memref_squeeze %dma_wait3A_93 : memref<1x80x128xf32, #tpu.memory_space<vmem>> -> memref<80x128xf32, #tpu.memory_space<vmem>>
    %dma_wait3A_95 = arith.constant 0 : i32
    %dma_wait3A_96 = tpu.memref_slice %arg7[%dma_wait3A_88, %dma_wait3A_89, %dma_wait3A_95] : memref<2x25x80xi32, #tpu.memory_space<vmem>> -> memref<1x1x80xi32, #tpu.memory_space<vmem>>
    %dma_wait3A_97 = tpu.memref_squeeze %dma_wait3A_96 : memref<1x1x80xi32, #tpu.memory_space<vmem>> -> memref<80xi32, #tpu.memory_space<vmem>>
    %dma_wait3A_98 = arith.constant 0 : i32
    %dma_wait3A_99 = arith.constant 0 : i32
    %dma_wait3A_100 = tpu.memref_slice %arg10[%dma_wait3A_98, %dma_wait3A_99] : memref<5248x128xf32, #tpu.memory_space<vmem_shared>> -> memref<5248x128xf32, #tpu.memory_space<vmem_shared>>
    %dma_wait3A_101 = tpu.memref_slice %arg12[%dma_wait3A_90] : memref<5x!tpu.dma_semaphore, #tpu.memory_space<semaphore_mem>> -> memref<1x!tpu.dma_semaphore, #tpu.memory_space<semaphore_mem>>
    %dma_wait3A_102 = tpu.memref_squeeze %dma_wait3A_101 : memref<1x!tpu.dma_semaphore, #tpu.memory_space<semaphore_mem>> -> memref<!tpu.dma_semaphore, #tpu.memory_space<semaphore_mem>>
    tpu.wait_indirect_dma semaphore(%dma_wait3A_102 : memref<!tpu.dma_semaphore, #tpu.memory_space<semaphore_mem>>) src(%dma_wait3A_94 : memref<80x128xf32, #tpu.memory_space<vmem>>) dst(%dma_wait3A_100 : memref<5248x128xf32, #tpu.memory_space<vmem_shared>>)
    %dma_wait3A_103 = arith.constant 4 : i32
    %dma_wait3A_104 = arith.constant 1 : i32
    %dma_wait3A_105 = arith.constant 0 : i32
    %dma_wait3A_106 = arith.constant 4 : i32
    %dma_wait3A_107 = arith.constant 0 : i32
    %dma_wait3A_108 = arith.constant 0 : i32
    %dma_wait3A_109 = tpu.memref_slice %arg9[%dma_wait3A_103, %dma_wait3A_107, %dma_wait3A_108] : memref<5x80x128xf32, #tpu.memory_space<vmem>> -> memref<1x80x128xf32, #tpu.memory_space<vmem>>
    %dma_wait3A_110 = tpu.memref_squeeze %dma_wait3A_109 : memref<1x80x128xf32, #tpu.memory_space<vmem>> -> memref<80x128xf32, #tpu.memory_space<vmem>>
    %dma_wait3A_111 = arith.constant 0 : i32
    %dma_wait3A_112 = tpu.memref_slice %arg7[%dma_wait3A_104, %dma_wait3A_105, %dma_wait3A_111] : memref<2x25x80xi32, #tpu.memory_space<vmem>> -> memref<1x1x80xi32, #tpu.memory_space<vmem>>
    %dma_wait3A_113 = tpu.memref_squeeze %dma_wait3A_112 : memref<1x1x80xi32, #tpu.memory_space<vmem>> -> memref<80xi32, #tpu.memory_space<vmem>>
    %dma_wait3A_114 = arith.constant 0 : i32
    %dma_wait3A_115 = arith.constant 0 : i32
    %dma_wait3A_116 = tpu.memref_slice %arg10[%dma_wait3A_114, %dma_wait3A_115] : memref<5248x128xf32, #tpu.memory_space<vmem_shared>> -> memref<5248x128xf32, #tpu.memory_space<vmem_shared>>
    %dma_wait3A_117 = tpu.memref_slice %arg12[%dma_wait3A_106] : memref<5x!tpu.dma_semaphore, #tpu.memory_space<semaphore_mem>> -> memref<1x!tpu.dma_semaphore, #tpu.memory_space<semaphore_mem>>
    %dma_wait3A_118 = tpu.memref_squeeze %dma_wait3A_117 : memref<1x!tpu.dma_semaphore, #tpu.memory_space<semaphore_mem>> -> memref<!tpu.dma_semaphore, #tpu.memory_space<semaphore_mem>>
    tpu.wait_indirect_dma semaphore(%dma_wait3A_118 : memref<!tpu.dma_semaphore, #tpu.memory_space<semaphore_mem>>) src(%dma_wait3A_110 : memref<80x128xf32, #tpu.memory_space<vmem>>) dst(%dma_wait3A_116 : memref<5248x128xf32, #tpu.memory_space<vmem_shared>>)
    %barrier3A_119 = arith.constant 0 : index
    tpu.barrier barrier_id(%barrier3A_119)
    %eq3A_120 = arith.constant 0 : i32
    %eq3A_121 = arith.cmpi eq, %arg0, %eq3A_120 : i32
    %convert_element_type3A_122 = arith.extui %eq3A_121 : i1 to i32
    %cond3A_123 = arith.constant 0 : i32
    %cond3A_124 = arith.cmpi ne, %convert_element_type3A_122, %cond3A_123 : i32
    scf.if %cond3A_124 {
      %mul3A_141 = arith.constant 320 : i32
      %mul3A_142 = arith.muli %arg1, %mul3A_141 : i32
      %mul3A_143 = arith.constant 320 : i32
      %mul3A_144 = arith.muli %arg1, %mul3A_143 : i32
      "tpu.region"() ({
        %run_scoped3A_145 = tpu.sem_alloc : memref<!tpu.dma_semaphore, #tpu.memory_space<semaphore_mem>>
        %dma_start3A = arith.constant 0 : i32
        %dma_start3A_146 = tpu.memref_slice %arg5[%mul3A_144, %dma_start3A] : memref<10000x128xf32, #tpu.memory_space<hbm>> -> memref<320x128xf32, #tpu.memory_space<hbm>>
        %dma_start3A_147 = arith.constant 0 : i32
        %dma_start3A_148 = tpu.memref_slice %arg10[%mul3A_142, %dma_start3A_147] : memref<5248x128xf32, #tpu.memory_space<vmem_shared>> -> memref<320x128xf32, #tpu.memory_space<vmem_shared>>
        tpu.enqueue_dma source(%dma_start3A_148 : memref<320x128xf32, #tpu.memory_space<vmem_shared>>) target(%dma_start3A_146 : memref<320x128xf32, #tpu.memory_space<hbm>>) target_semaphore(%run_scoped3A_145 : memref<!tpu.dma_semaphore, #tpu.memory_space<semaphore_mem>>)
        %dma_wait3A_149 = arith.constant 0 : i32
        %dma_wait3A_150 = tpu.memref_slice %arg5[%mul3A_144, %dma_wait3A_149] : memref<10000x128xf32, #tpu.memory_space<hbm>> -> memref<320x128xf32, #tpu.memory_space<hbm>>
        %dma_wait3A_151 = arith.constant 0 : i32
        %dma_wait3A_152 = tpu.memref_slice %arg10[%mul3A_142, %dma_wait3A_151] : memref<5248x128xf32, #tpu.memory_space<vmem_shared>> -> memref<320x128xf32, #tpu.memory_space<vmem_shared>>
        tpu.wait_dma2 semaphore(%run_scoped3A_145 : memref<!tpu.dma_semaphore, #tpu.memory_space<semaphore_mem>>) src(%dma_wait3A_152 : memref<320x128xf32, #tpu.memory_space<vmem_shared>>) dst(%dma_wait3A_150 : memref<320x128xf32, #tpu.memory_space<hbm>>)
        tpu.yield
      }) : () -> ()
    } else {
    }
    %eq3A_125 = arith.constant 1 : i32
    %eq3A_126 = arith.cmpi eq, %arg0, %eq3A_125 : i32
    %lt3A_127 = arith.constant 15 : i32
    %lt3A_128 = arith.cmpi slt, %arg1, %lt3A_127 : i32
    %and3A_129 = arith.andi %eq3A_126, %lt3A_128 : i1
    %convert_element_type3A_130 = arith.extui %and3A_129 : i1 to i32
    %cond3A_131 = arith.constant 0 : i32
    %cond3A_132 = arith.cmpi ne, %convert_element_type3A_130, %cond3A_131 : i32
    scf.if %cond3A_132 {
      %mul3A_141 = arith.constant 304 : i32
      %mul3A_142 = arith.muli %arg1, %mul3A_141 : i32
      %mul3A_143 = arith.constant 304 : i32
      %mul3A_144 = arith.muli %arg1, %mul3A_143 : i32
      %add3A_145 = arith.constant 5120 : i32
      %add3A_146 = arith.addi %add3A_145, %mul3A_144 : i32
      "tpu.region"() ({
        %run_scoped3A_147 = tpu.sem_alloc : memref<!tpu.dma_semaphore, #tpu.memory_space<semaphore_mem>>
        %dma_start3A = arith.constant 0 : i32
        %dma_start3A_148 = tpu.memref_slice %arg5[%add3A_146, %dma_start3A] : memref<10000x128xf32, #tpu.memory_space<hbm>> -> memref<304x128xf32, #tpu.memory_space<hbm>>
        %dma_start3A_149 = arith.constant 0 : i32
        %dma_start3A_150 = tpu.memref_slice %arg10[%mul3A_142, %dma_start3A_149] : memref<5248x128xf32, #tpu.memory_space<vmem_shared>> -> memref<304x128xf32, #tpu.memory_space<vmem_shared>>
        tpu.enqueue_dma source(%dma_start3A_150 : memref<304x128xf32, #tpu.memory_space<vmem_shared>>) target(%dma_start3A_148 : memref<304x128xf32, #tpu.memory_space<hbm>>) target_semaphore(%run_scoped3A_147 : memref<!tpu.dma_semaphore, #tpu.memory_space<semaphore_mem>>)
        %dma_wait3A_151 = arith.constant 0 : i32
        %dma_wait3A_152 = tpu.memref_slice %arg5[%add3A_146, %dma_wait3A_151] : memref<10000x128xf32, #tpu.memory_space<hbm>> -> memref<304x128xf32, #tpu.memory_space<hbm>>
        %dma_wait3A_153 = arith.constant 0 : i32
        %dma_wait3A_154 = tpu.memref_slice %arg10[%mul3A_142, %dma_wait3A_153] : memref<5248x128xf32, #tpu.memory_space<vmem_shared>> -> memref<304x128xf32, #tpu.memory_space<vmem_shared>>
        tpu.wait_dma2 semaphore(%run_scoped3A_147 : memref<!tpu.dma_semaphore, #tpu.memory_space<semaphore_mem>>) src(%dma_wait3A_154 : memref<304x128xf32, #tpu.memory_space<vmem_shared>>) dst(%dma_wait3A_152 : memref<304x128xf32, #tpu.memory_space<hbm>>)
        tpu.yield
      }) : () -> ()
    } else {
    }
    %eq3A_133 = arith.constant 1 : i32
    %eq3A_134 = arith.cmpi eq, %arg0, %eq3A_133 : i32
    %eq3A_135 = arith.constant 15 : i32
    %eq3A_136 = arith.cmpi eq, %arg1, %eq3A_135 : i32
    %and3A_137 = arith.andi %eq3A_134, %eq3A_136 : i1
    %convert_element_type3A_138 = arith.extui %and3A_137 : i1 to i32
    %cond3A_139 = arith.constant 0 : i32
    %cond3A_140 = arith.cmpi ne, %convert_element_type3A_138, %cond3A_139 : i32
    scf.if %cond3A_140 {
      "tpu.region"() ({
        %run_scoped3A_141 = tpu.sem_alloc : memref<!tpu.dma_semaphore, #tpu.memory_space<semaphore_mem>>
        %dma_start3A = arith.constant 9680 : i32
        %dma_start3A_142 = arith.constant 0 : i32
        %dma_start3A_143 = tpu.memref_slice %arg5[%dma_start3A, %dma_start3A_142] : memref<10000x128xf32, #tpu.memory_space<hbm>> -> memref<320x128xf32, #tpu.memory_space<hbm>>
        %dma_start3A_144 = arith.constant 4560 : i32
        %dma_start3A_145 = arith.constant 0 : i32
        %dma_start3A_146 = tpu.memref_slice %arg10[%dma_start3A_144, %dma_start3A_145] : memref<5248x128xf32, #tpu.memory_space<vmem_shared>> -> memref<320x128xf32, #tpu.memory_space<vmem_shared>>
        tpu.enqueue_dma source(%dma_start3A_146 : memref<320x128xf32, #tpu.memory_space<vmem_shared>>) target(%dma_start3A_143 : memref<320x128xf32, #tpu.memory_space<hbm>>) target_semaphore(%run_scoped3A_141 : memref<!tpu.dma_semaphore, #tpu.memory_space<semaphore_mem>>)
        %dma_wait3A_147 = arith.constant 9680 : i32
        %dma_wait3A_148 = arith.constant 0 : i32
        %dma_wait3A_149 = tpu.memref_slice %arg5[%dma_wait3A_147, %dma_wait3A_148] : memref<10000x128xf32, #tpu.memory_space<hbm>> -> memref<320x128xf32, #tpu.memory_space<hbm>>
        %dma_wait3A_150 = arith.constant 4560 : i32
        %dma_wait3A_151 = arith.constant 0 : i32
        %dma_wait3A_152 = tpu.memref_slice %arg10[%dma_wait3A_150, %dma_wait3A_151] : memref<5248x128xf32, #tpu.memory_space<vmem_shared>> -> memref<320x128xf32, #tpu.memory_space<vmem_shared>>
        tpu.wait_dma2 semaphore(%run_scoped3A_141 : memref<!tpu.dma_semaphore, #tpu.memory_space<semaphore_mem>>) src(%dma_wait3A_152 : memref<320x128xf32, #tpu.memory_space<vmem_shared>>) dst(%dma_wait3A_149 : memref<320x128xf32, #tpu.memory_space<hbm>>)
        tpu.yield
      }) : () -> ()
    } else {
    }
    return
  }
}

</mosaic_0001>

<sc_bundles>
// kernel: kernel.3.cloned.1.call-start
scs
__scs_entry_jumppad:
0x0: {  	(pc) =	sbr.rel $0x88, $3  }
0x1: {  	(tag) =	ssettag $0x0;
	lr =	simm.s32 $0x1  }
0x2: {  	[smem:$0x3F9F] =	sst lr;
	_ =	strace $0xD0000000  }
0x3: {  	_ = 	snop  }
0x4: {  	_ = 	snop  }
0x5: {  	_ = 	snop  }
0x6: {  	_ = 	snop  }
0x7: {  	_ = 	snop  }
__scs_overlays_trampoline_lowered:
0x8: {  	[smem:$0x3FAE] =	sst s0  }
0x9: {  	[smem:$0x3FAF] =	sst s1  }
0xa: {  	[smem:$0x3FB0] =	sst s2  }
0xb: {  	[smem:$0x3FB1] =	sst s3  }
0xc: {  	[smem:$0x3FB2] =	sst s4  }
0xd: {  	[smem:$0x3FB3] =	sst s5  }
0xe: {  	[smem:$0x3FB4] =	sst s6  }
0xf: {  	[smem:$0x3FB5] =	sst s7  }
0x10: {  	[smem:$0x3FB6] =	sst s8  }
0x11: {  	[smem:$0x3FB7] =	sst s9;
	s0 =	simm.s32 @!p0 $0x0  }
0x12: {  	s1 =	sld [smem:$0x3F9D];
	s0 =	simm.s32 @p0 $0x1  }
0x13: {  	[smem:$0x3FB8] =	sst s0;
	s0 =	simm.s32 @!p1 $0x0  }
0x14: {  	s2 =	sld [smem:$0x3F9C];
	s0 =	simm.s32 @p1 $0x1  }
0x15: {  	[smem:$0x3FB9] =	sst s0;
	s0 =	simm.s32 @!p2 $0x0  }
0x16: {  	s3 =	sld [smem:$0x3FDB];
	s0 =	simm.s32 @p2 $0x1  }
0x17: {  	s4 =	simm.s32 $0x1BF5;
	[smem:$0x3FBB] =	sst s0  }
0x18: {  	s0 =	sld [smem:$0x3F9E];
	_ =	swait.ge [sflag:s4], $0x0  }
0x19: {  	s7 =	sld [smem:$0x3F9F]  }
0x1a: {  	s8 =	sadd.s32 $0xFFFFE003, lr  }
0x1b: {  	s9 =	sadd.s32 $0xFFFFFEF7, lr;
	s5 =	simm.s32 $0xFFFFFFFF;
	p2 =	slt.u32 s8, $0xFFFFF086  }
0x1c: {  	p1 =	slt.u32 s9, $0xF7A;
	s5 =	simm.s32 @!p2 $0x0  }
0x1d: {  	s5 =	simm.s32 @p1 $0x1;
	p0 =	seq.s32 s7, s2  }
0x1e: {  	s7 =	smul.u32 @!p0 $0xF7A, s2;
	p2 =	seq.s32 @!p0 s5, $0x0  }
0x1f: {  	s9 =	smul.u32 $0xF7A, s1;
	s8 =	simm.s32 @!p0 $0x1BF5;
	p2 =	por !p2, p0  }
0x20: {  	[sflag:s8] =	ssyncset.s32 @!p0 $0xFFFFF086;
	s6 =	sadd.s32 @!p0 s3, s7;
	s7 =	simm.s32 @!p0 $0x108  }
0x21: {  	s3 =	sadd.s32 s3, s9;
	s6 =	sadd.s32 @!p0 $0x88, s6;
	s7 =	simm.s32 @p2 $0x1082  }
0x22: {  	[simem:s7], [sflag:s8] =	dma.local @!p0 [hbm:s6], $0xF7A  }
0x23: {  	s9 =	sor.u32 $0xD0000000, s2;
	s6 =	simm.s32 $0x108;
	_ =	swait.ge @!p0 [sflag:s8], $0x0  }
0x24: {  	s3 =	sadd.s32 $0x88, s3;
	s6 =	simm.s32 @!p1 $0x1082;
	[sflag:s4] =	ssyncset.s32 $0xFFFFF086  }
0x25: {  	[simem:s6], [sflag:s4] =	dma.local [hbm:s3], $0xF7A  }
0x26: {  	[smem:$0x3F9F] =	sst s1;
	(tag) =	ssettag s2;
	_ =	strace s9  }
0x27: {  	s1 =	sld [smem:$0x3FAF]  }
0x28: {  	s2 =	sld [smem:$0x3FB0]  }
0x29: {  	s4 =	sld [smem:$0x3FB2]  }
0x2a: {  	p0 =	seq.s32 s5, $0x0;
	s5 =	sld [smem:$0x3FB3]  }
0x2b: {  	s6 =	sld [smem:$0x3FB4]  }
0x2c: {  	s7 =	sld [smem:$0x3FB5]  }
0x2d: {  	s3 =	simm.s32 $0x108;
	s8 =	sld [smem:$0x3FB6]  }
0x2e: {  	s3 =	simm.s32 @!p0 $0x1082;
	s9 =	sld [smem:$0x3FB7]  }
0x2f: {  	lr =	sadd.s32 s0, s3;
	s0 =	sld [smem:$0x3FAE]  }
0x30: {  	s3 =	sld [smem:$0x3FB1]  }
0x31: {  	[smem:$0x3FBA] =	sst s10  }
0x32: {  	s10 =	sld [smem:$0x3FB8];
	_ =	sdelay $0x3  }
0x33: {  	p0 =	seq.s32 s10, $0x1;
	s10 =	sld [smem:$0x3FBA];
	_ =	sdelay $0x3  }
0x34: {  	[smem:$0x3FBA] =	sst s10  }
0x35: {  	s10 =	sld [smem:$0x3FB9];
	_ =	sdelay $0x3  }
0x36: {  	p1 =	seq.s32 s10, $0x1;
	s10 =	sld [smem:$0x3FBA];
	_ =	sdelay $0x3  }
0x37: {  	[smem:$0x3FBA] =	sst s10  }
0x38: {  	s10 =	sld [smem:$0x3FBB]  }
0x39: {  	_ = 	snop;
	(pc) =	sbr.ind lr, $3  }
0x3a: {  	_ = 	snop  }
0x3b: {  	_ = 	snop  }
0x3c: {  	p2 =	seq.s32 s10, $0x1;
	s10 =	sld [smem:$0x3FBA]  }
0x3d: {  	_ =	shalt  }
0x3e: {  	_ =	shalt  }
0x3f: {  	_ =	shalt  }
0x40: {  	_ =	shalt  }
0x41: {  	_ =	shalt  }
0x42: {  	_ =	shalt  }
0x43: {  	_ =	shalt  }
0x44: {  	_ =	shalt  }
0x45: {  	_ =	shalt  }
0x46: {  	_ =	shalt  }
0x47: {  	_ =	shalt  }
0x48: {  	_ =	shalt  }
0x49: {  	_ =	shalt  }
0x4a: {  	_ =	shalt  }
0x4b: {  	_ =	shalt  }
0x4c: {  	_ =	shalt  }
0x4d: {  	_ =	shalt  }
0x4e: {  	_ =	shalt  }
0x4f: {  	_ =	shalt  }
0x50: {  	_ =	shalt  }
0x51: {  	_ =	shalt  }
0x52: {  	_ =	shalt  }
0x53: {  	_ =	shalt  }
0x54: {  	_ =	shalt  }
0x55: {  	_ =	shalt  }
0x56: {  	_ =	shalt  }
0x57: {  	_ =	shalt  }
0x58: {  	_ =	shalt  }
0x59: {  	_ =	shalt  }
0x5a: {  	_ =	shalt  }
0x5b: {  	_ =	shalt  }
0x5c: {  	_ =	shalt  }
0x5d: {  	_ =	shalt  }
0x5e: {  	_ =	shalt  }
0x5f: {  	_ =	shalt  }
0x60: {  	_ =	shalt  }
0x61: {  	_ =	shalt  }
0x62: {  	_ =	shalt  }
0x63: {  	_ =	shalt  }
0x64: {  	_ =	shalt  }
0x65: {  	_ =	shalt  }
0x66: {  	_ =	shalt  }
0x67: {  	_ =	shalt  }
0x68: {  	_ =	shalt  }
0x69: {  	_ =	shalt  }
0x6a: {  	_ =	shalt  }
0x6b: {  	_ =	shalt  }
0x6c: {  	_ =	shalt  }
0x6d: {  	_ =	shalt  }
0x6e: {  	_ =	shalt  }
0x6f: {  	_ =	shalt  }
0x70: {  	_ =	shalt  }
0x71: {  	_ =	shalt  }
0x72: {  	_ =	shalt  }
0x73: {  	_ =	shalt  }
0x74: {  	_ =	shalt  }
0x75: {  	_ =	shalt  }
0x76: {  	_ =	shalt  }
0x77: {  	_ =	shalt  }
0x78: {  	_ =	shalt  }
0x79: {  	_ =	shalt  }
0x7a: {  	_ =	shalt  }
0x7b: {  	_ =	shalt  }
0x7c: {  	_ =	shalt  }
0x7d: {  	_ =	shalt  }
0x7e: {  	_ =	shalt  }
0x7f: {  	_ =	shalt  }
0x80: {  	_ =	shalt  }
0x81: {  	_ =	shalt  }
0x82: {  	_ =	shalt  }
0x83: {  	_ =	shalt  }
0x84: {  	_ =	shalt  }
0x85: {  	_ =	shalt  }
0x86: {  	_ =	shalt  }
0x87: {  	_ =	shalt  }
.Lfunc_end0:
.L_simem_size_0:
called_computation_lowered:
.L_overlay_start_0:
0x88: {  	s2 =	sld [smem:$0x3FD9]  }
0x89: {  	s3 =	sld [smem:$0x3FFE];
	_ =	sdelay $0x1  }
0x8a: {  	s1 =	srdreg.scid  }
0x8b: {  	s0 =	sand.u32 $0x1, s1  }
0x8c: {  	s17 =	sshll.u32 s0, $0xA;
	s2 =	sadd.s32 s3, s2  }
0x8d: {  	s2 =	sadd.s32 s2, s17  }
0x8e: {  	[smem:$0x3FC6] =	sst s2  }
0x8f: {  	_ = 	snop  }
0x90: {  	s2 =	sld [smem:$0x3FC9]  }
0x91: {  	s18 =	sld [smem:$0x3FD0];
	(tm) =	ssettm $0x1  }
0x92: {  	s4 =	sld [smem:$0x3FFB];
	_ =	sdelay $0x3  }
0x93: {  	_ =	strace s4  }
0x94: {  	s4 =	sld [smem:$0x3FFC];
	_ =	sdelay $0x3  }
0x95: {  	_ =	strace s4  }
0x96: {  	s4 =	sld [smem:$0x3FFD];
	_ =	sdelay $0x3  }
0x97: {  	_ =	strace s4  }
0x98: {  	_ =	strace $0x8FFFFFFF  }
0x99: {  	s19 =	sld [smem:$0x3FDB];
	_ =	sdelay $0x1  }
0x9a: {  	s5 =	simm.s32 $_scs_section_size  }
0x9b: {  	s6 =	simm.s32 $_size__tile_overlayer_lowered;
	s7 =	simm.s32 $_tile_overlayer_lowered  }
0x9c: {  	s22 =	simm.s32 $0x1BFF;
	s21 =	sshll.u32 s7, $0x1;
	s4 =	sadd.s32 s5, s19  }
0x9d: {  	s8 =	simm.s32 $0x0;
	s20 =	sshll.u32 s6, $0x1;
	s6 =	sadd.s32 s21, s4  }
0x9e: {  	[timem:s8], [sflag:s22] =	dma.local [hbm:s6], s20  }
0x9f: {  	_ =	swait.ge [sflag:s22], s20  }
0xa0: {  	s5 =	ssub.s32 $0x0, s20;
	[sflag:s22] =	ssyncset.done $0x0  }
0xa1: {  	[sflag:s22] =	ssyncadd.s32 s5;
	_ =	sdelay $0x1  }
0xa2: {  	s23 =	simm.s32 $0x1B8B  }
0xa3: {  	_ =	swait.ge [sflag:s23], $0x1  }
0xa4: {  	[sflag:s23] =	ssyncset.done $0x0  }
0xa5: {  	s25 =	simm.s32 $0x1B8E;
	s24 =	sld [smem:$0x3FFE];
	[sflag:s23] =	ssyncadd.s32 $0xFFFFFFFF  }
0xa6: {  	s26 =	simm.s32 $execute0_lowered;
	[smem:$0x3FD2] =	sst s25  }
0xa7: {  	s6 =	sshll.u32 s26, $0x1;
	_ =	strace $0x80000046;
	[dreg:$0x1] =	wrdreg $0xFFFFFFFF  }
0xa8: {  	s28 =	simm.s32 $_size_execute0_lowered;
	s4 =	sadd.s32 s4, s6;
	[dreg:$0x0] =	wrdreg $0x0  }
0xa9: {  	s6 =	sshll.u32 s28, $0x1;
	[dreg:$0x2] =	wrdreg s4  }
0xaa: {  	[dreg:$0x3] =	wrdreg s6  }
0xab: {  	[dreg:$0x4] =	wrdreg $0xC0  }
0xac: {  	_ =	task [dreg:s8], $0x5FFFF  }
0xad: {  	[dreg:$0x1] =	wrdreg $0xFFFFFFFF  }
0xae: {  	[dreg:$0x0] =	wrdreg $0x60  }
0xaf: {  	[dreg:$0x2] =	wrdreg s2  }
0xb0: {  	[dreg:$0x3] =	wrdreg s24  }
0xb1: {  	[dreg:$0x4] =	wrdreg s18  }
0xb2: {  	[dreg:$0x5] =	wrdreg $0x110000  }
0xb3: {  	[dreg:$0x6] =	wrdreg $0x9  }
0xb4: {  	_ =	task.clear_ibuf [dreg:s8], $0x7FFFF;
	_ =	strace $0x90000046  }
0xb5: {  	s29 =	simm.s32 $0x9;
	_ =	strace $0x80000048  }
0xb6: {  	_ =	swait.ge [sflag:s29], $0x1  }
0xb7: {  	[sflag:s29] =	ssyncadd.s32 $0xFFFFFFFF  }
0xb8: {  	_ =	strace $0x90000048  }
0xb9: {  	_ =	sfence  }
0xba: {  	s30 =	sld [smem:$0x0];
	_ =	sdelay $0x2  }
0xbb: {  	s31 =	sshll.u32 s1, $0xD;
	s1 =	sshrl.u32 s1, $0x2  }
0xbc: {  	s3 =	sand.u32 $0x4000, s31;
	s1 =	sadd.s32 s1, s30  }
0xbd: {  	s0 =	sor.u32 s3, s0;
	s1 =	sshll.u32 s1, $0x11  }
0xbe: {  	s0 =	sor.u32 s1, s0  }
0xbf: {  	s0 =	sadd.s32 $0x8F2B, s0  }
0xc0: {  	[sflag:s0] =	ssyncadd.remote.s32 $0x1  }
0xc1: {  	_ =	sfence.sel $0xFFFF  }
0xc2: {  	[dreg:$0x0] =	wrdreg $0xFFFFFFFF;
	(pc) =	sbr.abs _section_cstart, $3  }
0xc3: {  	[dreg:$0x1] =	wrdreg $0xFFFFFFFF  }
0xc4: {  	_ =	task.clear_ibuf [dreg:s8], $0x2FFFF;
	_ =	strace $0x9FFFFFFF  }
0xc5: {  	(tm) =	ssettm $0x7FFFFFFF  }
tec
execute0_lowered:
.L_overlay_start_1:
0x0: {  	(tag) =	ssettag $0x1  }
0x1: {  	s1 =	rddreg [dreg:$0x0]  }
0x2: {  	s2 =	rddreg [dreg:$0x1]  }
0x3: {  	s0 =	rddreg [dreg:$0x2]  }
0x4: {  	s4 =	rddreg [dreg:$0x3];
	s6 =	stileid.u32  }
0x5: {  	s3 =	srdreg.scid;
	s15 =	simm.s32 $0x0;
	s7 =	smul.u32 $0x28000, s6  }
0x6: {  	s5 =	sand.u32 $0x1, s3;
	[smem:$0x7FF] =	sst s15  }
0x7: {  	s14 =	sadd.s32 $0x14000, s2;
	s9 =	sshll.u32 s6, $0x3;
	s7 =	sshrl.u32 s7, $0x2  }
0x8: {  	_ =	strace $0x80000047;
	[dreg:$0x6] =	wrdreg s14;
	s16 =	sadd.s32 s7, s4  }
0x9: {  	s22 =	smul.u32 $0x26000, s6;
	s12 =	sadd.s32 $0x800, s16;
	[dreg:$0x7] =	wrdreg s16  }
0xa: {  	s3 =	ssub.s32 $0x2, s5;
	s13 =	sadd.s32 $0x1000, s16;
	[dreg:$0x8] =	wrdreg s12  }
0xb: {  	s10 =	smul.u32 $0xFFFFFF10, s5;
	s17 =	sadd.s32 $0x1800, s16;
	[dreg:$0x9] =	wrdreg s13  }
0xc: {  	s8 =	sshrl.u32 s3, $0x1;
	s18 =	sadd.s32 $0x2000, s16;
	[dreg:$0xa] =	wrdreg s17  }
0xd: {  	s8 =	ssub.s32 s3, s8;
	s19 =	sadd.s32 $0x2800, s16;
	[dreg:$0xb] =	wrdreg s18  }
0xe: {  	s3 =	sadd.s32 $0x1400, s10;
	s20 =	sadd.s32 $0x3000, s16;
	[dreg:$0xc] =	wrdreg s19  }
0xf: {  	s7 =	sor.u32 $0x1400, s9;
	s21 =	sadd.s32 $0x3800, s16;
	[dreg:$0xd] =	wrdreg s20  }
0x10: {  	s10 =	smul.u32 $0x9800, s6;
	s8 =	smax.u32 s8, $0x1;
	[dreg:$0xe] =	wrdreg s21  }
0x11: {  	s9 =	sshrl.u32 s22, $0x2;
	s22 =	sadd.s32 $0x8800, s16;
	[dreg:$0x16] =	wrdreg s8  }
0x12: {  	s24 =	sshrl.u32 s10, $0x3;
	s10 =	sadd.s32 $0x4800, s16;
	[smem:$0x7D5] =	sst s22  }
0x13: {  	s18 =	sadd.s32 $0x6800, s16;
	[dreg:$0x18] =	wrdreg s10  }
0x14: {  	s19 =	sadd.s32 $0x7000, s16;
	[dreg:$0x1c] =	wrdreg s18  }
0x15: {  	s20 =	sadd.s32 $0x7800, s16;
	[dreg:$0x1d] =	wrdreg s19  }
0x16: {  	s21 =	sadd.s32 $0x8000, s16;
	[dreg:$0x1e] =	wrdreg s20  }
0x17: {  	s8 =	sadd.s32 $0x90800, s4;
	[dreg:$0x1f] =	wrdreg s21  }
0x18: {  	s22 =	sadd.s32 $0x96000, s4;
	[smem:$0x7DC] =	sst s8  }
0x19: {  	s12 =	sshll.u32 s7, $0x7;
	s17 =	sadd.s32 s9, s4;
	[smem:$0x7E7] =	sst s22  }
0x1a: {  	s23 =	sadd.s32 s12, s4;
	[dreg:$0xf] =	wrdreg s17  }
0x1b: {  	s12 =	sadd.s32 $0x5000, s16;
	[dreg:$0x10] =	wrdreg s23  }
0x1c: {  	s9 =	sadd.s32 s0, s24;
	s24 =	sadd.s32 $0x9800, s16;
	[dreg:$0x19] =	wrdreg s12  }
0x1d: {  	s10 =	sadd.s32 $0x91800, s4;
	[smem:$0x7D7] =	sst s24  }
0x1e: {  	s18 =	sadd.s32 $0x94000, s4;
	[smem:$0x7DE] =	sst s10  }
0x1f: {  	s19 =	sadd.s32 $0x94800, s4;
	[smem:$0x7E3] =	sst s18  }
0x20: {  	s20 =	sadd.s32 $0x95000, s4;
	[smem:$0x7E4] =	sst s19  }
0x21: {  	s21 =	sadd.s32 $0x95800, s4;
	[smem:$0x7E5] =	sst s20  }
0x22: {  	s13 =	smul.u32 $0x1400, s6;
	s8 =	sadd.s32 $0x1800, s17;
	[smem:$0x7E6] =	sst s21  }
0x23: {  	s22 =	sadd.s32 $0x7000, s17;
	[smem:$0x7EE] =	sst s8  }
0x24: {  	s25 =	sadd.s32 s14, s13;
	[smem:$0x7F9] =	sst s22  }
0x25: {  	s11 =	smul.u32 $0x1400, s5;
	s2 =	sadd.s32 s2, s13;
	[dreg:$0x11] =	wrdreg s25  }
0x26: {  	p1 =	seq.s32 s5, $0x1;
	s26 =	sadd.s32 s0, s13;
	[dreg:$0x12] =	wrdreg s2  }
0x27: {  	p3 =	sne.s32 s5, $0x0;
	s5 =	sadd.s32 $0x14000, s9;
	[dreg:$0x13] =	wrdreg s26  }
0x28: {  	s0 =	sadd.s32 $0x25D00, s0;
	[dreg:$0x14] =	wrdreg s5  }
0x29: {  	s9 =	sadd.s32 $0x4000, s16;
	[dreg:$0x15] =	wrdreg s0  }
0x2a: {  	s13 =	sadd.s32 $0x5800, s16;
	[dreg:$0x17] =	wrdreg s9  }
0x2b: {  	s14 =	sadd.s32 $0x6000, s16;
	[dreg:$0x1a] =	wrdreg s13  }
0x2c: {  	s23 =	sadd.s32 $0x9000, s16;
	[dreg:$0x1b] =	wrdreg s14  }
0x2d: {  	s12 =	sadd.s32 $0x92000, s4;
	[smem:$0x7D6] =	sst s23  }
0x2e: {  	s16 =	sadd.s32 $0x93800, s4;
	[smem:$0x7DF] =	sst s12  }
0x2f: {  	s24 =	sadd.s32 $0x97000, s4;
	[smem:$0x7E2] =	sst s16  }
0x30: {  	s10 =	sadd.s32 $0x2800, s17;
	[smem:$0x7E9] =	sst s24  }
0x31: {  	s18 =	sadd.s32 $0x5000, s17;
	[smem:$0x7F0] =	sst s10  }
0x32: {  	s19 =	sadd.s32 $0x5800, s17;
	[smem:$0x7F5] =	sst s18  }
0x33: {  	s20 =	sadd.s32 $0x6000, s17;
	[smem:$0x7F6] =	sst s19  }
0x34: {  	s21 =	sadd.s32 $0x6800, s17;
	[smem:$0x7F7] =	sst s20  }
0x35: {  	s25 =	sadd.s32 $0x8E800, s4;
	[smem:$0x7F8] =	sst s21  }
0x36: {  	s26 =	sadd.s32 $0x8F000, s4;
	[smem:$0x7D8] =	sst s25  }
0x37: {  	s2 =	sadd.s32 $0x8F800, s4;
	[smem:$0x7D9] =	sst s26  }
0x38: {  	s28 =	simm.s32 $0xE800;
	s5 =	sadd.s32 $0x90000, s4;
	[smem:$0x7DA] =	sst s2  }
0x39: {  	s29 =	simm.s32 $0x1;
	s9 =	sadd.s32 $0x91000, s4;
	[smem:$0x7DB] =	sst s5  }
0x3a: {  	s30 =	simm.s32 $0x4800;
	s13 =	sadd.s32 $0x92800, s4;
	[smem:$0x7DD] =	sst s9  }
0x3b: {  	s31 =	simm.s32 $0x2;
	s14 =	sadd.s32 $0x93000, s4;
	[smem:$0x7E0] =	sst s13  }
0x3c: {  	p0 =	sne.s32 s6, $0xF;
	s23 =	sadd.s32 $0x96800, s4;
	[smem:$0x7E1] =	sst s14  }
0x3d: {  	p2 =	seq.s32 s6, $0xF;
	s12 =	sadd.s32 $0x3000, s17;
	[smem:$0x7E8] =	sst s23  }
0x3e: {  	p0 =	por !p0, !p1;
	s16 =	sadd.s32 $0x4800, s17;
	[smem:$0x7F1] =	sst s12  }
0x3f: {  	p2 =	por !p2, !p1;
	s24 =	sadd.s32 $0x8000, s17;
	[smem:$0x7F4] =	sst s16  }
0x40: {  	p1 =	por !p0, !p0;
	s25 =	sadd.s32 $0x97800, s4;
	[smem:$0x7FB] =	sst s24  }
0x41: {  	p2 =	por !p2, !p2;
	s26 =	sadd.s32 $0x98000, s4;
	[smem:$0x7EA] =	sst s25  }
0x42: {  	s8 =	simm.s32 $0x6;
	s2 =	sadd.s32 $0x800, s17;
	[smem:$0x7EB] =	sst s26  }
0x43: {  	s0 =	simm.s32 $0x7000;
	s5 =	sadd.s32 $0x1000, s17;
	[smem:$0x7EC] =	sst s2  }
0x44: {  	s10 =	simm.s32 $0x9800;
	s9 =	sadd.s32 $0x2000, s17;
	[smem:$0x7ED] =	sst s5  }
0x45: {  	s18 =	simm.s32 $0x9;
	s13 =	sadd.s32 $0x3800, s17;
	[smem:$0x7EF] =	sst s9  }
0x46: {  	s19 =	simm.s32 $0xA;
	s14 =	sadd.s32 $0x4000, s17;
	[smem:$0x7F2] =	sst s13  }
0x47: {  	s23 =	sadd.s32 $0x7800, s17;
	s12 =	simm.s32 $0x7;
	[smem:$0x7F3] =	sst s14  }
.Ltmp0:
0x48: {  	s16 =	simm.s32 $0x8;
	[smem:$0x7FA] =	sst s23;
	(pc) =	sbr.rel .LBB2_1-.Ltmp0, $4  }
0x49: {  	s25 =	sadd.s32 $0x8800, s17;
	s26 =	sadd.s32 $0x9000, s17;
	s23 =	smul.u32 $0xA, s6  }
0x4a: {  	s6 =	simm.s32 $0x4000;
	s9 =	simm.s32 $0x3;
	s13 =	simm.s32 $0x4  }
0x4b: {  	v3 =	vimm.f32 $0.0e+00;
	s14 =	simm.s32 $0xC000;
	s17 =	simm.s32 $0x5;
	[smem:$0x7FC] =	sst s25  }
0x4c: {  	v0 =	vmov s11;
	v1 =	vmov s3;
	v2 =	vmov s7;
	[smem:$0x7FD] =	sst s26;
	s25 =	simm.s32 $0xD;
	s26 =	simm.s32 $0x50  }
.LBB2_13:
0x4d: {  	_ =	swait.ge [sflag:s8], $0x2800  }
0x4e: {  	[sflag:s8] =	ssyncset.done $0x0  }
0x4f: {  	[sflag:s8] =	ssyncadd.s32 $0xFFFFD800  }
0x50: {  	_ =	swait.ge [sflag:s12], $0x2800  }
0x51: {  	[sflag:s12] =	ssyncset.done $0x0  }
0x52: {  	[sflag:s12] =	ssyncadd.s32 $0xFFFFD800  }
0x53: {  	_ =	swait.ge [sflag:s16], $0x2800  }
0x54: {  	[sflag:s16] =	ssyncset.done $0x0  }
0x55: {  	[sflag:s16] =	ssyncadd.s32 $0xFFFFD800  }
0x56: {  	_ =	swait.ge [sflag:s18], $0x2800  }
0x57: {  	[sflag:s18] =	ssyncset.done $0x0  }
0x58: {  	[sflag:s18] =	ssyncadd.s32 $0xFFFFD800  }
0x59: {  	_ =	swait.ge [sflag:s19], $0x2800  }
0x5a: {  	[sflag:s19] =	ssyncset.done $0x0  }
0x5b: {  	[sflag:s19] =	ssyncadd.s32 $0xFFFFD800  }
0x5c: {  	s6 =	stileid.u32;
	[bflag:$0x0] =	sbarrier.arrive $0xFFFF  }
0x5d: {  	s2 =	sshll.u32 @!p3 s6, $0x6;
	s3 =	rddreg [dreg:$0x7]  }
0x5e: {  	s2 =	sor.u32 @!p3 $0x1C0D, s2;
	s5 =	rddreg [dreg:$0x13];
	s3 =	sshrl.u32 @!p3 s3, $0x3  }
0x5f: {  	[hbm:s5], [sflag:s2] =	dma.local @!p3 [spmem:s3], $0x1400  }
0x60: {  	s2 =	simm.s32 @!p3 $0xD  }
0x61: {  	_ =	swait.ge @!p3 [sflag:s2], $0x1400  }
0x62: {  	s3 =	sshll.u32 @p1 s6, $0x6;
	[sflag:s2] =	ssyncset.done @!p3 $0x0  }
0x63: {  	[sflag:s2] =	ssyncadd.s32 @!p3 $0xFFFFEC00;
	s2 =	sor.u32 @p1 $0x1C0D, s3;
	s3 =	rddreg [dreg:$0xf]  }
0x64: {  	s5 =	rddreg [dreg:$0x14];
	s3 =	sshrl.u32 @p1 s3, $0x3  }
0x65: {  	[hbm:s5], [sflag:s2] =	dma.local @p1 [spmem:s3], $0x1300  }
0x66: {  	s2 =	simm.s32 @p1 $0xD  }
0x67: {  	_ =	swait.ge @p1 [sflag:s2], $0x1300  }
0x68: {  	s3 =	sshll.u32 @p4 s6, $0x6;
	[sflag:s2] =	ssyncset.done @p1 $0x0  }
0x69: {  	[sflag:s2] =	ssyncadd.s32 @p1 $0xFFFFED00;
	s2 =	sor.u32 @p4 $0x1C0D, s3;
	s3 =	sld [smem:$0x7D8]  }
0x6a: {  	_ =	sdelay $0x1  }
0x6b: {  	s6 =	rddreg [dreg:$0x15];
	s3 =	sshrl.u32 @p4 s3, $0x3  }
0x6c: {  	[hbm:s6], [sflag:s2] =	dma.local @p4 [spmem:s3], $0x1400  }
0x6d: {  	s2 =	simm.s32 @p4 $0xD  }
0x6e: {  	_ =	swait.ge @p4 [sflag:s2], $0x1400  }
0x6f: {  	s15 =	rddreg [dreg:$0x5]  }
0x70: {  	s24 =	rddreg [dreg:$0x16];
	s15 =	sadd.s32 $0x1, s15  }
0x71: {  	p5 =	sne.s32 s15, s24  }
.Ltmp1:
0x72: {  	_ = 	snop;
	(pc) =	sbr.rel @!p5 .LBB2_14-.Ltmp1, $3  }
0x73: {  	_ =	sdelay $0x1  }
0x74: {  	[sflag:s2] =	ssyncset.done @p4 $0x0  }
0x75: {  	s5 =	stileid.u32;
	s6 =	simm.s32 $0x4000;
	[sflag:s2] =	ssyncadd.s32 @p4 $0xFFFFEC00  }
.LBB2_1:
0x76: {  	[tilespmem:$0x4000] =	vst v3  }
0x77: {  	[tilespmem:$0x4010] =	vst v3  }
0x78: {  	[tilespmem:$0x4020] =	vst v3  }
0x79: {  	[tilespmem:$0x4030] =	vst v3  }
0x7a: {  	[tilespmem:$0x4040] =	vst v3  }
0x7b: {  	[tilespmem:$0x4050] =	vst v3  }
0x7c: {  	[tilespmem:$0x4060] =	vst v3  }
0x7d: {  	[tilespmem:$0x4070] =	vst v3  }
0x7e: {  	[tilespmem:$0x4080] =	vst v3  }
0x7f: {  	[tilespmem:$0x4090] =	vst v3  }
0x80: {  	[tilespmem:$0x40A0] =	vst v3  }
0x81: {  	[tilespmem:$0x40B0] =	vst v3  }
0x82: {  	[tilespmem:$0x40C0] =	vst v3  }
0x83: {  	[tilespmem:$0x40D0] =	vst v3  }
0x84: {  	[tilespmem:$0x40E0] =	vst v3  }
0x85: {  	[tilespmem:$0x40F0] =	vst v3  }
0x86: {  	[tilespmem:$0x4100] =	vst v3  }
0x87: {  	[tilespmem:$0x4110] =	vst v3  }
0x88: {  	[tilespmem:$0x4120] =	vst v3  }
0x89: {  	[tilespmem:$0x4130] =	vst v3  }
0x8a: {  	[tilespmem:$0x4140] =	vst v3  }
0x8b: {  	[tilespmem:$0x4150] =	vst v3  }
0x8c: {  	[tilespmem:$0x4160] =	vst v3  }
0x8d: {  	[tilespmem:$0x4170] =	vst v3  }
0x8e: {  	[tilespmem:$0x4180] =	vst v3  }
0x8f: {  	[tilespmem:$0x4190] =	vst v3  }
0x90: {  	[tilespmem:$0x41A0] =	vst v3  }
0x91: {  	[tilespmem:$0x41B0] =	vst v3  }
0x92: {  	[tilespmem:$0x41C0] =	vst v3  }
0x93: {  	[tilespmem:$0x41D0] =	vst v3  }
0x94: {  	[tilespmem:$0x41E0] =	vst v3  }
0x95: {  	[tilespmem:$0x41F0] =	vst v3  }
0x96: {  	[tilespmem:$0x4200] =	vst v3  }
0x97: {  	[tilespmem:$0x4210] =	vst v3  }
0x98: {  	[tilespmem:$0x4220] =	vst v3  }
0x99: {  	[tilespmem:$0x4230] =	vst v3  }
0x9a: {  	[tilespmem:$0x4240] =	vst v3  }
0x9b: {  	[tilespmem:$0x4250] =	vst v3  }
0x9c: {  	[tilespmem:$0x4260] =	vst v3  }
0x9d: {  	[tilespmem:$0x4270] =	vst v3  }
0x9e: {  	[tilespmem:$0x4280] =	vst v3  }
0x9f: {  	[tilespmem:$0x4290] =	vst v3  }
0xa0: {  	[tilespmem:$0x42A0] =	vst v3  }
0xa1: {  	[tilespmem:$0x42B0] =	vst v3  }
0xa2: {  	[tilespmem:$0x42C0] =	vst v3  }
0xa3: {  	[tilespmem:$0x42D0] =	vst v3  }
0xa4: {  	[tilespmem:$0x42E0] =	vst v3  }
0xa5: {  	[tilespmem:$0x42F0] =	vst v3  }
0xa6: {  	[tilespmem:$0x4300] =	vst v3  }
0xa7: {  	[tilespmem:$0x4310] =	vst v3  }
0xa8: {  	[tilespmem:$0x4320] =	vst v3  }
0xa9: {  	[tilespmem:$0x4330] =	vst v3  }
0xaa: {  	[tilespmem:$0x4340] =	vst v3  }
0xab: {  	[tilespmem:$0x4350] =	vst v3  }
0xac: {  	[tilespmem:$0x4360] =	vst v3  }
0xad: {  	[tilespmem:$0x4370] =	vst v3  }
0xae: {  	[tilespmem:$0x4380] =	vst v3  }
0xaf: {  	[tilespmem:$0x4390] =	vst v3  }
0xb0: {  	[tilespmem:$0x43A0] =	vst v3  }
0xb1: {  	[tilespmem:$0x43B0] =	vst v3  }
0xb2: {  	[tilespmem:$0x43C0] =	vst v3  }
0xb3: {  	[tilespmem:$0x43D0] =	vst v3  }
0xb4: {  	[tilespmem:$0x43E0] =	vst v3  }
0xb5: {  	[tilespmem:$0x43F0] =	vst v3  }
0xb6: {  	[tilespmem:$0x4400] =	vst v3  }
0xb7: {  	[tilespmem:$0x4410] =	vst v3  }
0xb8: {  	[tilespmem:$0x4420] =	vst v3  }
0xb9: {  	[tilespmem:$0x4430] =	vst v3  }
0xba: {  	[tilespmem:$0x4440] =	vst v3  }
0xbb: {  	[tilespmem:$0x4450] =	vst v3  }
0xbc: {  	[tilespmem:$0x4460] =	vst v3  }
0xbd: {  	[tilespmem:$0x4470] =	vst v3  }
0xbe: {  	[tilespmem:$0x4480] =	vst v3  }
0xbf: {  	[tilespmem:$0x4490] =	vst v3  }
0xc0: {  	[tilespmem:$0x44A0] =	vst v3  }
0xc1: {  	[tilespmem:$0x44B0] =	vst v3  }
0xc2: {  	[tilespmem:$0x44C0] =	vst v3  }
0xc3: {  	[tilespmem:$0x44D0] =	vst v3  }
0xc4: {  	[tilespmem:$0x44E0] =	vst v3  }
0xc5: {  	[tilespmem:$0x44F0] =	vst v3  }
0xc6: {  	[tilespmem:$0x4500] =	vst v3  }
0xc7: {  	[tilespmem:$0x4510] =	vst v3  }
0xc8: {  	[tilespmem:$0x4520] =	vst v3  }
0xc9: {  	[tilespmem:$0x4530] =	vst v3  }
0xca: {  	[tilespmem:$0x4540] =	vst v3  }
0xcb: {  	[tilespmem:$0x4550] =	vst v3  }
0xcc: {  	[tilespmem:$0x4560] =	vst v3  }
0xcd: {  	[tilespmem:$0x4570] =	vst v3  }
0xce: {  	[tilespmem:$0x4580] =	vst v3  }
0xcf: {  	[tilespmem:$0x4590] =	vst v3  }
0xd0: {  	[tilespmem:$0x45A0] =	vst v3  }
0xd1: {  	[tilespmem:$0x45B0] =	vst v3  }
0xd2: {  	[tilespmem:$0x45C0] =	vst v3  }
0xd3: {  	[tilespmem:$0x45D0] =	vst v3  }
0xd4: {  	[tilespmem:$0x45E0] =	vst v3  }
0xd5: {  	[tilespmem:$0x45F0] =	vst v3  }
0xd6: {  	[tilespmem:$0x4600] =	vst v3  }
0xd7: {  	[tilespmem:$0x4610] =	vst v3  }
0xd8: {  	[tilespmem:$0x4620] =	vst v3  }
0xd9: {  	[tilespmem:$0x4630] =	vst v3  }
0xda: {  	[tilespmem:$0x4640] =	vst v3  }
0xdb: {  	[tilespmem:$0x4650] =	vst v3  }
0xdc: {  	[tilespmem:$0x4660] =	vst v3  }
0xdd: {  	[tilespmem:$0x4670] =	vst v3  }
0xde: {  	[tilespmem:$0x4680] =	vst v3  }
0xdf: {  	[tilespmem:$0x4690] =	vst v3  }
0xe0: {  	[tilespmem:$0x46A0] =	vst v3  }
0xe1: {  	[tilespmem:$0x46B0] =	vst v3  }
0xe2: {  	[tilespmem:$0x46C0] =	vst v3  }
0xe3: {  	[tilespmem:$0x46D0] =	vst v3  }
0xe4: {  	[tilespmem:$0x46E0] =	vst v3  }
0xe5: {  	[tilespmem:$0x46F0] =	vst v3  }
0xe6: {  	[tilespmem:$0x4700] =	vst v3  }
0xe7: {  	[tilespmem:$0x4710] =	vst v3  }
0xe8: {  	[tilespmem:$0x4720] =	vst v3  }
0xe9: {  	[tilespmem:$0x4730] =	vst v3  }
0xea: {  	[tilespmem:$0x4740] =	vst v3  }
0xeb: {  	[tilespmem:$0x4750] =	vst v3  }
0xec: {  	[tilespmem:$0x4760] =	vst v3  }
0xed: {  	[tilespmem:$0x4770] =	vst v3  }
0xee: {  	[tilespmem:$0x4780] =	vst v3  }
0xef: {  	[tilespmem:$0x4790] =	vst v3  }
0xf0: {  	[tilespmem:$0x47A0] =	vst v3  }
.Ltmp2:
0xf1: {  	[tilespmem:$0x47B0] =	vst v3;
	(pc) =	sbr.rel @p3 .LBB2_3-.Ltmp2, $4  }
0xf2: {  	[tilespmem:$0x47C0] =	vst v3  }
0xf3: {  	[tilespmem:$0x47D0] =	vst v3  }
0xf4: {  	[tilespmem:$0x47E0] =	vst v3  }
0xf5: {  	[tilespmem:$0x47F0] =	vst v3  }
0xf6: {  	s2 =	rddreg [dreg:$0x7]  }
0xf7: {  	[spmem:s2] =	stream.linear.scatter [tilespmem:s6], [sflag:$0xD], $0x800, $0x38;
	[tilespmem:$0x1B400] =	vst v63  }
0xf8: {  	_ =	swait.ge [sflag:s25], $0x800  }
0xf9: {  	[sflag:s25] =	ssyncset.done $0x0  }
0xfa: {  	s21 =	rddreg [dreg:$0x8];
	[sflag:s25] =	ssyncadd.s32 $0xFFFFF800  }
0xfb: {  	[spmem:s21] =	stream.linear.scatter [tilespmem:s6], [sflag:$0xD], $0x800, $0x38;
	[tilespmem:$0x1B400] =	vst v63  }
0xfc: {  	_ =	swait.ge [sflag:s25], $0x800  }
0xfd: {  	[sflag:s25] =	ssyncset.done $0x0  }
0xfe: {  	s22 =	rddreg [dreg:$0x9];
	[sflag:s25] =	ssyncadd.s32 $0xFFFFF800  }
0xff: {  	[spmem:s22] =	stream.linear.scatter [tilespmem:s6], [sflag:$0xD], $0x800, $0x38;
	[tilespmem:$0x1B400] =	vst v63  }
0x100: {  	_ =	swait.ge [sflag:s25], $0x800  }
0x101: {  	[sflag:s25] =	ssyncset.done $0x0  }
0x102: {  	s24 =	rddreg [dreg:$0xa];
	[sflag:s25] =	ssyncadd.s32 $0xFFFFF800  }
0x103: {  	[spmem:s24] =	stream.linear.scatter [tilespmem:s6], [sflag:$0xD], $0x800, $0x38;
	[tilespmem:$0x1B400] =	vst v63  }
0x104: {  	_ =	swait.ge [sflag:s25], $0x800  }
0x105: {  	[sflag:s25] =	ssyncset.done $0x0  }
0x106: {  	s3 =	rddreg [dreg:$0xb];
	[sflag:s25] =	ssyncadd.s32 $0xFFFFF800  }
0x107: {  	[spmem:s3] =	stream.linear.scatter [tilespmem:s6], [sflag:$0xD], $0x800, $0x38;
	[tilespmem:$0x1B400] =	vst v63  }
0x108: {  	_ =	swait.ge [sflag:s25], $0x800  }
0x109: {  	[sflag:s25] =	ssyncset.done $0x0  }
0x10a: {  	s5 =	rddreg [dreg:$0xc];
	[sflag:s25] =	ssyncadd.s32 $0xFFFFF800  }
0x10b: {  	[spmem:s5] =	stream.linear.scatter [tilespmem:s6], [sflag:$0xD], $0x800, $0x38;
	[tilespmem:$0x1B400] =	vst v63  }
0x10c: {  	_ =	swait.ge [sflag:s25], $0x800  }
0x10d: {  	[sflag:s25] =	ssyncset.done $0x0  }
0x10e: {  	s7 =	rddreg [dreg:$0xd];
	[sflag:s25] =	ssyncadd.s32 $0xFFFFF800  }
0x10f: {  	[spmem:s7] =	stream.linear.scatter [tilespmem:s6], [sflag:$0xD], $0x800, $0x38;
	[tilespmem:$0x1B400] =	vst v63  }
0x110: {  	_ =	swait.ge [sflag:s25], $0x800  }
0x111: {  	[sflag:s25] =	ssyncset.done $0x0  }
0x112: {  	s11 =	rddreg [dreg:$0xe];
	[sflag:s25] =	ssyncadd.s32 $0xFFFFF800  }
0x113: {  	[spmem:s11] =	stream.linear.scatter [tilespmem:s6], [sflag:$0xD], $0x800, $0x38;
	[tilespmem:$0x1B400] =	vst v63  }
0x114: {  	_ =	swait.ge [sflag:s25], $0x800  }
0x115: {  	[sflag:s25] =	ssyncset.done $0x0  }
0x116: {  	s20 =	rddreg [dreg:$0x17];
	[sflag:s25] =	ssyncadd.s32 $0xFFFFF800  }
0x117: {  	[spmem:s20] =	stream.linear.scatter [tilespmem:s6], [sflag:$0xD], $0x800, $0x38;
	[tilespmem:$0x1B400] =	vst v63  }
0x118: {  	_ =	swait.ge [sflag:s25], $0x800  }
0x119: {  	[sflag:s25] =	ssyncset.done $0x0  }
0x11a: {  	s21 =	rddreg [dreg:$0x18];
	[sflag:s25] =	ssyncadd.s32 $0xFFFFF800  }
0x11b: {  	[spmem:s21] =	stream.linear.scatter [tilespmem:s6], [sflag:$0xD], $0x800, $0x38;
	[tilespmem:$0x1B400] =	vst v63  }
0x11c: {  	_ =	swait.ge [sflag:s25], $0x800  }
0x11d: {  	[sflag:s25] =	ssyncset.done $0x0  }
0x11e: {  	s22 =	rddreg [dreg:$0x19];
	[sflag:s25] =	ssyncadd.s32 $0xFFFFF800  }
0x11f: {  	[spmem:s22] =	stream.linear.scatter [tilespmem:s6], [sflag:$0xD], $0x800, $0x38;
	[tilespmem:$0x1B400] =	vst v63  }
0x120: {  	_ =	swait.ge [sflag:s25], $0x800  }
0x121: {  	[sflag:s25] =	ssyncset.done $0x0  }
0x122: {  	s24 =	rddreg [dreg:$0x1a];
	[sflag:s25] =	ssyncadd.s32 $0xFFFFF800  }
0x123: {  	[spmem:s24] =	stream.linear.scatter [tilespmem:s6], [sflag:$0xD], $0x800, $0x38;
	[tilespmem:$0x1B400] =	vst v63  }
0x124: {  	_ =	swait.ge [sflag:s25], $0x800  }
0x125: {  	[sflag:s25] =	ssyncset.done $0x0  }
0x126: {  	s3 =	rddreg [dreg:$0x1b];
	[sflag:s25] =	ssyncadd.s32 $0xFFFFF800  }
0x127: {  	[spmem:s3] =	stream.linear.scatter [tilespmem:s6], [sflag:$0xD], $0x800, $0x38;
	[tilespmem:$0x1B400] =	vst v63  }
0x128: {  	_ =	swait.ge [sflag:s25], $0x800  }
0x129: {  	[sflag:s25] =	ssyncset.done $0x0  }
0x12a: {  	s5 =	rddreg [dreg:$0x1c];
	[sflag:s25] =	ssyncadd.s32 $0xFFFFF800  }
0x12b: {  	[spmem:s5] =	stream.linear.scatter [tilespmem:s6], [sflag:$0xD], $0x800, $0x38;
	[tilespmem:$0x1B400] =	vst v63  }
0x12c: {  	_ =	swait.ge [sflag:s25], $0x800  }
0x12d: {  	[sflag:s25] =	ssyncset.done $0x0  }
0x12e: {  	s7 =	rddreg [dreg:$0x1d];
	[sflag:s25] =	ssyncadd.s32 $0xFFFFF800  }
0x12f: {  	[spmem:s7] =	stream.linear.scatter [tilespmem:s6], [sflag:$0xD], $0x800, $0x38;
	[tilespmem:$0x1B400] =	vst v63  }
0x130: {  	_ =	swait.ge [sflag:s25], $0x800  }
0x131: {  	[sflag:s25] =	ssyncset.done $0x0  }
0x132: {  	s11 =	rddreg [dreg:$0x1e];
	[sflag:s25] =	ssyncadd.s32 $0xFFFFF800  }
0x133: {  	[spmem:s11] =	stream.linear.scatter [tilespmem:s6], [sflag:$0xD], $0x800, $0x38;
	[tilespmem:$0x1B400] =	vst v63  }
0x134: {  	_ =	swait.ge [sflag:s25], $0x800  }
0x135: {  	[sflag:s25] =	ssyncset.done $0x0  }
0x136: {  	s20 =	rddreg [dreg:$0x1f];
	[sflag:s25] =	ssyncadd.s32 $0xFFFFF800  }
0x137: {  	[spmem:s20] =	stream.linear.scatter [tilespmem:s6], [sflag:$0xD], $0x800, $0x38;
	[tilespmem:$0x1B400] =	vst v63  }
0x138: {  	_ =	swait.ge [sflag:s25], $0x800  }
0x139: {  	s21 =	sld [smem:$0x7D5]  }
0x13a: {  	[sflag:s25] =	ssyncset.done $0x0  }
0x13b: {  	[sflag:s25] =	ssyncadd.s32 $0xFFFFF800  }
0x13c: {  	[spmem:s21] =	stream.linear.scatter [tilespmem:s6], [sflag:$0xD], $0x800, $0x38;
	[tilespmem:$0x1B400] =	vst v63  }
0x13d: {  	_ =	swait.ge [sflag:s25], $0x800  }
0x13e: {  	s22 =	sld [smem:$0x7D6]  }
0x13f: {  	[sflag:s25] =	ssyncset.done $0x0  }
0x140: {  	[sflag:s25] =	ssyncadd.s32 $0xFFFFF800  }
0x141: {  	[spmem:s22] =	stream.linear.scatter [tilespmem:s6], [sflag:$0xD], $0x800, $0x38;
	[tilespmem:$0x1B400] =	vst v63  }
0x142: {  	_ =	swait.ge [sflag:s25], $0x800  }
0x143: {  	s24 =	sld [smem:$0x7D7]  }
0x144: {  	[sflag:s25] =	ssyncset.done $0x0  }
0x145: {  	[sflag:s25] =	ssyncadd.s32 $0xFFFFF800  }
0x146: {  	[spmem:s24] =	stream.linear.scatter [tilespmem:s6], [sflag:$0xD], $0x800, $0x38;
	[tilespmem:$0x1B400] =	vst v63  }
0x147: {  	_ =	swait.ge [sflag:s25], $0x800  }
0x148: {  	[sflag:s25] =	ssyncset.done $0x0  }
0x149: {  	[sflag:s25] =	ssyncadd.s32 $0xFFFFF800  }
.LBB2_3:
.Ltmp3:
0x14a: {  	(pc) =	sbr.rel @!p1 .LBB2_5-.Ltmp3, $1  }
0x14b: {  	_ =	sdelay $0x3  }
0x14c: {  	s2 =	rddreg [dreg:$0xf]  }
0x14d: {  	[spmem:s2] =	stream.linear.scatter [tilespmem:s6], [sflag:$0xD], $0x800, $0x38;
	[tilespmem:$0x1B400] =	vst v63  }
0x14e: {  	_ =	swait.ge [sflag:s25], $0x800  }
0x14f: {  	s22 =	sld [smem:$0x7EC]  }
0x150: {  	[sflag:s25] =	ssyncset.done $0x0  }
0x151: {  	[sflag:s25] =	ssyncadd.s32 $0xFFFFF800  }
0x152: {  	[spmem:s22] =	stream.linear.scatter [tilespmem:s6], [sflag:$0xD], $0x800, $0x38;
	[tilespmem:$0x1B400] =	vst v63  }
0x153: {  	_ =	swait.ge [sflag:s25], $0x800  }
0x154: {  	s24 =	sld [smem:$0x7ED]  }
0x155: {  	[sflag:s25] =	ssyncset.done $0x0  }
0x156: {  	[sflag:s25] =	ssyncadd.s32 $0xFFFFF800  }
0x157: {  	[spmem:s24] =	stream.linear.scatter [tilespmem:s6], [sflag:$0xD], $0x800, $0x38;
	[tilespmem:$0x1B400] =	vst v63  }
0x158: {  	_ =	swait.ge [sflag:s25], $0x800  }
0x159: {  	s3 =	sld [smem:$0x7EE]  }
0x15a: {  	[sflag:s25] =	ssyncset.done $0x0  }
0x15b: {  	[sflag:s25] =	ssyncadd.s32 $0xFFFFF800  }
0x15c: {  	[spmem:s3] =	stream.linear.scatter [tilespmem:s6], [sflag:$0xD], $0x800, $0x38;
	[tilespmem:$0x1B400] =	vst v63  }
0x15d: {  	_ =	swait.ge [sflag:s25], $0x800  }
0x15e: {  	s5 =	sld [smem:$0x7EF]  }
0x15f: {  	[sflag:s25] =	ssyncset.done $0x0  }
0x160: {  	[sflag:s25] =	ssyncadd.s32 $0xFFFFF800  }
0x161: {  	[spmem:s5] =	stream.linear.scatter [tilespmem:s6], [sflag:$0xD], $0x800, $0x38;
	[tilespmem:$0x1B400] =	vst v63  }
0x162: {  	_ =	swait.ge [sflag:s25], $0x800  }
0x163: {  	s7 =	sld [smem:$0x7F0]  }
0x164: {  	[sflag:s25] =	ssyncset.done $0x0  }
0x165: {  	[sflag:s25] =	ssyncadd.s32 $0xFFFFF800  }
0x166: {  	[spmem:s7] =	stream.linear.scatter [tilespmem:s6], [sflag:$0xD], $0x800, $0x38;
	[tilespmem:$0x1B400] =	vst v63  }
0x167: {  	_ =	swait.ge [sflag:s25], $0x800  }
0x168: {  	s11 =	sld [smem:$0x7F1]  }
0x169: {  	[sflag:s25] =	ssyncset.done $0x0  }
0x16a: {  	[sflag:s25] =	ssyncadd.s32 $0xFFFFF800  }
0x16b: {  	[spmem:s11] =	stream.linear.scatter [tilespmem:s6], [sflag:$0xD], $0x800, $0x38;
	[tilespmem:$0x1B400] =	vst v63  }
0x16c: {  	_ =	swait.ge [sflag:s25], $0x800  }
0x16d: {  	s20 =	sld [smem:$0x7F2]  }
0x16e: {  	[sflag:s25] =	ssyncset.done $0x0  }
0x16f: {  	[sflag:s25] =	ssyncadd.s32 $0xFFFFF800  }
0x170: {  	[spmem:s20] =	stream.linear.scatter [tilespmem:s6], [sflag:$0xD], $0x800, $0x38;
	[tilespmem:$0x1B400] =	vst v63  }
0x171: {  	_ =	swait.ge [sflag:s25], $0x800  }
0x172: {  	s21 =	sld [smem:$0x7F3]  }
0x173: {  	[sflag:s25] =	ssyncset.done $0x0  }
0x174: {  	[sflag:s25] =	ssyncadd.s32 $0xFFFFF800  }
0x175: {  	[spmem:s21] =	stream.linear.scatter [tilespmem:s6], [sflag:$0xD], $0x800, $0x38;
	[tilespmem:$0x1B400] =	vst v63  }
0x176: {  	_ =	swait.ge [sflag:s25], $0x800  }
0x177: {  	s22 =	sld [smem:$0x7F4]  }
0x178: {  	[sflag:s25] =	ssyncset.done $0x0  }
0x179: {  	[sflag:s25] =	ssyncadd.s32 $0xFFFFF800  }
0x17a: {  	[spmem:s22] =	stream.linear.scatter [tilespmem:s6], [sflag:$0xD], $0x800, $0x38;
	[tilespmem:$0x1B400] =	vst v63  }
0x17b: {  	_ =	swait.ge [sflag:s25], $0x800  }
0x17c: {  	s24 =	sld [smem:$0x7F5]  }
0x17d: {  	[sflag:s25] =	ssyncset.done $0x0  }
0x17e: {  	[sflag:s25] =	ssyncadd.s32 $0xFFFFF800  }
0x17f: {  	[spmem:s24] =	stream.linear.scatter [tilespmem:s6], [sflag:$0xD], $0x800, $0x38;
	[tilespmem:$0x1B400] =	vst v63  }
0x180: {  	_ =	swait.ge [sflag:s25], $0x800  }
0x181: {  	s3 =	sld [smem:$0x7F6]  }
0x182: {  	[sflag:s25] =	ssyncset.done $0x0  }
0x183: {  	[sflag:s25] =	ssyncadd.s32 $0xFFFFF800  }
0x184: {  	[spmem:s3] =	stream.linear.scatter [tilespmem:s6], [sflag:$0xD], $0x800, $0x38;
	[tilespmem:$0x1B400] =	vst v63  }
0x185: {  	_ =	swait.ge [sflag:s25], $0x800  }
0x186: {  	s5 =	sld [smem:$0x7F7]  }
0x187: {  	[sflag:s25] =	ssyncset.done $0x0  }
0x188: {  	[sflag:s25] =	ssyncadd.s32 $0xFFFFF800  }
0x189: {  	[spmem:s5] =	stream.linear.scatter [tilespmem:s6], [sflag:$0xD], $0x800, $0x38;
	[tilespmem:$0x1B400] =	vst v63  }
0x18a: {  	_ =	swait.ge [sflag:s25], $0x800  }
0x18b: {  	s7 =	sld [smem:$0x7F8]  }
0x18c: {  	[sflag:s25] =	ssyncset.done $0x0  }
0x18d: {  	[sflag:s25] =	ssyncadd.s32 $0xFFFFF800  }
0x18e: {  	[spmem:s7] =	stream.linear.scatter [tilespmem:s6], [sflag:$0xD], $0x800, $0x38;
	[tilespmem:$0x1B400] =	vst v63  }
0x18f: {  	_ =	swait.ge [sflag:s25], $0x800  }
0x190: {  	s11 =	sld [smem:$0x7F9]  }
0x191: {  	[sflag:s25] =	ssyncset.done $0x0  }
0x192: {  	[sflag:s25] =	ssyncadd.s32 $0xFFFFF800  }
0x193: {  	[spmem:s11] =	stream.linear.scatter [tilespmem:s6], [sflag:$0xD], $0x800, $0x38;
	[tilespmem:$0x1B400] =	vst v63  }
0x194: {  	_ =	swait.ge [sflag:s25], $0x800  }
0x195: {  	s20 =	sld [smem:$0x7FA]  }
0x196: {  	[sflag:s25] =	ssyncset.done $0x0  }
0x197: {  	[sflag:s25] =	ssyncadd.s32 $0xFFFFF800  }
0x198: {  	[spmem:s20] =	stream.linear.scatter [tilespmem:s6], [sflag:$0xD], $0x800, $0x38;
	[tilespmem:$0x1B400] =	vst v63  }
0x199: {  	_ =	swait.ge [sflag:s25], $0x800  }
0x19a: {  	s21 =	sld [smem:$0x7FB]  }
0x19b: {  	[sflag:s25] =	ssyncset.done $0x0  }
0x19c: {  	[sflag:s25] =	ssyncadd.s32 $0xFFFFF800  }
0x19d: {  	[spmem:s21] =	stream.linear.scatter [tilespmem:s6], [sflag:$0xD], $0x800, $0x38;
	[tilespmem:$0x1B400] =	vst v63  }
0x19e: {  	_ =	swait.ge [sflag:s25], $0x800  }
0x19f: {  	s22 =	sld [smem:$0x7FC]  }
0x1a0: {  	[sflag:s25] =	ssyncset.done $0x0  }
0x1a1: {  	[sflag:s25] =	ssyncadd.s32 $0xFFFFF800  }
0x1a2: {  	[spmem:s22] =	stream.linear.scatter [tilespmem:s6], [sflag:$0xD], $0x800, $0x38;
	[tilespmem:$0x1B400] =	vst v63  }
.Ltmp4:
0x1a3: {  	_ =	swait.ge [sflag:s25], $0x800;
	(pc) =	sbr.rel .LBB2_7-.Ltmp4, $4  }
0x1a4: {  	s24 =	sld [smem:$0x7FD]  }
0x1a5: {  	[sflag:s25] =	ssyncset.done $0x0  }
0x1a6: {  	[sflag:s25] =	ssyncadd.s32 $0xFFFFF800  }
0x1a7: {  	[spmem:s24] =	stream.linear.scatter [tilespmem:s6], [sflag:$0xD], $0x800, $0x38;
	[tilespmem:$0x1B400] =	vst v63  }
.LBB2_5:
.Ltmp5:
0x1a8: {  	(pc) =	sbr.rel @!p2 .LBB2_8-.Ltmp5, $2  }
0x1a9: {  	_ =	sdelay $0x2  }
0x1aa: {  	p4 =	por $0x0, $0x0  }
0x1ab: {  	s2 =	sld [smem:$0x7D8];
	_ =	sdelay $0x2  }
0x1ac: {  	[spmem:s2] =	stream.linear.scatter [tilespmem:s6], [sflag:$0xD], $0x800, $0x38;
	[tilespmem:$0x1B400] =	vst v63  }
0x1ad: {  	_ =	swait.ge [sflag:s25], $0x800  }
0x1ae: {  	s21 =	sld [smem:$0x7D9]  }
0x1af: {  	[sflag:s25] =	ssyncset.done $0x0  }
0x1b0: {  	[sflag:s25] =	ssyncadd.s32 $0xFFFFF800  }
0x1b1: {  	[spmem:s21] =	stream.linear.scatter [tilespmem:s6], [sflag:$0xD], $0x800, $0x38;
	[tilespmem:$0x1B400] =	vst v63  }
0x1b2: {  	_ =	swait.ge [sflag:s25], $0x800  }
0x1b3: {  	s22 =	sld [smem:$0x7DA]  }
0x1b4: {  	[sflag:s25] =	ssyncset.done $0x0  }
0x1b5: {  	[sflag:s25] =	ssyncadd.s32 $0xFFFFF800  }
0x1b6: {  	[spmem:s22] =	stream.linear.scatter [tilespmem:s6], [sflag:$0xD], $0x800, $0x38;
	[tilespmem:$0x1B400] =	vst v63  }
0x1b7: {  	_ =	swait.ge [sflag:s25], $0x800  }
0x1b8: {  	s24 =	sld [smem:$0x7DB]  }
0x1b9: {  	[sflag:s25] =	ssyncset.done $0x0  }
0x1ba: {  	[sflag:s25] =	ssyncadd.s32 $0xFFFFF800  }
0x1bb: {  	[spmem:s24] =	stream.linear.scatter [tilespmem:s6], [sflag:$0xD], $0x800, $0x38;
	[tilespmem:$0x1B400] =	vst v63  }
0x1bc: {  	_ =	swait.ge [sflag:s25], $0x800  }
0x1bd: {  	s3 =	sld [smem:$0x7DC]  }
0x1be: {  	[sflag:s25] =	ssyncset.done $0x0  }
0x1bf: {  	[sflag:s25] =	ssyncadd.s32 $0xFFFFF800  }
0x1c0: {  	[spmem:s3] =	stream.linear.scatter [tilespmem:s6], [sflag:$0xD], $0x800, $0x38;
	[tilespmem:$0x1B400] =	vst v63  }
0x1c1: {  	_ =	swait.ge [sflag:s25], $0x800  }
0x1c2: {  	s5 =	sld [smem:$0x7DD]  }
0x1c3: {  	[sflag:s25] =	ssyncset.done $0x0  }
0x1c4: {  	[sflag:s25] =	ssyncadd.s32 $0xFFFFF800  }
0x1c5: {  	[spmem:s5] =	stream.linear.scatter [tilespmem:s6], [sflag:$0xD], $0x800, $0x38;
	[tilespmem:$0x1B400] =	vst v63  }
0x1c6: {  	_ =	swait.ge [sflag:s25], $0x800  }
0x1c7: {  	s7 =	sld [smem:$0x7DE]  }
0x1c8: {  	[sflag:s25] =	ssyncset.done $0x0  }
0x1c9: {  	[sflag:s25] =	ssyncadd.s32 $0xFFFFF800  }
0x1ca: {  	[spmem:s7] =	stream.linear.scatter [tilespmem:s6], [sflag:$0xD], $0x800, $0x38;
	[tilespmem:$0x1B400] =	vst v63  }
0x1cb: {  	_ =	swait.ge [sflag:s25], $0x800  }
0x1cc: {  	s11 =	sld [smem:$0x7DF]  }
0x1cd: {  	[sflag:s25] =	ssyncset.done $0x0  }
0x1ce: {  	[sflag:s25] =	ssyncadd.s32 $0xFFFFF800  }
0x1cf: {  	[spmem:s11] =	stream.linear.scatter [tilespmem:s6], [sflag:$0xD], $0x800, $0x38;
	[tilespmem:$0x1B400] =	vst v63  }
0x1d0: {  	_ =	swait.ge [sflag:s25], $0x800  }
0x1d1: {  	s20 =	sld [smem:$0x7E0]  }
0x1d2: {  	[sflag:s25] =	ssyncset.done $0x0  }
0x1d3: {  	[sflag:s25] =	ssyncadd.s32 $0xFFFFF800  }
0x1d4: {  	[spmem:s20] =	stream.linear.scatter [tilespmem:s6], [sflag:$0xD], $0x800, $0x38;
	[tilespmem:$0x1B400] =	vst v63  }
0x1d5: {  	_ =	swait.ge [sflag:s25], $0x800  }
0x1d6: {  	s21 =	sld [smem:$0x7E1]  }
0x1d7: {  	[sflag:s25] =	ssyncset.done $0x0  }
0x1d8: {  	[sflag:s25] =	ssyncadd.s32 $0xFFFFF800  }
0x1d9: {  	[spmem:s21] =	stream.linear.scatter [tilespmem:s6], [sflag:$0xD], $0x800, $0x38;
	[tilespmem:$0x1B400] =	vst v63  }
0x1da: {  	_ =	swait.ge [sflag:s25], $0x800  }
0x1db: {  	s22 =	sld [smem:$0x7E2]  }
0x1dc: {  	[sflag:s25] =	ssyncset.done $0x0  }
0x1dd: {  	[sflag:s25] =	ssyncadd.s32 $0xFFFFF800  }
0x1de: {  	[spmem:s22] =	stream.linear.scatter [tilespmem:s6], [sflag:$0xD], $0x800, $0x38;
	[tilespmem:$0x1B400] =	vst v63  }
0x1df: {  	_ =	swait.ge [sflag:s25], $0x800  }
0x1e0: {  	s24 =	sld [smem:$0x7E3]  }
0x1e1: {  	[sflag:s25] =	ssyncset.done $0x0  }
0x1e2: {  	[sflag:s25] =	ssyncadd.s32 $0xFFFFF800  }
0x1e3: {  	[spmem:s24] =	stream.linear.scatter [tilespmem:s6], [sflag:$0xD], $0x800, $0x38;
	[tilespmem:$0x1B400] =	vst v63  }
0x1e4: {  	_ =	swait.ge [sflag:s25], $0x800  }
0x1e5: {  	s3 =	sld [smem:$0x7E4]  }
0x1e6: {  	[sflag:s25] =	ssyncset.done $0x0  }
0x1e7: {  	[sflag:s25] =	ssyncadd.s32 $0xFFFFF800  }
0x1e8: {  	[spmem:s3] =	stream.linear.scatter [tilespmem:s6], [sflag:$0xD], $0x800, $0x38;
	[tilespmem:$0x1B400] =	vst v63  }
0x1e9: {  	_ =	swait.ge [sflag:s25], $0x800  }
0x1ea: {  	s5 =	sld [smem:$0x7E5]  }
0x1eb: {  	[sflag:s25] =	ssyncset.done $0x0  }
0x1ec: {  	[sflag:s25] =	ssyncadd.s32 $0xFFFFF800  }
0x1ed: {  	[spmem:s5] =	stream.linear.scatter [tilespmem:s6], [sflag:$0xD], $0x800, $0x38;
	[tilespmem:$0x1B400] =	vst v63  }
0x1ee: {  	_ =	swait.ge [sflag:s25], $0x800  }
0x1ef: {  	s7 =	sld [smem:$0x7E6]  }
0x1f0: {  	[sflag:s25] =	ssyncset.done $0x0  }
0x1f1: {  	[sflag:s25] =	ssyncadd.s32 $0xFFFFF800  }
0x1f2: {  	[spmem:s7] =	stream.linear.scatter [tilespmem:s6], [sflag:$0xD], $0x800, $0x38;
	[tilespmem:$0x1B400] =	vst v63  }
0x1f3: {  	_ =	swait.ge [sflag:s25], $0x800  }
0x1f4: {  	s11 =	sld [smem:$0x7E7]  }
0x1f5: {  	[sflag:s25] =	ssyncset.done $0x0  }
0x1f6: {  	[sflag:s25] =	ssyncadd.s32 $0xFFFFF800  }
0x1f7: {  	[spmem:s11] =	stream.linear.scatter [tilespmem:s6], [sflag:$0xD], $0x800, $0x38;
	[tilespmem:$0x1B400] =	vst v63  }
0x1f8: {  	_ =	swait.ge [sflag:s25], $0x800  }
0x1f9: {  	s20 =	sld [smem:$0x7E8]  }
0x1fa: {  	[sflag:s25] =	ssyncset.done $0x0  }
0x1fb: {  	[sflag:s25] =	ssyncadd.s32 $0xFFFFF800  }
0x1fc: {  	[spmem:s20] =	stream.linear.scatter [tilespmem:s6], [sflag:$0xD], $0x800, $0x38;
	[tilespmem:$0x1B400] =	vst v63  }
0x1fd: {  	_ =	swait.ge [sflag:s25], $0x800  }
0x1fe: {  	s21 =	sld [smem:$0x7E9]  }
0x1ff: {  	[sflag:s25] =	ssyncset.done $0x0  }
0x200: {  	[sflag:s25] =	ssyncadd.s32 $0xFFFFF800  }
0x201: {  	[spmem:s21] =	stream.linear.scatter [tilespmem:s6], [sflag:$0xD], $0x800, $0x38;
	[tilespmem:$0x1B400] =	vst v63  }
0x202: {  	_ =	swait.ge [sflag:s25], $0x800  }
0x203: {  	s22 =	sld [smem:$0x7EA]  }
0x204: {  	[sflag:s25] =	ssyncset.done $0x0  }
0x205: {  	[sflag:s25] =	ssyncadd.s32 $0xFFFFF800  }
0x206: {  	[spmem:s22] =	stream.linear.scatter [tilespmem:s6], [sflag:$0xD], $0x800, $0x38;
	[tilespmem:$0x1B400] =	vst v63  }
0x207: {  	_ =	swait.ge [sflag:s25], $0x800  }
0x208: {  	s24 =	sld [smem:$0x7EB]  }
0x209: {  	[sflag:s25] =	ssyncset.done $0x0  }
0x20a: {  	[sflag:s25] =	ssyncadd.s32 $0xFFFFF800  }
0x20b: {  	[spmem:s24] =	stream.linear.scatter [tilespmem:s6], [sflag:$0xD], $0x800, $0x38;
	[tilespmem:$0x1B400] =	vst v63  }
.LBB2_7:
0x20c: {  	_ =	swait.ge [sflag:s25], $0x800  }
0x20d: {  	[sflag:s25] =	ssyncset.done $0x0  }
0x20e: {  	p4 =	por p0, p0;
	[sflag:s25] =	ssyncadd.s32 $0xFFFFF800  }
.LBB2_8:
0x20f: {  	[dreg:$0x5] =	wrdreg s15  }
0x210: {  	s2 =	rddreg [dreg:$0x10]  }
0x211: {  	[spmem:s2] =	stream.linear.scatter [tilespmem:s6], [sflag:$0xD], $0x400, $0x38;
	[tilespmem:$0x1B400] =	vst v63  }
0x212: {  	_ =	swait.ge [sflag:s25], $0x400  }
0x213: {  	[sflag:s25] =	ssyncset.done $0x0  }
0x214: {  	[sflag:s25] =	ssyncadd.s32 $0xFFFFFC00  }
0x215: {  	[bflag:$0x0] =	sbarrier.arrive $0xFFFF  }
0x216: {  	s11 =	simm.s32 $0x0;
	s22 =	rddreg [dreg:$0x11]  }
0x217: {  	[tilespmem:s11], [sflag:$0xD] =	stream.linear.gather [hbm4b:s22+s11], $0xC80, $0x38;
	[tilespmem:$0x1B400] =	vst v63  }
0x218: {  	_ =	swait.ge [sflag:s25], $0xC80  }
0x219: {  	s3 =	simm.s32 $0x2000;
	[sflag:s25] =	ssyncset.done $0x0  }
.Ltmp6:
0x21a: {  	s24 =	rddreg [dreg:$0x12];
	[sflag:s25] =	ssyncadd.s32 $0xFFFFF380;
	(pc) =	sbr.rel .LBB2_10-.Ltmp6, $4  }
0x21b: {  	[tilespmem:s3], [sflag:$0xD] =	stream.linear.gather [hbm4b:s24+s11], $0xC80, $0x38;
	[tilespmem:$0x1B400] =	vst v63  }
0x21c: {  	_ =	swait.ge [sflag:s25], $0xC80  }
0x21d: {  	[sflag:s25] =	ssyncset.done $0x0  }
0x21e: {  	[sflag:s25] =	ssyncadd.s32 $0xFFFFF380  }
.LBB2_9:
0x21f: {  	p5 =	seq.s32 s11, $0xA  }
.Ltmp7:
0x220: {  	_ = 	snop;
	(pc) =	sbr.rel @p5 .LBB2_13-.Ltmp7, $1  }
0x221: {  	_ =	sdelay $0x3  }
.LBB2_10:
0x222: {  	p5 =	sne.s32 s11, $0x0  }
0x223: {  	s3 =	sand.u32 @p5 $0x1, s11  }
0x224: {  	s5 =	sadd.s32 @p5 $0xB, s3  }
0x225: {  	_ =	swait.ge @p5 [sflag:s5], $0xC80  }
0x226: {  	[sflag:s5] =	ssyncset.done @p5 $0x0  }
0x227: {  	[sflag:s5] =	ssyncadd.s32 @p5 $0xFFFFF380  }
0x228: {  	_ =	swait.ge @p5 [sflag:s5], $0xC80  }
0x229: {  	[sflag:s5] =	ssyncset.done @p5 $0x0  }
0x22a: {  	[sflag:s5] =	ssyncadd.s32 @p5 $0xFFFFF380;
	s5 =	simm.s32 @p5 $0x6  }
0x22b: {  	_ =	swait.ge @p5 [sflag:s5], $0x2800  }
0x22c: {  	s20 =	sshll.u32 @p5 s3, $0xC;
	[sflag:s5] =	ssyncset.done @p5 $0x0  }
0x22d: {  	s3 =	simm.s32 @p5 $0x4800;
	[sflag:s5] =	ssyncadd.s32 @p5 $0xFFFFD800;
	s5 =	simm.s32 @p5 $0x50  }
0x22e: {  	[tilespmem:s3], [sflag:$0x1] =	stream.indirect.gather @p5 [hbm4b:s1+s5], $0x80, s20, s5, $0xb8;
	[tilespmem:$0x1B400] =	vst v63  }
0x22f: {  	s3 =	simm.s32 @p5 $0x7  }
0x230: {  	_ =	swait.ge @p5 [sflag:s3], $0x2800  }
0x231: {  	s22 =	smov.u32 s11;
	[sflag:s3] =	ssyncset.done @p5 $0x0  }
0x232: {  	s11 =	sor.u32 @p5 $0x80, s20;
	[sflag:s3] =	ssyncadd.s32 @p5 $0xFFFFD800;
	s3 =	simm.s32 @p5 $0x7000  }
0x233: {  	[tilespmem:s3], [sflag:$0x2] =	stream.indirect.gather @p5 [hbm4b:s1+s5], $0x80, s11, s5, $0xb8;
	[tilespmem:$0x1B400] =	vst v63  }
0x234: {  	s3 =	simm.s32 @p5 $0x8  }
0x235: {  	_ =	swait.ge @p5 [sflag:s3], $0x2800  }
0x236: {  	[sflag:s3] =	ssyncset.done @p5 $0x0  }
0x237: {  	s7 =	sor.u32 @p5 $0x100, s20;
	[sflag:s3] =	ssyncadd.s32 @p5 $0xFFFFD800;
	s3 =	simm.s32 @p5 $0x9800  }
0x238: {  	[tilespmem:s3], [sflag:$0x3] =	stream.indirect.gather @p5 [hbm4b:s1+s5], $0x80, s7, s5, $0xb8;
	[tilespmem:$0x1B400] =	vst v63  }
0x239: {  	s3 =	simm.s32 @p5 $0x9  }
0x23a: {  	_ =	swait.ge @p5 [sflag:s3], $0x2800  }
0x23b: {  	[sflag:s3] =	ssyncset.done @p5 $0x0  }
0x23c: {  	s15 =	simm.s32 @p5 $0xC000;
	[sflag:s3] =	ssyncadd.s32 @p5 $0xFFFFD800;
	s3 =	sor.u32 @p5 $0x180, s20  }
0x23d: {  	[tilespmem:s15], [sflag:$0x4] =	stream.indirect.gather @p5 [hbm4b:s1+s5], $0x80, s3, s5, $0xb8;
	[tilespmem:$0x1B400] =	vst v63  }
0x23e: {  	s5 =	simm.s32 @p5 $0xA  }
0x23f: {  	_ =	swait.ge @p5 [sflag:s5], $0x2800  }
0x240: {  	s21 =	simm.s32 @!p5 $0x4800;
	[sflag:s5] =	ssyncset.done @p5 $0x0  }
0x241: {  	s15 =	simm.s32 @!p5 $0x0;
	[sflag:s5] =	ssyncadd.s32 @p5 $0xFFFFD800;
	s5 =	simm.s32 @!p5 $0x50  }
0x242: {  	[tilespmem:s21], [sflag:$0x1] =	stream.indirect.gather @!p5 [hbm4b:s1+s5], $0x80, s15, s5, $0xb8;
	[tilespmem:$0x1B400] =	vst v63  }
0x243: {  	s15 =	simm.s32 @!p5 $0x80;
	s21 =	simm.s32 @!p5 $0x7000  }
0x244: {  	[tilespmem:s21], [sflag:$0x2] =	stream.indirect.gather @!p5 [hbm4b:s1+s5], $0x80, s15, s5, $0xb8;
	[tilespmem:$0x1B400] =	vst v63  }
0x245: {  	s15 =	simm.s32 @!p5 $0x100;
	s21 =	simm.s32 @!p5 $0x9800  }
0x246: {  	[tilespmem:s21], [sflag:$0x3] =	stream.indirect.gather @!p5 [hbm4b:s1+s5], $0x80, s15, s5, $0xb8;
	[tilespmem:$0x1B400] =	vst v63  }
0x247: {  	s20 =	simm.s32 @!p5 $0x0;
	s15 =	simm.s32 @!p5 $0x180;
	s21 =	simm.s32 @!p5 $0xC000  }
0x248: {  	[tilespmem:s21], [sflag:$0x4] =	stream.indirect.gather @!p5 [hbm4b:s1+s5], $0x80, s15, s5, $0xb8;
	[tilespmem:$0x1B400] =	vst v63  }
0x249: {  	s21 =	sor.u32 $0x200, s20  }
0x24a: {  	[tilespmem:s28], [sflag:$0x5] =	stream.indirect.gather [hbm4b:s1+s26], $0x80, s21, s26, $0xb8;
	[tilespmem:$0x1B400] =	vst v63  }
0x24b: {  	_ =	swait.ge [sflag:s29], $0x2800  }
0x24c: {  	[sflag:s29] =	ssyncset.done $0x0  }
0x24d: {  	[sflag:s29] =	ssyncadd.s32 $0xFFFFD800  }
0x24e: {  	v4 =	vld [tilespmem:s20+$0x2000];
	_ =	sdelay $0x4  }
0x24f: {  	v4 =	vsub.s32 v4, v0  }
0x250: {  	vm0 =	vgt.s32 v4, $0xFFFFFFFF;
	vm1 =	vlt.s32 v4, v1  }
0x251: {  	vm0 =	vmand vm0, vm1  }
0x252: {  	v4 =	vsel vm0, v4, v2  }
0x253: {  	[tilespmem:s20+$0x2000] =	vst v4;
	v4 =	vld [tilespmem:s20+$0x2010];
	_ =	sdelay $0x4  }
0x254: {  	v4 =	vsub.s32 v4, v0  }
0x255: {  	vm4 =	vgt.s32 v4, $0xFFFFFFFF;
	vm5 =	vlt.s32 v4, v1  }
0x256: {  	vm0 =	vmand vm4, vm5  }
0x257: {  	v4 =	vsel vm0, v4, v2  }
0x258: {  	[tilespmem:s20+$0x2010] =	vst v4;
	v4 =	vld [tilespmem:s20+$0x2020];
	_ =	sdelay $0x4  }
0x259: {  	v4 =	vsub.s32 v4, v0  }
0x25a: {  	vm6 =	vgt.s32 v4, $0xFFFFFFFF;
	vm7 =	vlt.s32 v4, v1  }
0x25b: {  	vm0 =	vmand vm6, vm7  }
0x25c: {  	v4 =	vsel vm0, v4, v2  }
0x25d: {  	[tilespmem:s20+$0x2020] =	vst v4;
	v4 =	vld [tilespmem:s20+$0x2030];
	_ =	sdelay $0x4  }
0x25e: {  	v4 =	vsub.s32 v4, v0  }
0x25f: {  	vm8 =	vgt.s32 v4, $0xFFFFFFFF;
	vm9 =	vlt.s32 v4, v1  }
0x260: {  	vm0 =	vmand vm8, vm9  }
0x261: {  	v4 =	vsel vm0, v4, v2  }
0x262: {  	[tilespmem:s20+$0x2030] =	vst v4;
	v4 =	vld [tilespmem:s20+$0x2040];
	_ =	sdelay $0x4  }
0x263: {  	v4 =	vsub.s32 v4, v0  }
0x264: {  	vm10 =	vgt.s32 v4, $0xFFFFFFFF;
	vm11 =	vlt.s32 v4, v1  }
0x265: {  	vm0 =	vmand vm10, vm11  }
0x266: {  	v4 =	vsel vm0, v4, v2  }
0x267: {  	s21 =	sor.u32 $0x2000, s20;
	[tilespmem:s20+$0x2040] =	vst v4  }
0x268: {  	[spmem:s4] =	stream.indirect.scatter.add.f32 [tilespmem:s30], [sflag:$0x6], $0x80, s21, s26, $0xb8;
	[tilespmem:$0x1B400] =	vst v63  }
0x269: {  	_ =	swait.ge [sflag:s31], $0x2800  }
0x26a: {  	[sflag:s31] =	ssyncset.done $0x0  }
0x26b: {  	s11 =	simm.s32 @!p5 $0x80;
	[sflag:s31] =	ssyncadd.s32 $0xFFFFD800  }
0x26c: {  	v4 =	vld [tilespmem:s11+$0x2000];
	_ =	sdelay $0x4  }
0x26d: {  	v4 =	vsub.s32 v4, v0  }
0x26e: {  	vm12 =	vgt.s32 v4, $0xFFFFFFFF;
	vm13 =	vlt.s32 v4, v1  }
0x26f: {  	vm0 =	vmand vm12, vm13  }
0x270: {  	v4 =	vsel vm0, v4, v2  }
0x271: {  	[tilespmem:s11+$0x2000] =	vst v4  }
0x272: {  	v4 =	vld [tilespmem:s20+$0x2090];
	_ =	sdelay $0x4  }
0x273: {  	v4 =	vsub.s32 v4, v0  }
0x274: {  	vm14 =	vgt.s32 v4, $0xFFFFFFFF;
	vm15 =	vlt.s32 v4, v1  }
0x275: {  	vm0 =	vmand vm14, vm15  }
0x276: {  	v4 =	vsel vm0, v4, v2  }
0x277: {  	[tilespmem:s20+$0x2090] =	vst v4;
	v4 =	vld [tilespmem:s20+$0x20A0];
	_ =	sdelay $0x4  }
0x278: {  	v4 =	vsub.s32 v4, v0  }
0x279: {  	vm4 =	vgt.s32 v4, $0xFFFFFFFF;
	vm5 =	vlt.s32 v4, v1  }
0x27a: {  	vm0 =	vmand vm4, vm5  }
0x27b: {  	v4 =	vsel vm0, v4, v2  }
0x27c: {  	[tilespmem:s20+$0x20A0] =	vst v4;
	v4 =	vld [tilespmem:s20+$0x20B0];
	_ =	sdelay $0x4  }
0x27d: {  	v4 =	vsub.s32 v4, v0  }
0x27e: {  	vm6 =	vgt.s32 v4, $0xFFFFFFFF;
	vm7 =	vlt.s32 v4, v1  }
0x27f: {  	vm0 =	vmand vm6, vm7  }
0x280: {  	v4 =	vsel vm0, v4, v2  }
0x281: {  	[tilespmem:s20+$0x20B0] =	vst v4;
	v4 =	vld [tilespmem:s20+$0x20C0];
	_ =	sdelay $0x4  }
0x282: {  	v4 =	vsub.s32 v4, v0  }
0x283: {  	vm8 =	vgt.s32 v4, $0xFFFFFFFF;
	vm9 =	vlt.s32 v4, v1  }
0x284: {  	vm0 =	vmand vm8, vm9  }
0x285: {  	v4 =	vsel vm0, v4, v2  }
0x286: {  	s24 =	sor.u32 $0x2000, s11;
	[tilespmem:s20+$0x20C0] =	vst v4  }
0x287: {  	[spmem:s4] =	stream.indirect.scatter.add.f32 [tilespmem:s0], [sflag:$0x7], $0x80, s24, s26, $0xb8;
	[tilespmem:$0x1B400] =	vst v63  }
0x288: {  	_ =	swait.ge [sflag:s8], $0x2800  }
0x289: {  	[sflag:s8] =	ssyncset.done $0x0  }
0x28a: {  	s2 =	sadd.s32 $0x280, s20;
	[sflag:s8] =	ssyncadd.s32 $0xFFFFD800  }
0x28b: {  	[tilespmem:s30], [sflag:$0x1] =	stream.indirect.gather [hbm4b:s1+s26], $0x80, s2, s26, $0xb8;
	[tilespmem:$0x1B400] =	vst v63  }
0x28c: {  	_ =	swait.ge [sflag:s9], $0x2800  }
0x28d: {  	[sflag:s9] =	ssyncset.done $0x0  }
0x28e: {  	s7 =	simm.s32 @!p5 $0x100;
	[sflag:s9] =	ssyncadd.s32 $0xFFFFD800  }
0x28f: {  	v4 =	vld [tilespmem:s7+$0x2000];
	_ =	sdelay $0x4  }
0x290: {  	v4 =	vsub.s32 v4, v0  }
0x291: {  	vm10 =	vgt.s32 v4, $0xFFFFFFFF;
	vm11 =	vlt.s32 v4, v1  }
0x292: {  	vm0 =	vmand vm10, vm11  }
0x293: {  	v4 =	vsel vm0, v4, v2  }
0x294: {  	[tilespmem:s7+$0x2000] =	vst v4  }
0x295: {  	v4 =	vld [tilespmem:s20+$0x2110];
	_ =	sdelay $0x4  }
0x296: {  	v4 =	vsub.s32 v4, v0  }
0x297: {  	vm12 =	vgt.s32 v4, $0xFFFFFFFF;
	vm13 =	vlt.s32 v4, v1  }
0x298: {  	vm0 =	vmand vm12, vm13  }
0x299: {  	v4 =	vsel vm0, v4, v2  }
0x29a: {  	[tilespmem:s20+$0x2110] =	vst v4;
	v4 =	vld [tilespmem:s20+$0x2120];
	_ =	sdelay $0x4  }
0x29b: {  	v4 =	vsub.s32 v4, v0  }
0x29c: {  	vm14 =	vgt.s32 v4, $0xFFFFFFFF;
	vm15 =	vlt.s32 v4, v1  }
0x29d: {  	vm0 =	vmand vm14, vm15  }
0x29e: {  	v4 =	vsel vm0, v4, v2  }
0x29f: {  	[tilespmem:s20+$0x2120] =	vst v4;
	v4 =	vld [tilespmem:s20+$0x2130];
	_ =	sdelay $0x4  }
0x2a0: {  	v4 =	vsub.s32 v4, v0  }
0x2a1: {  	vm4 =	vgt.s32 v4, $0xFFFFFFFF;
	vm5 =	vlt.s32 v4, v1  }
0x2a2: {  	vm0 =	vmand vm4, vm5  }
0x2a3: {  	v4 =	vsel vm0, v4, v2  }
0x2a4: {  	[tilespmem:s20+$0x2130] =	vst v4;
	v4 =	vld [tilespmem:s20+$0x2140];
	_ =	sdelay $0x4  }
0x2a5: {  	v4 =	vsub.s32 v4, v0  }
0x2a6: {  	vm6 =	vgt.s32 v4, $0xFFFFFFFF;
	vm7 =	vlt.s32 v4, v1  }
0x2a7: {  	vm0 =	vmand vm6, vm7  }
0x2a8: {  	v4 =	vsel vm0, v4, v2  }
0x2a9: {  	s6 =	sor.u32 $0x2000, s7;
	[tilespmem:s20+$0x2140] =	vst v4  }
0x2aa: {  	[spmem:s4] =	stream.indirect.scatter.add.f32 [tilespmem:s10], [sflag:$0x8], $0x80, s6, s26, $0xb8;
	[tilespmem:$0x1B400] =	vst v63  }
0x2ab: {  	_ =	swait.ge [sflag:s12], $0x2800  }
0x2ac: {  	[sflag:s12] =	ssyncset.done $0x0  }
0x2ad: {  	s7 =	sadd.s32 $0x300, s20;
	[sflag:s12] =	ssyncadd.s32 $0xFFFFD800  }
0x2ae: {  	[tilespmem:s0], [sflag:$0x2] =	stream.indirect.gather [hbm4b:s1+s26], $0x80, s7, s26, $0xb8;
	[tilespmem:$0x1B400] =	vst v63  }
0x2af: {  	_ =	swait.ge [sflag:s13], $0x2800  }
0x2b0: {  	[sflag:s13] =	ssyncset.done $0x0  }
0x2b1: {  	s3 =	simm.s32 @!p5 $0x180;
	[sflag:s13] =	ssyncadd.s32 $0xFFFFD800  }
0x2b2: {  	v4 =	vld [tilespmem:s3+$0x2000];
	_ =	sdelay $0x4  }
0x2b3: {  	v4 =	vsub.s32 v4, v0  }
0x2b4: {  	vm8 =	vgt.s32 v4, $0xFFFFFFFF;
	vm9 =	vlt.s32 v4, v1  }
0x2b5: {  	vm0 =	vmand vm8, vm9  }
0x2b6: {  	v4 =	vsel vm0, v4, v2  }
0x2b7: {  	[tilespmem:s3+$0x2000] =	vst v4  }
0x2b8: {  	v4 =	vld [tilespmem:s20+$0x2190];
	_ =	sdelay $0x4  }
0x2b9: {  	v4 =	vsub.s32 v4, v0  }
0x2ba: {  	vm10 =	vgt.s32 v4, $0xFFFFFFFF;
	vm11 =	vlt.s32 v4, v1  }
0x2bb: {  	vm0 =	vmand vm10, vm11  }
0x2bc: {  	v4 =	vsel vm0, v4, v2  }
0x2bd: {  	[tilespmem:s20+$0x2190] =	vst v4;
	v4 =	vld [tilespmem:s20+$0x21A0];
	_ =	sdelay $0x4  }
0x2be: {  	v4 =	vsub.s32 v4, v0  }
0x2bf: {  	vm12 =	vgt.s32 v4, $0xFFFFFFFF;
	vm13 =	vlt.s32 v4, v1  }
0x2c0: {  	vm0 =	vmand vm12, vm13  }
0x2c1: {  	v4 =	vsel vm0, v4, v2  }
0x2c2: {  	[tilespmem:s20+$0x21A0] =	vst v4;
	v4 =	vld [tilespmem:s20+$0x21B0];
	_ =	sdelay $0x4  }
0x2c3: {  	v4 =	vsub.s32 v4, v0  }
0x2c4: {  	vm14 =	vgt.s32 v4, $0xFFFFFFFF;
	vm15 =	vlt.s32 v4, v1  }
0x2c5: {  	vm0 =	vmand vm14, vm15  }
0x2c6: {  	v4 =	vsel vm0, v4, v2  }
0x2c7: {  	[tilespmem:s20+$0x21B0] =	vst v4;
	v4 =	vld [tilespmem:s20+$0x21C0];
	_ =	sdelay $0x4  }
0x2c8: {  	v4 =	vsub.s32 v4, v0  }
0x2c9: {  	vm4 =	vgt.s32 v4, $0xFFFFFFFF;
	vm5 =	vlt.s32 v4, v1  }
0x2ca: {  	vm0 =	vmand vm4, vm5  }
0x2cb: {  	v4 =	vsel vm0, v4, v2  }
0x2cc: {  	s3 =	sor.u32 $0x2000, s3;
	[tilespmem:s20+$0x21C0] =	vst v4  }
0x2cd: {  	[spmem:s4] =	stream.indirect.scatter.add.f32 [tilespmem:s14], [sflag:$0x9], $0x80, s3, s26, $0xb8;
	[tilespmem:$0x1B400] =	vst v63  }
0x2ce: {  	_ =	swait.ge [sflag:s16], $0x2800  }
0x2cf: {  	[sflag:s16] =	ssyncset.done $0x0  }
0x2d0: {  	s11 =	sadd.s32 $0x380, s20;
	[sflag:s16] =	ssyncadd.s32 $0xFFFFD800  }
0x2d1: {  	[tilespmem:s10], [sflag:$0x3] =	stream.indirect.gather [hbm4b:s1+s26], $0x80, s11, s26, $0xb8;
	[tilespmem:$0x1B400] =	vst v63  }
0x2d2: {  	_ =	swait.ge [sflag:s17], $0x2800  }
0x2d3: {  	[sflag:s17] =	ssyncset.done $0x0  }
0x2d4: {  	s15 =	sor.u32 $0x2200, s20;
	[sflag:s17] =	ssyncadd.s32 $0xFFFFD800  }
0x2d5: {  	v4 =	vld [tilespmem:s15+$0x0];
	_ =	sdelay $0x4  }
0x2d6: {  	v4 =	vsub.s32 v4, v0  }
0x2d7: {  	vm6 =	vgt.s32 v4, $0xFFFFFFFF;
	vm7 =	vlt.s32 v4, v1  }
0x2d8: {  	vm0 =	vmand vm6, vm7  }
0x2d9: {  	v4 =	vsel vm0, v4, v2  }
0x2da: {  	[tilespmem:s15+$0x0] =	vst v4  }
0x2db: {  	v4 =	vld [tilespmem:s20+$0x2210];
	_ =	sdelay $0x4  }
0x2dc: {  	v4 =	vsub.s32 v4, v0  }
0x2dd: {  	vm8 =	vgt.s32 v4, $0xFFFFFFFF;
	vm9 =	vlt.s32 v4, v1  }
0x2de: {  	vm0 =	vmand vm8, vm9  }
0x2df: {  	v4 =	vsel vm0, v4, v2  }
0x2e0: {  	[tilespmem:s20+$0x2210] =	vst v4;
	v4 =	vld [tilespmem:s20+$0x2220];
	_ =	sdelay $0x4  }
0x2e1: {  	v4 =	vsub.s32 v4, v0  }
0x2e2: {  	vm10 =	vgt.s32 v4, $0xFFFFFFFF;
	vm11 =	vlt.s32 v4, v1  }
0x2e3: {  	vm0 =	vmand vm10, vm11  }
0x2e4: {  	v4 =	vsel vm0, v4, v2  }
0x2e5: {  	[tilespmem:s20+$0x2220] =	vst v4;
	v4 =	vld [tilespmem:s20+$0x2230];
	_ =	sdelay $0x4  }
0x2e6: {  	v4 =	vsub.s32 v4, v0  }
0x2e7: {  	vm12 =	vgt.s32 v4, $0xFFFFFFFF;
	vm13 =	vlt.s32 v4, v1  }
0x2e8: {  	vm0 =	vmand vm12, vm13  }
0x2e9: {  	v4 =	vsel vm0, v4, v2  }
0x2ea: {  	[tilespmem:s20+$0x2230] =	vst v4;
	v4 =	vld [tilespmem:s20+$0x2240];
	_ =	sdelay $0x4  }
0x2eb: {  	v4 =	vsub.s32 v4, v0  }
0x2ec: {  	vm14 =	vgt.s32 v4, $0xFFFFFFFF;
	vm15 =	vlt.s32 v4, v1  }
0x2ed: {  	p5 =	seq.s32 s22, $0x9;
	vm0 =	vmand vm14, vm15  }
0x2ee: {  	s3 =	sadd.s32 @!p5 s23, s22;
	v4 =	vsel vm0, v4, v2  }
0x2ef: {  	s24 =	sadd.s32 $0x400, s20;
	s3 =	sshll.u32 @!p5 s3, $0x9;
	[tilespmem:s20+$0x2240] =	vst v4  }
0x2f0: {  	[spmem:s4] =	stream.indirect.scatter.add.f32 [tilespmem:s28], [sflag:$0xA], $0x80, s15, s26, $0xb8;
	[tilespmem:$0x1B400] =	vst v63  }
0x2f1: {  	s3 =	sadd.s32 @!p5 $0x200, s3;
	s11 =	sadd.s32 $0x1, s22;
	_ =	swait.ge [sflag:s18], $0x2800  }
0x2f2: {  	s22 =	simm.s32 @!p5 $0x0;
	s5 =	sand.u32 @!p5 $0x1, s11;
	[sflag:s18] =	ssyncset.done $0x0  }
0x2f3: {  	s7 =	sadd.s32 @!p5 $0xB, s5;
	s2 =	rddreg [dreg:$0x6];
	[sflag:s18] =	ssyncadd.s32 $0xFFFFD800  }
0x2f4: {  	[tilespmem:s14], [sflag:$0x4] =	stream.indirect.gather [hbm4b:s1+s26], $0x80, s24, s26, $0xb8;
	[tilespmem:$0x1B400] =	vst v63  }
0x2f5: {  	s5 =	sshll.u32 @!p5 s5, $0xC;
	s15 =	sadd.s32 @!p5 s2, s3;
	s2 =	rddreg [dreg:$0x1]  }
0x2f6: {  	[tilespmem:s5], [sflag:s7] =	stream.linear.gather @!p5 [hbm4b:s15+s22], $0xC80, $0x38;
	[tilespmem:$0x1B400] =	vst v63  }
0x2f7: {  	s3 =	sadd.s32 @!p5 s2, s3;
	s5 =	sor.u32 @!p5 $0x2000, s5  }
0x2f8: {  	[tilespmem:s5], [sflag:s7] =	stream.linear.gather @!p5 [hbm4b:s3+s22], $0xC80, $0x38;
	[tilespmem:$0x1B400] =	vst v63  }
0x2f9: {  	v4 =	vmov s21;
	s22 =	simm.s32 $0x0  }
.LBB2_11:
0x2fa: {  	_ = 	snop  }
0x2fb: {  	_ =	swait.ge [sflag:s29], $0x2800  }
0x2fc: {  	[sflag:s29] =	ssyncset.done $0x0  }
0x2fd: {  	s3 =	sshra.s32 s22, $0x2;
	[sflag:s29] =	ssyncadd.s32 $0xFFFFD800  }
0x2fe: {  	v5 =	vld.idx.msk [tilespmem:v4+s3+$0x280 ss:$0x1], $0xffff;
	_ =	sdelay $0x4  }
0x2ff: {  	v5 =	vsub.s32 v5, v0  }
0x300: {  	vm0 =	vgt.s32 v5, $0xFFFFFFFF;
	vm1 =	vlt.s32 v5, v1  }
0x301: {  	vm0 =	vmand vm0, vm1  }
0x302: {  	v5 =	vsel vm0, v5, v2  }
0x303: {  	[tilespmem:v4+s3+$0x280 ss:$0x1] =	vst.idx.msk $0xffff, v5  }
0x304: {  	v5 =	vld.idx.msk [tilespmem:v4+s3+$0x290 ss:$0x1], $0xffff;
	_ =	sdelay $0x4  }
0x305: {  	v5 =	vsub.s32 v5, v0  }
0x306: {  	vm4 =	vgt.s32 v5, $0xFFFFFFFF;
	vm5 =	vlt.s32 v5, v1  }
0x307: {  	vm0 =	vmand vm4, vm5  }
0x308: {  	v5 =	vsel vm0, v5, v2  }
0x309: {  	[tilespmem:v4+s3+$0x290 ss:$0x1] =	vst.idx.msk $0xffff, v5  }
0x30a: {  	v5 =	vld.idx.msk [tilespmem:v4+s3+$0x2A0 ss:$0x1], $0xffff;
	_ =	sdelay $0x4  }
0x30b: {  	v5 =	vsub.s32 v5, v0  }
0x30c: {  	vm6 =	vgt.s32 v5, $0xFFFFFFFF;
	vm7 =	vlt.s32 v5, v1  }
0x30d: {  	vm0 =	vmand vm6, vm7  }
0x30e: {  	v5 =	vsel vm0, v5, v2  }
0x30f: {  	[tilespmem:v4+s3+$0x2A0 ss:$0x1] =	vst.idx.msk $0xffff, v5  }
0x310: {  	v5 =	vld.idx.msk [tilespmem:v4+s3+$0x2B0 ss:$0x1], $0xffff;
	_ =	sdelay $0x4  }
0x311: {  	v5 =	vsub.s32 v5, v0  }
0x312: {  	vm8 =	vgt.s32 v5, $0xFFFFFFFF;
	vm9 =	vlt.s32 v5, v1  }
0x313: {  	vm0 =	vmand vm8, vm9  }
0x314: {  	v5 =	vsel vm0, v5, v2  }
0x315: {  	[tilespmem:v4+s3+$0x2B0 ss:$0x1] =	vst.idx.msk $0xffff, v5  }
0x316: {  	v5 =	vld.idx.msk [tilespmem:v4+s3+$0x2C0 ss:$0x1], $0xffff;
	_ =	sdelay $0x4  }
0x317: {  	v5 =	vsub.s32 v5, v0  }
0x318: {  	vm10 =	vgt.s32 v5, $0xFFFFFFFF;
	vm11 =	vlt.s32 v5, v1  }
0x319: {  	vm0 =	vmand vm10, vm11  }
0x31a: {  	s15 =	sadd.s32 s3, s21;
	v5 =	vsel vm0, v5, v2  }
0x31b: {  	s5 =	sadd.s32 $0x280, s15;
	[tilespmem:v4+s3+$0x2C0 ss:$0x1] =	vst.idx.msk $0xffff, v5  }
0x31c: {  	[spmem:s4] =	stream.indirect.scatter.add.f32 [tilespmem:s30], [sflag:$0x6], $0x80, s5, s26, $0xb8;
	[tilespmem:$0x1B400] =	vst v63  }
0x31d: {  	_ =	swait.ge [sflag:s19], $0x2800  }
0x31e: {  	s7 =	sadd.s32 s3, s20;
	[sflag:s19] =	ssyncset.done $0x0  }
0x31f: {  	s24 =	sadd.s32 $0x480, s7;
	[sflag:s19] =	ssyncadd.s32 $0xFFFFD800  }
0x320: {  	[tilespmem:s28], [sflag:$0x5] =	stream.indirect.gather [hbm4b:s1+s26], $0x80, s24, s26, $0xb8;
	[tilespmem:$0x1B400] =	vst v63  }
0x321: {  	_ =	swait.ge [sflag:s31], $0x2800  }
0x322: {  	[sflag:s31] =	ssyncset.done $0x0  }
0x323: {  	[sflag:s31] =	ssyncadd.s32 $0xFFFFD800  }
0x324: {  	v5 =	vld.idx.msk [tilespmem:v4+s3+$0x300 ss:$0x1], $0xffff;
	_ =	sdelay $0x4  }
0x325: {  	v5 =	vsub.s32 v5, v0  }
0x326: {  	vm12 =	vgt.s32 v5, $0xFFFFFFFF;
	vm13 =	vlt.s32 v5, v1  }
0x327: {  	vm0 =	vmand vm12, vm13  }
0x328: {  	v5 =	vsel vm0, v5, v2  }
0x329: {  	[tilespmem:v4+s3+$0x300 ss:$0x1] =	vst.idx.msk $0xffff, v5  }
0x32a: {  	v5 =	vld.idx.msk [tilespmem:v4+s3+$0x310 ss:$0x1], $0xffff;
	_ =	sdelay $0x4  }
0x32b: {  	v5 =	vsub.s32 v5, v0  }
0x32c: {  	vm14 =	vgt.s32 v5, $0xFFFFFFFF;
	vm15 =	vlt.s32 v5, v1  }
0x32d: {  	vm0 =	vmand vm14, vm15  }
0x32e: {  	v5 =	vsel vm0, v5, v2  }
0x32f: {  	[tilespmem:v4+s3+$0x310 ss:$0x1] =	vst.idx.msk $0xffff, v5  }
0x330: {  	v5 =	vld.idx.msk [tilespmem:v4+s3+$0x320 ss:$0x1], $0xffff;
	_ =	sdelay $0x4  }
0x331: {  	v5 =	vsub.s32 v5, v0  }
0x332: {  	vm4 =	vgt.s32 v5, $0xFFFFFFFF;
	vm5 =	vlt.s32 v5, v1  }
0x333: {  	vm0 =	vmand vm4, vm5  }
0x334: {  	v5 =	vsel vm0, v5, v2  }
0x335: {  	[tilespmem:v4+s3+$0x320 ss:$0x1] =	vst.idx.msk $0xffff, v5  }
0x336: {  	v5 =	vld.idx.msk [tilespmem:v4+s3+$0x330 ss:$0x1], $0xffff;
	_ =	sdelay $0x4  }
0x337: {  	v5 =	vsub.s32 v5, v0  }
0x338: {  	vm6 =	vgt.s32 v5, $0xFFFFFFFF;
	vm7 =	vlt.s32 v5, v1  }
0x339: {  	vm0 =	vmand vm6, vm7  }
0x33a: {  	v5 =	vsel vm0, v5, v2  }
0x33b: {  	[tilespmem:v4+s3+$0x330 ss:$0x1] =	vst.idx.msk $0xffff, v5  }
0x33c: {  	v5 =	vld.idx.msk [tilespmem:v4+s3+$0x340 ss:$0x1], $0xffff;
	_ =	sdelay $0x4  }
0x33d: {  	v5 =	vsub.s32 v5, v0  }
0x33e: {  	vm8 =	vgt.s32 v5, $0xFFFFFFFF;
	vm9 =	vlt.s32 v5, v1  }
0x33f: {  	vm0 =	vmand vm8, vm9  }
0x340: {  	p5 =	seq.s32 s22, $0x1E00;
	v5 =	vsel vm0, v5, v2  }
0x341: {  	s2 =	sadd.s32 $0x300, s15;
	s5 =	simm.s32 @!p5 $0x6;
	[tilespmem:v4+s3+$0x340 ss:$0x1] =	vst.idx.msk $0xffff, v5  }
0x342: {  	[spmem:s4] =	stream.indirect.scatter.add.f32 [tilespmem:s0], [sflag:$0x7], $0x80, s2, s26, $0xb8;
	[tilespmem:$0x1B400] =	vst v63  }
0x343: {  	_ =	swait.ge @!p5 [sflag:s5], $0x2800  }
0x344: {  	s24 =	sshra.s32 @!p5 s22, $0x2;
	[sflag:s5] =	ssyncset.done @!p5 $0x0  }
0x345: {  	[sflag:s5] =	ssyncadd.s32 @!p5 $0xFFFFD800;
	s5 =	sadd.s32 @!p5 s24, s20  }
0x346: {  	s6 =	simm.s32 @!p5 $0x4800;
	s24 =	simm.s32 @!p5 $0x50;
	s2 =	sadd.s32 @!p5 $0x500, s5  }
0x347: {  	[tilespmem:s6], [sflag:$0x1] =	stream.indirect.gather @!p5 [hbm4b:s1+s24], $0x80, s2, s24, $0xb8;
	[tilespmem:$0x1B400] =	vst v63  }
0x348: {  	_ =	swait.ge [sflag:s9], $0x2800  }
0x349: {  	[sflag:s9] =	ssyncset.done $0x0  }
0x34a: {  	[sflag:s9] =	ssyncadd.s32 $0xFFFFD800  }
0x34b: {  	v5 =	vld.idx.msk [tilespmem:v4+s3+$0x380 ss:$0x1], $0xffff;
	_ =	sdelay $0x4  }
0x34c: {  	v5 =	vsub.s32 v5, v0  }
0x34d: {  	vm10 =	vgt.s32 v5, $0xFFFFFFFF;
	vm11 =	vlt.s32 v5, v1  }
0x34e: {  	vm0 =	vmand vm10, vm11  }
0x34f: {  	v5 =	vsel vm0, v5, v2  }
0x350: {  	[tilespmem:v4+s3+$0x380 ss:$0x1] =	vst.idx.msk $0xffff, v5  }
0x351: {  	v5 =	vld.idx.msk [tilespmem:v4+s3+$0x390 ss:$0x1], $0xffff;
	_ =	sdelay $0x4  }
0x352: {  	v5 =	vsub.s32 v5, v0  }
0x353: {  	vm12 =	vgt.s32 v5, $0xFFFFFFFF;
	vm13 =	vlt.s32 v5, v1  }
0x354: {  	vm0 =	vmand vm12, vm13  }
0x355: {  	v5 =	vsel vm0, v5, v2  }
0x356: {  	[tilespmem:v4+s3+$0x390 ss:$0x1] =	vst.idx.msk $0xffff, v5  }
0x357: {  	v5 =	vld.idx.msk [tilespmem:v4+s3+$0x3A0 ss:$0x1], $0xffff;
	_ =	sdelay $0x4  }
0x358: {  	v5 =	vsub.s32 v5, v0  }
0x359: {  	vm14 =	vgt.s32 v5, $0xFFFFFFFF;
	vm15 =	vlt.s32 v5, v1  }
0x35a: {  	vm0 =	vmand vm14, vm15  }
0x35b: {  	v5 =	vsel vm0, v5, v2  }
0x35c: {  	[tilespmem:v4+s3+$0x3A0 ss:$0x1] =	vst.idx.msk $0xffff, v5  }
0x35d: {  	v5 =	vld.idx.msk [tilespmem:v4+s3+$0x3B0 ss:$0x1], $0xffff;
	_ =	sdelay $0x4  }
0x35e: {  	v5 =	vsub.s32 v5, v0  }
0x35f: {  	vm4 =	vgt.s32 v5, $0xFFFFFFFF;
	vm5 =	vlt.s32 v5, v1  }
0x360: {  	vm0 =	vmand vm4, vm5  }
0x361: {  	v5 =	vsel vm0, v5, v2  }
0x362: {  	[tilespmem:v4+s3+$0x3B0 ss:$0x1] =	vst.idx.msk $0xffff, v5  }
0x363: {  	v5 =	vld.idx.msk [tilespmem:v4+s3+$0x3C0 ss:$0x1], $0xffff;
	_ =	sdelay $0x4  }
0x364: {  	v5 =	vsub.s32 v5, v0  }
0x365: {  	vm6 =	vgt.s32 v5, $0xFFFFFFFF;
	vm7 =	vlt.s32 v5, v1  }
0x366: {  	vm0 =	vmand vm6, vm7  }
0x367: {  	v5 =	vsel vm0, v5, v2  }
0x368: {  	s6 =	sadd.s32 $0x380, s15;
	s2 =	simm.s32 @!p5 $0x7;
	[tilespmem:v4+s3+$0x3C0 ss:$0x1] =	vst.idx.msk $0xffff, v5  }
0x369: {  	[spmem:s4] =	stream.indirect.scatter.add.f32 [tilespmem:s10], [sflag:$0x8], $0x80, s6, s26, $0xb8;
	[tilespmem:$0x1B400] =	vst v63  }
0x36a: {  	_ =	swait.ge @!p5 [sflag:s2], $0x2800  }
0x36b: {  	[sflag:s2] =	ssyncset.done @!p5 $0x0  }
0x36c: {  	s6 =	simm.s32 @!p5 $0x7000;
	[sflag:s2] =	ssyncadd.s32 @!p5 $0xFFFFD800;
	s2 =	sadd.s32 @!p5 $0x580, s5  }
0x36d: {  	[tilespmem:s6], [sflag:$0x2] =	stream.indirect.gather @!p5 [hbm4b:s1+s24], $0x80, s2, s24, $0xb8;
	[tilespmem:$0x1B400] =	vst v63  }
0x36e: {  	_ =	swait.ge [sflag:s13], $0x2800  }
0x36f: {  	[sflag:s13] =	ssyncset.done $0x0  }
0x370: {  	[sflag:s13] =	ssyncadd.s32 $0xFFFFD800  }
0x371: {  	v5 =	vld.idx.msk [tilespmem:v4+s3+$0x400 ss:$0x1], $0xffff;
	_ =	sdelay $0x4  }
0x372: {  	v5 =	vsub.s32 v5, v0  }
0x373: {  	vm8 =	vgt.s32 v5, $0xFFFFFFFF;
	vm9 =	vlt.s32 v5, v1  }
0x374: {  	vm0 =	vmand vm8, vm9  }
0x375: {  	v5 =	vsel vm0, v5, v2  }
0x376: {  	[tilespmem:v4+s3+$0x400 ss:$0x1] =	vst.idx.msk $0xffff, v5  }
0x377: {  	v5 =	vld.idx.msk [tilespmem:v4+s3+$0x410 ss:$0x1], $0xffff;
	_ =	sdelay $0x4  }
0x378: {  	v5 =	vsub.s32 v5, v0  }
0x379: {  	vm10 =	vgt.s32 v5, $0xFFFFFFFF;
	vm11 =	vlt.s32 v5, v1  }
0x37a: {  	vm0 =	vmand vm10, vm11  }
0x37b: {  	v5 =	vsel vm0, v5, v2  }
0x37c: {  	[tilespmem:v4+s3+$0x410 ss:$0x1] =	vst.idx.msk $0xffff, v5  }
0x37d: {  	v5 =	vld.idx.msk [tilespmem:v4+s3+$0x420 ss:$0x1], $0xffff;
	_ =	sdelay $0x4  }
0x37e: {  	v5 =	vsub.s32 v5, v0  }
0x37f: {  	vm12 =	vgt.s32 v5, $0xFFFFFFFF;
	vm13 =	vlt.s32 v5, v1  }
0x380: {  	vm0 =	vmand vm12, vm13  }
0x381: {  	v5 =	vsel vm0, v5, v2  }
0x382: {  	[tilespmem:v4+s3+$0x420 ss:$0x1] =	vst.idx.msk $0xffff, v5  }
0x383: {  	v5 =	vld.idx.msk [tilespmem:v4+s3+$0x430 ss:$0x1], $0xffff;
	_ =	sdelay $0x4  }
0x384: {  	v5 =	vsub.s32 v5, v0  }
0x385: {  	vm14 =	vgt.s32 v5, $0xFFFFFFFF;
	vm15 =	vlt.s32 v5, v1  }
0x386: {  	vm0 =	vmand vm14, vm15  }
0x387: {  	v5 =	vsel vm0, v5, v2  }
0x388: {  	[tilespmem:v4+s3+$0x430 ss:$0x1] =	vst.idx.msk $0xffff, v5  }
0x389: {  	v5 =	vld.idx.msk [tilespmem:v4+s3+$0x440 ss:$0x1], $0xffff;
	_ =	sdelay $0x4  }
0x38a: {  	v5 =	vsub.s32 v5, v0  }
0x38b: {  	vm4 =	vgt.s32 v5, $0xFFFFFFFF;
	vm5 =	vlt.s32 v5, v1  }
0x38c: {  	vm0 =	vmand vm4, vm5  }
0x38d: {  	v5 =	vsel vm0, v5, v2  }
0x38e: {  	s6 =	sadd.s32 $0x400, s15;
	s2 =	simm.s32 @!p5 $0x8;
	[tilespmem:v4+s3+$0x440 ss:$0x1] =	vst.idx.msk $0xffff, v5  }
0x38f: {  	[spmem:s4] =	stream.indirect.scatter.add.f32 [tilespmem:s14], [sflag:$0x9], $0x80, s6, s26, $0xb8;
	[tilespmem:$0x1B400] =	vst v63  }
0x390: {  	_ =	swait.ge @!p5 [sflag:s2], $0x2800  }
0x391: {  	[sflag:s2] =	ssyncset.done @!p5 $0x0  }
0x392: {  	[sflag:s2] =	ssyncadd.s32 @!p5 $0xFFFFD800;
	s2 =	sadd.s32 @!p5 $0x600, s5;
	s5 =	simm.s32 @!p5 $0x9800  }
0x393: {  	[tilespmem:s5], [sflag:$0x3] =	stream.indirect.gather @!p5 [hbm4b:s1+s24], $0x80, s2, s24, $0xb8;
	[tilespmem:$0x1B400] =	vst v63  }
0x394: {  	_ =	swait.ge [sflag:s17], $0x2800  }
0x395: {  	[sflag:s17] =	ssyncset.done $0x0  }
0x396: {  	[sflag:s17] =	ssyncadd.s32 $0xFFFFD800  }
0x397: {  	v5 =	vld.idx.msk [tilespmem:v4+s3+$0x480 ss:$0x1], $0xffff;
	_ =	sdelay $0x4  }
0x398: {  	v5 =	vsub.s32 v5, v0  }
0x399: {  	vm6 =	vgt.s32 v5, $0xFFFFFFFF;
	vm7 =	vlt.s32 v5, v1  }
0x39a: {  	vm0 =	vmand vm6, vm7  }
0x39b: {  	v5 =	vsel vm0, v5, v2  }
0x39c: {  	[tilespmem:v4+s3+$0x480 ss:$0x1] =	vst.idx.msk $0xffff, v5  }
0x39d: {  	v5 =	vld.idx.msk [tilespmem:v4+s3+$0x490 ss:$0x1], $0xffff;
	_ =	sdelay $0x4  }
0x39e: {  	v5 =	vsub.s32 v5, v0  }
0x39f: {  	vm8 =	vgt.s32 v5, $0xFFFFFFFF;
	vm9 =	vlt.s32 v5, v1  }
0x3a0: {  	vm0 =	vmand vm8, vm9  }
0x3a1: {  	v5 =	vsel vm0, v5, v2  }
0x3a2: {  	[tilespmem:v4+s3+$0x490 ss:$0x1] =	vst.idx.msk $0xffff, v5  }
0x3a3: {  	v5 =	vld.idx.msk [tilespmem:v4+s3+$0x4A0 ss:$0x1], $0xffff;
	_ =	sdelay $0x4  }
0x3a4: {  	v5 =	vsub.s32 v5, v0  }
0x3a5: {  	vm10 =	vgt.s32 v5, $0xFFFFFFFF;
	vm11 =	vlt.s32 v5, v1  }
0x3a6: {  	vm0 =	vmand vm10, vm11  }
0x3a7: {  	v5 =	vsel vm0, v5, v2  }
0x3a8: {  	[tilespmem:v4+s3+$0x4A0 ss:$0x1] =	vst.idx.msk $0xffff, v5  }
0x3a9: {  	v5 =	vld.idx.msk [tilespmem:v4+s3+$0x4B0 ss:$0x1], $0xffff;
	_ =	sdelay $0x4  }
0x3aa: {  	v5 =	vsub.s32 v5, v0  }
0x3ab: {  	vm12 =	vgt.s32 v5, $0xFFFFFFFF;
	vm13 =	vlt.s32 v5, v1  }
0x3ac: {  	vm0 =	vmand vm12, vm13  }
0x3ad: {  	v5 =	vsel vm0, v5, v2  }
0x3ae: {  	[tilespmem:v4+s3+$0x4B0 ss:$0x1] =	vst.idx.msk $0xffff, v5  }
0x3af: {  	v5 =	vld.idx.msk [tilespmem:v4+s3+$0x4C0 ss:$0x1], $0xffff;
	_ =	sdelay $0x4  }
0x3b0: {  	v5 =	vsub.s32 v5, v0  }
.Ltmp8:
0x3b1: {  	vm14 =	vgt.s32 v5, $0xFFFFFFFF;
	vm15 =	vlt.s32 v5, v1;
	(pc) =	sbr.rel @p5 .LBB2_9-.Ltmp8, $4  }
0x3b2: {  	vm0 =	vmand vm14, vm15  }
0x3b3: {  	v5 =	vsel vm0, v5, v2  }
0x3b4: {  	s24 =	sadd.s32 $0x480, s15;
	[tilespmem:v4+s3+$0x4C0 ss:$0x1] =	vst.idx.msk $0xffff, v5  }
0x3b5: {  	[spmem:s4] =	stream.indirect.scatter.add.f32 [tilespmem:s28], [sflag:$0xA], $0x80, s24, s26, $0xb8;
	[tilespmem:$0x1B400] =	vst v63  }
.Ltmp9:
0x3b6: {  	(pc) =	sbr.rel .LBB2_11-.Ltmp9, $4  }
0x3b7: {  	_ =	swait.ge [sflag:s18], $0x2800  }
0x3b8: {  	[sflag:s18] =	ssyncset.done $0x0  }
0x3b9: {  	s2 =	sadd.s32 $0x680, s7;
	s22 =	sadd.s32 $0xA00, s22;
	[sflag:s18] =	ssyncadd.s32 $0xFFFFD800  }
0x3ba: {  	[tilespmem:s14], [sflag:$0x4] =	stream.indirect.gather [hbm4b:s1+s26], $0x80, s2, s26, $0xb8;
	[tilespmem:$0x1B400] =	vst v63  }
.LBB2_14:
0x3bb: {  	_ =	sfence.sel $0x180000  }
0x3bc: {  	[bflag:$0x0] =	sbarrier.arrive $0xFFFF  }
0x3bd: {  	_ =	strace $0x90000047  }
0x3be: {  	[bflag:$0x2] =	sbarrier.arrive $0xFFFF  }
0x3bf: {  	p0 =	sne.s32 s5, $0x0;
	s0 =	rddreg [dreg:$0x4]  }
0x3c0: {  	s0 =	sadd.s32 @!p0 $0x100000, s0  }
0x3c1: {  	[sflag:s0] =	ssyncadd.tile.s32 @!p0 $0x1;
	_ =	shalt  }
.Lfunc_end2:
_tile_overlayer_lowered:
.L_overlay_start_2:
0x3c2: {  	(tag) =	ssettag $0x2  }
0x3c3: {  	s0 =	rddreg [dreg:$0x0];
	s2 =	stileid.u32  }
0x3c4: {  	s1 =	rddreg [dreg:$0x1];
	p0 =	sne.s32 s2, $0x0  }
0x3c5: {  	s3 =	rddreg [dreg:$0x2];
	[bflag:$0x3] =	sbarrier.arrive $0xFFFF;
	s2 =	simm.s32 @!p0 $0x1C0D  }
0x3c6: {  	[timem:s3], [sflag:s2] =	dma.local @!p0 [hbm:s0], s1  }
0x3c7: {  	s0 =	simm.s32 @!p0 $0xD  }
0x3c8: {  	_ =	swait.ge @!p0 [sflag:s0], s1  }
0x3c9: {  	s1 =	ssub.s32 @!p0 $0x0, s1;
	[sflag:s0] =	ssyncset.done @!p0 $0x0  }
0x3ca: {  	[sflag:s0] =	ssyncadd.s32 @!p0 s1  }
0x3cb: {  	[bflag:$0x3] =	sbarrier.arrive $0xFFFF  }
0x3cc: {  	_ =	shalt  }

</sc_bundles>
